<compile_context>
chip_gen: v7x
topology: tpu7x:2x2x1
jax: 0.10.2.dev20260603
libtpu: 0.0.44.dev20260713+nightly
codegen_flags: <defaults>
</compile_context>

<pallas_src>
import jax
import jax.numpy as jnp
from jax import lax
from jax.experimental import pallas as pl
from jax.experimental.pallas import tpu as pltpu
from jax.experimental.pallas import tpu_sc as plsc

N = 10000
D = 128
E = 320000
E2 = E + N
NT = 16
TB = 128
CB = 162
CHUNK = CB * TB
E2P = CHUNK * NT
NP_ = 10048
NPD = 10240
GHOST = NP_ - 2
APW = 20480
BN = 400
QW = D // 4
HW = D // 2


def _dense_body(y_ref, w_ref, a_ref, h0r, h1r, ap_ref):
    xb = y_ref[0]
    w = w_ref[0]
    h = lax.dot_general(xb, w, (((1,), (1,)), ((), ())),
                        preferred_element_type=jnp.float32)
    hb = h.astype(jnp.bfloat16)
    h0r[0] = hb[:, :HW]
    h1r[0] = hb[:, HW:]
    ap_ref[0] = lax.dot_general(h, a_ref[0], (((1,), (0,)), ((), ())),
                                preferred_element_type=jnp.float32)


def _dense(y3, wst, ast):
    qspec = pl.BlockSpec((1, BN, HW), lambda b, i: (b, i, 0))
    return pl.pallas_call(
        _dense_body,
        grid=(4, N // BN),
        in_specs=[pl.BlockSpec((1, BN, D), lambda b, i: (b, i, 0)),
                  pl.BlockSpec((1, D, D), lambda b, i: (b, 0, 0)),
                  pl.BlockSpec((1, D, 2), lambda b, i: (b, 0, 0))],
        out_specs=[qspec] * 2
        + [pl.BlockSpec((1, BN, 2), lambda b, i: (b, i, 0))],
        out_shape=[jax.ShapeDtypeStruct((4, N, HW), jnp.bfloat16)] * 2
        + [jax.ShapeDtypeStruct((4, N, 2), jnp.float32)],
    )(y3, wst, ast)


def _epi_stacked_body(r0, r1, den_ref, b_ref, a_ref, y_ref):
    a = a_ref[0, 0]
    for j in range(4):
        raw = jnp.concatenate([r0[j], r1[j]], axis=1).astype(jnp.float32)
        z = raw / (den_ref[j] + 1e-16) + b_ref[j][None, :]
        y_ref[j] = jnp.where(z >= 0.0, z, a * z)


def _epilogue_stacked(rq, den3, bst, pa):
    qspec = pl.BlockSpec((4, BN, HW), lambda i: (0, i, 0))
    return pl.pallas_call(
        _epi_stacked_body,
        grid=(N // BN,),
        in_specs=[qspec] * 2 + [
            pl.BlockSpec((4, BN, 1), lambda i: (0, i, 0)),
            pl.BlockSpec((4, D), lambda i: (0, 0)),
            pl.BlockSpec((1, 1), lambda i: (0, 0)),
        ],
        out_specs=[pl.BlockSpec((4, BN, D), lambda i: (0, i, 0))],
        out_shape=[jax.ShapeDtypeStruct((4, N, D), jnp.float32)],
    )(*rq, den3, bst, pa)[0]


def _edge_body(h0, h1, ap_hbm, srcs, dsts,
               rq0, rq1, den_o,
               src_t, dst_t, ap_t, ex_t, denloc,
               gbuf, gbuf2, sbuf, zbuf,
               raw_s, gsem, gsem2):
    c = lax.axis_index("c")
    s = lax.axis_index("s")

    def _zz(i, _):
        for f in range(2):
            zbuf[i, pl.ds(f * 32, 32)] = jnp.zeros((32,), jnp.bfloat16)
        return 0
    lax.fori_loop(0, 157, _zz, 0)

    def _zero_raw():
        for q in range(4):
            pltpu.sync_copy(zbuf, raw_s.at[pl.ds(s * 628 + q * 157, 157)])

    def _branch(bi, _):
        pltpu.sync_copy(srcs.at[bi, s], src_t)
        pltpu.sync_copy(dsts.at[bi, s], dst_t)
        pltpu.sync_copy(ap_hbm.at[bi], ap_t)

        def _zd(i, _2):
            denloc[i] = jnp.zeros((16,), jnp.float32)
            return 0
        lax.fori_loop(0, 640, _zd, 0)
        _zero_raw()

        boff = bi * N

        def _p1(j, _2):
            base = j * TB
            for g in range(8):
                off = base + g * 16
                sv = src_t[pl.ds(off, 16)]
                dv = dst_t[j, pl.ds(g * 16, 16)]
                su = sv - boff
                av = plsc.load_gather(ap_t, [su + su])
                bv = plsc.load_gather(ap_t, [dv + dv + 1])
                al = av + bv
                al = jnp.where(al >= 0.0, al, 0.2 * al)
                e = jnp.exp(al)
                ex_t[pl.ds(off, 16)] = e
                plsc.addupdate_scatter(denloc, [dv >> 4, dv & 15], e)
            return 0
        lax.fori_loop(0, CB, _p1, 0)

        @pl.when(c == 0)
        def _():
            pltpu.sync_copy(denloc, den_o.at[bi, s])

        plsc.subcore_barrier()

        def _p3(h_hbm):
            gb = (gbuf, gbuf2)
            gs = (gsem, gsem2)

            def _start_g(t, k):
                pltpu.async_copy(h_hbm.at[src_t.at[pl.ds(t * TB, TB)]],
                                 gb[k], gs[k])

            def _wait_g(t, k):
                pltpu.make_async_copy(h_hbm.at[src_t.at[pl.ds(t * TB, TB)]],
                                      gb[k], gs[k]).wait()

            def _scale_store(t, k):
                def _sc16(r16, _2):
                    ev16 = ex_t[pl.ds(t * TB + r16 * 16, 16)]
                    for rr in range(16):
                        evb = jnp.broadcast_to(ev16[rr], (16,))
                        r = r16 * 16 + rr
                        for f in range(2):
                            sl = pl.ds(f * 32, 32)
                            va, vb = plsc.unpack(
                                gb[k][r, sl],
                                format=plsc.PackFormat.INTERLEAVED)
                            sbuf[r, sl] = plsc.pack(
                                va * evb, vb * evb,
                                format=plsc.PackFormat.INTERLEAVED)
                    return 0
                lax.fori_loop(0, 8, _sc16, 0)
                pltpu.sync_copy(sbuf, raw_s.at[dst_t.at[t]], add=True)

            _start_g(0, 0)

            def _pair(p, _2):
                t0 = 2 * p
                t1 = t0 + 1
                _start_g(t1, 1)
                _wait_g(t0, 0)
                _scale_store(t0, 0)

                @pl.when(p < CB // 2 - 1)
                def _():
                    _start_g(t0 + 2, 0)
                _wait_g(t1, 1)
                _scale_store(t1, 1)
                return 0
            lax.fori_loop(0, CB // 2, _pair, 0)

        def _wout(rq):
            pltpu.sync_copy(raw_s.at[pl.ds(s * 628, 628)],
                            rq.at[bi, pl.ds(s * 628, 628)])

        @pl.when(c == 0)
        def _():
            _p3(h0)

        @pl.when(c == 1)
        def _():
            _p3(h1)

        plsc.subcore_barrier()

        @pl.when(c == 0)
        def _():
            _wout(rq0)

        @pl.when(c == 1)
        def _():
            _wout(rq1)

        plsc.subcore_barrier()
        return 0

    lax.fori_loop(0, 4, _branch, 0)


def _edge_kernel(h0, h1, ap_pad, srcs, dsts):
    return pl.kernel(
        _edge_body,
        mesh=plsc.VectorSubcoreMesh(core_axis_name="c", subcore_axis_name="s"),
        compiler_params=pltpu.CompilerParams(needs_layout_passes=False,
                                             use_tc_tiling_on_sc=False),
        out_type=[jax.ShapeDtypeStruct((4, NP_, HW), jnp.bfloat16)] * 2
        + [jax.ShapeDtypeStruct((4, NT, 640, 16), jnp.float32)],
        scratch_types=[
            pltpu.VMEM((CHUNK,), jnp.int32),
            pltpu.VMEM((CB, TB), jnp.int32),
            pltpu.VMEM((APW,), jnp.float32),
            pltpu.VMEM((CHUNK,), jnp.float32),
            pltpu.VMEM((640, 16), jnp.float32),
            pltpu.VMEM((TB, HW), jnp.bfloat16),
            pltpu.VMEM((TB, HW), jnp.bfloat16),
            pltpu.VMEM((TB, HW), jnp.bfloat16),
            pltpu.VMEM((157, HW), jnp.bfloat16),
            pltpu.VMEM_SHARED((NP_, HW), jnp.bfloat16),
            pltpu.SemaphoreType.DMA,
            pltpu.SemaphoreType.DMA,
        ],
    )(h0, h1, ap_pad, srcs, dsts)


def kernel(x, ei_g1_pos, ei_g2_pos, ei_g1_neg, ei_g2_neg,
           Wp0, asp0, adp0, bp0, Wp1, asp1, adp1, bp1,
           Wn0, asn0, adn0, bn0, Wn1, asn1, adn1, bn1,
           prelu_a):
    loop = jnp.arange(N, dtype=jnp.int32)
    srcs, dsts = [], []
    for b, ei in enumerate((ei_g1_pos, ei_g2_pos, ei_g1_neg, ei_g2_neg)):
        s_full = jnp.concatenate(
            [ei[0], loop, jnp.zeros((E2P - E2,), jnp.int32)]) + b * N
        d_full = jnp.concatenate(
            [ei[1], loop, jnp.full((E2P - E2,), GHOST, jnp.int32)])
        srcs.append(s_full.reshape(NT, CHUNK))
        dsts.append(d_full.reshape(NT, CB, TB))
    srcs = jnp.stack(srcs)
    dsts = jnp.stack(dsts)

    Wst = jnp.stack([jnp.stack([Wp0, Wp0, Wn0, Wn0]),
                     jnp.stack([Wp1, Wp1, Wn1, Wn1])])
    a0p = jnp.stack([asp0, adp0], axis=1)
    a0n = jnp.stack([asn0, adn0], axis=1)
    a1p = jnp.stack([asp1, adp1], axis=1)
    a1n = jnp.stack([asn1, adn1], axis=1)
    Ast = jnp.stack([jnp.stack([a0p, a0p, a0n, a0n]),
                     jnp.stack([a1p, a1p, a1n, a1n])])
    Bst = jnp.stack([jnp.stack([bp0, bp0, bn0, bn0]),
                     jnp.stack([bp1, bp1, bn1, bn1])])
    pa = prelu_a.reshape(1, 1)

    def layer_step(y, wab):
        w4, a4, b4 = wab
        h0, h1, ap = _dense(y, w4, a4)
        ap_pad = jnp.pad(ap.reshape(4, 2 * N), ((0, 0), (0, APW - 2 * N)))
        out = _edge_kernel(h0.reshape(4 * N, HW), h1.reshape(4 * N, HW),
                           ap_pad, srcs, dsts)
        den3 = out[2].sum(axis=1).reshape(4, NPD, 1)
        return _epilogue_stacked(out[:2], den3, b4, pa), 0

    y0 = jnp.broadcast_to(x[None], (4, N, D))
    yfin, _ = lax.scan(layer_step, y0, (Wst, Ast, Bst))
    return (yfin[0], yfin[1], yfin[2], yfin[3])

# --- scband reference (transcript-rebuilt; emitter-appended) ---
"""Pipeline reference for scband-gat-cl-12034498363667 (READ-ONLY COPY).

The authoritative reference and input builder live on the scoring server;
editing this copy changes nothing except your own understanding.
"""

import jax, jax.numpy as jnp
import numpy as np

N = 10000
E = 320000
D = 128
NUM_LAYERS = 2


def _gat_conv(x, edge_index, W, a_src, a_dst, b):
    # PyG GATConv, heads=1, concat=True, negative_slope=0.2, add_self_loops=True
    loop = jnp.arange(N, dtype=edge_index.dtype)
    src = jnp.concatenate([edge_index[0], loop])
    dst = jnp.concatenate([edge_index[1], loop])
    h = x @ W.T
    alpha_src = h @ a_src
    alpha_dst = h @ a_dst
    alpha = jax.nn.leaky_relu(alpha_src[src] + alpha_dst[dst], negative_slope=0.2)
    amax = jax.ops.segment_max(alpha, dst, num_segments=N)
    ex = jnp.exp(alpha - amax[dst])
    denom = jax.ops.segment_sum(ex, dst, num_segments=N)
    coef = ex / (denom[dst] + 1e-16)
    out = jax.ops.segment_sum(h[src] * coef[:, None], dst, num_segments=N)
    return out + b


def _prelu(x, a):
    return jnp.where(x >= 0, x, a * x)


def setup_inputs(seed: int = 0):
    key = jax.random.key(seed)
    ks = jax.random.split(key, 32)
    inp = {}
    inp["x"] = jax.random.normal(ks[0], (N, D), dtype=jnp.float32)
    names = ["ei_g1_pos", "ei_g2_pos", "ei_g1_neg", "ei_g2_neg"]
    for i, nm in enumerate(names):
        inp[nm] = jax.random.randint(ks[1 + i], (2, E), 0, N, dtype=jnp.int32)
    sc = 1.0 / np.sqrt(D)
    idx = 5
    for pfx in ["p", "n"]:
        for l in range(NUM_LAYERS):
            inp["W" + pfx + str(l)] = jax.random.normal(ks[idx], (D, D), dtype=jnp.float32) * sc; idx += 1
            inp["as" + pfx + str(l)] = jax.random.normal(ks[idx], (D,), dtype=jnp.float32) * sc; idx += 1
            inp["ad" + pfx + str(l)] = jax.random.normal(ks[idx], (D,), dtype=jnp.float32) * sc; idx += 1
            inp["b" + pfx + str(l)] = jnp.zeros((D,), dtype=jnp.float32); idx += 1
    inp["prelu_a"] = jnp.array(0.25, dtype=jnp.float32)
    return inp


def reference(x, ei_g1_pos, ei_g2_pos, ei_g1_neg, ei_g2_neg,
              Wp0, asp0, adp0, bp0, Wp1, asp1, adp1, bp1,
              Wn0, asn0, adn0, bn0, Wn1, asn1, adn1, bn1,
              prelu_a):
    pos_params = [(Wp0, asp0, adp0, bp0), (Wp1, asp1, adp1, bp1)]
    neg_params = [(Wn0, asn0, adn0, bn0), (Wn1, asn1, adn1, bn1)]
    e1p = x
    e2p = x
    e1n = x
    e2n = x
    for (W, a_s, a_d, b) in pos_params:
        e1p = _prelu(_gat_conv(e1p, ei_g1_pos, W, a_s, a_d, b), prelu_a)
        e2p = _prelu(_gat_conv(e2p, ei_g2_pos, W, a_s, a_d, b), prelu_a)
    for (W, a_s, a_d, b) in neg_params:
        e1n = _prelu(_gat_conv(e1n, ei_g1_neg, W, a_s, a_d, b), prelu_a)
        e2n = _prelu(_gat_conv(e2n, ei_g2_neg, W, a_s, a_d, b), prelu_a)
    # dropout is identity in eval mode
    return (e1p, e2p, e1n, e2n)

if __name__ == "__main__":
    import jax
    _d = setup_inputs()
    print(jax.jit(kernel)(*tuple(_d.values())))

</pallas_src>

<mosaic_0001>
#map = affine_map<(d0, d1) -> (0, 0)>
#map1 = affine_map<(d0, d1) -> (0, 0, 0)>
#map2 = affine_map<(d0, d1) -> (0, 0, 0, 0)>
module attributes {stable_mosaic.version = 14 : i64} {
  func.func @_edge_body(%arg0: i32, %arg1: i32, %arg2: memref<40000x64xbf16, #tpu.memory_space<hbm>>, %arg3: memref<40000x64xbf16, #tpu.memory_space<hbm>>, %arg4: memref<4x20480xf32, #tpu.memory_space<hbm>>, %arg5: memref<4x16x20736xi32, #tpu.memory_space<hbm>>, %arg6: memref<4x16x162x128xi32, #tpu.memory_space<hbm>>, %arg7: memref<4x10048x64xbf16, #tpu.memory_space<hbm>>, %arg8: memref<4x10048x64xbf16, #tpu.memory_space<hbm>>, %arg9: memref<4x16x640x16xf32, #tpu.memory_space<hbm>>, %arg10: memref<20736xi32, #tpu.memory_space<vmem>>, %arg11: memref<162x128xi32, #tpu.memory_space<vmem>>, %arg12: memref<20480xf32, #tpu.memory_space<vmem>>, %arg13: memref<20736xf32, #tpu.memory_space<vmem>>, %arg14: memref<640x16xf32, #tpu.memory_space<vmem>>, %arg15: memref<128x64xbf16, #tpu.memory_space<vmem>>, %arg16: memref<128x64xbf16, #tpu.memory_space<vmem>>, %arg17: memref<128x64xbf16, #tpu.memory_space<vmem>>, %arg18: memref<157x64xbf16, #tpu.memory_space<vmem>>, %arg19: memref<10048x64xbf16, #tpu.memory_space<vmem_shared>>, %arg20: memref<!tpu.dma_semaphore, #tpu.memory_space<semaphore_mem>>, %arg21: memref<!tpu.dma_semaphore, #tpu.memory_space<semaphore_mem>>) attributes {dimension_semantics = [#tpu.dimension_semantics<core_parallel>, #tpu.dimension_semantics<subcore_parallel>], iteration_bounds = array<i64: 2, 16>, scalar_prefetch = 0 : i64, scratch_operands = 12 : i64, tpu.core_type = #tpu.core_type<sc_vector_subcore>, window_params = [{transform_indices = #map}, {transform_indices = #map}, {transform_indices = #map}, {transform_indices = #map1}, {transform_indices = #map2}, {transform_indices = #map1}, {transform_indices = #map1}, {transform_indices = #map2}]} {
    %scan3A = arith.constant 0 : i32
    %scan3A_0 = arith.constant 0 : i32
    %scan3A_1 = arith.constant 157 : i32
    %scan3A_2 = arith.addi %scan3A_0, %scan3A_1 : i32
    %scan3A_3 = arith.constant 1 : i32
    %scan3A_4 = scf.for %scan3A_13 = %scan3A_0 to %scan3A_2 step %scan3A_3 iter_args(%scan3A_14 = %scan3A) -> (i32)  : i32 {
      %broadcast_in_dim3A = arith.constant 0.000000e+00 : bf16
      %broadcast_in_dim3A_15 = vector.broadcast %broadcast_in_dim3A : bf16 to vector<32xbf16>
      %swap3A = arith.index_cast %scan3A_13 : i32 to index
      %swap3A_16 = arith.constant 0 : index
      %swap3A_17 = tpu.vector_load %arg18[%swap3A, %swap3A_16] {strides = array<i32>} : memref<157x64xbf16, #tpu.memory_space<vmem>>, vector<32xbf16>,
      tpu.vector_store %arg18[%swap3A, %swap3A_16], %broadcast_in_dim3A_15 {strides = array<i32>} : memref<157x64xbf16, #tpu.memory_space<vmem>>, vector<32xbf16>,
      %broadcast_in_dim3A_18 = arith.constant 0.000000e+00 : bf16
      %broadcast_in_dim3A_19 = vector.broadcast %broadcast_in_dim3A_18 : bf16 to vector<32xbf16>
      %swap3A_20 = arith.index_cast %scan3A_13 : i32 to index
      %swap3A_21 = arith.constant 32 : index
      %swap3A_22 = tpu.vector_load %arg18[%swap3A_20, %swap3A_21] {strides = array<i32>} : memref<157x64xbf16, #tpu.memory_space<vmem>>, vector<32xbf16>,
      tpu.vector_store %arg18[%swap3A_20, %swap3A_21], %broadcast_in_dim3A_19 {strides = array<i32>} : memref<157x64xbf16, #tpu.memory_space<vmem>>, vector<32xbf16>,
      %scan3A_23 = arith.constant 0 : i32
      scf.yield %scan3A_23 : i32
    }
    %scan3A_5 = arith.constant 157 : i32
    %scan3A_6 = arith.constant 0 : i32
    %scan3A_7 = arith.constant 0 : i32
    %scan3A_8 = arith.constant 4 : i32
    %scan3A_9 = arith.addi %scan3A_7, %scan3A_8 : i32
    %scan3A_10 = arith.constant 1 : i32
    %scan3A_11 = scf.for %scan3A_13 = %scan3A_7 to %scan3A_9 step %scan3A_10 iter_args(%scan3A_14 = %scan3A_6) -> (i32)  : i32 {
      "tpu.region"() ({
        %run_scoped3A = tpu.sem_alloc : memref<!tpu.dma_semaphore, #tpu.memory_space<semaphore_mem>>
        %dma_start3A = arith.constant 0 : i32
        %dma_start3A_70 = tpu.memref_slice %arg5[%scan3A_13, %arg1, %dma_start3A] : memref<4x16x20736xi32, #tpu.memory_space<hbm>> -> memref<1x1x20736xi32, #tpu.memory_space<hbm>>
        %dma_start3A_71 = tpu.memref_squeeze %dma_start3A_70 : memref<1x1x20736xi32, #tpu.memory_space<hbm>> -> memref<20736xi32, #tpu.memory_space<hbm>>
        %dma_start3A_72 = arith.constant 0 : i32
        %dma_start3A_73 = tpu.memref_slice %arg5[%scan3A_13, %arg1, %dma_start3A_72] : memref<4x16x20736xi32, #tpu.memory_space<hbm>> -> memref<1x1x20736xi32, #tpu.memory_space<hbm>>
        %dma_start3A_74 = tpu.memref_squeeze %dma_start3A_73 : memref<1x1x20736xi32, #tpu.memory_space<hbm>> -> memref<20736xi32, #tpu.memory_space<hbm>>
        tpu.enqueue_dma source(%dma_start3A_74 : memref<20736xi32, #tpu.memory_space<hbm>>) target(%arg10 : memref<20736xi32, #tpu.memory_space<vmem>>) target_semaphore(%run_scoped3A : memref<!tpu.dma_semaphore, #tpu.memory_space<semaphore_mem>>)
        %dma_wait3A = arith.constant 0 : i32
        %dma_wait3A_75 = tpu.memref_slice %arg5[%scan3A_13, %arg1, %dma_wait3A] : memref<4x16x20736xi32, #tpu.memory_space<hbm>> -> memref<1x1x20736xi32, #tpu.memory_space<hbm>>
        %dma_wait3A_76 = tpu.memref_squeeze %dma_wait3A_75 : memref<1x1x20736xi32, #tpu.memory_space<hbm>> -> memref<20736xi32, #tpu.memory_space<hbm>>
        %dma_wait3A_77 = arith.constant 0 : i32
        %dma_wait3A_78 = tpu.memref_slice %arg5[%scan3A_13, %arg1, %dma_wait3A_77] : memref<4x16x20736xi32, #tpu.memory_space<hbm>> -> memref<1x1x20736xi32, #tpu.memory_space<hbm>>
        %dma_wait3A_79 = tpu.memref_squeeze %dma_wait3A_78 : memref<1x1x20736xi32, #tpu.memory_space<hbm>> -> memref<20736xi32, #tpu.memory_space<hbm>>
        tpu.wait_dma2 semaphore(%run_scoped3A : memref<!tpu.dma_semaphore, #tpu.memory_space<semaphore_mem>>) src(%dma_wait3A_79 : memref<20736xi32, #tpu.memory_space<hbm>>) dst(%arg10 : memref<20736xi32, #tpu.memory_space<vmem>>)
        tpu.yield
      }) : () -> ()
      "tpu.region"() ({
        %run_scoped3A = tpu.sem_alloc : memref<!tpu.dma_semaphore, #tpu.memory_space<semaphore_mem>>
        %dma_start3A = arith.constant 0 : i32
        %dma_start3A_70 = arith.constant 0 : i32
        %dma_start3A_71 = tpu.memref_slice %arg6[%scan3A_13, %arg1, %dma_start3A, %dma_start3A_70] : memref<4x16x162x128xi32, #tpu.memory_space<hbm>> -> memref<1x1x162x128xi32, #tpu.memory_space<hbm>>
        %dma_start3A_72 = tpu.memref_squeeze %dma_start3A_71 : memref<1x1x162x128xi32, #tpu.memory_space<hbm>> -> memref<162x128xi32, #tpu.memory_space<hbm>>
        %dma_start3A_73 = arith.constant 0 : i32
        %dma_start3A_74 = arith.constant 0 : i32
        %dma_start3A_75 = tpu.memref_slice %arg6[%scan3A_13, %arg1, %dma_start3A_73, %dma_start3A_74] : memref<4x16x162x128xi32, #tpu.memory_space<hbm>> -> memref<1x1x162x128xi32, #tpu.memory_space<hbm>>
        %dma_start3A_76 = tpu.memref_squeeze %dma_start3A_75 : memref<1x1x162x128xi32, #tpu.memory_space<hbm>> -> memref<162x128xi32, #tpu.memory_space<hbm>>
        tpu.enqueue_dma source(%dma_start3A_76 : memref<162x128xi32, #tpu.memory_space<hbm>>) target(%arg11 : memref<162x128xi32, #tpu.memory_space<vmem>>) target_semaphore(%run_scoped3A : memref<!tpu.dma_semaphore, #tpu.memory_space<semaphore_mem>>)
        %dma_wait3A = arith.constant 0 : i32
        %dma_wait3A_77 = arith.constant 0 : i32
        %dma_wait3A_78 = tpu.memref_slice %arg6[%scan3A_13, %arg1, %dma_wait3A, %dma_wait3A_77] : memref<4x16x162x128xi32, #tpu.memory_space<hbm>> -> memref<1x1x162x128xi32, #tpu.memory_space<hbm>>
        %dma_wait3A_79 = tpu.memref_squeeze %dma_wait3A_78 : memref<1x1x162x128xi32, #tpu.memory_space<hbm>> -> memref<162x128xi32, #tpu.memory_space<hbm>>
        %dma_wait3A_80 = arith.constant 0 : i32
        %dma_wait3A_81 = arith.constant 0 : i32
        %dma_wait3A_82 = tpu.memref_slice %arg6[%scan3A_13, %arg1, %dma_wait3A_80, %dma_wait3A_81] : memref<4x16x162x128xi32, #tpu.memory_space<hbm>> -> memref<1x1x162x128xi32, #tpu.memory_space<hbm>>
        %dma_wait3A_83 = tpu.memref_squeeze %dma_wait3A_82 : memref<1x1x162x128xi32, #tpu.memory_space<hbm>> -> memref<162x128xi32, #tpu.memory_space<hbm>>
        tpu.wait_dma2 semaphore(%run_scoped3A : memref<!tpu.dma_semaphore, #tpu.memory_space<semaphore_mem>>) src(%dma_wait3A_83 : memref<162x128xi32, #tpu.memory_space<hbm>>) dst(%arg11 : memref<162x128xi32, #tpu.memory_space<vmem>>)
        tpu.yield
      }) : () -> ()
      "tpu.region"() ({
        %run_scoped3A = tpu.sem_alloc : memref<!tpu.dma_semaphore, #tpu.memory_space<semaphore_mem>>
        %dma_start3A = arith.constant 0 : i32
        %dma_start3A_70 = tpu.memref_slice %arg4[%scan3A_13, %dma_start3A] : memref<4x20480xf32, #tpu.memory_space<hbm>> -> memref<1x20480xf32, #tpu.memory_space<hbm>>
        %dma_start3A_71 = tpu.memref_squeeze %dma_start3A_70 : memref<1x20480xf32, #tpu.memory_space<hbm>> -> memref<20480xf32, #tpu.memory_space<hbm>>
        %dma_start3A_72 = arith.constant 0 : i32
        %dma_start3A_73 = tpu.memref_slice %arg4[%scan3A_13, %dma_start3A_72] : memref<4x20480xf32, #tpu.memory_space<hbm>> -> memref<1x20480xf32, #tpu.memory_space<hbm>>
        %dma_start3A_74 = tpu.memref_squeeze %dma_start3A_73 : memref<1x20480xf32, #tpu.memory_space<hbm>> -> memref<20480xf32, #tpu.memory_space<hbm>>
        tpu.enqueue_dma source(%dma_start3A_74 : memref<20480xf32, #tpu.memory_space<hbm>>) target(%arg12 : memref<20480xf32, #tpu.memory_space<vmem>>) target_semaphore(%run_scoped3A : memref<!tpu.dma_semaphore, #tpu.memory_space<semaphore_mem>>)
        %dma_wait3A = arith.constant 0 : i32
        %dma_wait3A_75 = tpu.memref_slice %arg4[%scan3A_13, %dma_wait3A] : memref<4x20480xf32, #tpu.memory_space<hbm>> -> memref<1x20480xf32, #tpu.memory_space<hbm>>
        %dma_wait3A_76 = tpu.memref_squeeze %dma_wait3A_75 : memref<1x20480xf32, #tpu.memory_space<hbm>> -> memref<20480xf32, #tpu.memory_space<hbm>>
        %dma_wait3A_77 = arith.constant 0 : i32
        %dma_wait3A_78 = tpu.memref_slice %arg4[%scan3A_13, %dma_wait3A_77] : memref<4x20480xf32, #tpu.memory_space<hbm>> -> memref<1x20480xf32, #tpu.memory_space<hbm>>
        %dma_wait3A_79 = tpu.memref_squeeze %dma_wait3A_78 : memref<1x20480xf32, #tpu.memory_space<hbm>> -> memref<20480xf32, #tpu.memory_space<hbm>>
        tpu.wait_dma2 semaphore(%run_scoped3A : memref<!tpu.dma_semaphore, #tpu.memory_space<semaphore_mem>>) src(%dma_wait3A_79 : memref<20480xf32, #tpu.memory_space<hbm>>) dst(%arg12 : memref<20480xf32, #tpu.memory_space<vmem>>)
        tpu.yield
      }) : () -> ()
      %scan3A_15 = arith.constant 0 : i32
      %scan3A_16 = arith.constant 0 : i32
      %scan3A_17 = arith.constant 640 : i32
      %scan3A_18 = arith.addi %scan3A_16, %scan3A_17 : i32
      %scan3A_19 = arith.constant 1 : i32
      %scan3A_20 = scf.for %scan3A_70 = %scan3A_16 to %scan3A_18 step %scan3A_19 iter_args(%scan3A_71 = %scan3A_15) -> (i32)  : i32 {
        %broadcast_in_dim3A = arith.constant 0.000000e+00 : f32
        %broadcast_in_dim3A_72 = vector.broadcast %broadcast_in_dim3A : f32 to vector<16xf32>
        %swap3A = arith.index_cast %scan3A_70 : i32 to index
        %swap3A_73 = arith.constant 0 : index
        %swap3A_74 = tpu.vector_load %arg14[%swap3A, %swap3A_73] {strides = array<i32>} : memref<640x16xf32, #tpu.memory_space<vmem>>, vector<16xf32>,
        tpu.vector_store %arg14[%swap3A, %swap3A_73], %broadcast_in_dim3A_72 {strides = array<i32>} : memref<640x16xf32, #tpu.memory_space<vmem>>, vector<16xf32>,
        %scan3A_75 = arith.constant 0 : i32
        scf.yield %scan3A_75 : i32
      }
      %scan3A_21 = arith.constant 640 : i32
      %mul3A = arith.constant 628 : i32
      %mul3A_22 = arith.muli %arg1, %mul3A : i32
      %add3A = arith.constant 0 : i32
      %add3A_23 = arith.addi %mul3A_22, %add3A : i32
      "tpu.region"() ({
        %run_scoped3A = tpu.sem_alloc : memref<!tpu.dma_semaphore, #tpu.memory_space<semaphore_mem>>
        %dma_start3A = arith.constant 0 : i32
        %dma_start3A_70 = tpu.memref_slice %arg19[%add3A_23, %dma_start3A] : memref<10048x64xbf16, #tpu.memory_space<vmem_shared>> -> memref<157x64xbf16, #tpu.memory_space<vmem_shared>>
        %dma_start3A_71 = arith.constant 0 : i32
        %dma_start3A_72 = tpu.memref_slice %arg19[%add3A_23, %dma_start3A_71] : memref<10048x64xbf16, #tpu.memory_space<vmem_shared>> -> memref<157x64xbf16, #tpu.memory_space<vmem_shared>>
        tpu.enqueue_dma source(%arg18 : memref<157x64xbf16, #tpu.memory_space<vmem>>) target(%dma_start3A_72 : memref<157x64xbf16, #tpu.memory_space<vmem_shared>>) target_semaphore(%run_scoped3A : memref<!tpu.dma_semaphore, #tpu.memory_space<semaphore_mem>>)
        %dma_wait3A = arith.constant 0 : i32
        %dma_wait3A_73 = tpu.memref_slice %arg19[%add3A_23, %dma_wait3A] : memref<10048x64xbf16, #tpu.memory_space<vmem_shared>> -> memref<157x64xbf16, #tpu.memory_space<vmem_shared>>
        %dma_wait3A_74 = arith.constant 0 : i32
        %dma_wait3A_75 = tpu.memref_slice %arg19[%add3A_23, %dma_wait3A_74] : memref<10048x64xbf16, #tpu.memory_space<vmem_shared>> -> memref<157x64xbf16, #tpu.memory_space<vmem_shared>>
        tpu.wait_dma2 semaphore(%run_scoped3A : memref<!tpu.dma_semaphore, #tpu.memory_space<semaphore_mem>>) src(%arg18 : memref<157x64xbf16, #tpu.memory_space<vmem>>) dst(%dma_wait3A_75 : memref<157x64xbf16, #tpu.memory_space<vmem_shared>>)
        tpu.yield
      }) : () -> ()
      %mul3A_24 = arith.constant 628 : i32
      %mul3A_25 = arith.muli %arg1, %mul3A_24 : i32
      %add3A_26 = arith.constant 157 : i32
      %add3A_27 = arith.addi %mul3A_25, %add3A_26 : i32
      "tpu.region"() ({
        %run_scoped3A = tpu.sem_alloc : memref<!tpu.dma_semaphore, #tpu.memory_space<semaphore_mem>>
        %dma_start3A = arith.constant 0 : i32
        %dma_start3A_70 = tpu.memref_slice %arg19[%add3A_27, %dma_start3A] : memref<10048x64xbf16, #tpu.memory_space<vmem_shared>> -> memref<157x64xbf16, #tpu.memory_space<vmem_shared>>
        %dma_start3A_71 = arith.constant 0 : i32
        %dma_start3A_72 = tpu.memref_slice %arg19[%add3A_27, %dma_start3A_71] : memref<10048x64xbf16, #tpu.memory_space<vmem_shared>> -> memref<157x64xbf16, #tpu.memory_space<vmem_shared>>
        tpu.enqueue_dma source(%arg18 : memref<157x64xbf16, #tpu.memory_space<vmem>>) target(%dma_start3A_72 : memref<157x64xbf16, #tpu.memory_space<vmem_shared>>) target_semaphore(%run_scoped3A : memref<!tpu.dma_semaphore, #tpu.memory_space<semaphore_mem>>)
        %dma_wait3A = arith.constant 0 : i32
        %dma_wait3A_73 = tpu.memref_slice %arg19[%add3A_27, %dma_wait3A] : memref<10048x64xbf16, #tpu.memory_space<vmem_shared>> -> memref<157x64xbf16, #tpu.memory_space<vmem_shared>>
        %dma_wait3A_74 = arith.constant 0 : i32
        %dma_wait3A_75 = tpu.memref_slice %arg19[%add3A_27, %dma_wait3A_74] : memref<10048x64xbf16, #tpu.memory_space<vmem_shared>> -> memref<157x64xbf16, #tpu.memory_space<vmem_shared>>
        tpu.wait_dma2 semaphore(%run_scoped3A : memref<!tpu.dma_semaphore, #tpu.memory_space<semaphore_mem>>) src(%arg18 : memref<157x64xbf16, #tpu.memory_space<vmem>>) dst(%dma_wait3A_75 : memref<157x64xbf16, #tpu.memory_space<vmem_shared>>)
        tpu.yield
      }) : () -> ()
      %mul3A_28 = arith.constant 628 : i32
      %mul3A_29 = arith.muli %arg1, %mul3A_28 : i32
      %add3A_30 = arith.constant 314 : i32
      %add3A_31 = arith.addi %mul3A_29, %add3A_30 : i32
      "tpu.region"() ({
        %run_scoped3A = tpu.sem_alloc : memref<!tpu.dma_semaphore, #tpu.memory_space<semaphore_mem>>
        %dma_start3A = arith.constant 0 : i32
        %dma_start3A_70 = tpu.memref_slice %arg19[%add3A_31, %dma_start3A] : memref<10048x64xbf16, #tpu.memory_space<vmem_shared>> -> memref<157x64xbf16, #tpu.memory_space<vmem_shared>>
        %dma_start3A_71 = arith.constant 0 : i32
        %dma_start3A_72 = tpu.memref_slice %arg19[%add3A_31, %dma_start3A_71] : memref<10048x64xbf16, #tpu.memory_space<vmem_shared>> -> memref<157x64xbf16, #tpu.memory_space<vmem_shared>>
        tpu.enqueue_dma source(%arg18 : memref<157x64xbf16, #tpu.memory_space<vmem>>) target(%dma_start3A_72 : memref<157x64xbf16, #tpu.memory_space<vmem_shared>>) target_semaphore(%run_scoped3A : memref<!tpu.dma_semaphore, #tpu.memory_space<semaphore_mem>>)
        %dma_wait3A = arith.constant 0 : i32
        %dma_wait3A_73 = tpu.memref_slice %arg19[%add3A_31, %dma_wait3A] : memref<10048x64xbf16, #tpu.memory_space<vmem_shared>> -> memref<157x64xbf16, #tpu.memory_space<vmem_shared>>
        %dma_wait3A_74 = arith.constant 0 : i32
        %dma_wait3A_75 = tpu.memref_slice %arg19[%add3A_31, %dma_wait3A_74] : memref<10048x64xbf16, #tpu.memory_space<vmem_shared>> -> memref<157x64xbf16, #tpu.memory_space<vmem_shared>>
        tpu.wait_dma2 semaphore(%run_scoped3A : memref<!tpu.dma_semaphore, #tpu.memory_space<semaphore_mem>>) src(%arg18 : memref<157x64xbf16, #tpu.memory_space<vmem>>) dst(%dma_wait3A_75 : memref<157x64xbf16, #tpu.memory_space<vmem_shared>>)
        tpu.yield
      }) : () -> ()
      %mul3A_32 = arith.constant 628 : i32
      %mul3A_33 = arith.muli %arg1, %mul3A_32 : i32
      %add3A_34 = arith.constant 471 : i32
      %add3A_35 = arith.addi %mul3A_33, %add3A_34 : i32
      "tpu.region"() ({
        %run_scoped3A = tpu.sem_alloc : memref<!tpu.dma_semaphore, #tpu.memory_space<semaphore_mem>>
        %dma_start3A = arith.constant 0 : i32
        %dma_start3A_70 = tpu.memref_slice %arg19[%add3A_35, %dma_start3A] : memref<10048x64xbf16, #tpu.memory_space<vmem_shared>> -> memref<157x64xbf16, #tpu.memory_space<vmem_shared>>
        %dma_start3A_71 = arith.constant 0 : i32
        %dma_start3A_72 = tpu.memref_slice %arg19[%add3A_35, %dma_start3A_71] : memref<10048x64xbf16, #tpu.memory_space<vmem_shared>> -> memref<157x64xbf16, #tpu.memory_space<vmem_shared>>
        tpu.enqueue_dma source(%arg18 : memref<157x64xbf16, #tpu.memory_space<vmem>>) target(%dma_start3A_72 : memref<157x64xbf16, #tpu.memory_space<vmem_shared>>) target_semaphore(%run_scoped3A : memref<!tpu.dma_semaphore, #tpu.memory_space<semaphore_mem>>)
        %dma_wait3A = arith.constant 0 : i32
        %dma_wait3A_73 = tpu.memref_slice %arg19[%add3A_35, %dma_wait3A] : memref<10048x64xbf16, #tpu.memory_space<vmem_shared>> -> memref<157x64xbf16, #tpu.memory_space<vmem_shared>>
        %dma_wait3A_74 = arith.constant 0 : i32
        %dma_wait3A_75 = tpu.memref_slice %arg19[%add3A_35, %dma_wait3A_74] : memref<10048x64xbf16, #tpu.memory_space<vmem_shared>> -> memref<157x64xbf16, #tpu.memory_space<vmem_shared>>
        tpu.wait_dma2 semaphore(%run_scoped3A : memref<!tpu.dma_semaphore, #tpu.memory_space<semaphore_mem>>) src(%arg18 : memref<157x64xbf16, #tpu.memory_space<vmem>>) dst(%dma_wait3A_75 : memref<157x64xbf16, #tpu.memory_space<vmem_shared>>)
        tpu.yield
      }) : () -> ()
      %mul3A_36 = arith.constant 10000 : i32
      %mul3A_37 = arith.muli %scan3A_13, %mul3A_36 : i32
      %scan3A_38 = arith.constant 0 : i32
      %scan3A_39 = arith.constant 0 : i32
      %scan3A_40 = arith.constant 162 : i32
      %scan3A_41 = arith.addi %scan3A_39, %scan3A_40 : i32
      %scan3A_42 = arith.constant 1 : i32
      %scan3A_43 = scf.for %scan3A_70 = %scan3A_39 to %scan3A_41 step %scan3A_42 iter_args(%scan3A_71 = %scan3A_38) -> (i32)  : i32 {
        %mul3A_72 = arith.constant 128 : i32
        %mul3A_73 = arith.muli %scan3A_70, %mul3A_72 : i32
        %add3A_74 = arith.constant 0 : i32
        %add3A_75 = arith.addi %mul3A_73, %add3A_74 : i32
        %get3A = arith.index_cast %add3A_75 : i32 to index
        %get3A_76 = tpu.vector_load %arg10[%get3A] {strides = array<i32>} : memref<20736xi32, #tpu.memory_space<vmem>>, vector<16xi32>,
        %get3A_77 = arith.index_cast %scan3A_70 : i32 to index
        %get3A_78 = arith.constant 0 : index
        %get3A_79 = tpu.vector_load %arg11[%get3A_77, %get3A_78] {strides = array<i32>} : memref<162x128xi32, #tpu.memory_space<vmem>>, vector<16xi32>,
        %sub3A = vector.broadcast %mul3A_37 : i32 to vector<16xi32>
        %sub3A_80 = arith.subi %get3A_76, %sub3A : vector<16xi32>
        %add3A_81 = arith.addi %sub3A_80, %sub3A_80 : vector<16xi32>
        %gather3A = tpu.vector_load_idx %arg12[%add3A_81] : memref<20480xf32, #tpu.memory_space<vmem>>[vector<16xi32>], vector<16xf32>,
        %add3A_82 = arith.addi %get3A_79, %get3A_79 : vector<16xi32>
        %add3A_83 = arith.constant 1 : i32
        %add3A_84 = vector.broadcast %add3A_83 : i32 to vector<16xi32>
        %add3A_85 = arith.addi %add3A_82, %add3A_84 : vector<16xi32>
        %gather3A_86 = tpu.vector_load_idx %arg12[%add3A_85] : memref<20480xf32, #tpu.memory_space<vmem>>[vector<16xi32>], vector<16xf32>,
        %add3A_87 = arith.addf %gather3A, %gather3A_86 : vector<16xf32>
        %ge3A = arith.constant 0.000000e+00 : f32
        %ge3A_88 = vector.broadcast %ge3A : f32 to vector<16xf32>
        %ge3A_89 = arith.cmpf oge, %add3A_87, %ge3A_88 : vector<16xf32>
        %mul3A_90 = arith.constant 2.000000e-01 : f32
        %mul3A_91 = vector.broadcast %mul3A_90 : f32 to vector<16xf32>
        %mul3A_92 = arith.mulf %mul3A_91, %add3A_87 : vector<16xf32>
        %select_n3A = arith.select %ge3A_89, %add3A_87, %mul3A_92 : vector<16xi1>, vector<16xf32>
        %exp3A = math.exp %select_n3A : vector<16xf32>
        %swap3A = arith.index_cast %add3A_75 : i32 to index
        %swap3A_93 = tpu.vector_load %arg13[%swap3A] {strides = array<i32>} : memref<20736xf32, #tpu.memory_space<vmem>>, vector<16xf32>,
        tpu.vector_store %arg13[%swap3A], %exp3A {strides = array<i32>} : memref<20736xf32, #tpu.memory_space<vmem>>, vector<16xf32>,
        %shift_right_arithmetic3A = arith.constant 4 : i32
        %shift_right_arithmetic3A_94 = vector.broadcast %shift_right_arithmetic3A : i32 to vector<16xi32>
        %shift_right_arithmetic3A_95 = arith.shrsi %get3A_79, %shift_right_arithmetic3A_94 : vector<16xi32>
        %and3A = arith.constant 15 : i32
        %and3A_96 = vector.broadcast %and3A : i32 to vector<16xi32>
        %and3A_97 = arith.andi %get3A_79, %and3A_96 : vector<16xi32>
        tpu.vector_store_idx %arg14[%shift_right_arithmetic3A_95, %and3A_97], %exp3A {add = true} : memref<640x16xf32, #tpu.memory_space<vmem>>[vector<16xi32>, vector<16xi32>], vector<16xf32>,
        %add3A_98 = arith.constant 16 : i32
        %add3A_99 = arith.addi %mul3A_73, %add3A_98 : i32
        %get3A_100 = arith.index_cast %add3A_99 : i32 to index
        %get3A_101 = tpu.vector_load %arg10[%get3A_100] {strides = array<i32>} : memref<20736xi32, #tpu.memory_space<vmem>>, vector<16xi32>,
        %get3A_102 = arith.index_cast %scan3A_70 : i32 to index
        %get3A_103 = arith.constant 16 : index
        %get3A_104 = tpu.vector_load %arg11[%get3A_102, %get3A_103] {strides = array<i32>} : memref<162x128xi32, #tpu.memory_space<vmem>>, vector<16xi32>,
        %sub3A_105 = vector.broadcast %mul3A_37 : i32 to vector<16xi32>
        %sub3A_106 = arith.subi %get3A_101, %sub3A_105 : vector<16xi32>
        %add3A_107 = arith.addi %sub3A_106, %sub3A_106 : vector<16xi32>
        %gather3A_108 = tpu.vector_load_idx %arg12[%add3A_107] : memref<20480xf32, #tpu.memory_space<vmem>>[vector<16xi32>], vector<16xf32>,
        %add3A_109 = arith.addi %get3A_104, %get3A_104 : vector<16xi32>
        %add3A_110 = arith.constant 1 : i32
        %add3A_111 = vector.broadcast %add3A_110 : i32 to vector<16xi32>
        %add3A_112 = arith.addi %add3A_109, %add3A_111 : vector<16xi32>
        %gather3A_113 = tpu.vector_load_idx %arg12[%add3A_112] : memref<20480xf32, #tpu.memory_space<vmem>>[vector<16xi32>], vector<16xf32>,
        %add3A_114 = arith.addf %gather3A_108, %gather3A_113 : vector<16xf32>
        %ge3A_115 = arith.constant 0.000000e+00 : f32
        %ge3A_116 = vector.broadcast %ge3A_115 : f32 to vector<16xf32>
        %ge3A_117 = arith.cmpf oge, %add3A_114, %ge3A_116 : vector<16xf32>
        %mul3A_118 = arith.constant 2.000000e-01 : f32
        %mul3A_119 = vector.broadcast %mul3A_118 : f32 to vector<16xf32>
        %mul3A_120 = arith.mulf %mul3A_119, %add3A_114 : vector<16xf32>
        %select_n3A_121 = arith.select %ge3A_117, %add3A_114, %mul3A_120 : vector<16xi1>, vector<16xf32>
        %exp3A_122 = math.exp %select_n3A_121 : vector<16xf32>
        %swap3A_123 = arith.index_cast %add3A_99 : i32 to index
        %swap3A_124 = tpu.vector_load %arg13[%swap3A_123] {strides = array<i32>} : memref<20736xf32, #tpu.memory_space<vmem>>, vector<16xf32>,
        tpu.vector_store %arg13[%swap3A_123], %exp3A_122 {strides = array<i32>} : memref<20736xf32, #tpu.memory_space<vmem>>, vector<16xf32>,
        %shift_right_arithmetic3A_125 = arith.constant 4 : i32
        %shift_right_arithmetic3A_126 = vector.broadcast %shift_right_arithmetic3A_125 : i32 to vector<16xi32>
        %shift_right_arithmetic3A_127 = arith.shrsi %get3A_104, %shift_right_arithmetic3A_126 : vector<16xi32>
        %and3A_128 = arith.constant 15 : i32
        %and3A_129 = vector.broadcast %and3A_128 : i32 to vector<16xi32>
        %and3A_130 = arith.andi %get3A_104, %and3A_129 : vector<16xi32>
        tpu.vector_store_idx %arg14[%shift_right_arithmetic3A_127, %and3A_130], %exp3A_122 {add = true} : memref<640x16xf32, #tpu.memory_space<vmem>>[vector<16xi32>, vector<16xi32>], vector<16xf32>,
        %add3A_131 = arith.constant 32 : i32
        %add3A_132 = arith.addi %mul3A_73, %add3A_131 : i32
        %get3A_133 = arith.index_cast %add3A_132 : i32 to index
        %get3A_134 = tpu.vector_load %arg10[%get3A_133] {strides = array<i32>} : memref<20736xi32, #tpu.memory_space<vmem>>, vector<16xi32>,
        %get3A_135 = arith.index_cast %scan3A_70 : i32 to index
        %get3A_136 = arith.constant 32 : index
        %get3A_137 = tpu.vector_load %arg11[%get3A_135, %get3A_136] {strides = array<i32>} : memref<162x128xi32, #tpu.memory_space<vmem>>, vector<16xi32>,
        %sub3A_138 = vector.broadcast %mul3A_37 : i32 to vector<16xi32>
        %sub3A_139 = arith.subi %get3A_134, %sub3A_138 : vector<16xi32>
        %add3A_140 = arith.addi %sub3A_139, %sub3A_139 : vector<16xi32>
        %gather3A_141 = tpu.vector_load_idx %arg12[%add3A_140] : memref<20480xf32, #tpu.memory_space<vmem>>[vector<16xi32>], vector<16xf32>,
        %add3A_142 = arith.addi %get3A_137, %get3A_137 : vector<16xi32>
        %add3A_143 = arith.constant 1 : i32
        %add3A_144 = vector.broadcast %add3A_143 : i32 to vector<16xi32>
        %add3A_145 = arith.addi %add3A_142, %add3A_144 : vector<16xi32>
        %gather3A_146 = tpu.vector_load_idx %arg12[%add3A_145] : memref<20480xf32, #tpu.memory_space<vmem>>[vector<16xi32>], vector<16xf32>,
        %add3A_147 = arith.addf %gather3A_141, %gather3A_146 : vector<16xf32>
        %ge3A_148 = arith.constant 0.000000e+00 : f32
        %ge3A_149 = vector.broadcast %ge3A_148 : f32 to vector<16xf32>
        %ge3A_150 = arith.cmpf oge, %add3A_147, %ge3A_149 : vector<16xf32>
        %mul3A_151 = arith.constant 2.000000e-01 : f32
        %mul3A_152 = vector.broadcast %mul3A_151 : f32 to vector<16xf32>
        %mul3A_153 = arith.mulf %mul3A_152, %add3A_147 : vector<16xf32>
        %select_n3A_154 = arith.select %ge3A_150, %add3A_147, %mul3A_153 : vector<16xi1>, vector<16xf32>
        %exp3A_155 = math.exp %select_n3A_154 : vector<16xf32>
        %swap3A_156 = arith.index_cast %add3A_132 : i32 to index
        %swap3A_157 = tpu.vector_load %arg13[%swap3A_156] {strides = array<i32>} : memref<20736xf32, #tpu.memory_space<vmem>>, vector<16xf32>,
        tpu.vector_store %arg13[%swap3A_156], %exp3A_155 {strides = array<i32>} : memref<20736xf32, #tpu.memory_space<vmem>>, vector<16xf32>,
        %shift_right_arithmetic3A_158 = arith.constant 4 : i32
        %shift_right_arithmetic3A_159 = vector.broadcast %shift_right_arithmetic3A_158 : i32 to vector<16xi32>
        %shift_right_arithmetic3A_160 = arith.shrsi %get3A_137, %shift_right_arithmetic3A_159 : vector<16xi32>
        %and3A_161 = arith.constant 15 : i32
        %and3A_162 = vector.broadcast %and3A_161 : i32 to vector<16xi32>
        %and3A_163 = arith.andi %get3A_137, %and3A_162 : vector<16xi32>
        tpu.vector_store_idx %arg14[%shift_right_arithmetic3A_160, %and3A_163], %exp3A_155 {add = true} : memref<640x16xf32, #tpu.memory_space<vmem>>[vector<16xi32>, vector<16xi32>], vector<16xf32>,
        %add3A_164 = arith.constant 48 : i32
        %add3A_165 = arith.addi %mul3A_73, %add3A_164 : i32
        %get3A_166 = arith.index_cast %add3A_165 : i32 to index
        %get3A_167 = tpu.vector_load %arg10[%get3A_166] {strides = array<i32>} : memref<20736xi32, #tpu.memory_space<vmem>>, vector<16xi32>,
        %get3A_168 = arith.index_cast %scan3A_70 : i32 to index
        %get3A_169 = arith.constant 48 : index
        %get3A_170 = tpu.vector_load %arg11[%get3A_168, %get3A_169] {strides = array<i32>} : memref<162x128xi32, #tpu.memory_space<vmem>>, vector<16xi32>,
        %sub3A_171 = vector.broadcast %mul3A_37 : i32 to vector<16xi32>
        %sub3A_172 = arith.subi %get3A_167, %sub3A_171 : vector<16xi32>
        %add3A_173 = arith.addi %sub3A_172, %sub3A_172 : vector<16xi32>
        %gather3A_174 = tpu.vector_load_idx %arg12[%add3A_173] : memref<20480xf32, #tpu.memory_space<vmem>>[vector<16xi32>], vector<16xf32>,
        %add3A_175 = arith.addi %get3A_170, %get3A_170 : vector<16xi32>
        %add3A_176 = arith.constant 1 : i32
        %add3A_177 = vector.broadcast %add3A_176 : i32 to vector<16xi32>
        %add3A_178 = arith.addi %add3A_175, %add3A_177 : vector<16xi32>
        %gather3A_179 = tpu.vector_load_idx %arg12[%add3A_178] : memref<20480xf32, #tpu.memory_space<vmem>>[vector<16xi32>], vector<16xf32>,
        %add3A_180 = arith.addf %gather3A_174, %gather3A_179 : vector<16xf32>
        %ge3A_181 = arith.constant 0.000000e+00 : f32
        %ge3A_182 = vector.broadcast %ge3A_181 : f32 to vector<16xf32>
        %ge3A_183 = arith.cmpf oge, %add3A_180, %ge3A_182 : vector<16xf32>
        %mul3A_184 = arith.constant 2.000000e-01 : f32
        %mul3A_185 = vector.broadcast %mul3A_184 : f32 to vector<16xf32>
        %mul3A_186 = arith.mulf %mul3A_185, %add3A_180 : vector<16xf32>
        %select_n3A_187 = arith.select %ge3A_183, %add3A_180, %mul3A_186 : vector<16xi1>, vector<16xf32>
        %exp3A_188 = math.exp %select_n3A_187 : vector<16xf32>
        %swap3A_189 = arith.index_cast %add3A_165 : i32 to index
        %swap3A_190 = tpu.vector_load %arg13[%swap3A_189] {strides = array<i32>} : memref<20736xf32, #tpu.memory_space<vmem>>, vector<16xf32>,
        tpu.vector_store %arg13[%swap3A_189], %exp3A_188 {strides = array<i32>} : memref<20736xf32, #tpu.memory_space<vmem>>, vector<16xf32>,
        %shift_right_arithmetic3A_191 = arith.constant 4 : i32
        %shift_right_arithmetic3A_192 = vector.broadcast %shift_right_arithmetic3A_191 : i32 to vector<16xi32>
        %shift_right_arithmetic3A_193 = arith.shrsi %get3A_170, %shift_right_arithmetic3A_192 : vector<16xi32>
        %and3A_194 = arith.constant 15 : i32
        %and3A_195 = vector.broadcast %and3A_194 : i32 to vector<16xi32>
        %and3A_196 = arith.andi %get3A_170, %and3A_195 : vector<16xi32>
        tpu.vector_store_idx %arg14[%shift_right_arithmetic3A_193, %and3A_196], %exp3A_188 {add = true} : memref<640x16xf32, #tpu.memory_space<vmem>>[vector<16xi32>, vector<16xi32>], vector<16xf32>,
        %add3A_197 = arith.constant 64 : i32
        %add3A_198 = arith.addi %mul3A_73, %add3A_197 : i32
        %get3A_199 = arith.index_cast %add3A_198 : i32 to index
        %get3A_200 = tpu.vector_load %arg10[%get3A_199] {strides = array<i32>} : memref<20736xi32, #tpu.memory_space<vmem>>, vector<16xi32>,
        %get3A_201 = arith.index_cast %scan3A_70 : i32 to index
        %get3A_202 = arith.constant 64 : index
        %get3A_203 = tpu.vector_load %arg11[%get3A_201, %get3A_202] {strides = array<i32>} : memref<162x128xi32, #tpu.memory_space<vmem>>, vector<16xi32>,
        %sub3A_204 = vector.broadcast %mul3A_37 : i32 to vector<16xi32>
        %sub3A_205 = arith.subi %get3A_200, %sub3A_204 : vector<16xi32>
        %add3A_206 = arith.addi %sub3A_205, %sub3A_205 : vector<16xi32>
        %gather3A_207 = tpu.vector_load_idx %arg12[%add3A_206] : memref<20480xf32, #tpu.memory_space<vmem>>[vector<16xi32>], vector<16xf32>,
        %add3A_208 = arith.addi %get3A_203, %get3A_203 : vector<16xi32>
        %add3A_209 = arith.constant 1 : i32
        %add3A_210 = vector.broadcast %add3A_209 : i32 to vector<16xi32>
        %add3A_211 = arith.addi %add3A_208, %add3A_210 : vector<16xi32>
        %gather3A_212 = tpu.vector_load_idx %arg12[%add3A_211] : memref<20480xf32, #tpu.memory_space<vmem>>[vector<16xi32>], vector<16xf32>,
        %add3A_213 = arith.addf %gather3A_207, %gather3A_212 : vector<16xf32>
        %ge3A_214 = arith.constant 0.000000e+00 : f32
        %ge3A_215 = vector.broadcast %ge3A_214 : f32 to vector<16xf32>
        %ge3A_216 = arith.cmpf oge, %add3A_213, %ge3A_215 : vector<16xf32>
        %mul3A_217 = arith.constant 2.000000e-01 : f32
        %mul3A_218 = vector.broadcast %mul3A_217 : f32 to vector<16xf32>
        %mul3A_219 = arith.mulf %mul3A_218, %add3A_213 : vector<16xf32>
        %select_n3A_220 = arith.select %ge3A_216, %add3A_213, %mul3A_219 : vector<16xi1>, vector<16xf32>
        %exp3A_221 = math.exp %select_n3A_220 : vector<16xf32>
        %swap3A_222 = arith.index_cast %add3A_198 : i32 to index
        %swap3A_223 = tpu.vector_load %arg13[%swap3A_222] {strides = array<i32>} : memref<20736xf32, #tpu.memory_space<vmem>>, vector<16xf32>,
        tpu.vector_store %arg13[%swap3A_222], %exp3A_221 {strides = array<i32>} : memref<20736xf32, #tpu.memory_space<vmem>>, vector<16xf32>,
        %shift_right_arithmetic3A_224 = arith.constant 4 : i32
        %shift_right_arithmetic3A_225 = vector.broadcast %shift_right_arithmetic3A_224 : i32 to vector<16xi32>
        %shift_right_arithmetic3A_226 = arith.shrsi %get3A_203, %shift_right_arithmetic3A_225 : vector<16xi32>
        %and3A_227 = arith.constant 15 : i32
        %and3A_228 = vector.broadcast %and3A_227 : i32 to vector<16xi32>
        %and3A_229 = arith.andi %get3A_203, %and3A_228 : vector<16xi32>
        tpu.vector_store_idx %arg14[%shift_right_arithmetic3A_226, %and3A_229], %exp3A_221 {add = true} : memref<640x16xf32, #tpu.memory_space<vmem>>[vector<16xi32>, vector<16xi32>], vector<16xf32>,
        %add3A_230 = arith.constant 80 : i32
        %add3A_231 = arith.addi %mul3A_73, %add3A_230 : i32
        %get3A_232 = arith.index_cast %add3A_231 : i32 to index
        %get3A_233 = tpu.vector_load %arg10[%get3A_232] {strides = array<i32>} : memref<20736xi32, #tpu.memory_space<vmem>>, vector<16xi32>,
        %get3A_234 = arith.index_cast %scan3A_70 : i32 to index
        %get3A_235 = arith.constant 80 : index
        %get3A_236 = tpu.vector_load %arg11[%get3A_234, %get3A_235] {strides = array<i32>} : memref<162x128xi32, #tpu.memory_space<vmem>>, vector<16xi32>,
        %sub3A_237 = vector.broadcast %mul3A_37 : i32 to vector<16xi32>
        %sub3A_238 = arith.subi %get3A_233, %sub3A_237 : vector<16xi32>
        %add3A_239 = arith.addi %sub3A_238, %sub3A_238 : vector<16xi32>
        %gather3A_240 = tpu.vector_load_idx %arg12[%add3A_239] : memref<20480xf32, #tpu.memory_space<vmem>>[vector<16xi32>], vector<16xf32>,
        %add3A_241 = arith.addi %get3A_236, %get3A_236 : vector<16xi32>
        %add3A_242 = arith.constant 1 : i32
        %add3A_243 = vector.broadcast %add3A_242 : i32 to vector<16xi32>
        %add3A_244 = arith.addi %add3A_241, %add3A_243 : vector<16xi32>
        %gather3A_245 = tpu.vector_load_idx %arg12[%add3A_244] : memref<20480xf32, #tpu.memory_space<vmem>>[vector<16xi32>], vector<16xf32>,
        %add3A_246 = arith.addf %gather3A_240, %gather3A_245 : vector<16xf32>
        %ge3A_247 = arith.constant 0.000000e+00 : f32
        %ge3A_248 = vector.broadcast %ge3A_247 : f32 to vector<16xf32>
        %ge3A_249 = arith.cmpf oge, %add3A_246, %ge3A_248 : vector<16xf32>
        %mul3A_250 = arith.constant 2.000000e-01 : f32
        %mul3A_251 = vector.broadcast %mul3A_250 : f32 to vector<16xf32>
        %mul3A_252 = arith.mulf %mul3A_251, %add3A_246 : vector<16xf32>
        %select_n3A_253 = arith.select %ge3A_249, %add3A_246, %mul3A_252 : vector<16xi1>, vector<16xf32>
        %exp3A_254 = math.exp %select_n3A_253 : vector<16xf32>
        %swap3A_255 = arith.index_cast %add3A_231 : i32 to index
        %swap3A_256 = tpu.vector_load %arg13[%swap3A_255] {strides = array<i32>} : memref<20736xf32, #tpu.memory_space<vmem>>, vector<16xf32>,
        tpu.vector_store %arg13[%swap3A_255], %exp3A_254 {strides = array<i32>} : memref<20736xf32, #tpu.memory_space<vmem>>, vector<16xf32>,
        %shift_right_arithmetic3A_257 = arith.constant 4 : i32
        %shift_right_arithmetic3A_258 = vector.broadcast %shift_right_arithmetic3A_257 : i32 to vector<16xi32>
        %shift_right_arithmetic3A_259 = arith.shrsi %get3A_236, %shift_right_arithmetic3A_258 : vector<16xi32>
        %and3A_260 = arith.constant 15 : i32
        %and3A_261 = vector.broadcast %and3A_260 : i32 to vector<16xi32>
        %and3A_262 = arith.andi %get3A_236, %and3A_261 : vector<16xi32>
        tpu.vector_store_idx %arg14[%shift_right_arithmetic3A_259, %and3A_262], %exp3A_254 {add = true} : memref<640x16xf32, #tpu.memory_space<vmem>>[vector<16xi32>, vector<16xi32>], vector<16xf32>,
        %add3A_263 = arith.constant 96 : i32
        %add3A_264 = arith.addi %mul3A_73, %add3A_263 : i32
        %get3A_265 = arith.index_cast %add3A_264 : i32 to index
        %get3A_266 = tpu.vector_load %arg10[%get3A_265] {strides = array<i32>} : memref<20736xi32, #tpu.memory_space<vmem>>, vector<16xi32>,
        %get3A_267 = arith.index_cast %scan3A_70 : i32 to index
        %get3A_268 = arith.constant 96 : index
        %get3A_269 = tpu.vector_load %arg11[%get3A_267, %get3A_268] {strides = array<i32>} : memref<162x128xi32, #tpu.memory_space<vmem>>, vector<16xi32>,
        %sub3A_270 = vector.broadcast %mul3A_37 : i32 to vector<16xi32>
        %sub3A_271 = arith.subi %get3A_266, %sub3A_270 : vector<16xi32>
        %add3A_272 = arith.addi %sub3A_271, %sub3A_271 : vector<16xi32>
        %gather3A_273 = tpu.vector_load_idx %arg12[%add3A_272] : memref<20480xf32, #tpu.memory_space<vmem>>[vector<16xi32>], vector<16xf32>,
        %add3A_274 = arith.addi %get3A_269, %get3A_269 : vector<16xi32>
        %add3A_275 = arith.constant 1 : i32
        %add3A_276 = vector.broadcast %add3A_275 : i32 to vector<16xi32>
        %add3A_277 = arith.addi %add3A_274, %add3A_276 : vector<16xi32>
        %gather3A_278 = tpu.vector_load_idx %arg12[%add3A_277] : memref<20480xf32, #tpu.memory_space<vmem>>[vector<16xi32>], vector<16xf32>,
        %add3A_279 = arith.addf %gather3A_273, %gather3A_278 : vector<16xf32>
        %ge3A_280 = arith.constant 0.000000e+00 : f32
        %ge3A_281 = vector.broadcast %ge3A_280 : f32 to vector<16xf32>
        %ge3A_282 = arith.cmpf oge, %add3A_279, %ge3A_281 : vector<16xf32>
        %mul3A_283 = arith.constant 2.000000e-01 : f32
        %mul3A_284 = vector.broadcast %mul3A_283 : f32 to vector<16xf32>
        %mul3A_285 = arith.mulf %mul3A_284, %add3A_279 : vector<16xf32>
        %select_n3A_286 = arith.select %ge3A_282, %add3A_279, %mul3A_285 : vector<16xi1>, vector<16xf32>
        %exp3A_287 = math.exp %select_n3A_286 : vector<16xf32>
        %swap3A_288 = arith.index_cast %add3A_264 : i32 to index
        %swap3A_289 = tpu.vector_load %arg13[%swap3A_288] {strides = array<i32>} : memref<20736xf32, #tpu.memory_space<vmem>>, vector<16xf32>,
        tpu.vector_store %arg13[%swap3A_288], %exp3A_287 {strides = array<i32>} : memref<20736xf32, #tpu.memory_space<vmem>>, vector<16xf32>,
        %shift_right_arithmetic3A_290 = arith.constant 4 : i32
        %shift_right_arithmetic3A_291 = vector.broadcast %shift_right_arithmetic3A_290 : i32 to vector<16xi32>
        %shift_right_arithmetic3A_292 = arith.shrsi %get3A_269, %shift_right_arithmetic3A_291 : vector<16xi32>
        %and3A_293 = arith.constant 15 : i32
        %and3A_294 = vector.broadcast %and3A_293 : i32 to vector<16xi32>
        %and3A_295 = arith.andi %get3A_269, %and3A_294 : vector<16xi32>
        tpu.vector_store_idx %arg14[%shift_right_arithmetic3A_292, %and3A_295], %exp3A_287 {add = true} : memref<640x16xf32, #tpu.memory_space<vmem>>[vector<16xi32>, vector<16xi32>], vector<16xf32>,
        %add3A_296 = arith.constant 112 : i32
        %add3A_297 = arith.addi %mul3A_73, %add3A_296 : i32
        %get3A_298 = arith.index_cast %add3A_297 : i32 to index
        %get3A_299 = tpu.vector_load %arg10[%get3A_298] {strides = array<i32>} : memref<20736xi32, #tpu.memory_space<vmem>>, vector<16xi32>,
        %get3A_300 = arith.index_cast %scan3A_70 : i32 to index
        %get3A_301 = arith.constant 112 : index
        %get3A_302 = tpu.vector_load %arg11[%get3A_300, %get3A_301] {strides = array<i32>} : memref<162x128xi32, #tpu.memory_space<vmem>>, vector<16xi32>,
        %sub3A_303 = vector.broadcast %mul3A_37 : i32 to vector<16xi32>
        %sub3A_304 = arith.subi %get3A_299, %sub3A_303 : vector<16xi32>
        %add3A_305 = arith.addi %sub3A_304, %sub3A_304 : vector<16xi32>
        %gather3A_306 = tpu.vector_load_idx %arg12[%add3A_305] : memref<20480xf32, #tpu.memory_space<vmem>>[vector<16xi32>], vector<16xf32>,
        %add3A_307 = arith.addi %get3A_302, %get3A_302 : vector<16xi32>
        %add3A_308 = arith.constant 1 : i32
        %add3A_309 = vector.broadcast %add3A_308 : i32 to vector<16xi32>
        %add3A_310 = arith.addi %add3A_307, %add3A_309 : vector<16xi32>
        %gather3A_311 = tpu.vector_load_idx %arg12[%add3A_310] : memref<20480xf32, #tpu.memory_space<vmem>>[vector<16xi32>], vector<16xf32>,
        %add3A_312 = arith.addf %gather3A_306, %gather3A_311 : vector<16xf32>
        %ge3A_313 = arith.constant 0.000000e+00 : f32
        %ge3A_314 = vector.broadcast %ge3A_313 : f32 to vector<16xf32>
        %ge3A_315 = arith.cmpf oge, %add3A_312, %ge3A_314 : vector<16xf32>
        %mul3A_316 = arith.constant 2.000000e-01 : f32
        %mul3A_317 = vector.broadcast %mul3A_316 : f32 to vector<16xf32>
        %mul3A_318 = arith.mulf %mul3A_317, %add3A_312 : vector<16xf32>
        %select_n3A_319 = arith.select %ge3A_315, %add3A_312, %mul3A_318 : vector<16xi1>, vector<16xf32>
        %exp3A_320 = math.exp %select_n3A_319 : vector<16xf32>
        %swap3A_321 = arith.index_cast %add3A_297 : i32 to index
        %swap3A_322 = tpu.vector_load %arg13[%swap3A_321] {strides = array<i32>} : memref<20736xf32, #tpu.memory_space<vmem>>, vector<16xf32>,
        tpu.vector_store %arg13[%swap3A_321], %exp3A_320 {strides = array<i32>} : memref<20736xf32, #tpu.memory_space<vmem>>, vector<16xf32>,
        %shift_right_arithmetic3A_323 = arith.constant 4 : i32
        %shift_right_arithmetic3A_324 = vector.broadcast %shift_right_arithmetic3A_323 : i32 to vector<16xi32>
        %shift_right_arithmetic3A_325 = arith.shrsi %get3A_302, %shift_right_arithmetic3A_324 : vector<16xi32>
        %and3A_326 = arith.constant 15 : i32
        %and3A_327 = vector.broadcast %and3A_326 : i32 to vector<16xi32>
        %and3A_328 = arith.andi %get3A_302, %and3A_327 : vector<16xi32>
        tpu.vector_store_idx %arg14[%shift_right_arithmetic3A_325, %and3A_328], %exp3A_320 {add = true} : memref<640x16xf32, #tpu.memory_space<vmem>>[vector<16xi32>, vector<16xi32>], vector<16xf32>,
        %scan3A_329 = arith.constant 0 : i32
        scf.yield %scan3A_329 : i32
      }
      %scan3A_44 = arith.constant 162 : i32
      %eq3A = arith.constant 0 : i32
      %eq3A_45 = arith.cmpi eq, %arg0, %eq3A : i32
      %convert_element_type3A = arith.extui %eq3A_45 : i1 to i32
      %cond3A = arith.constant 0 : i32
      %cond3A_46 = arith.cmpi ne, %convert_element_type3A, %cond3A : i32
      scf.if %cond3A_46 {
        "tpu.region"() ({
          %run_scoped3A = tpu.sem_alloc : memref<!tpu.dma_semaphore, #tpu.memory_space<semaphore_mem>>
          %dma_start3A = arith.constant 0 : i32
          %dma_start3A_70 = arith.constant 0 : i32
          %dma_start3A_71 = tpu.memref_slice %arg9[%scan3A_13, %arg1, %dma_start3A, %dma_start3A_70] : memref<4x16x640x16xf32, #tpu.memory_space<hbm>> -> memref<1x1x640x16xf32, #tpu.memory_space<hbm>>
          %dma_start3A_72 = tpu.memref_squeeze %dma_start3A_71 : memref<1x1x640x16xf32, #tpu.memory_space<hbm>> -> memref<640x16xf32, #tpu.memory_space<hbm>>
          %dma_start3A_73 = arith.constant 0 : i32
          %dma_start3A_74 = arith.constant 0 : i32
          %dma_start3A_75 = tpu.memref_slice %arg9[%scan3A_13, %arg1, %dma_start3A_73, %dma_start3A_74] : memref<4x16x640x16xf32, #tpu.memory_space<hbm>> -> memref<1x1x640x16xf32, #tpu.memory_space<hbm>>
          %dma_start3A_76 = tpu.memref_squeeze %dma_start3A_75 : memref<1x1x640x16xf32, #tpu.memory_space<hbm>> -> memref<640x16xf32, #tpu.memory_space<hbm>>
          tpu.enqueue_dma source(%arg14 : memref<640x16xf32, #tpu.memory_space<vmem>>) target(%dma_start3A_76 : memref<640x16xf32, #tpu.memory_space<hbm>>) target_semaphore(%run_scoped3A : memref<!tpu.dma_semaphore, #tpu.memory_space<semaphore_mem>>)
          %dma_wait3A = arith.constant 0 : i32
          %dma_wait3A_77 = arith.constant 0 : i32
          %dma_wait3A_78 = tpu.memref_slice %arg9[%scan3A_13, %arg1, %dma_wait3A, %dma_wait3A_77] : memref<4x16x640x16xf32, #tpu.memory_space<hbm>> -> memref<1x1x640x16xf32, #tpu.memory_space<hbm>>
          %dma_wait3A_79 = tpu.memref_squeeze %dma_wait3A_78 : memref<1x1x640x16xf32, #tpu.memory_space<hbm>> -> memref<640x16xf32, #tpu.memory_space<hbm>>
          %dma_wait3A_80 = arith.constant 0 : i32
          %dma_wait3A_81 = arith.constant 0 : i32
          %dma_wait3A_82 = tpu.memref_slice %arg9[%scan3A_13, %arg1, %dma_wait3A_80, %dma_wait3A_81] : memref<4x16x640x16xf32, #tpu.memory_space<hbm>> -> memref<1x1x640x16xf32, #tpu.memory_space<hbm>>
          %dma_wait3A_83 = tpu.memref_squeeze %dma_wait3A_82 : memref<1x1x640x16xf32, #tpu.memory_space<hbm>> -> memref<640x16xf32, #tpu.memory_space<hbm>>
          tpu.wait_dma2 semaphore(%run_scoped3A : memref<!tpu.dma_semaphore, #tpu.memory_space<semaphore_mem>>) src(%arg14 : memref<640x16xf32, #tpu.memory_space<vmem>>) dst(%dma_wait3A_83 : memref<640x16xf32, #tpu.memory_space<hbm>>)
          tpu.yield
        }) : () -> ()
      } else {
      }
      %barrier3A = arith.constant 0 : index
      tpu.barrier barrier_id(%barrier3A)
      %eq3A_47 = arith.constant 0 : i32
      %eq3A_48 = arith.cmpi eq, %arg0, %eq3A_47 : i32
      %convert_element_type3A_49 = arith.extui %eq3A_48 : i1 to i32
      %cond3A_50 = arith.constant 0 : i32
      %cond3A_51 = arith.cmpi ne, %convert_element_type3A_49, %cond3A_50 : i32
      scf.if %cond3A_51 {
        %dma_start3A = arith.constant 0 : i32
        %dma_start3A_70 = tpu.memref_slice %arg10[%dma_start3A] : memref<20736xi32, #tpu.memory_space<vmem>> -> memref<128xi32, #tpu.memory_space<vmem>>
        %dma_start3A_71 = arith.constant 0 : i32
        %dma_start3A_72 = arith.constant 0 : i32
        %dma_start3A_73 = tpu.memref_slice %arg2[%dma_start3A_71, %dma_start3A_72] : memref<40000x64xbf16, #tpu.memory_space<hbm>> -> memref<40000x64xbf16, #tpu.memory_space<hbm>>
        tpu.enqueue_indirect_dma source(%dma_start3A_73 : memref<40000x64xbf16, #tpu.memory_space<hbm>>) target(%arg15 : memref<128x64xbf16, #tpu.memory_space<vmem>>) offsets(%dma_start3A_70 : memref<128xi32, #tpu.memory_space<vmem>>) semaphore(%arg20 : memref<!tpu.dma_semaphore, #tpu.memory_space<semaphore_mem>>)
        %scan3A_74 = arith.constant 0 : i32
        %scan3A_75 = arith.constant 0 : i32
        %scan3A_76 = arith.constant 81 : i32
        %scan3A_77 = arith.addi %scan3A_75, %scan3A_76 : i32
        %scan3A_78 = arith.constant 1 : i32
        %scan3A_79 = scf.for %scan3A_81 = %scan3A_75 to %scan3A_77 step %scan3A_78 iter_args(%scan3A_82 = %scan3A_74) -> (i32)  : i32 {
          %mul3A_83 = arith.constant 2 : i32
          %mul3A_84 = arith.muli %mul3A_83, %scan3A_81 : i32
          %add3A_85 = arith.constant 1 : i32
          %add3A_86 = arith.addi %mul3A_84, %add3A_85 : i32
          %mul3A_87 = arith.constant 128 : i32
          %mul3A_88 = arith.muli %add3A_86, %mul3A_87 : i32
          %dma_start3A_89 = tpu.memref_slice %arg10[%mul3A_88] : memref<20736xi32, #tpu.memory_space<vmem>> -> memref<128xi32, #tpu.memory_space<vmem>>
          %dma_start3A_90 = arith.constant 0 : i32
          %dma_start3A_91 = arith.constant 0 : i32
          %dma_start3A_92 = tpu.memref_slice %arg2[%dma_start3A_90, %dma_start3A_91] : memref<40000x64xbf16, #tpu.memory_space<hbm>> -> memref<40000x64xbf16, #tpu.memory_space<hbm>>
          tpu.enqueue_indirect_dma source(%dma_start3A_92 : memref<40000x64xbf16, #tpu.memory_space<hbm>>) target(%arg16 : memref<128x64xbf16, #tpu.memory_space<vmem>>) offsets(%dma_start3A_89 : memref<128xi32, #tpu.memory_space<vmem>>) semaphore(%arg21 : memref<!tpu.dma_semaphore, #tpu.memory_space<semaphore_mem>>)
          %mul3A_93 = arith.constant 128 : i32
          %mul3A_94 = arith.muli %mul3A_84, %mul3A_93 : i32
          %dma_wait3A = tpu.memref_slice %arg10[%mul3A_94] : memref<20736xi32, #tpu.memory_space<vmem>> -> memref<128xi32, #tpu.memory_space<vmem>>
          %dma_wait3A_95 = arith.constant 0 : i32
          %dma_wait3A_96 = arith.constant 0 : i32
          %dma_wait3A_97 = tpu.memref_slice %arg2[%dma_wait3A_95, %dma_wait3A_96] : memref<40000x64xbf16, #tpu.memory_space<hbm>> -> memref<40000x64xbf16, #tpu.memory_space<hbm>>
          tpu.wait_indirect_dma semaphore(%arg20 : memref<!tpu.dma_semaphore, #tpu.memory_space<semaphore_mem>>) src(%dma_wait3A_97 : memref<40000x64xbf16, #tpu.memory_space<hbm>>) dst(%arg15 : memref<128x64xbf16, #tpu.memory_space<vmem>>)
          %scan3A_98 = arith.constant 0 : i32
          %scan3A_99 = arith.constant 0 : i32
          %scan3A_100 = arith.constant 8 : i32
          %scan3A_101 = arith.addi %scan3A_99, %scan3A_100 : i32
          %scan3A_102 = arith.constant 1 : i32
          %scan3A_103 = scf.for %scan3A_123 = %scan3A_99 to %scan3A_101 step %scan3A_102 iter_args(%scan3A_124 = %scan3A_98) -> (i32)  : i32 {
            %mul3A_125 = arith.constant 128 : i32
            %mul3A_126 = arith.muli %mul3A_84, %mul3A_125 : i32
            %mul3A_127 = arith.constant 16 : i32
            %mul3A_128 = arith.muli %scan3A_123, %mul3A_127 : i32
            %add3A_129 = arith.addi %mul3A_126, %mul3A_128 : i32
            %get3A = arith.index_cast %add3A_129 : i32 to index
            %get3A_130 = tpu.vector_load %arg13[%get3A] {strides = array<i32>} : memref<20736xf32, #tpu.memory_space<vmem>>, vector<16xf32>,
            %slice3A = vector.extract_strided_slice %get3A_130 {offsets = [0], sizes = [1], strides = [1]} : vector<16xf32> to vector<1xf32>
            %squeeze3A = vector.extract %slice3A[0] : f32 from vector<1xf32>
            %broadcast_in_dim3A = vector.broadcast %squeeze3A : f32 to vector<16xf32>
            %mul3A_131 = arith.constant 16 : i32
            %mul3A_132 = arith.muli %scan3A_123, %mul3A_131 : i32
            %add3A_133 = arith.constant 0 : i32
            %add3A_134 = arith.addi %mul3A_132, %add3A_133 : i32
            %get3A_135 = arith.index_cast %add3A_134 : i32 to index
            %get3A_136 = arith.constant 0 : index
            %get3A_137 = tpu.vector_load %arg15[%get3A_135, %get3A_136] {strides = array<i32>} : memref<128x64xbf16, #tpu.memory_space<vmem>>, vector<32xbf16>,
            %unpack3A = tpu.unpack_subelements %get3A_137, 0 {pack_format = #tpu.pack_format<interleaved>} : vector<32xbf16> -> vector<16xf32>
            %unpack3A_138 = tpu.unpack_subelements %get3A_137, 1 {pack_format = #tpu.pack_format<interleaved>} : vector<32xbf16> -> vector<16xf32>
            %mul3A_139 = arith.mulf %unpack3A, %broadcast_in_dim3A : vector<16xf32>
            %mul3A_140 = arith.mulf %unpack3A_138, %broadcast_in_dim3A : vector<16xf32>
            %pack3A = tpu.pack_subelements %mul3A_139, %mul3A_140 {pack_format = #tpu.pack_format<interleaved>, positions = array<i32: 0, 1>} : vector<16xf32>, vector<16xf32> -> vector<32xbf16>
            %swap3A = arith.index_cast %add3A_134 : i32 to index
            %swap3A_141 = arith.constant 0 : index
            %swap3A_142 = tpu.vector_load %arg17[%swap3A, %swap3A_141] {strides = array<i32>} : memref<128x64xbf16, #tpu.memory_space<vmem>>, vector<32xbf16>,
            tpu.vector_store %arg17[%swap3A, %swap3A_141], %pack3A {strides = array<i32>} : memref<128x64xbf16, #tpu.memory_space<vmem>>, vector<32xbf16>,
            %get3A_143 = arith.index_cast %add3A_134 : i32 to index
            %get3A_144 = arith.constant 32 : index
            %get3A_145 = tpu.vector_load %arg15[%get3A_143, %get3A_144] {strides = array<i32>} : memref<128x64xbf16, #tpu.memory_space<vmem>>, vector<32xbf16>,
            %unpack3A_146 = tpu.unpack_subelements %get3A_145, 0 {pack_format = #tpu.pack_format<interleaved>} : vector<32xbf16> -> vector<16xf32>
            %unpack3A_147 = tpu.unpack_subelements %get3A_145, 1 {pack_format = #tpu.pack_format<interleaved>} : vector<32xbf16> -> vector<16xf32>
            %mul3A_148 = arith.mulf %unpack3A_146, %broadcast_in_dim3A : vector<16xf32>
            %mul3A_149 = arith.mulf %unpack3A_147, %broadcast_in_dim3A : vector<16xf32>
            %pack3A_150 = tpu.pack_subelements %mul3A_148, %mul3A_149 {pack_format = #tpu.pack_format<interleaved>, positions = array<i32: 0, 1>} : vector<16xf32>, vector<16xf32> -> vector<32xbf16>
            %swap3A_151 = arith.index_cast %add3A_134 : i32 to index
            %swap3A_152 = arith.constant 32 : index
            %swap3A_153 = tpu.vector_load %arg17[%swap3A_151, %swap3A_152] {strides = array<i32>} : memref<128x64xbf16, #tpu.memory_space<vmem>>, vector<32xbf16>,
            tpu.vector_store %arg17[%swap3A_151, %swap3A_152], %pack3A_150 {strides = array<i32>} : memref<128x64xbf16, #tpu.memory_space<vmem>>, vector<32xbf16>,
            %slice3A_154 = vector.extract_strided_slice %get3A_130 {offsets = [1], sizes = [1], strides = [1]} : vector<16xf32> to vector<1xf32>
            %squeeze3A_155 = vector.extract %slice3A_154[0] : f32 from vector<1xf32>
            %broadcast_in_dim3A_156 = vector.broadcast %squeeze3A_155 : f32 to vector<16xf32>
            %mul3A_157 = arith.constant 16 : i32
            %mul3A_158 = arith.muli %scan3A_123, %mul3A_157 : i32
            %add3A_159 = arith.constant 1 : i32
            %add3A_160 = arith.addi %mul3A_158, %add3A_159 : i32
            %get3A_161 = arith.index_cast %add3A_160 : i32 to index
            %get3A_162 = arith.constant 0 : index
            %get3A_163 = tpu.vector_load %arg15[%get3A_161, %get3A_162] {strides = array<i32>} : memref<128x64xbf16, #tpu.memory_space<vmem>>, vector<32xbf16>,
            %unpack3A_164 = tpu.unpack_subelements %get3A_163, 0 {pack_format = #tpu.pack_format<interleaved>} : vector<32xbf16> -> vector<16xf32>
            %unpack3A_165 = tpu.unpack_subelements %get3A_163, 1 {pack_format = #tpu.pack_format<interleaved>} : vector<32xbf16> -> vector<16xf32>
            %mul3A_166 = arith.mulf %unpack3A_164, %broadcast_in_dim3A_156 : vector<16xf32>
            %mul3A_167 = arith.mulf %unpack3A_165, %broadcast_in_dim3A_156 : vector<16xf32>
            %pack3A_168 = tpu.pack_subelements %mul3A_166, %mul3A_167 {pack_format = #tpu.pack_format<interleaved>, positions = array<i32: 0, 1>} : vector<16xf32>, vector<16xf32> -> vector<32xbf16>
            %swap3A_169 = arith.index_cast %add3A_160 : i32 to index
            %swap3A_170 = arith.constant 0 : index
            %swap3A_171 = tpu.vector_load %arg17[%swap3A_169, %swap3A_170] {strides = array<i32>} : memref<128x64xbf16, #tpu.memory_space<vmem>>, vector<32xbf16>,
            tpu.vector_store %arg17[%swap3A_169, %swap3A_170], %pack3A_168 {strides = array<i32>} : memref<128x64xbf16, #tpu.memory_space<vmem>>, vector<32xbf16>,
            %get3A_172 = arith.index_cast %add3A_160 : i32 to index
            %get3A_173 = arith.constant 32 : index
            %get3A_174 = tpu.vector_load %arg15[%get3A_172, %get3A_173] {strides = array<i32>} : memref<128x64xbf16, #tpu.memory_space<vmem>>, vector<32xbf16>,
            %unpack3A_175 = tpu.unpack_subelements %get3A_174, 0 {pack_format = #tpu.pack_format<interleaved>} : vector<32xbf16> -> vector<16xf32>
            %unpack3A_176 = tpu.unpack_subelements %get3A_174, 1 {pack_format = #tpu.pack_format<interleaved>} : vector<32xbf16> -> vector<16xf32>
            %mul3A_177 = arith.mulf %unpack3A_175, %broadcast_in_dim3A_156 : vector<16xf32>
            %mul3A_178 = arith.mulf %unpack3A_176, %broadcast_in_dim3A_156 : vector<16xf32>
            %pack3A_179 = tpu.pack_subelements %mul3A_177, %mul3A_178 {pack_format = #tpu.pack_format<interleaved>, positions = array<i32: 0, 1>} : vector<16xf32>, vector<16xf32> -> vector<32xbf16>
            %swap3A_180 = arith.index_cast %add3A_160 : i32 to index
            %swap3A_181 = arith.constant 32 : index
            %swap3A_182 = tpu.vector_load %arg17[%swap3A_180, %swap3A_181] {strides = array<i32>} : memref<128x64xbf16, #tpu.memory_space<vmem>>, vector<32xbf16>,
            tpu.vector_store %arg17[%swap3A_180, %swap3A_181], %pack3A_179 {strides = array<i32>} : memref<128x64xbf16, #tpu.memory_space<vmem>>, vector<32xbf16>,
            %slice3A_183 = vector.extract_strided_slice %get3A_130 {offsets = [2], sizes = [1], strides = [1]} : vector<16xf32> to vector<1xf32>
            %squeeze3A_184 = vector.extract %slice3A_183[0] : f32 from vector<1xf32>
            %broadcast_in_dim3A_185 = vector.broadcast %squeeze3A_184 : f32 to vector<16xf32>
            %mul3A_186 = arith.constant 16 : i32
            %mul3A_187 = arith.muli %scan3A_123, %mul3A_186 : i32
            %add3A_188 = arith.constant 2 : i32
            %add3A_189 = arith.addi %mul3A_187, %add3A_188 : i32
            %get3A_190 = arith.index_cast %add3A_189 : i32 to index
            %get3A_191 = arith.constant 0 : index
            %get3A_192 = tpu.vector_load %arg15[%get3A_190, %get3A_191] {strides = array<i32>} : memref<128x64xbf16, #tpu.memory_space<vmem>>, vector<32xbf16>,
            %unpack3A_193 = tpu.unpack_subelements %get3A_192, 0 {pack_format = #tpu.pack_format<interleaved>} : vector<32xbf16> -> vector<16xf32>
            %unpack3A_194 = tpu.unpack_subelements %get3A_192, 1 {pack_format = #tpu.pack_format<interleaved>} : vector<32xbf16> -> vector<16xf32>
            %mul3A_195 = arith.mulf %unpack3A_193, %broadcast_in_dim3A_185 : vector<16xf32>
            %mul3A_196 = arith.mulf %unpack3A_194, %broadcast_in_dim3A_185 : vector<16xf32>
            %pack3A_197 = tpu.pack_subelements %mul3A_195, %mul3A_196 {pack_format = #tpu.pack_format<interleaved>, positions = array<i32: 0, 1>} : vector<16xf32>, vector<16xf32> -> vector<32xbf16>
            %swap3A_198 = arith.index_cast %add3A_189 : i32 to index
            %swap3A_199 = arith.constant 0 : index
            %swap3A_200 = tpu.vector_load %arg17[%swap3A_198, %swap3A_199] {strides = array<i32>} : memref<128x64xbf16, #tpu.memory_space<vmem>>, vector<32xbf16>,
            tpu.vector_store %arg17[%swap3A_198, %swap3A_199], %pack3A_197 {strides = array<i32>} : memref<128x64xbf16, #tpu.memory_space<vmem>>, vector<32xbf16>,
            %get3A_201 = arith.index_cast %add3A_189 : i32 to index
            %get3A_202 = arith.constant 32 : index
            %get3A_203 = tpu.vector_load %arg15[%get3A_201, %get3A_202] {strides = array<i32>} : memref<128x64xbf16, #tpu.memory_space<vmem>>, vector<32xbf16>,
            %unpack3A_204 = tpu.unpack_subelements %get3A_203, 0 {pack_format = #tpu.pack_format<interleaved>} : vector<32xbf16> -> vector<16xf32>
            %unpack3A_205 = tpu.unpack_subelements %get3A_203, 1 {pack_format = #tpu.pack_format<interleaved>} : vector<32xbf16> -> vector<16xf32>
            %mul3A_206 = arith.mulf %unpack3A_204, %broadcast_in_dim3A_185 : vector<16xf32>
            %mul3A_207 = arith.mulf %unpack3A_205, %broadcast_in_dim3A_185 : vector<16xf32>
            %pack3A_208 = tpu.pack_subelements %mul3A_206, %mul3A_207 {pack_format = #tpu.pack_format<interleaved>, positions = array<i32: 0, 1>} : vector<16xf32>, vector<16xf32> -> vector<32xbf16>
            %swap3A_209 = arith.index_cast %add3A_189 : i32 to index
            %swap3A_210 = arith.constant 32 : index
            %swap3A_211 = tpu.vector_load %arg17[%swap3A_209, %swap3A_210] {strides = array<i32>} : memref<128x64xbf16, #tpu.memory_space<vmem>>, vector<32xbf16>,
            tpu.vector_store %arg17[%swap3A_209, %swap3A_210], %pack3A_208 {strides = array<i32>} : memref<128x64xbf16, #tpu.memory_space<vmem>>, vector<32xbf16>,
            %slice3A_212 = vector.extract_strided_slice %get3A_130 {offsets = [3], sizes = [1], strides = [1]} : vector<16xf32> to vector<1xf32>
            %squeeze3A_213 = vector.extract %slice3A_212[0] : f32 from vector<1xf32>
            %broadcast_in_dim3A_214 = vector.broadcast %squeeze3A_213 : f32 to vector<16xf32>
            %mul3A_215 = arith.constant 16 : i32
            %mul3A_216 = arith.muli %scan3A_123, %mul3A_215 : i32
            %add3A_217 = arith.constant 3 : i32
            %add3A_218 = arith.addi %mul3A_216, %add3A_217 : i32
            %get3A_219 = arith.index_cast %add3A_218 : i32 to index
            %get3A_220 = arith.constant 0 : index
            %get3A_221 = tpu.vector_load %arg15[%get3A_219, %get3A_220] {strides = array<i32>} : memref<128x64xbf16, #tpu.memory_space<vmem>>, vector<32xbf16>,
            %unpack3A_222 = tpu.unpack_subelements %get3A_221, 0 {pack_format = #tpu.pack_format<interleaved>} : vector<32xbf16> -> vector<16xf32>
            %unpack3A_223 = tpu.unpack_subelements %get3A_221, 1 {pack_format = #tpu.pack_format<interleaved>} : vector<32xbf16> -> vector<16xf32>
            %mul3A_224 = arith.mulf %unpack3A_222, %broadcast_in_dim3A_214 : vector<16xf32>
            %mul3A_225 = arith.mulf %unpack3A_223, %broadcast_in_dim3A_214 : vector<16xf32>
            %pack3A_226 = tpu.pack_subelements %mul3A_224, %mul3A_225 {pack_format = #tpu.pack_format<interleaved>, positions = array<i32: 0, 1>} : vector<16xf32>, vector<16xf32> -> vector<32xbf16>
            %swap3A_227 = arith.index_cast %add3A_218 : i32 to index
            %swap3A_228 = arith.constant 0 : index
            %swap3A_229 = tpu.vector_load %arg17[%swap3A_227, %swap3A_228] {strides = array<i32>} : memref<128x64xbf16, #tpu.memory_space<vmem>>, vector<32xbf16>,
            tpu.vector_store %arg17[%swap3A_227, %swap3A_228], %pack3A_226 {strides = array<i32>} : memref<128x64xbf16, #tpu.memory_space<vmem>>, vector<32xbf16>,
            %get3A_230 = arith.index_cast %add3A_218 : i32 to index
            %get3A_231 = arith.constant 32 : index
            %get3A_232 = tpu.vector_load %arg15[%get3A_230, %get3A_231] {strides = array<i32>} : memref<128x64xbf16, #tpu.memory_space<vmem>>, vector<32xbf16>,
            %unpack3A_233 = tpu.unpack_subelements %get3A_232, 0 {pack_format = #tpu.pack_format<interleaved>} : vector<32xbf16> -> vector<16xf32>
            %unpack3A_234 = tpu.unpack_subelements %get3A_232, 1 {pack_format = #tpu.pack_format<interleaved>} : vector<32xbf16> -> vector<16xf32>
            %mul3A_235 = arith.mulf %unpack3A_233, %broadcast_in_dim3A_214 : vector<16xf32>
            %mul3A_236 = arith.mulf %unpack3A_234, %broadcast_in_dim3A_214 : vector<16xf32>
            %pack3A_237 = tpu.pack_subelements %mul3A_235, %mul3A_236 {pack_format = #tpu.pack_format<interleaved>, positions = array<i32: 0, 1>} : vector<16xf32>, vector<16xf32> -> vector<32xbf16>
            %swap3A_238 = arith.index_cast %add3A_218 : i32 to index
            %swap3A_239 = arith.constant 32 : index
            %swap3A_240 = tpu.vector_load %arg17[%swap3A_238, %swap3A_239] {strides = array<i32>} : memref<128x64xbf16, #tpu.memory_space<vmem>>, vector<32xbf16>,
            tpu.vector_store %arg17[%swap3A_238, %swap3A_239], %pack3A_237 {strides = array<i32>} : memref<128x64xbf16, #tpu.memory_space<vmem>>, vector<32xbf16>,
            %slice3A_241 = vector.extract_strided_slice %get3A_130 {offsets = [4], sizes = [1], strides = [1]} : vector<16xf32> to vector<1xf32>
            %squeeze3A_242 = vector.extract %slice3A_241[0] : f32 from vector<1xf32>
            %broadcast_in_dim3A_243 = vector.broadcast %squeeze3A_242 : f32 to vector<16xf32>
            %mul3A_244 = arith.constant 16 : i32
            %mul3A_245 = arith.muli %scan3A_123, %mul3A_244 : i32
            %add3A_246 = arith.constant 4 : i32
            %add3A_247 = arith.addi %mul3A_245, %add3A_246 : i32
            %get3A_248 = arith.index_cast %add3A_247 : i32 to index
            %get3A_249 = arith.constant 0 : index
            %get3A_250 = tpu.vector_load %arg15[%get3A_248, %get3A_249] {strides = array<i32>} : memref<128x64xbf16, #tpu.memory_space<vmem>>, vector<32xbf16>,
            %unpack3A_251 = tpu.unpack_subelements %get3A_250, 0 {pack_format = #tpu.pack_format<interleaved>} : vector<32xbf16> -> vector<16xf32>
            %unpack3A_252 = tpu.unpack_subelements %get3A_250, 1 {pack_format = #tpu.pack_format<interleaved>} : vector<32xbf16> -> vector<16xf32>
            %mul3A_253 = arith.mulf %unpack3A_251, %broadcast_in_dim3A_243 : vector<16xf32>
            %mul3A_254 = arith.mulf %unpack3A_252, %broadcast_in_dim3A_243 : vector<16xf32>
            %pack3A_255 = tpu.pack_subelements %mul3A_253, %mul3A_254 {pack_format = #tpu.pack_format<interleaved>, positions = array<i32: 0, 1>} : vector<16xf32>, vector<16xf32> -> vector<32xbf16>
            %swap3A_256 = arith.index_cast %add3A_247 : i32 to index
            %swap3A_257 = arith.constant 0 : index
            %swap3A_258 = tpu.vector_load %arg17[%swap3A_256, %swap3A_257] {strides = array<i32>} : memref<128x64xbf16, #tpu.memory_space<vmem>>, vector<32xbf16>,
            tpu.vector_store %arg17[%swap3A_256, %swap3A_257], %pack3A_255 {strides = array<i32>} : memref<128x64xbf16, #tpu.memory_space<vmem>>, vector<32xbf16>,
            %get3A_259 = arith.index_cast %add3A_247 : i32 to index
            %get3A_260 = arith.constant 32 : index
            %get3A_261 = tpu.vector_load %arg15[%get3A_259, %get3A_260] {strides = array<i32>} : memref<128x64xbf16, #tpu.memory_space<vmem>>, vector<32xbf16>,
            %unpack3A_262 = tpu.unpack_subelements %get3A_261, 0 {pack_format = #tpu.pack_format<interleaved>} : vector<32xbf16> -> vector<16xf32>
            %unpack3A_263 = tpu.unpack_subelements %get3A_261, 1 {pack_format = #tpu.pack_format<interleaved>} : vector<32xbf16> -> vector<16xf32>
            %mul3A_264 = arith.mulf %unpack3A_262, %broadcast_in_dim3A_243 : vector<16xf32>
            %mul3A_265 = arith.mulf %unpack3A_263, %broadcast_in_dim3A_243 : vector<16xf32>
            %pack3A_266 = tpu.pack_subelements %mul3A_264, %mul3A_265 {pack_format = #tpu.pack_format<interleaved>, positions = array<i32: 0, 1>} : vector<16xf32>, vector<16xf32> -> vector<32xbf16>
            %swap3A_267 = arith.index_cast %add3A_247 : i32 to index
            %swap3A_268 = arith.constant 32 : index
            %swap3A_269 = tpu.vector_load %arg17[%swap3A_267, %swap3A_268] {strides = array<i32>} : memref<128x64xbf16, #tpu.memory_space<vmem>>, vector<32xbf16>,
            tpu.vector_store %arg17[%swap3A_267, %swap3A_268], %pack3A_266 {strides = array<i32>} : memref<128x64xbf16, #tpu.memory_space<vmem>>, vector<32xbf16>,
            %slice3A_270 = vector.extract_strided_slice %get3A_130 {offsets = [5], sizes = [1], strides = [1]} : vector<16xf32> to vector<1xf32>
            %squeeze3A_271 = vector.extract %slice3A_270[0] : f32 from vector<1xf32>
            %broadcast_in_dim3A_272 = vector.broadcast %squeeze3A_271 : f32 to vector<16xf32>
            %mul3A_273 = arith.constant 16 : i32
            %mul3A_274 = arith.muli %scan3A_123, %mul3A_273 : i32
            %add3A_275 = arith.constant 5 : i32
            %add3A_276 = arith.addi %mul3A_274, %add3A_275 : i32
            %get3A_277 = arith.index_cast %add3A_276 : i32 to index
            %get3A_278 = arith.constant 0 : index
            %get3A_279 = tpu.vector_load %arg15[%get3A_277, %get3A_278] {strides = array<i32>} : memref<128x64xbf16, #tpu.memory_space<vmem>>, vector<32xbf16>,
            %unpack3A_280 = tpu.unpack_subelements %get3A_279, 0 {pack_format = #tpu.pack_format<interleaved>} : vector<32xbf16> -> vector<16xf32>
            %unpack3A_281 = tpu.unpack_subelements %get3A_279, 1 {pack_format = #tpu.pack_format<interleaved>} : vector<32xbf16> -> vector<16xf32>
            %mul3A_282 = arith.mulf %unpack3A_280, %broadcast_in_dim3A_272 : vector<16xf32>
            %mul3A_283 = arith.mulf %unpack3A_281, %broadcast_in_dim3A_272 : vector<16xf32>
            %pack3A_284 = tpu.pack_subelements %mul3A_282, %mul3A_283 {pack_format = #tpu.pack_format<interleaved>, positions = array<i32: 0, 1>} : vector<16xf32>, vector<16xf32> -> vector<32xbf16>
            %swap3A_285 = arith.index_cast %add3A_276 : i32 to index
            %swap3A_286 = arith.constant 0 : index
            %swap3A_287 = tpu.vector_load %arg17[%swap3A_285, %swap3A_286] {strides = array<i32>} : memref<128x64xbf16, #tpu.memory_space<vmem>>, vector<32xbf16>,
            tpu.vector_store %arg17[%swap3A_285, %swap3A_286], %pack3A_284 {strides = array<i32>} : memref<128x64xbf16, #tpu.memory_space<vmem>>, vector<32xbf16>,
            %get3A_288 = arith.index_cast %add3A_276 : i32 to index
            %get3A_289 = arith.constant 32 : index
            %get3A_290 = tpu.vector_load %arg15[%get3A_288, %get3A_289] {strides = array<i32>} : memref<128x64xbf16, #tpu.memory_space<vmem>>, vector<32xbf16>,
            %unpack3A_291 = tpu.unpack_subelements %get3A_290, 0 {pack_format = #tpu.pack_format<interleaved>} : vector<32xbf16> -> vector<16xf32>
            %unpack3A_292 = tpu.unpack_subelements %get3A_290, 1 {pack_format = #tpu.pack_format<interleaved>} : vector<32xbf16> -> vector<16xf32>
            %mul3A_293 = arith.mulf %unpack3A_291, %broadcast_in_dim3A_272 : vector<16xf32>
            %mul3A_294 = arith.mulf %unpack3A_292, %broadcast_in_dim3A_272 : vector<16xf32>
            %pack3A_295 = tpu.pack_subelements %mul3A_293, %mul3A_294 {pack_format = #tpu.pack_format<interleaved>, positions = array<i32: 0, 1>} : vector<16xf32>, vector<16xf32> -> vector<32xbf16>
            %swap3A_296 = arith.index_cast %add3A_276 : i32 to index
            %swap3A_297 = arith.constant 32 : index
            %swap3A_298 = tpu.vector_load %arg17[%swap3A_296, %swap3A_297] {strides = array<i32>} : memref<128x64xbf16, #tpu.memory_space<vmem>>, vector<32xbf16>,
            tpu.vector_store %arg17[%swap3A_296, %swap3A_297], %pack3A_295 {strides = array<i32>} : memref<128x64xbf16, #tpu.memory_space<vmem>>, vector<32xbf16>,
            %slice3A_299 = vector.extract_strided_slice %get3A_130 {offsets = [6], sizes = [1], strides = [1]} : vector<16xf32> to vector<1xf32>
            %squeeze3A_300 = vector.extract %slice3A_299[0] : f32 from vector<1xf32>
            %broadcast_in_dim3A_301 = vector.broadcast %squeeze3A_300 : f32 to vector<16xf32>
            %mul3A_302 = arith.constant 16 : i32
            %mul3A_303 = arith.muli %scan3A_123, %mul3A_302 : i32
            %add3A_304 = arith.constant 6 : i32
            %add3A_305 = arith.addi %mul3A_303, %add3A_304 : i32
            %get3A_306 = arith.index_cast %add3A_305 : i32 to index
            %get3A_307 = arith.constant 0 : index
            %get3A_308 = tpu.vector_load %arg15[%get3A_306, %get3A_307] {strides = array<i32>} : memref<128x64xbf16, #tpu.memory_space<vmem>>, vector<32xbf16>,
            %unpack3A_309 = tpu.unpack_subelements %get3A_308, 0 {pack_format = #tpu.pack_format<interleaved>} : vector<32xbf16> -> vector<16xf32>
            %unpack3A_310 = tpu.unpack_subelements %get3A_308, 1 {pack_format = #tpu.pack_format<interleaved>} : vector<32xbf16> -> vector<16xf32>
            %mul3A_311 = arith.mulf %unpack3A_309, %broadcast_in_dim3A_301 : vector<16xf32>
            %mul3A_312 = arith.mulf %unpack3A_310, %broadcast_in_dim3A_301 : vector<16xf32>
            %pack3A_313 = tpu.pack_subelements %mul3A_311, %mul3A_312 {pack_format = #tpu.pack_format<interleaved>, positions = array<i32: 0, 1>} : vector<16xf32>, vector<16xf32> -> vector<32xbf16>
            %swap3A_314 = arith.index_cast %add3A_305 : i32 to index
            %swap3A_315 = arith.constant 0 : index
            %swap3A_316 = tpu.vector_load %arg17[%swap3A_314, %swap3A_315] {strides = array<i32>} : memref<128x64xbf16, #tpu.memory_space<vmem>>, vector<32xbf16>,
            tpu.vector_store %arg17[%swap3A_314, %swap3A_315], %pack3A_313 {strides = array<i32>} : memref<128x64xbf16, #tpu.memory_space<vmem>>, vector<32xbf16>,
            %get3A_317 = arith.index_cast %add3A_305 : i32 to index
            %get3A_318 = arith.constant 32 : index
            %get3A_319 = tpu.vector_load %arg15[%get3A_317, %get3A_318] {strides = array<i32>} : memref<128x64xbf16, #tpu.memory_space<vmem>>, vector<32xbf16>,
            %unpack3A_320 = tpu.unpack_subelements %get3A_319, 0 {pack_format = #tpu.pack_format<interleaved>} : vector<32xbf16> -> vector<16xf32>
            %unpack3A_321 = tpu.unpack_subelements %get3A_319, 1 {pack_format = #tpu.pack_format<interleaved>} : vector<32xbf16> -> vector<16xf32>
            %mul3A_322 = arith.mulf %unpack3A_320, %broadcast_in_dim3A_301 : vector<16xf32>
            %mul3A_323 = arith.mulf %unpack3A_321, %broadcast_in_dim3A_301 : vector<16xf32>
            %pack3A_324 = tpu.pack_subelements %mul3A_322, %mul3A_323 {pack_format = #tpu.pack_format<interleaved>, positions = array<i32: 0, 1>} : vector<16xf32>, vector<16xf32> -> vector<32xbf16>
            %swap3A_325 = arith.index_cast %add3A_305 : i32 to index
            %swap3A_326 = arith.constant 32 : index
            %swap3A_327 = tpu.vector_load %arg17[%swap3A_325, %swap3A_326] {strides = array<i32>} : memref<128x64xbf16, #tpu.memory_space<vmem>>, vector<32xbf16>,
            tpu.vector_store %arg17[%swap3A_325, %swap3A_326], %pack3A_324 {strides = array<i32>} : memref<128x64xbf16, #tpu.memory_space<vmem>>, vector<32xbf16>,
            %slice3A_328 = vector.extract_strided_slice %get3A_130 {offsets = [7], sizes = [1], strides = [1]} : vector<16xf32> to vector<1xf32>
            %squeeze3A_329 = vector.extract %slice3A_328[0] : f32 from vector<1xf32>
            %broadcast_in_dim3A_330 = vector.broadcast %squeeze3A_329 : f32 to vector<16xf32>
            %mul3A_331 = arith.constant 16 : i32
            %mul3A_332 = arith.muli %scan3A_123, %mul3A_331 : i32
            %add3A_333 = arith.constant 7 : i32
            %add3A_334 = arith.addi %mul3A_332, %add3A_333 : i32
            %get3A_335 = arith.index_cast %add3A_334 : i32 to index
            %get3A_336 = arith.constant 0 : index
            %get3A_337 = tpu.vector_load %arg15[%get3A_335, %get3A_336] {strides = array<i32>} : memref<128x64xbf16, #tpu.memory_space<vmem>>, vector<32xbf16>,
            %unpack3A_338 = tpu.unpack_subelements %get3A_337, 0 {pack_format = #tpu.pack_format<interleaved>} : vector<32xbf16> -> vector<16xf32>
            %unpack3A_339 = tpu.unpack_subelements %get3A_337, 1 {pack_format = #tpu.pack_format<interleaved>} : vector<32xbf16> -> vector<16xf32>
            %mul3A_340 = arith.mulf %unpack3A_338, %broadcast_in_dim3A_330 : vector<16xf32>
            %mul3A_341 = arith.mulf %unpack3A_339, %broadcast_in_dim3A_330 : vector<16xf32>
            %pack3A_342 = tpu.pack_subelements %mul3A_340, %mul3A_341 {pack_format = #tpu.pack_format<interleaved>, positions = array<i32: 0, 1>} : vector<16xf32>, vector<16xf32> -> vector<32xbf16>
            %swap3A_343 = arith.index_cast %add3A_334 : i32 to index
            %swap3A_344 = arith.constant 0 : index
            %swap3A_345 = tpu.vector_load %arg17[%swap3A_343, %swap3A_344] {strides = array<i32>} : memref<128x64xbf16, #tpu.memory_space<vmem>>, vector<32xbf16>,
            tpu.vector_store %arg17[%swap3A_343, %swap3A_344], %pack3A_342 {strides = array<i32>} : memref<128x64xbf16, #tpu.memory_space<vmem>>, vector<32xbf16>,
            %get3A_346 = arith.index_cast %add3A_334 : i32 to index
            %get3A_347 = arith.constant 32 : index
            %get3A_348 = tpu.vector_load %arg15[%get3A_346, %get3A_347] {strides = array<i32>} : memref<128x64xbf16, #tpu.memory_space<vmem>>, vector<32xbf16>,
            %unpack3A_349 = tpu.unpack_subelements %get3A_348, 0 {pack_format = #tpu.pack_format<interleaved>} : vector<32xbf16> -> vector<16xf32>
            %unpack3A_350 = tpu.unpack_subelements %get3A_348, 1 {pack_format = #tpu.pack_format<interleaved>} : vector<32xbf16> -> vector<16xf32>
            %mul3A_351 = arith.mulf %unpack3A_349, %broadcast_in_dim3A_330 : vector<16xf32>
            %mul3A_352 = arith.mulf %unpack3A_350, %broadcast_in_dim3A_330 : vector<16xf32>
            %pack3A_353 = tpu.pack_subelements %mul3A_351, %mul3A_352 {pack_format = #tpu.pack_format<interleaved>, positions = array<i32: 0, 1>} : vector<16xf32>, vector<16xf32> -> vector<32xbf16>
            %swap3A_354 = arith.index_cast %add3A_334 : i32 to index
            %swap3A_355 = arith.constant 32 : index
            %swap3A_356 = tpu.vector_load %arg17[%swap3A_354, %swap3A_355] {strides = array<i32>} : memref<128x64xbf16, #tpu.memory_space<vmem>>, vector<32xbf16>,
            tpu.vector_store %arg17[%swap3A_354, %swap3A_355], %pack3A_353 {strides = array<i32>} : memref<128x64xbf16, #tpu.memory_space<vmem>>, vector<32xbf16>,
            %slice3A_357 = vector.extract_strided_slice %get3A_130 {offsets = [8], sizes = [1], strides = [1]} : vector<16xf32> to vector<1xf32>
            %squeeze3A_358 = vector.extract %slice3A_357[0] : f32 from vector<1xf32>
            %broadcast_in_dim3A_359 = vector.broadcast %squeeze3A_358 : f32 to vector<16xf32>
            %mul3A_360 = arith.constant 16 : i32
            %mul3A_361 = arith.muli %scan3A_123, %mul3A_360 : i32
            %add3A_362 = arith.constant 8 : i32
            %add3A_363 = arith.addi %mul3A_361, %add3A_362 : i32
            %get3A_364 = arith.index_cast %add3A_363 : i32 to index
            %get3A_365 = arith.constant 0 : index
            %get3A_366 = tpu.vector_load %arg15[%get3A_364, %get3A_365] {strides = array<i32>} : memref<128x64xbf16, #tpu.memory_space<vmem>>, vector<32xbf16>,
            %unpack3A_367 = tpu.unpack_subelements %get3A_366, 0 {pack_format = #tpu.pack_format<interleaved>} : vector<32xbf16> -> vector<16xf32>
            %unpack3A_368 = tpu.unpack_subelements %get3A_366, 1 {pack_format = #tpu.pack_format<interleaved>} : vector<32xbf16> -> vector<16xf32>
            %mul3A_369 = arith.mulf %unpack3A_367, %broadcast_in_dim3A_359 : vector<16xf32>
            %mul3A_370 = arith.mulf %unpack3A_368, %broadcast_in_dim3A_359 : vector<16xf32>
            %pack3A_371 = tpu.pack_subelements %mul3A_369, %mul3A_370 {pack_format = #tpu.pack_format<interleaved>, positions = array<i32: 0, 1>} : vector<16xf32>, vector<16xf32> -> vector<32xbf16>
            %swap3A_372 = arith.index_cast %add3A_363 : i32 to index
            %swap3A_373 = arith.constant 0 : index
            %swap3A_374 = tpu.vector_load %arg17[%swap3A_372, %swap3A_373] {strides = array<i32>} : memref<128x64xbf16, #tpu.memory_space<vmem>>, vector<32xbf16>,
            tpu.vector_store %arg17[%swap3A_372, %swap3A_373], %pack3A_371 {strides = array<i32>} : memref<128x64xbf16, #tpu.memory_space<vmem>>, vector<32xbf16>,
            %get3A_375 = arith.index_cast %add3A_363 : i32 to index
            %get3A_376 = arith.constant 32 : index
            %get3A_377 = tpu.vector_load %arg15[%get3A_375, %get3A_376] {strides = array<i32>} : memref<128x64xbf16, #tpu.memory_space<vmem>>, vector<32xbf16>,
            %unpack3A_378 = tpu.unpack_subelements %get3A_377, 0 {pack_format = #tpu.pack_format<interleaved>} : vector<32xbf16> -> vector<16xf32>
            %unpack3A_379 = tpu.unpack_subelements %get3A_377, 1 {pack_format = #tpu.pack_format<interleaved>} : vector<32xbf16> -> vector<16xf32>
            %mul3A_380 = arith.mulf %unpack3A_378, %broadcast_in_dim3A_359 : vector<16xf32>
            %mul3A_381 = arith.mulf %unpack3A_379, %broadcast_in_dim3A_359 : vector<16xf32>
            %pack3A_382 = tpu.pack_subelements %mul3A_380, %mul3A_381 {pack_format = #tpu.pack_format<interleaved>, positions = array<i32: 0, 1>} : vector<16xf32>, vector<16xf32> -> vector<32xbf16>
            %swap3A_383 = arith.index_cast %add3A_363 : i32 to index
            %swap3A_384 = arith.constant 32 : index
            %swap3A_385 = tpu.vector_load %arg17[%swap3A_383, %swap3A_384] {strides = array<i32>} : memref<128x64xbf16, #tpu.memory_space<vmem>>, vector<32xbf16>,
            tpu.vector_store %arg17[%swap3A_383, %swap3A_384], %pack3A_382 {strides = array<i32>} : memref<128x64xbf16, #tpu.memory_space<vmem>>, vector<32xbf16>,
            %slice3A_386 = vector.extract_strided_slice %get3A_130 {offsets = [9], sizes = [1], strides = [1]} : vector<16xf32> to vector<1xf32>
            %squeeze3A_387 = vector.extract %slice3A_386[0] : f32 from vector<1xf32>
            %broadcast_in_dim3A_388 = vector.broadcast %squeeze3A_387 : f32 to vector<16xf32>
            %mul3A_389 = arith.constant 16 : i32
            %mul3A_390 = arith.muli %scan3A_123, %mul3A_389 : i32
            %add3A_391 = arith.constant 9 : i32
            %add3A_392 = arith.addi %mul3A_390, %add3A_391 : i32
            %get3A_393 = arith.index_cast %add3A_392 : i32 to index
            %get3A_394 = arith.constant 0 : index
            %get3A_395 = tpu.vector_load %arg15[%get3A_393, %get3A_394] {strides = array<i32>} : memref<128x64xbf16, #tpu.memory_space<vmem>>, vector<32xbf16>,
            %unpack3A_396 = tpu.unpack_subelements %get3A_395, 0 {pack_format = #tpu.pack_format<interleaved>} : vector<32xbf16> -> vector<16xf32>
            %unpack3A_397 = tpu.unpack_subelements %get3A_395, 1 {pack_format = #tpu.pack_format<interleaved>} : vector<32xbf16> -> vector<16xf32>
            %mul3A_398 = arith.mulf %unpack3A_396, %broadcast_in_dim3A_388 : vector<16xf32>
            %mul3A_399 = arith.mulf %unpack3A_397, %broadcast_in_dim3A_388 : vector<16xf32>
            %pack3A_400 = tpu.pack_subelements %mul3A_398, %mul3A_399 {pack_format = #tpu.pack_format<interleaved>, positions = array<i32: 0, 1>} : vector<16xf32>, vector<16xf32> -> vector<32xbf16>
            %swap3A_401 = arith.index_cast %add3A_392 : i32 to index
            %swap3A_402 = arith.constant 0 : index
            %swap3A_403 = tpu.vector_load %arg17[%swap3A_401, %swap3A_402] {strides = array<i32>} : memref<128x64xbf16, #tpu.memory_space<vmem>>, vector<32xbf16>,
            tpu.vector_store %arg17[%swap3A_401, %swap3A_402], %pack3A_400 {strides = array<i32>} : memref<128x64xbf16, #tpu.memory_space<vmem>>, vector<32xbf16>,
            %get3A_404 = arith.index_cast %add3A_392 : i32 to index
            %get3A_405 = arith.constant 32 : index
            %get3A_406 = tpu.vector_load %arg15[%get3A_404, %get3A_405] {strides = array<i32>} : memref<128x64xbf16, #tpu.memory_space<vmem>>, vector<32xbf16>,
            %unpack3A_407 = tpu.unpack_subelements %get3A_406, 0 {pack_format = #tpu.pack_format<interleaved>} : vector<32xbf16> -> vector<16xf32>
            %unpack3A_408 = tpu.unpack_subelements %get3A_406, 1 {pack_format = #tpu.pack_format<interleaved>} : vector<32xbf16> -> vector<16xf32>
            %mul3A_409 = arith.mulf %unpack3A_407, %broadcast_in_dim3A_388 : vector<16xf32>
            %mul3A_410 = arith.mulf %unpack3A_408, %broadcast_in_dim3A_388 : vector<16xf32>
            %pack3A_411 = tpu.pack_subelements %mul3A_409, %mul3A_410 {pack_format = #tpu.pack_format<interleaved>, positions = array<i32: 0, 1>} : vector<16xf32>, vector<16xf32> -> vector<32xbf16>
            %swap3A_412 = arith.index_cast %add3A_392 : i32 to index
            %swap3A_413 = arith.constant 32 : index
            %swap3A_414 = tpu.vector_load %arg17[%swap3A_412, %swap3A_413] {strides = array<i32>} : memref<128x64xbf16, #tpu.memory_space<vmem>>, vector<32xbf16>,
            tpu.vector_store %arg17[%swap3A_412, %swap3A_413], %pack3A_411 {strides = array<i32>} : memref<128x64xbf16, #tpu.memory_space<vmem>>, vector<32xbf16>,
            %slice3A_415 = vector.extract_strided_slice %get3A_130 {offsets = [10], sizes = [1], strides = [1]} : vector<16xf32> to vector<1xf32>
            %squeeze3A_416 = vector.extract %slice3A_415[0] : f32 from vector<1xf32>
            %broadcast_in_dim3A_417 = vector.broadcast %squeeze3A_416 : f32 to vector<16xf32>
            %mul3A_418 = arith.constant 16 : i32
            %mul3A_419 = arith.muli %scan3A_123, %mul3A_418 : i32
            %add3A_420 = arith.constant 10 : i32
            %add3A_421 = arith.addi %mul3A_419, %add3A_420 : i32
            %get3A_422 = arith.index_cast %add3A_421 : i32 to index
            %get3A_423 = arith.constant 0 : index
            %get3A_424 = tpu.vector_load %arg15[%get3A_422, %get3A_423] {strides = array<i32>} : memref<128x64xbf16, #tpu.memory_space<vmem>>, vector<32xbf16>,
            %unpack3A_425 = tpu.unpack_subelements %get3A_424, 0 {pack_format = #tpu.pack_format<interleaved>} : vector<32xbf16> -> vector<16xf32>
            %unpack3A_426 = tpu.unpack_subelements %get3A_424, 1 {pack_format = #tpu.pack_format<interleaved>} : vector<32xbf16> -> vector<16xf32>
            %mul3A_427 = arith.mulf %unpack3A_425, %broadcast_in_dim3A_417 : vector<16xf32>
            %mul3A_428 = arith.mulf %unpack3A_426, %broadcast_in_dim3A_417 : vector<16xf32>
            %pack3A_429 = tpu.pack_subelements %mul3A_427, %mul3A_428 {pack_format = #tpu.pack_format<interleaved>, positions = array<i32: 0, 1>} : vector<16xf32>, vector<16xf32> -> vector<32xbf16>
            %swap3A_430 = arith.index_cast %add3A_421 : i32 to index
            %swap3A_431 = arith.constant 0 : index
            %swap3A_432 = tpu.vector_load %arg17[%swap3A_430, %swap3A_431] {strides = array<i32>} : memref<128x64xbf16, #tpu.memory_space<vmem>>, vector<32xbf16>,
            tpu.vector_store %arg17[%swap3A_430, %swap3A_431], %pack3A_429 {strides = array<i32>} : memref<128x64xbf16, #tpu.memory_space<vmem>>, vector<32xbf16>,
            %get3A_433 = arith.index_cast %add3A_421 : i32 to index
            %get3A_434 = arith.constant 32 : index
            %get3A_435 = tpu.vector_load %arg15[%get3A_433, %get3A_434] {strides = array<i32>} : memref<128x64xbf16, #tpu.memory_space<vmem>>, vector<32xbf16>,
            %unpack3A_436 = tpu.unpack_subelements %get3A_435, 0 {pack_format = #tpu.pack_format<interleaved>} : vector<32xbf16> -> vector<16xf32>
            %unpack3A_437 = tpu.unpack_subelements %get3A_435, 1 {pack_format = #tpu.pack_format<interleaved>} : vector<32xbf16> -> vector<16xf32>
            %mul3A_438 = arith.mulf %unpack3A_436, %broadcast_in_dim3A_417 : vector<16xf32>
            %mul3A_439 = arith.mulf %unpack3A_437, %broadcast_in_dim3A_417 : vector<16xf32>
            %pack3A_440 = tpu.pack_subelements %mul3A_438, %mul3A_439 {pack_format = #tpu.pack_format<interleaved>, positions = array<i32: 0, 1>} : vector<16xf32>, vector<16xf32> -> vector<32xbf16>
            %swap3A_441 = arith.index_cast %add3A_421 : i32 to index
            %swap3A_442 = arith.constant 32 : index
            %swap3A_443 = tpu.vector_load %arg17[%swap3A_441, %swap3A_442] {strides = array<i32>} : memref<128x64xbf16, #tpu.memory_space<vmem>>, vector<32xbf16>,
            tpu.vector_store %arg17[%swap3A_441, %swap3A_442], %pack3A_440 {strides = array<i32>} : memref<128x64xbf16, #tpu.memory_space<vmem>>, vector<32xbf16>,
            %slice3A_444 = vector.extract_strided_slice %get3A_130 {offsets = [11], sizes = [1], strides = [1]} : vector<16xf32> to vector<1xf32>
            %squeeze3A_445 = vector.extract %slice3A_444[0] : f32 from vector<1xf32>
            %broadcast_in_dim3A_446 = vector.broadcast %squeeze3A_445 : f32 to vector<16xf32>
            %mul3A_447 = arith.constant 16 : i32
            %mul3A_448 = arith.muli %scan3A_123, %mul3A_447 : i32
            %add3A_449 = arith.constant 11 : i32
            %add3A_450 = arith.addi %mul3A_448, %add3A_449 : i32
            %get3A_451 = arith.index_cast %add3A_450 : i32 to index
            %get3A_452 = arith.constant 0 : index
            %get3A_453 = tpu.vector_load %arg15[%get3A_451, %get3A_452] {strides = array<i32>} : memref<128x64xbf16, #tpu.memory_space<vmem>>, vector<32xbf16>,
            %unpack3A_454 = tpu.unpack_subelements %get3A_453, 0 {pack_format = #tpu.pack_format<interleaved>} : vector<32xbf16> -> vector<16xf32>
            %unpack3A_455 = tpu.unpack_subelements %get3A_453, 1 {pack_format = #tpu.pack_format<interleaved>} : vector<32xbf16> -> vector<16xf32>
            %mul3A_456 = arith.mulf %unpack3A_454, %broadcast_in_dim3A_446 : vector<16xf32>
            %mul3A_457 = arith.mulf %unpack3A_455, %broadcast_in_dim3A_446 : vector<16xf32>
            %pack3A_458 = tpu.pack_subelements %mul3A_456, %mul3A_457 {pack_format = #tpu.pack_format<interleaved>, positions = array<i32: 0, 1>} : vector<16xf32>, vector<16xf32> -> vector<32xbf16>
            %swap3A_459 = arith.index_cast %add3A_450 : i32 to index
            %swap3A_460 = arith.constant 0 : index
            %swap3A_461 = tpu.vector_load %arg17[%swap3A_459, %swap3A_460] {strides = array<i32>} : memref<128x64xbf16, #tpu.memory_space<vmem>>, vector<32xbf16>,
            tpu.vector_store %arg17[%swap3A_459, %swap3A_460], %pack3A_458 {strides = array<i32>} : memref<128x64xbf16, #tpu.memory_space<vmem>>, vector<32xbf16>,
            %get3A_462 = arith.index_cast %add3A_450 : i32 to index
            %get3A_463 = arith.constant 32 : index
            %get3A_464 = tpu.vector_load %arg15[%get3A_462, %get3A_463] {strides = array<i32>} : memref<128x64xbf16, #tpu.memory_space<vmem>>, vector<32xbf16>,
            %unpack3A_465 = tpu.unpack_subelements %get3A_464, 0 {pack_format = #tpu.pack_format<interleaved>} : vector<32xbf16> -> vector<16xf32>
            %unpack3A_466 = tpu.unpack_subelements %get3A_464, 1 {pack_format = #tpu.pack_format<interleaved>} : vector<32xbf16> -> vector<16xf32>
            %mul3A_467 = arith.mulf %unpack3A_465, %broadcast_in_dim3A_446 : vector<16xf32>
            %mul3A_468 = arith.mulf %unpack3A_466, %broadcast_in_dim3A_446 : vector<16xf32>
            %pack3A_469 = tpu.pack_subelements %mul3A_467, %mul3A_468 {pack_format = #tpu.pack_format<interleaved>, positions = array<i32: 0, 1>} : vector<16xf32>, vector<16xf32> -> vector<32xbf16>
            %swap3A_470 = arith.index_cast %add3A_450 : i32 to index
            %swap3A_471 = arith.constant 32 : index
            %swap3A_472 = tpu.vector_load %arg17[%swap3A_470, %swap3A_471] {strides = array<i32>} : memref<128x64xbf16, #tpu.memory_space<vmem>>, vector<32xbf16>,
            tpu.vector_store %arg17[%swap3A_470, %swap3A_471], %pack3A_469 {strides = array<i32>} : memref<128x64xbf16, #tpu.memory_space<vmem>>, vector<32xbf16>,
            %slice3A_473 = vector.extract_strided_slice %get3A_130 {offsets = [12], sizes = [1], strides = [1]} : vector<16xf32> to vector<1xf32>
            %squeeze3A_474 = vector.extract %slice3A_473[0] : f32 from vector<1xf32>
            %broadcast_in_dim3A_475 = vector.broadcast %squeeze3A_474 : f32 to vector<16xf32>
            %mul3A_476 = arith.constant 16 : i32
            %mul3A_477 = arith.muli %scan3A_123, %mul3A_476 : i32
            %add3A_478 = arith.constant 12 : i32
            %add3A_479 = arith.addi %mul3A_477, %add3A_478 : i32
            %get3A_480 = arith.index_cast %add3A_479 : i32 to index
            %get3A_481 = arith.constant 0 : index
            %get3A_482 = tpu.vector_load %arg15[%get3A_480, %get3A_481] {strides = array<i32>} : memref<128x64xbf16, #tpu.memory_space<vmem>>, vector<32xbf16>,
            %unpack3A_483 = tpu.unpack_subelements %get3A_482, 0 {pack_format = #tpu.pack_format<interleaved>} : vector<32xbf16> -> vector<16xf32>
            %unpack3A_484 = tpu.unpack_subelements %get3A_482, 1 {pack_format = #tpu.pack_format<interleaved>} : vector<32xbf16> -> vector<16xf32>
            %mul3A_485 = arith.mulf %unpack3A_483, %broadcast_in_dim3A_475 : vector<16xf32>
            %mul3A_486 = arith.mulf %unpack3A_484, %broadcast_in_dim3A_475 : vector<16xf32>
            %pack3A_487 = tpu.pack_subelements %mul3A_485, %mul3A_486 {pack_format = #tpu.pack_format<interleaved>, positions = array<i32: 0, 1>} : vector<16xf32>, vector<16xf32> -> vector<32xbf16>
            %swap3A_488 = arith.index_cast %add3A_479 : i32 to index
            %swap3A_489 = arith.constant 0 : index
            %swap3A_490 = tpu.vector_load %arg17[%swap3A_488, %swap3A_489] {strides = array<i32>} : memref<128x64xbf16, #tpu.memory_space<vmem>>, vector<32xbf16>,
            tpu.vector_store %arg17[%swap3A_488, %swap3A_489], %pack3A_487 {strides = array<i32>} : memref<128x64xbf16, #tpu.memory_space<vmem>>, vector<32xbf16>,
            %get3A_491 = arith.index_cast %add3A_479 : i32 to index
            %get3A_492 = arith.constant 32 : index
            %get3A_493 = tpu.vector_load %arg15[%get3A_491, %get3A_492] {strides = array<i32>} : memref<128x64xbf16, #tpu.memory_space<vmem>>, vector<32xbf16>,
            %unpack3A_494 = tpu.unpack_subelements %get3A_493, 0 {pack_format = #tpu.pack_format<interleaved>} : vector<32xbf16> -> vector<16xf32>
            %unpack3A_495 = tpu.unpack_subelements %get3A_493, 1 {pack_format = #tpu.pack_format<interleaved>} : vector<32xbf16> -> vector<16xf32>
            %mul3A_496 = arith.mulf %unpack3A_494, %broadcast_in_dim3A_475 : vector<16xf32>
            %mul3A_497 = arith.mulf %unpack3A_495, %broadcast_in_dim3A_475 : vector<16xf32>
            %pack3A_498 = tpu.pack_subelements %mul3A_496, %mul3A_497 {pack_format = #tpu.pack_format<interleaved>, positions = array<i32: 0, 1>} : vector<16xf32>, vector<16xf32> -> vector<32xbf16>
            %swap3A_499 = arith.index_cast %add3A_479 : i32 to index
            %swap3A_500 = arith.constant 32 : index
            %swap3A_501 = tpu.vector_load %arg17[%swap3A_499, %swap3A_500] {strides = array<i32>} : memref<128x64xbf16, #tpu.memory_space<vmem>>, vector<32xbf16>,
            tpu.vector_store %arg17[%swap3A_499, %swap3A_500], %pack3A_498 {strides = array<i32>} : memref<128x64xbf16, #tpu.memory_space<vmem>>, vector<32xbf16>,
            %slice3A_502 = vector.extract_strided_slice %get3A_130 {offsets = [13], sizes = [1], strides = [1]} : vector<16xf32> to vector<1xf32>
            %squeeze3A_503 = vector.extract %slice3A_502[0] : f32 from vector<1xf32>
            %broadcast_in_dim3A_504 = vector.broadcast %squeeze3A_503 : f32 to vector<16xf32>
            %mul3A_505 = arith.constant 16 : i32
            %mul3A_506 = arith.muli %scan3A_123, %mul3A_505 : i32
            %add3A_507 = arith.constant 13 : i32
            %add3A_508 = arith.addi %mul3A_506, %add3A_507 : i32
            %get3A_509 = arith.index_cast %add3A_508 : i32 to index
            %get3A_510 = arith.constant 0 : index
            %get3A_511 = tpu.vector_load %arg15[%get3A_509, %get3A_510] {strides = array<i32>} : memref<128x64xbf16, #tpu.memory_space<vmem>>, vector<32xbf16>,
            %unpack3A_512 = tpu.unpack_subelements %get3A_511, 0 {pack_format = #tpu.pack_format<interleaved>} : vector<32xbf16> -> vector<16xf32>
            %unpack3A_513 = tpu.unpack_subelements %get3A_511, 1 {pack_format = #tpu.pack_format<interleaved>} : vector<32xbf16> -> vector<16xf32>
            %mul3A_514 = arith.mulf %unpack3A_512, %broadcast_in_dim3A_504 : vector<16xf32>
            %mul3A_515 = arith.mulf %unpack3A_513, %broadcast_in_dim3A_504 : vector<16xf32>
            %pack3A_516 = tpu.pack_subelements %mul3A_514, %mul3A_515 {pack_format = #tpu.pack_format<interleaved>, positions = array<i32: 0, 1>} : vector<16xf32>, vector<16xf32> -> vector<32xbf16>
            %swap3A_517 = arith.index_cast %add3A_508 : i32 to index
            %swap3A_518 = arith.constant 0 : index
            %swap3A_519 = tpu.vector_load %arg17[%swap3A_517, %swap3A_518] {strides = array<i32>} : memref<128x64xbf16, #tpu.memory_space<vmem>>, vector<32xbf16>,
            tpu.vector_store %arg17[%swap3A_517, %swap3A_518], %pack3A_516 {strides = array<i32>} : memref<128x64xbf16, #tpu.memory_space<vmem>>, vector<32xbf16>,
            %get3A_520 = arith.index_cast %add3A_508 : i32 to index
            %get3A_521 = arith.constant 32 : index
            %get3A_522 = tpu.vector_load %arg15[%get3A_520, %get3A_521] {strides = array<i32>} : memref<128x64xbf16, #tpu.memory_space<vmem>>, vector<32xbf16>,
            %unpack3A_523 = tpu.unpack_subelements %get3A_522, 0 {pack_format = #tpu.pack_format<interleaved>} : vector<32xbf16> -> vector<16xf32>
            %unpack3A_524 = tpu.unpack_subelements %get3A_522, 1 {pack_format = #tpu.pack_format<interleaved>} : vector<32xbf16> -> vector<16xf32>
            %mul3A_525 = arith.mulf %unpack3A_523, %broadcast_in_dim3A_504 : vector<16xf32>
            %mul3A_526 = arith.mulf %unpack3A_524, %broadcast_in_dim3A_504 : vector<16xf32>
            %pack3A_527 = tpu.pack_subelements %mul3A_525, %mul3A_526 {pack_format = #tpu.pack_format<interleaved>, positions = array<i32: 0, 1>} : vector<16xf32>, vector<16xf32> -> vector<32xbf16>
            %swap3A_528 = arith.index_cast %add3A_508 : i32 to index
            %swap3A_529 = arith.constant 32 : index
            %swap3A_530 = tpu.vector_load %arg17[%swap3A_528, %swap3A_529] {strides = array<i32>} : memref<128x64xbf16, #tpu.memory_space<vmem>>, vector<32xbf16>,
            tpu.vector_store %arg17[%swap3A_528, %swap3A_529], %pack3A_527 {strides = array<i32>} : memref<128x64xbf16, #tpu.memory_space<vmem>>, vector<32xbf16>,
            %slice3A_531 = vector.extract_strided_slice %get3A_130 {offsets = [14], sizes = [1], strides = [1]} : vector<16xf32> to vector<1xf32>
            %squeeze3A_532 = vector.extract %slice3A_531[0] : f32 from vector<1xf32>
            %broadcast_in_dim3A_533 = vector.broadcast %squeeze3A_532 : f32 to vector<16xf32>
            %mul3A_534 = arith.constant 16 : i32
            %mul3A_535 = arith.muli %scan3A_123, %mul3A_534 : i32
            %add3A_536 = arith.constant 14 : i32
            %add3A_537 = arith.addi %mul3A_535, %add3A_536 : i32
            %get3A_538 = arith.index_cast %add3A_537 : i32 to index
            %get3A_539 = arith.constant 0 : index
            %get3A_540 = tpu.vector_load %arg15[%get3A_538, %get3A_539] {strides = array<i32>} : memref<128x64xbf16, #tpu.memory_space<vmem>>, vector<32xbf16>,
            %unpack3A_541 = tpu.unpack_subelements %get3A_540, 0 {pack_format = #tpu.pack_format<interleaved>} : vector<32xbf16> -> vector<16xf32>
            %unpack3A_542 = tpu.unpack_subelements %get3A_540, 1 {pack_format = #tpu.pack_format<interleaved>} : vector<32xbf16> -> vector<16xf32>
            %mul3A_543 = arith.mulf %unpack3A_541, %broadcast_in_dim3A_533 : vector<16xf32>
            %mul3A_544 = arith.mulf %unpack3A_542, %broadcast_in_dim3A_533 : vector<16xf32>
            %pack3A_545 = tpu.pack_subelements %mul3A_543, %mul3A_544 {pack_format = #tpu.pack_format<interleaved>, positions = array<i32: 0, 1>} : vector<16xf32>, vector<16xf32> -> vector<32xbf16>
            %swap3A_546 = arith.index_cast %add3A_537 : i32 to index
            %swap3A_547 = arith.constant 0 : index
            %swap3A_548 = tpu.vector_load %arg17[%swap3A_546, %swap3A_547] {strides = array<i32>} : memref<128x64xbf16, #tpu.memory_space<vmem>>, vector<32xbf16>,
            tpu.vector_store %arg17[%swap3A_546, %swap3A_547], %pack3A_545 {strides = array<i32>} : memref<128x64xbf16, #tpu.memory_space<vmem>>, vector<32xbf16>,
            %get3A_549 = arith.index_cast %add3A_537 : i32 to index
            %get3A_550 = arith.constant 32 : index
            %get3A_551 = tpu.vector_load %arg15[%get3A_549, %get3A_550] {strides = array<i32>} : memref<128x64xbf16, #tpu.memory_space<vmem>>, vector<32xbf16>,
            %unpack3A_552 = tpu.unpack_subelements %get3A_551, 0 {pack_format = #tpu.pack_format<interleaved>} : vector<32xbf16> -> vector<16xf32>
            %unpack3A_553 = tpu.unpack_subelements %get3A_551, 1 {pack_format = #tpu.pack_format<interleaved>} : vector<32xbf16> -> vector<16xf32>
            %mul3A_554 = arith.mulf %unpack3A_552, %broadcast_in_dim3A_533 : vector<16xf32>
            %mul3A_555 = arith.mulf %unpack3A_553, %broadcast_in_dim3A_533 : vector<16xf32>
            %pack3A_556 = tpu.pack_subelements %mul3A_554, %mul3A_555 {pack_format = #tpu.pack_format<interleaved>, positions = array<i32: 0, 1>} : vector<16xf32>, vector<16xf32> -> vector<32xbf16>
            %swap3A_557 = arith.index_cast %add3A_537 : i32 to index
            %swap3A_558 = arith.constant 32 : index
            %swap3A_559 = tpu.vector_load %arg17[%swap3A_557, %swap3A_558] {strides = array<i32>} : memref<128x64xbf16, #tpu.memory_space<vmem>>, vector<32xbf16>,
            tpu.vector_store %arg17[%swap3A_557, %swap3A_558], %pack3A_556 {strides = array<i32>} : memref<128x64xbf16, #tpu.memory_space<vmem>>, vector<32xbf16>,
            %slice3A_560 = vector.extract_strided_slice %get3A_130 {offsets = [15], sizes = [1], strides = [1]} : vector<16xf32> to vector<1xf32>
            %squeeze3A_561 = vector.extract %slice3A_560[0] : f32 from vector<1xf32>
            %broadcast_in_dim3A_562 = vector.broadcast %squeeze3A_561 : f32 to vector<16xf32>
            %mul3A_563 = arith.constant 16 : i32
            %mul3A_564 = arith.muli %scan3A_123, %mul3A_563 : i32
            %add3A_565 = arith.constant 15 : i32
            %add3A_566 = arith.addi %mul3A_564, %add3A_565 : i32
            %get3A_567 = arith.index_cast %add3A_566 : i32 to index
            %get3A_568 = arith.constant 0 : index
            %get3A_569 = tpu.vector_load %arg15[%get3A_567, %get3A_568] {strides = array<i32>} : memref<128x64xbf16, #tpu.memory_space<vmem>>, vector<32xbf16>,
            %unpack3A_570 = tpu.unpack_subelements %get3A_569, 0 {pack_format = #tpu.pack_format<interleaved>} : vector<32xbf16> -> vector<16xf32>
            %unpack3A_571 = tpu.unpack_subelements %get3A_569, 1 {pack_format = #tpu.pack_format<interleaved>} : vector<32xbf16> -> vector<16xf32>
            %mul3A_572 = arith.mulf %unpack3A_570, %broadcast_in_dim3A_562 : vector<16xf32>
            %mul3A_573 = arith.mulf %unpack3A_571, %broadcast_in_dim3A_562 : vector<16xf32>
            %pack3A_574 = tpu.pack_subelements %mul3A_572, %mul3A_573 {pack_format = #tpu.pack_format<interleaved>, positions = array<i32: 0, 1>} : vector<16xf32>, vector<16xf32> -> vector<32xbf16>
            %swap3A_575 = arith.index_cast %add3A_566 : i32 to index
            %swap3A_576 = arith.constant 0 : index
            %swap3A_577 = tpu.vector_load %arg17[%swap3A_575, %swap3A_576] {strides = array<i32>} : memref<128x64xbf16, #tpu.memory_space<vmem>>, vector<32xbf16>,
            tpu.vector_store %arg17[%swap3A_575, %swap3A_576], %pack3A_574 {strides = array<i32>} : memref<128x64xbf16, #tpu.memory_space<vmem>>, vector<32xbf16>,
            %get3A_578 = arith.index_cast %add3A_566 : i32 to index
            %get3A_579 = arith.constant 32 : index
            %get3A_580 = tpu.vector_load %arg15[%get3A_578, %get3A_579] {strides = array<i32>} : memref<128x64xbf16, #tpu.memory_space<vmem>>, vector<32xbf16>,
            %unpack3A_581 = tpu.unpack_subelements %get3A_580, 0 {pack_format = #tpu.pack_format<interleaved>} : vector<32xbf16> -> vector<16xf32>
            %unpack3A_582 = tpu.unpack_subelements %get3A_580, 1 {pack_format = #tpu.pack_format<interleaved>} : vector<32xbf16> -> vector<16xf32>
            %mul3A_583 = arith.mulf %unpack3A_581, %broadcast_in_dim3A_562 : vector<16xf32>
            %mul3A_584 = arith.mulf %unpack3A_582, %broadcast_in_dim3A_562 : vector<16xf32>
            %pack3A_585 = tpu.pack_subelements %mul3A_583, %mul3A_584 {pack_format = #tpu.pack_format<interleaved>, positions = array<i32: 0, 1>} : vector<16xf32>, vector<16xf32> -> vector<32xbf16>
            %swap3A_586 = arith.index_cast %add3A_566 : i32 to index
            %swap3A_587 = arith.constant 32 : index
            %swap3A_588 = tpu.vector_load %arg17[%swap3A_586, %swap3A_587] {strides = array<i32>} : memref<128x64xbf16, #tpu.memory_space<vmem>>, vector<32xbf16>,
            tpu.vector_store %arg17[%swap3A_586, %swap3A_587], %pack3A_585 {strides = array<i32>} : memref<128x64xbf16, #tpu.memory_space<vmem>>, vector<32xbf16>,
            %scan3A_589 = arith.constant 0 : i32
            scf.yield %scan3A_589 : i32
          }
          %scan3A_104 = arith.constant 8 : i32
          "tpu.region"() ({
            %run_scoped3A = tpu.sem_alloc : memref<!tpu.dma_semaphore, #tpu.memory_space<semaphore_mem>>
            %dma_start3A_123 = arith.constant 0 : i32
            %dma_start3A_124 = tpu.memref_slice %arg11[%mul3A_84, %dma_start3A_123] : memref<162x128xi32, #tpu.memory_space<vmem>> -> memref<1x128xi32, #tpu.memory_space<vmem>>
            %dma_start3A_125 = tpu.memref_squeeze %dma_start3A_124 : memref<1x128xi32, #tpu.memory_space<vmem>> -> memref<128xi32, #tpu.memory_space<vmem>>
            %dma_start3A_126 = arith.constant 0 : i32
            %dma_start3A_127 = arith.constant 0 : i32
            %dma_start3A_128 = tpu.memref_slice %arg19[%dma_start3A_126, %dma_start3A_127] : memref<10048x64xbf16, #tpu.memory_space<vmem_shared>> -> memref<10048x64xbf16, #tpu.memory_space<vmem_shared>>
            tpu.enqueue_indirect_dma source(%arg17 : memref<128x64xbf16, #tpu.memory_space<vmem>>) target(%dma_start3A_128 : memref<10048x64xbf16, #tpu.memory_space<vmem_shared>>) offsets(%dma_start3A_125 : memref<128xi32, #tpu.memory_space<vmem>>) semaphore(%run_scoped3A : memref<!tpu.dma_semaphore, #tpu.memory_space<semaphore_mem>>) {add = true}
            %dma_wait3A_129 = arith.constant 0 : i32
            %dma_wait3A_130 = tpu.memref_slice %arg11[%mul3A_84, %dma_wait3A_129] : memref<162x128xi32, #tpu.memory_space<vmem>> -> memref<1x128xi32, #tpu.memory_space<vmem>>
            %dma_wait3A_131 = tpu.memref_squeeze %dma_wait3A_130 : memref<1x128xi32, #tpu.memory_space<vmem>> -> memref<128xi32, #tpu.memory_space<vmem>>
            %dma_wait3A_132 = arith.constant 0 : i32
            %dma_wait3A_133 = arith.constant 0 : i32
            %dma_wait3A_134 = tpu.memref_slice %arg19[%dma_wait3A_132, %dma_wait3A_133] : memref<10048x64xbf16, #tpu.memory_space<vmem_shared>> -> memref<10048x64xbf16, #tpu.memory_space<vmem_shared>>
            tpu.wait_indirect_dma semaphore(%run_scoped3A : memref<!tpu.dma_semaphore, #tpu.memory_space<semaphore_mem>>) src(%arg17 : memref<128x64xbf16, #tpu.memory_space<vmem>>) dst(%dma_wait3A_134 : memref<10048x64xbf16, #tpu.memory_space<vmem_shared>>)
            tpu.yield
          }) : () -> ()
          %lt3A = arith.constant 80 : i32
          %lt3A_105 = arith.cmpi slt, %scan3A_81, %lt3A : i32
          %convert_element_type3A_106 = arith.extui %lt3A_105 : i1 to i32
          %cond3A_107 = arith.constant 0 : i32
          %cond3A_108 = arith.cmpi ne, %convert_element_type3A_106, %cond3A_107 : i32
          scf.if %cond3A_108 {
            %add3A_123 = arith.constant 2 : i32
            %add3A_124 = arith.addi %mul3A_84, %add3A_123 : i32
            %mul3A_125 = arith.constant 128 : i32
            %mul3A_126 = arith.muli %add3A_124, %mul3A_125 : i32
            %dma_start3A_127 = tpu.memref_slice %arg10[%mul3A_126] : memref<20736xi32, #tpu.memory_space<vmem>> -> memref<128xi32, #tpu.memory_space<vmem>>
            %dma_start3A_128 = arith.constant 0 : i32
            %dma_start3A_129 = arith.constant 0 : i32
            %dma_start3A_130 = tpu.memref_slice %arg2[%dma_start3A_128, %dma_start3A_129] : memref<40000x64xbf16, #tpu.memory_space<hbm>> -> memref<40000x64xbf16, #tpu.memory_space<hbm>>
            tpu.enqueue_indirect_dma source(%dma_start3A_130 : memref<40000x64xbf16, #tpu.memory_space<hbm>>) target(%arg15 : memref<128x64xbf16, #tpu.memory_space<vmem>>) offsets(%dma_start3A_127 : memref<128xi32, #tpu.memory_space<vmem>>) semaphore(%arg20 : memref<!tpu.dma_semaphore, #tpu.memory_space<semaphore_mem>>)
          } else {
          }
          %mul3A_109 = arith.constant 128 : i32
          %mul3A_110 = arith.muli %add3A_86, %mul3A_109 : i32
          %dma_wait3A_111 = tpu.memref_slice %arg10[%mul3A_110] : memref<20736xi32, #tpu.memory_space<vmem>> -> memref<128xi32, #tpu.memory_space<vmem>>
          %dma_wait3A_112 = arith.constant 0 : i32
          %dma_wait3A_113 = arith.constant 0 : i32
          %dma_wait3A_114 = tpu.memref_slice %arg2[%dma_wait3A_112, %dma_wait3A_113] : memref<40000x64xbf16, #tpu.memory_space<hbm>> -> memref<40000x64xbf16, #tpu.memory_space<hbm>>
          tpu.wait_indirect_dma semaphore(%arg21 : memref<!tpu.dma_semaphore, #tpu.memory_space<semaphore_mem>>) src(%dma_wait3A_114 : memref<40000x64xbf16, #tpu.memory_space<hbm>>) dst(%arg16 : memref<128x64xbf16, #tpu.memory_space<vmem>>)
          %scan3A_115 = arith.constant 0 : i32
          %scan3A_116 = arith.constant 0 : i32
          %scan3A_117 = arith.constant 8 : i32
          %scan3A_118 = arith.addi %scan3A_116, %scan3A_117 : i32
          %scan3A_119 = arith.constant 1 : i32
          %scan3A_120 = scf.for %scan3A_123 = %scan3A_116 to %scan3A_118 step %scan3A_119 iter_args(%scan3A_124 = %scan3A_115) -> (i32)  : i32 {
            %mul3A_125 = arith.constant 128 : i32
            %mul3A_126 = arith.muli %add3A_86, %mul3A_125 : i32
            %mul3A_127 = arith.constant 16 : i32
            %mul3A_128 = arith.muli %scan3A_123, %mul3A_127 : i32
            %add3A_129 = arith.addi %mul3A_126, %mul3A_128 : i32
            %get3A = arith.index_cast %add3A_129 : i32 to index
            %get3A_130 = tpu.vector_load %arg13[%get3A] {strides = array<i32>} : memref<20736xf32, #tpu.memory_space<vmem>>, vector<16xf32>,
            %slice3A = vector.extract_strided_slice %get3A_130 {offsets = [0], sizes = [1], strides = [1]} : vector<16xf32> to vector<1xf32>
            %squeeze3A = vector.extract %slice3A[0] : f32 from vector<1xf32>
            %broadcast_in_dim3A = vector.broadcast %squeeze3A : f32 to vector<16xf32>
            %mul3A_131 = arith.constant 16 : i32
            %mul3A_132 = arith.muli %scan3A_123, %mul3A_131 : i32
            %add3A_133 = arith.constant 0 : i32
            %add3A_134 = arith.addi %mul3A_132, %add3A_133 : i32
            %get3A_135 = arith.index_cast %add3A_134 : i32 to index
            %get3A_136 = arith.constant 0 : index
            %get3A_137 = tpu.vector_load %arg16[%get3A_135, %get3A_136] {strides = array<i32>} : memref<128x64xbf16, #tpu.memory_space<vmem>>, vector<32xbf16>,
            %unpack3A = tpu.unpack_subelements %get3A_137, 0 {pack_format = #tpu.pack_format<interleaved>} : vector<32xbf16> -> vector<16xf32>
            %unpack3A_138 = tpu.unpack_subelements %get3A_137, 1 {pack_format = #tpu.pack_format<interleaved>} : vector<32xbf16> -> vector<16xf32>
            %mul3A_139 = arith.mulf %unpack3A, %broadcast_in_dim3A : vector<16xf32>
            %mul3A_140 = arith.mulf %unpack3A_138, %broadcast_in_dim3A : vector<16xf32>
            %pack3A = tpu.pack_subelements %mul3A_139, %mul3A_140 {pack_format = #tpu.pack_format<interleaved>, positions = array<i32: 0, 1>} : vector<16xf32>, vector<16xf32> -> vector<32xbf16>
            %swap3A = arith.index_cast %add3A_134 : i32 to index
            %swap3A_141 = arith.constant 0 : index
            %swap3A_142 = tpu.vector_load %arg17[%swap3A, %swap3A_141] {strides = array<i32>} : memref<128x64xbf16, #tpu.memory_space<vmem>>, vector<32xbf16>,
            tpu.vector_store %arg17[%swap3A, %swap3A_141], %pack3A {strides = array<i32>} : memref<128x64xbf16, #tpu.memory_space<vmem>>, vector<32xbf16>,
            %get3A_143 = arith.index_cast %add3A_134 : i32 to index
            %get3A_144 = arith.constant 32 : index
            %get3A_145 = tpu.vector_load %arg16[%get3A_143, %get3A_144] {strides = array<i32>} : memref<128x64xbf16, #tpu.memory_space<vmem>>, vector<32xbf16>,
            %unpack3A_146 = tpu.unpack_subelements %get3A_145, 0 {pack_format = #tpu.pack_format<interleaved>} : vector<32xbf16> -> vector<16xf32>
            %unpack3A_147 = tpu.unpack_subelements %get3A_145, 1 {pack_format = #tpu.pack_format<interleaved>} : vector<32xbf16> -> vector<16xf32>
            %mul3A_148 = arith.mulf %unpack3A_146, %broadcast_in_dim3A : vector<16xf32>
            %mul3A_149 = arith.mulf %unpack3A_147, %broadcast_in_dim3A : vector<16xf32>
            %pack3A_150 = tpu.pack_subelements %mul3A_148, %mul3A_149 {pack_format = #tpu.pack_format<interleaved>, positions = array<i32: 0, 1>} : vector<16xf32>, vector<16xf32> -> vector<32xbf16>
            %swap3A_151 = arith.index_cast %add3A_134 : i32 to index
            %swap3A_152 = arith.constant 32 : index
            %swap3A_153 = tpu.vector_load %arg17[%swap3A_151, %swap3A_152] {strides = array<i32>} : memref<128x64xbf16, #tpu.memory_space<vmem>>, vector<32xbf16>,
            tpu.vector_store %arg17[%swap3A_151, %swap3A_152], %pack3A_150 {strides = array<i32>} : memref<128x64xbf16, #tpu.memory_space<vmem>>, vector<32xbf16>,
            %slice3A_154 = vector.extract_strided_slice %get3A_130 {offsets = [1], sizes = [1], strides = [1]} : vector<16xf32> to vector<1xf32>
            %squeeze3A_155 = vector.extract %slice3A_154[0] : f32 from vector<1xf32>
            %broadcast_in_dim3A_156 = vector.broadcast %squeeze3A_155 : f32 to vector<16xf32>
            %mul3A_157 = arith.constant 16 : i32
            %mul3A_158 = arith.muli %scan3A_123, %mul3A_157 : i32
            %add3A_159 = arith.constant 1 : i32
            %add3A_160 = arith.addi %mul3A_158, %add3A_159 : i32
            %get3A_161 = arith.index_cast %add3A_160 : i32 to index
            %get3A_162 = arith.constant 0 : index
            %get3A_163 = tpu.vector_load %arg16[%get3A_161, %get3A_162] {strides = array<i32>} : memref<128x64xbf16, #tpu.memory_space<vmem>>, vector<32xbf16>,
            %unpack3A_164 = tpu.unpack_subelements %get3A_163, 0 {pack_format = #tpu.pack_format<interleaved>} : vector<32xbf16> -> vector<16xf32>
            %unpack3A_165 = tpu.unpack_subelements %get3A_163, 1 {pack_format = #tpu.pack_format<interleaved>} : vector<32xbf16> -> vector<16xf32>
            %mul3A_166 = arith.mulf %unpack3A_164, %broadcast_in_dim3A_156 : vector<16xf32>
            %mul3A_167 = arith.mulf %unpack3A_165, %broadcast_in_dim3A_156 : vector<16xf32>
            %pack3A_168 = tpu.pack_subelements %mul3A_166, %mul3A_167 {pack_format = #tpu.pack_format<interleaved>, positions = array<i32: 0, 1>} : vector<16xf32>, vector<16xf32> -> vector<32xbf16>
            %swap3A_169 = arith.index_cast %add3A_160 : i32 to index
            %swap3A_170 = arith.constant 0 : index
            %swap3A_171 = tpu.vector_load %arg17[%swap3A_169, %swap3A_170] {strides = array<i32>} : memref<128x64xbf16, #tpu.memory_space<vmem>>, vector<32xbf16>,
            tpu.vector_store %arg17[%swap3A_169, %swap3A_170], %pack3A_168 {strides = array<i32>} : memref<128x64xbf16, #tpu.memory_space<vmem>>, vector<32xbf16>,
            %get3A_172 = arith.index_cast %add3A_160 : i32 to index
            %get3A_173 = arith.constant 32 : index
            %get3A_174 = tpu.vector_load %arg16[%get3A_172, %get3A_173] {strides = array<i32>} : memref<128x64xbf16, #tpu.memory_space<vmem>>, vector<32xbf16>,
            %unpack3A_175 = tpu.unpack_subelements %get3A_174, 0 {pack_format = #tpu.pack_format<interleaved>} : vector<32xbf16> -> vector<16xf32>
            %unpack3A_176 = tpu.unpack_subelements %get3A_174, 1 {pack_format = #tpu.pack_format<interleaved>} : vector<32xbf16> -> vector<16xf32>
            %mul3A_177 = arith.mulf %unpack3A_175, %broadcast_in_dim3A_156 : vector<16xf32>
            %mul3A_178 = arith.mulf %unpack3A_176, %broadcast_in_dim3A_156 : vector<16xf32>
            %pack3A_179 = tpu.pack_subelements %mul3A_177, %mul3A_178 {pack_format = #tpu.pack_format<interleaved>, positions = array<i32: 0, 1>} : vector<16xf32>, vector<16xf32> -> vector<32xbf16>
            %swap3A_180 = arith.index_cast %add3A_160 : i32 to index
            %swap3A_181 = arith.constant 32 : index
            %swap3A_182 = tpu.vector_load %arg17[%swap3A_180, %swap3A_181] {strides = array<i32>} : memref<128x64xbf16, #tpu.memory_space<vmem>>, vector<32xbf16>,
            tpu.vector_store %arg17[%swap3A_180, %swap3A_181], %pack3A_179 {strides = array<i32>} : memref<128x64xbf16, #tpu.memory_space<vmem>>, vector<32xbf16>,
            %slice3A_183 = vector.extract_strided_slice %get3A_130 {offsets = [2], sizes = [1], strides = [1]} : vector<16xf32> to vector<1xf32>
            %squeeze3A_184 = vector.extract %slice3A_183[0] : f32 from vector<1xf32>
            %broadcast_in_dim3A_185 = vector.broadcast %squeeze3A_184 : f32 to vector<16xf32>
            %mul3A_186 = arith.constant 16 : i32
            %mul3A_187 = arith.muli %scan3A_123, %mul3A_186 : i32
            %add3A_188 = arith.constant 2 : i32
            %add3A_189 = arith.addi %mul3A_187, %add3A_188 : i32
            %get3A_190 = arith.index_cast %add3A_189 : i32 to index
            %get3A_191 = arith.constant 0 : index
            %get3A_192 = tpu.vector_load %arg16[%get3A_190, %get3A_191] {strides = array<i32>} : memref<128x64xbf16, #tpu.memory_space<vmem>>, vector<32xbf16>,
            %unpack3A_193 = tpu.unpack_subelements %get3A_192, 0 {pack_format = #tpu.pack_format<interleaved>} : vector<32xbf16> -> vector<16xf32>
            %unpack3A_194 = tpu.unpack_subelements %get3A_192, 1 {pack_format = #tpu.pack_format<interleaved>} : vector<32xbf16> -> vector<16xf32>
            %mul3A_195 = arith.mulf %unpack3A_193, %broadcast_in_dim3A_185 : vector<16xf32>
            %mul3A_196 = arith.mulf %unpack3A_194, %broadcast_in_dim3A_185 : vector<16xf32>
            %pack3A_197 = tpu.pack_subelements %mul3A_195, %mul3A_196 {pack_format = #tpu.pack_format<interleaved>, positions = array<i32: 0, 1>} : vector<16xf32>, vector<16xf32> -> vector<32xbf16>
            %swap3A_198 = arith.index_cast %add3A_189 : i32 to index
            %swap3A_199 = arith.constant 0 : index
            %swap3A_200 = tpu.vector_load %arg17[%swap3A_198, %swap3A_199] {strides = array<i32>} : memref<128x64xbf16, #tpu.memory_space<vmem>>, vector<32xbf16>,
            tpu.vector_store %arg17[%swap3A_198, %swap3A_199], %pack3A_197 {strides = array<i32>} : memref<128x64xbf16, #tpu.memory_space<vmem>>, vector<32xbf16>,
            %get3A_201 = arith.index_cast %add3A_189 : i32 to index
            %get3A_202 = arith.constant 32 : index
            %get3A_203 = tpu.vector_load %arg16[%get3A_201, %get3A_202] {strides = array<i32>} : memref<128x64xbf16, #tpu.memory_space<vmem>>, vector<32xbf16>,
            %unpack3A_204 = tpu.unpack_subelements %get3A_203, 0 {pack_format = #tpu.pack_format<interleaved>} : vector<32xbf16> -> vector<16xf32>
            %unpack3A_205 = tpu.unpack_subelements %get3A_203, 1 {pack_format = #tpu.pack_format<interleaved>} : vector<32xbf16> -> vector<16xf32>
            %mul3A_206 = arith.mulf %unpack3A_204, %broadcast_in_dim3A_185 : vector<16xf32>
            %mul3A_207 = arith.mulf %unpack3A_205, %broadcast_in_dim3A_185 : vector<16xf32>
            %pack3A_208 = tpu.pack_subelements %mul3A_206, %mul3A_207 {pack_format = #tpu.pack_format<interleaved>, positions = array<i32: 0, 1>} : vector<16xf32>, vector<16xf32> -> vector<32xbf16>
            %swap3A_209 = arith.index_cast %add3A_189 : i32 to index
            %swap3A_210 = arith.constant 32 : index
            %swap3A_211 = tpu.vector_load %arg17[%swap3A_209, %swap3A_210] {strides = array<i32>} : memref<128x64xbf16, #tpu.memory_space<vmem>>, vector<32xbf16>,
            tpu.vector_store %arg17[%swap3A_209, %swap3A_210], %pack3A_208 {strides = array<i32>} : memref<128x64xbf16, #tpu.memory_space<vmem>>, vector<32xbf16>,
            %slice3A_212 = vector.extract_strided_slice %get3A_130 {offsets = [3], sizes = [1], strides = [1]} : vector<16xf32> to vector<1xf32>
            %squeeze3A_213 = vector.extract %slice3A_212[0] : f32 from vector<1xf32>
            %broadcast_in_dim3A_214 = vector.broadcast %squeeze3A_213 : f32 to vector<16xf32>
            %mul3A_215 = arith.constant 16 : i32
            %mul3A_216 = arith.muli %scan3A_123, %mul3A_215 : i32
            %add3A_217 = arith.constant 3 : i32
            %add3A_218 = arith.addi %mul3A_216, %add3A_217 : i32
            %get3A_219 = arith.index_cast %add3A_218 : i32 to index
            %get3A_220 = arith.constant 0 : index
            %get3A_221 = tpu.vector_load %arg16[%get3A_219, %get3A_220] {strides = array<i32>} : memref<128x64xbf16, #tpu.memory_space<vmem>>, vector<32xbf16>,
            %unpack3A_222 = tpu.unpack_subelements %get3A_221, 0 {pack_format = #tpu.pack_format<interleaved>} : vector<32xbf16> -> vector<16xf32>
            %unpack3A_223 = tpu.unpack_subelements %get3A_221, 1 {pack_format = #tpu.pack_format<interleaved>} : vector<32xbf16> -> vector<16xf32>
            %mul3A_224 = arith.mulf %unpack3A_222, %broadcast_in_dim3A_214 : vector<16xf32>
            %mul3A_225 = arith.mulf %unpack3A_223, %broadcast_in_dim3A_214 : vector<16xf32>
            %pack3A_226 = tpu.pack_subelements %mul3A_224, %mul3A_225 {pack_format = #tpu.pack_format<interleaved>, positions = array<i32: 0, 1>} : vector<16xf32>, vector<16xf32> -> vector<32xbf16>
            %swap3A_227 = arith.index_cast %add3A_218 : i32 to index
            %swap3A_228 = arith.constant 0 : index
            %swap3A_229 = tpu.vector_load %arg17[%swap3A_227, %swap3A_228] {strides = array<i32>} : memref<128x64xbf16, #tpu.memory_space<vmem>>, vector<32xbf16>,
            tpu.vector_store %arg17[%swap3A_227, %swap3A_228], %pack3A_226 {strides = array<i32>} : memref<128x64xbf16, #tpu.memory_space<vmem>>, vector<32xbf16>,
            %get3A_230 = arith.index_cast %add3A_218 : i32 to index
            %get3A_231 = arith.constant 32 : index
            %get3A_232 = tpu.vector_load %arg16[%get3A_230, %get3A_231] {strides = array<i32>} : memref<128x64xbf16, #tpu.memory_space<vmem>>, vector<32xbf16>,
            %unpack3A_233 = tpu.unpack_subelements %get3A_232, 0 {pack_format = #tpu.pack_format<interleaved>} : vector<32xbf16> -> vector<16xf32>
            %unpack3A_234 = tpu.unpack_subelements %get3A_232, 1 {pack_format = #tpu.pack_format<interleaved>} : vector<32xbf16> -> vector<16xf32>
            %mul3A_235 = arith.mulf %unpack3A_233, %broadcast_in_dim3A_214 : vector<16xf32>
            %mul3A_236 = arith.mulf %unpack3A_234, %broadcast_in_dim3A_214 : vector<16xf32>
            %pack3A_237 = tpu.pack_subelements %mul3A_235, %mul3A_236 {pack_format = #tpu.pack_format<interleaved>, positions = array<i32: 0, 1>} : vector<16xf32>, vector<16xf32> -> vector<32xbf16>
            %swap3A_238 = arith.index_cast %add3A_218 : i32 to index
            %swap3A_239 = arith.constant 32 : index
            %swap3A_240 = tpu.vector_load %arg17[%swap3A_238, %swap3A_239] {strides = array<i32>} : memref<128x64xbf16, #tpu.memory_space<vmem>>, vector<32xbf16>,
            tpu.vector_store %arg17[%swap3A_238, %swap3A_239], %pack3A_237 {strides = array<i32>} : memref<128x64xbf16, #tpu.memory_space<vmem>>, vector<32xbf16>,
            %slice3A_241 = vector.extract_strided_slice %get3A_130 {offsets = [4], sizes = [1], strides = [1]} : vector<16xf32> to vector<1xf32>
            %squeeze3A_242 = vector.extract %slice3A_241[0] : f32 from vector<1xf32>
            %broadcast_in_dim3A_243 = vector.broadcast %squeeze3A_242 : f32 to vector<16xf32>
            %mul3A_244 = arith.constant 16 : i32
            %mul3A_245 = arith.muli %scan3A_123, %mul3A_244 : i32
            %add3A_246 = arith.constant 4 : i32
            %add3A_247 = arith.addi %mul3A_245, %add3A_246 : i32
            %get3A_248 = arith.index_cast %add3A_247 : i32 to index
            %get3A_249 = arith.constant 0 : index
            %get3A_250 = tpu.vector_load %arg16[%get3A_248, %get3A_249] {strides = array<i32>} : memref<128x64xbf16, #tpu.memory_space<vmem>>, vector<32xbf16>,
            %unpack3A_251 = tpu.unpack_subelements %get3A_250, 0 {pack_format = #tpu.pack_format<interleaved>} : vector<32xbf16> -> vector<16xf32>
            %unpack3A_252 = tpu.unpack_subelements %get3A_250, 1 {pack_format = #tpu.pack_format<interleaved>} : vector<32xbf16> -> vector<16xf32>
            %mul3A_253 = arith.mulf %unpack3A_251, %broadcast_in_dim3A_243 : vector<16xf32>
            %mul3A_254 = arith.mulf %unpack3A_252, %broadcast_in_dim3A_243 : vector<16xf32>
            %pack3A_255 = tpu.pack_subelements %mul3A_253, %mul3A_254 {pack_format = #tpu.pack_format<interleaved>, positions = array<i32: 0, 1>} : vector<16xf32>, vector<16xf32> -> vector<32xbf16>
            %swap3A_256 = arith.index_cast %add3A_247 : i32 to index
            %swap3A_257 = arith.constant 0 : index
            %swap3A_258 = tpu.vector_load %arg17[%swap3A_256, %swap3A_257] {strides = array<i32>} : memref<128x64xbf16, #tpu.memory_space<vmem>>, vector<32xbf16>,
            tpu.vector_store %arg17[%swap3A_256, %swap3A_257], %pack3A_255 {strides = array<i32>} : memref<128x64xbf16, #tpu.memory_space<vmem>>, vector<32xbf16>,
            %get3A_259 = arith.index_cast %add3A_247 : i32 to index
            %get3A_260 = arith.constant 32 : index
            %get3A_261 = tpu.vector_load %arg16[%get3A_259, %get3A_260] {strides = array<i32>} : memref<128x64xbf16, #tpu.memory_space<vmem>>, vector<32xbf16>,
            %unpack3A_262 = tpu.unpack_subelements %get3A_261, 0 {pack_format = #tpu.pack_format<interleaved>} : vector<32xbf16> -> vector<16xf32>
            %unpack3A_263 = tpu.unpack_subelements %get3A_261, 1 {pack_format = #tpu.pack_format<interleaved>} : vector<32xbf16> -> vector<16xf32>
            %mul3A_264 = arith.mulf %unpack3A_262, %broadcast_in_dim3A_243 : vector<16xf32>
            %mul3A_265 = arith.mulf %unpack3A_263, %broadcast_in_dim3A_243 : vector<16xf32>
            %pack3A_266 = tpu.pack_subelements %mul3A_264, %mul3A_265 {pack_format = #tpu.pack_format<interleaved>, positions = array<i32: 0, 1>} : vector<16xf32>, vector<16xf32> -> vector<32xbf16>
            %swap3A_267 = arith.index_cast %add3A_247 : i32 to index
            %swap3A_268 = arith.constant 32 : index
            %swap3A_269 = tpu.vector_load %arg17[%swap3A_267, %swap3A_268] {strides = array<i32>} : memref<128x64xbf16, #tpu.memory_space<vmem>>, vector<32xbf16>,
            tpu.vector_store %arg17[%swap3A_267, %swap3A_268], %pack3A_266 {strides = array<i32>} : memref<128x64xbf16, #tpu.memory_space<vmem>>, vector<32xbf16>,
            %slice3A_270 = vector.extract_strided_slice %get3A_130 {offsets = [5], sizes = [1], strides = [1]} : vector<16xf32> to vector<1xf32>
            %squeeze3A_271 = vector.extract %slice3A_270[0] : f32 from vector<1xf32>
            %broadcast_in_dim3A_272 = vector.broadcast %squeeze3A_271 : f32 to vector<16xf32>
            %mul3A_273 = arith.constant 16 : i32
            %mul3A_274 = arith.muli %scan3A_123, %mul3A_273 : i32
            %add3A_275 = arith.constant 5 : i32
            %add3A_276 = arith.addi %mul3A_274, %add3A_275 : i32
            %get3A_277 = arith.index_cast %add3A_276 : i32 to index
            %get3A_278 = arith.constant 0 : index
            %get3A_279 = tpu.vector_load %arg16[%get3A_277, %get3A_278] {strides = array<i32>} : memref<128x64xbf16, #tpu.memory_space<vmem>>, vector<32xbf16>,
            %unpack3A_280 = tpu.unpack_subelements %get3A_279, 0 {pack_format = #tpu.pack_format<interleaved>} : vector<32xbf16> -> vector<16xf32>
            %unpack3A_281 = tpu.unpack_subelements %get3A_279, 1 {pack_format = #tpu.pack_format<interleaved>} : vector<32xbf16> -> vector<16xf32>
            %mul3A_282 = arith.mulf %unpack3A_280, %broadcast_in_dim3A_272 : vector<16xf32>
            %mul3A_283 = arith.mulf %unpack3A_281, %broadcast_in_dim3A_272 : vector<16xf32>
            %pack3A_284 = tpu.pack_subelements %mul3A_282, %mul3A_283 {pack_format = #tpu.pack_format<interleaved>, positions = array<i32: 0, 1>} : vector<16xf32>, vector<16xf32> -> vector<32xbf16>
            %swap3A_285 = arith.index_cast %add3A_276 : i32 to index
            %swap3A_286 = arith.constant 0 : index
            %swap3A_287 = tpu.vector_load %arg17[%swap3A_285, %swap3A_286] {strides = array<i32>} : memref<128x64xbf16, #tpu.memory_space<vmem>>, vector<32xbf16>,
            tpu.vector_store %arg17[%swap3A_285, %swap3A_286], %pack3A_284 {strides = array<i32>} : memref<128x64xbf16, #tpu.memory_space<vmem>>, vector<32xbf16>,
            %get3A_288 = arith.index_cast %add3A_276 : i32 to index
            %get3A_289 = arith.constant 32 : index
            %get3A_290 = tpu.vector_load %arg16[%get3A_288, %get3A_289] {strides = array<i32>} : memref<128x64xbf16, #tpu.memory_space<vmem>>, vector<32xbf16>,
            %unpack3A_291 = tpu.unpack_subelements %get3A_290, 0 {pack_format = #tpu.pack_format<interleaved>} : vector<32xbf16> -> vector<16xf32>
            %unpack3A_292 = tpu.unpack_subelements %get3A_290, 1 {pack_format = #tpu.pack_format<interleaved>} : vector<32xbf16> -> vector<16xf32>
            %mul3A_293 = arith.mulf %unpack3A_291, %broadcast_in_dim3A_272 : vector<16xf32>
            %mul3A_294 = arith.mulf %unpack3A_292, %broadcast_in_dim3A_272 : vector<16xf32>
            %pack3A_295 = tpu.pack_subelements %mul3A_293, %mul3A_294 {pack_format = #tpu.pack_format<interleaved>, positions = array<i32: 0, 1>} : vector<16xf32>, vector<16xf32> -> vector<32xbf16>
            %swap3A_296 = arith.index_cast %add3A_276 : i32 to index
            %swap3A_297 = arith.constant 32 : index
            %swap3A_298 = tpu.vector_load %arg17[%swap3A_296, %swap3A_297] {strides = array<i32>} : memref<128x64xbf16, #tpu.memory_space<vmem>>, vector<32xbf16>,
            tpu.vector_store %arg17[%swap3A_296, %swap3A_297], %pack3A_295 {strides = array<i32>} : memref<128x64xbf16, #tpu.memory_space<vmem>>, vector<32xbf16>,
            %slice3A_299 = vector.extract_strided_slice %get3A_130 {offsets = [6], sizes = [1], strides = [1]} : vector<16xf32> to vector<1xf32>
            %squeeze3A_300 = vector.extract %slice3A_299[0] : f32 from vector<1xf32>
            %broadcast_in_dim3A_301 = vector.broadcast %squeeze3A_300 : f32 to vector<16xf32>
            %mul3A_302 = arith.constant 16 : i32
            %mul3A_303 = arith.muli %scan3A_123, %mul3A_302 : i32
            %add3A_304 = arith.constant 6 : i32
            %add3A_305 = arith.addi %mul3A_303, %add3A_304 : i32
            %get3A_306 = arith.index_cast %add3A_305 : i32 to index
            %get3A_307 = arith.constant 0 : index
            %get3A_308 = tpu.vector_load %arg16[%get3A_306, %get3A_307] {strides = array<i32>} : memref<128x64xbf16, #tpu.memory_space<vmem>>, vector<32xbf16>,
            %unpack3A_309 = tpu.unpack_subelements %get3A_308, 0 {pack_format = #tpu.pack_format<interleaved>} : vector<32xbf16> -> vector<16xf32>
            %unpack3A_310 = tpu.unpack_subelements %get3A_308, 1 {pack_format = #tpu.pack_format<interleaved>} : vector<32xbf16> -> vector<16xf32>
            %mul3A_311 = arith.mulf %unpack3A_309, %broadcast_in_dim3A_301 : vector<16xf32>
            %mul3A_312 = arith.mulf %unpack3A_310, %broadcast_in_dim3A_301 : vector<16xf32>
            %pack3A_313 = tpu.pack_subelements %mul3A_311, %mul3A_312 {pack_format = #tpu.pack_format<interleaved>, positions = array<i32: 0, 1>} : vector<16xf32>, vector<16xf32> -> vector<32xbf16>
            %swap3A_314 = arith.index_cast %add3A_305 : i32 to index
            %swap3A_315 = arith.constant 0 : index
            %swap3A_316 = tpu.vector_load %arg17[%swap3A_314, %swap3A_315] {strides = array<i32>} : memref<128x64xbf16, #tpu.memory_space<vmem>>, vector<32xbf16>,
            tpu.vector_store %arg17[%swap3A_314, %swap3A_315], %pack3A_313 {strides = array<i32>} : memref<128x64xbf16, #tpu.memory_space<vmem>>, vector<32xbf16>,
            %get3A_317 = arith.index_cast %add3A_305 : i32 to index
            %get3A_318 = arith.constant 32 : index
            %get3A_319 = tpu.vector_load %arg16[%get3A_317, %get3A_318] {strides = array<i32>} : memref<128x64xbf16, #tpu.memory_space<vmem>>, vector<32xbf16>,
            %unpack3A_320 = tpu.unpack_subelements %get3A_319, 0 {pack_format = #tpu.pack_format<interleaved>} : vector<32xbf16> -> vector<16xf32>
            %unpack3A_321 = tpu.unpack_subelements %get3A_319, 1 {pack_format = #tpu.pack_format<interleaved>} : vector<32xbf16> -> vector<16xf32>
            %mul3A_322 = arith.mulf %unpack3A_320, %broadcast_in_dim3A_301 : vector<16xf32>
            %mul3A_323 = arith.mulf %unpack3A_321, %broadcast_in_dim3A_301 : vector<16xf32>
            %pack3A_324 = tpu.pack_subelements %mul3A_322, %mul3A_323 {pack_format = #tpu.pack_format<interleaved>, positions = array<i32: 0, 1>} : vector<16xf32>, vector<16xf32> -> vector<32xbf16>
            %swap3A_325 = arith.index_cast %add3A_305 : i32 to index
            %swap3A_326 = arith.constant 32 : index
            %swap3A_327 = tpu.vector_load %arg17[%swap3A_325, %swap3A_326] {strides = array<i32>} : memref<128x64xbf16, #tpu.memory_space<vmem>>, vector<32xbf16>,
            tpu.vector_store %arg17[%swap3A_325, %swap3A_326], %pack3A_324 {strides = array<i32>} : memref<128x64xbf16, #tpu.memory_space<vmem>>, vector<32xbf16>,
            %slice3A_328 = vector.extract_strided_slice %get3A_130 {offsets = [7], sizes = [1], strides = [1]} : vector<16xf32> to vector<1xf32>
            %squeeze3A_329 = vector.extract %slice3A_328[0] : f32 from vector<1xf32>
            %broadcast_in_dim3A_330 = vector.broadcast %squeeze3A_329 : f32 to vector<16xf32>
            %mul3A_331 = arith.constant 16 : i32
            %mul3A_332 = arith.muli %scan3A_123, %mul3A_331 : i32
            %add3A_333 = arith.constant 7 : i32
            %add3A_334 = arith.addi %mul3A_332, %add3A_333 : i32
            %get3A_335 = arith.index_cast %add3A_334 : i32 to index
            %get3A_336 = arith.constant 0 : index
            %get3A_337 = tpu.vector_load %arg16[%get3A_335, %get3A_336] {strides = array<i32>} : memref<128x64xbf16, #tpu.memory_space<vmem>>, vector<32xbf16>,
            %unpack3A_338 = tpu.unpack_subelements %get3A_337, 0 {pack_format = #tpu.pack_format<interleaved>} : vector<32xbf16> -> vector<16xf32>
            %unpack3A_339 = tpu.unpack_subelements %get3A_337, 1 {pack_format = #tpu.pack_format<interleaved>} : vector<32xbf16> -> vector<16xf32>
            %mul3A_340 = arith.mulf %unpack3A_338, %broadcast_in_dim3A_330 : vector<16xf32>
            %mul3A_341 = arith.mulf %unpack3A_339, %broadcast_in_dim3A_330 : vector<16xf32>
            %pack3A_342 = tpu.pack_subelements %mul3A_340, %mul3A_341 {pack_format = #tpu.pack_format<interleaved>, positions = array<i32: 0, 1>} : vector<16xf32>, vector<16xf32> -> vector<32xbf16>
            %swap3A_343 = arith.index_cast %add3A_334 : i32 to index
            %swap3A_344 = arith.constant 0 : index
            %swap3A_345 = tpu.vector_load %arg17[%swap3A_343, %swap3A_344] {strides = array<i32>} : memref<128x64xbf16, #tpu.memory_space<vmem>>, vector<32xbf16>,
            tpu.vector_store %arg17[%swap3A_343, %swap3A_344], %pack3A_342 {strides = array<i32>} : memref<128x64xbf16, #tpu.memory_space<vmem>>, vector<32xbf16>,
            %get3A_346 = arith.index_cast %add3A_334 : i32 to index
            %get3A_347 = arith.constant 32 : index
            %get3A_348 = tpu.vector_load %arg16[%get3A_346, %get3A_347] {strides = array<i32>} : memref<128x64xbf16, #tpu.memory_space<vmem>>, vector<32xbf16>,
            %unpack3A_349 = tpu.unpack_subelements %get3A_348, 0 {pack_format = #tpu.pack_format<interleaved>} : vector<32xbf16> -> vector<16xf32>
            %unpack3A_350 = tpu.unpack_subelements %get3A_348, 1 {pack_format = #tpu.pack_format<interleaved>} : vector<32xbf16> -> vector<16xf32>
            %mul3A_351 = arith.mulf %unpack3A_349, %broadcast_in_dim3A_330 : vector<16xf32>
            %mul3A_352 = arith.mulf %unpack3A_350, %broadcast_in_dim3A_330 : vector<16xf32>
            %pack3A_353 = tpu.pack_subelements %mul3A_351, %mul3A_352 {pack_format = #tpu.pack_format<interleaved>, positions = array<i32: 0, 1>} : vector<16xf32>, vector<16xf32> -> vector<32xbf16>
            %swap3A_354 = arith.index_cast %add3A_334 : i32 to index
            %swap3A_355 = arith.constant 32 : index
            %swap3A_356 = tpu.vector_load %arg17[%swap3A_354, %swap3A_355] {strides = array<i32>} : memref<128x64xbf16, #tpu.memory_space<vmem>>, vector<32xbf16>,
            tpu.vector_store %arg17[%swap3A_354, %swap3A_355], %pack3A_353 {strides = array<i32>} : memref<128x64xbf16, #tpu.memory_space<vmem>>, vector<32xbf16>,
            %slice3A_357 = vector.extract_strided_slice %get3A_130 {offsets = [8], sizes = [1], strides = [1]} : vector<16xf32> to vector<1xf32>
            %squeeze3A_358 = vector.extract %slice3A_357[0] : f32 from vector<1xf32>
            %broadcast_in_dim3A_359 = vector.broadcast %squeeze3A_358 : f32 to vector<16xf32>
            %mul3A_360 = arith.constant 16 : i32
            %mul3A_361 = arith.muli %scan3A_123, %mul3A_360 : i32
            %add3A_362 = arith.constant 8 : i32
            %add3A_363 = arith.addi %mul3A_361, %add3A_362 : i32
            %get3A_364 = arith.index_cast %add3A_363 : i32 to index
            %get3A_365 = arith.constant 0 : index
            %get3A_366 = tpu.vector_load %arg16[%get3A_364, %get3A_365] {strides = array<i32>} : memref<128x64xbf16, #tpu.memory_space<vmem>>, vector<32xbf16>,
            %unpack3A_367 = tpu.unpack_subelements %get3A_366, 0 {pack_format = #tpu.pack_format<interleaved>} : vector<32xbf16> -> vector<16xf32>
            %unpack3A_368 = tpu.unpack_subelements %get3A_366, 1 {pack_format = #tpu.pack_format<interleaved>} : vector<32xbf16> -> vector<16xf32>
            %mul3A_369 = arith.mulf %unpack3A_367, %broadcast_in_dim3A_359 : vector<16xf32>
            %mul3A_370 = arith.mulf %unpack3A_368, %broadcast_in_dim3A_359 : vector<16xf32>
            %pack3A_371 = tpu.pack_subelements %mul3A_369, %mul3A_370 {pack_format = #tpu.pack_format<interleaved>, positions = array<i32: 0, 1>} : vector<16xf32>, vector<16xf32> -> vector<32xbf16>
            %swap3A_372 = arith.index_cast %add3A_363 : i32 to index
            %swap3A_373 = arith.constant 0 : index
            %swap3A_374 = tpu.vector_load %arg17[%swap3A_372, %swap3A_373] {strides = array<i32>} : memref<128x64xbf16, #tpu.memory_space<vmem>>, vector<32xbf16>,
            tpu.vector_store %arg17[%swap3A_372, %swap3A_373], %pack3A_371 {strides = array<i32>} : memref<128x64xbf16, #tpu.memory_space<vmem>>, vector<32xbf16>,
            %get3A_375 = arith.index_cast %add3A_363 : i32 to index
            %get3A_376 = arith.constant 32 : index
            %get3A_377 = tpu.vector_load %arg16[%get3A_375, %get3A_376] {strides = array<i32>} : memref<128x64xbf16, #tpu.memory_space<vmem>>, vector<32xbf16>,
            %unpack3A_378 = tpu.unpack_subelements %get3A_377, 0 {pack_format = #tpu.pack_format<interleaved>} : vector<32xbf16> -> vector<16xf32>
            %unpack3A_379 = tpu.unpack_subelements %get3A_377, 1 {pack_format = #tpu.pack_format<interleaved>} : vector<32xbf16> -> vector<16xf32>
            %mul3A_380 = arith.mulf %unpack3A_378, %broadcast_in_dim3A_359 : vector<16xf32>
            %mul3A_381 = arith.mulf %unpack3A_379, %broadcast_in_dim3A_359 : vector<16xf32>
            %pack3A_382 = tpu.pack_subelements %mul3A_380, %mul3A_381 {pack_format = #tpu.pack_format<interleaved>, positions = array<i32: 0, 1>} : vector<16xf32>, vector<16xf32> -> vector<32xbf16>
            %swap3A_383 = arith.index_cast %add3A_363 : i32 to index
            %swap3A_384 = arith.constant 32 : index
            %swap3A_385 = tpu.vector_load %arg17[%swap3A_383, %swap3A_384] {strides = array<i32>} : memref<128x64xbf16, #tpu.memory_space<vmem>>, vector<32xbf16>,
            tpu.vector_store %arg17[%swap3A_383, %swap3A_384], %pack3A_382 {strides = array<i32>} : memref<128x64xbf16, #tpu.memory_space<vmem>>, vector<32xbf16>,
            %slice3A_386 = vector.extract_strided_slice %get3A_130 {offsets = [9], sizes = [1], strides = [1]} : vector<16xf32> to vector<1xf32>
            %squeeze3A_387 = vector.extract %slice3A_386[0] : f32 from vector<1xf32>
            %broadcast_in_dim3A_388 = vector.broadcast %squeeze3A_387 : f32 to vector<16xf32>
            %mul3A_389 = arith.constant 16 : i32
            %mul3A_390 = arith.muli %scan3A_123, %mul3A_389 : i32
            %add3A_391 = arith.constant 9 : i32
            %add3A_392 = arith.addi %mul3A_390, %add3A_391 : i32
            %get3A_393 = arith.index_cast %add3A_392 : i32 to index
            %get3A_394 = arith.constant 0 : index
            %get3A_395 = tpu.vector_load %arg16[%get3A_393, %get3A_394] {strides = array<i32>} : memref<128x64xbf16, #tpu.memory_space<vmem>>, vector<32xbf16>,
            %unpack3A_396 = tpu.unpack_subelements %get3A_395, 0 {pack_format = #tpu.pack_format<interleaved>} : vector<32xbf16> -> vector<16xf32>
            %unpack3A_397 = tpu.unpack_subelements %get3A_395, 1 {pack_format = #tpu.pack_format<interleaved>} : vector<32xbf16> -> vector<16xf32>
            %mul3A_398 = arith.mulf %unpack3A_396, %broadcast_in_dim3A_388 : vector<16xf32>
            %mul3A_399 = arith.mulf %unpack3A_397, %broadcast_in_dim3A_388 : vector<16xf32>
            %pack3A_400 = tpu.pack_subelements %mul3A_398, %mul3A_399 {pack_format = #tpu.pack_format<interleaved>, positions = array<i32: 0, 1>} : vector<16xf32>, vector<16xf32> -> vector<32xbf16>
            %swap3A_401 = arith.index_cast %add3A_392 : i32 to index
            %swap3A_402 = arith.constant 0 : index
            %swap3A_403 = tpu.vector_load %arg17[%swap3A_401, %swap3A_402] {strides = array<i32>} : memref<128x64xbf16, #tpu.memory_space<vmem>>, vector<32xbf16>,
            tpu.vector_store %arg17[%swap3A_401, %swap3A_402], %pack3A_400 {strides = array<i32>} : memref<128x64xbf16, #tpu.memory_space<vmem>>, vector<32xbf16>,
            %get3A_404 = arith.index_cast %add3A_392 : i32 to index
            %get3A_405 = arith.constant 32 : index
            %get3A_406 = tpu.vector_load %arg16[%get3A_404, %get3A_405] {strides = array<i32>} : memref<128x64xbf16, #tpu.memory_space<vmem>>, vector<32xbf16>,
            %unpack3A_407 = tpu.unpack_subelements %get3A_406, 0 {pack_format = #tpu.pack_format<interleaved>} : vector<32xbf16> -> vector<16xf32>
            %unpack3A_408 = tpu.unpack_subelements %get3A_406, 1 {pack_format = #tpu.pack_format<interleaved>} : vector<32xbf16> -> vector<16xf32>
            %mul3A_409 = arith.mulf %unpack3A_407, %broadcast_in_dim3A_388 : vector<16xf32>
            %mul3A_410 = arith.mulf %unpack3A_408, %broadcast_in_dim3A_388 : vector<16xf32>
            %pack3A_411 = tpu.pack_subelements %mul3A_409, %mul3A_410 {pack_format = #tpu.pack_format<interleaved>, positions = array<i32: 0, 1>} : vector<16xf32>, vector<16xf32> -> vector<32xbf16>
            %swap3A_412 = arith.index_cast %add3A_392 : i32 to index
            %swap3A_413 = arith.constant 32 : index
            %swap3A_414 = tpu.vector_load %arg17[%swap3A_412, %swap3A_413] {strides = array<i32>} : memref<128x64xbf16, #tpu.memory_space<vmem>>, vector<32xbf16>,
            tpu.vector_store %arg17[%swap3A_412, %swap3A_413], %pack3A_411 {strides = array<i32>} : memref<128x64xbf16, #tpu.memory_space<vmem>>, vector<32xbf16>,
            %slice3A_415 = vector.extract_strided_slice %get3A_130 {offsets = [10], sizes = [1], strides = [1]} : vector<16xf32> to vector<1xf32>
            %squeeze3A_416 = vector.extract %slice3A_415[0] : f32 from vector<1xf32>
            %broadcast_in_dim3A_417 = vector.broadcast %squeeze3A_416 : f32 to vector<16xf32>
            %mul3A_418 = arith.constant 16 : i32
            %mul3A_419 = arith.muli %scan3A_123, %mul3A_418 : i32
            %add3A_420 = arith.constant 10 : i32
            %add3A_421 = arith.addi %mul3A_419, %add3A_420 : i32
            %get3A_422 = arith.index_cast %add3A_421 : i32 to index
            %get3A_423 = arith.constant 0 : index
            %get3A_424 = tpu.vector_load %arg16[%get3A_422, %get3A_423] {strides = array<i32>} : memref<128x64xbf16, #tpu.memory_space<vmem>>, vector<32xbf16>,
            %unpack3A_425 = tpu.unpack_subelements %get3A_424, 0 {pack_format = #tpu.pack_format<interleaved>} : vector<32xbf16> -> vector<16xf32>
            %unpack3A_426 = tpu.unpack_subelements %get3A_424, 1 {pack_format = #tpu.pack_format<interleaved>} : vector<32xbf16> -> vector<16xf32>
            %mul3A_427 = arith.mulf %unpack3A_425, %broadcast_in_dim3A_417 : vector<16xf32>
            %mul3A_428 = arith.mulf %unpack3A_426, %broadcast_in_dim3A_417 : vector<16xf32>
            %pack3A_429 = tpu.pack_subelements %mul3A_427, %mul3A_428 {pack_format = #tpu.pack_format<interleaved>, positions = array<i32: 0, 1>} : vector<16xf32>, vector<16xf32> -> vector<32xbf16>
            %swap3A_430 = arith.index_cast %add3A_421 : i32 to index
            %swap3A_431 = arith.constant 0 : index
            %swap3A_432 = tpu.vector_load %arg17[%swap3A_430, %swap3A_431] {strides = array<i32>} : memref<128x64xbf16, #tpu.memory_space<vmem>>, vector<32xbf16>,
            tpu.vector_store %arg17[%swap3A_430, %swap3A_431], %pack3A_429 {strides = array<i32>} : memref<128x64xbf16, #tpu.memory_space<vmem>>, vector<32xbf16>,
            %get3A_433 = arith.index_cast %add3A_421 : i32 to index
            %get3A_434 = arith.constant 32 : index
            %get3A_435 = tpu.vector_load %arg16[%get3A_433, %get3A_434] {strides = array<i32>} : memref<128x64xbf16, #tpu.memory_space<vmem>>, vector<32xbf16>,
            %unpack3A_436 = tpu.unpack_subelements %get3A_435, 0 {pack_format = #tpu.pack_format<interleaved>} : vector<32xbf16> -> vector<16xf32>
            %unpack3A_437 = tpu.unpack_subelements %get3A_435, 1 {pack_format = #tpu.pack_format<interleaved>} : vector<32xbf16> -> vector<16xf32>
            %mul3A_438 = arith.mulf %unpack3A_436, %broadcast_in_dim3A_417 : vector<16xf32>
            %mul3A_439 = arith.mulf %unpack3A_437, %broadcast_in_dim3A_417 : vector<16xf32>
            %pack3A_440 = tpu.pack_subelements %mul3A_438, %mul3A_439 {pack_format = #tpu.pack_format<interleaved>, positions = array<i32: 0, 1>} : vector<16xf32>, vector<16xf32> -> vector<32xbf16>
            %swap3A_441 = arith.index_cast %add3A_421 : i32 to index
            %swap3A_442 = arith.constant 32 : index
            %swap3A_443 = tpu.vector_load %arg17[%swap3A_441, %swap3A_442] {strides = array<i32>} : memref<128x64xbf16, #tpu.memory_space<vmem>>, vector<32xbf16>,
            tpu.vector_store %arg17[%swap3A_441, %swap3A_442], %pack3A_440 {strides = array<i32>} : memref<128x64xbf16, #tpu.memory_space<vmem>>, vector<32xbf16>,
            %slice3A_444 = vector.extract_strided_slice %get3A_130 {offsets = [11], sizes = [1], strides = [1]} : vector<16xf32> to vector<1xf32>
            %squeeze3A_445 = vector.extract %slice3A_444[0] : f32 from vector<1xf32>
            %broadcast_in_dim3A_446 = vector.broadcast %squeeze3A_445 : f32 to vector<16xf32>
            %mul3A_447 = arith.constant 16 : i32
            %mul3A_448 = arith.muli %scan3A_123, %mul3A_447 : i32
            %add3A_449 = arith.constant 11 : i32
            %add3A_450 = arith.addi %mul3A_448, %add3A_449 : i32
            %get3A_451 = arith.index_cast %add3A_450 : i32 to index
            %get3A_452 = arith.constant 0 : index
            %get3A_453 = tpu.vector_load %arg16[%get3A_451, %get3A_452] {strides = array<i32>} : memref<128x64xbf16, #tpu.memory_space<vmem>>, vector<32xbf16>,
            %unpack3A_454 = tpu.unpack_subelements %get3A_453, 0 {pack_format = #tpu.pack_format<interleaved>} : vector<32xbf16> -> vector<16xf32>
            %unpack3A_455 = tpu.unpack_subelements %get3A_453, 1 {pack_format = #tpu.pack_format<interleaved>} : vector<32xbf16> -> vector<16xf32>
            %mul3A_456 = arith.mulf %unpack3A_454, %broadcast_in_dim3A_446 : vector<16xf32>
            %mul3A_457 = arith.mulf %unpack3A_455, %broadcast_in_dim3A_446 : vector<16xf32>
            %pack3A_458 = tpu.pack_subelements %mul3A_456, %mul3A_457 {pack_format = #tpu.pack_format<interleaved>, positions = array<i32: 0, 1>} : vector<16xf32>, vector<16xf32> -> vector<32xbf16>
            %swap3A_459 = arith.index_cast %add3A_450 : i32 to index
            %swap3A_460 = arith.constant 0 : index
            %swap3A_461 = tpu.vector_load %arg17[%swap3A_459, %swap3A_460] {strides = array<i32>} : memref<128x64xbf16, #tpu.memory_space<vmem>>, vector<32xbf16>,
            tpu.vector_store %arg17[%swap3A_459, %swap3A_460], %pack3A_458 {strides = array<i32>} : memref<128x64xbf16, #tpu.memory_space<vmem>>, vector<32xbf16>,
            %get3A_462 = arith.index_cast %add3A_450 : i32 to index
            %get3A_463 = arith.constant 32 : index
            %get3A_464 = tpu.vector_load %arg16[%get3A_462, %get3A_463] {strides = array<i32>} : memref<128x64xbf16, #tpu.memory_space<vmem>>, vector<32xbf16>,
            %unpack3A_465 = tpu.unpack_subelements %get3A_464, 0 {pack_format = #tpu.pack_format<interleaved>} : vector<32xbf16> -> vector<16xf32>
            %unpack3A_466 = tpu.unpack_subelements %get3A_464, 1 {pack_format = #tpu.pack_format<interleaved>} : vector<32xbf16> -> vector<16xf32>
            %mul3A_467 = arith.mulf %unpack3A_465, %broadcast_in_dim3A_446 : vector<16xf32>
            %mul3A_468 = arith.mulf %unpack3A_466, %broadcast_in_dim3A_446 : vector<16xf32>
            %pack3A_469 = tpu.pack_subelements %mul3A_467, %mul3A_468 {pack_format = #tpu.pack_format<interleaved>, positions = array<i32: 0, 1>} : vector<16xf32>, vector<16xf32> -> vector<32xbf16>
            %swap3A_470 = arith.index_cast %add3A_450 : i32 to index
            %swap3A_471 = arith.constant 32 : index
            %swap3A_472 = tpu.vector_load %arg17[%swap3A_470, %swap3A_471] {strides = array<i32>} : memref<128x64xbf16, #tpu.memory_space<vmem>>, vector<32xbf16>,
            tpu.vector_store %arg17[%swap3A_470, %swap3A_471], %pack3A_469 {strides = array<i32>} : memref<128x64xbf16, #tpu.memory_space<vmem>>, vector<32xbf16>,
            %slice3A_473 = vector.extract_strided_slice %get3A_130 {offsets = [12], sizes = [1], strides = [1]} : vector<16xf32> to vector<1xf32>
            %squeeze3A_474 = vector.extract %slice3A_473[0] : f32 from vector<1xf32>
            %broadcast_in_dim3A_475 = vector.broadcast %squeeze3A_474 : f32 to vector<16xf32>
            %mul3A_476 = arith.constant 16 : i32
            %mul3A_477 = arith.muli %scan3A_123, %mul3A_476 : i32
            %add3A_478 = arith.constant 12 : i32
            %add3A_479 = arith.addi %mul3A_477, %add3A_478 : i32
            %get3A_480 = arith.index_cast %add3A_479 : i32 to index
            %get3A_481 = arith.constant 0 : index
            %get3A_482 = tpu.vector_load %arg16[%get3A_480, %get3A_481] {strides = array<i32>} : memref<128x64xbf16, #tpu.memory_space<vmem>>, vector<32xbf16>,
            %unpack3A_483 = tpu.unpack_subelements %get3A_482, 0 {pack_format = #tpu.pack_format<interleaved>} : vector<32xbf16> -> vector<16xf32>
            %unpack3A_484 = tpu.unpack_subelements %get3A_482, 1 {pack_format = #tpu.pack_format<interleaved>} : vector<32xbf16> -> vector<16xf32>
            %mul3A_485 = arith.mulf %unpack3A_483, %broadcast_in_dim3A_475 : vector<16xf32>
            %mul3A_486 = arith.mulf %unpack3A_484, %broadcast_in_dim3A_475 : vector<16xf32>
            %pack3A_487 = tpu.pack_subelements %mul3A_485, %mul3A_486 {pack_format = #tpu.pack_format<interleaved>, positions = array<i32: 0, 1>} : vector<16xf32>, vector<16xf32> -> vector<32xbf16>
            %swap3A_488 = arith.index_cast %add3A_479 : i32 to index
            %swap3A_489 = arith.constant 0 : index
            %swap3A_490 = tpu.vector_load %arg17[%swap3A_488, %swap3A_489] {strides = array<i32>} : memref<128x64xbf16, #tpu.memory_space<vmem>>, vector<32xbf16>,
            tpu.vector_store %arg17[%swap3A_488, %swap3A_489], %pack3A_487 {strides = array<i32>} : memref<128x64xbf16, #tpu.memory_space<vmem>>, vector<32xbf16>,
            %get3A_491 = arith.index_cast %add3A_479 : i32 to index
            %get3A_492 = arith.constant 32 : index
            %get3A_493 = tpu.vector_load %arg16[%get3A_491, %get3A_492] {strides = array<i32>} : memref<128x64xbf16, #tpu.memory_space<vmem>>, vector<32xbf16>,
            %unpack3A_494 = tpu.unpack_subelements %get3A_493, 0 {pack_format = #tpu.pack_format<interleaved>} : vector<32xbf16> -> vector<16xf32>
            %unpack3A_495 = tpu.unpack_subelements %get3A_493, 1 {pack_format = #tpu.pack_format<interleaved>} : vector<32xbf16> -> vector<16xf32>
            %mul3A_496 = arith.mulf %unpack3A_494, %broadcast_in_dim3A_475 : vector<16xf32>
            %mul3A_497 = arith.mulf %unpack3A_495, %broadcast_in_dim3A_475 : vector<16xf32>
            %pack3A_498 = tpu.pack_subelements %mul3A_496, %mul3A_497 {pack_format = #tpu.pack_format<interleaved>, positions = array<i32: 0, 1>} : vector<16xf32>, vector<16xf32> -> vector<32xbf16>
            %swap3A_499 = arith.index_cast %add3A_479 : i32 to index
            %swap3A_500 = arith.constant 32 : index
            %swap3A_501 = tpu.vector_load %arg17[%swap3A_499, %swap3A_500] {strides = array<i32>} : memref<128x64xbf16, #tpu.memory_space<vmem>>, vector<32xbf16>,
            tpu.vector_store %arg17[%swap3A_499, %swap3A_500], %pack3A_498 {strides = array<i32>} : memref<128x64xbf16, #tpu.memory_space<vmem>>, vector<32xbf16>,
            %slice3A_502 = vector.extract_strided_slice %get3A_130 {offsets = [13], sizes = [1], strides = [1]} : vector<16xf32> to vector<1xf32>
            %squeeze3A_503 = vector.extract %slice3A_502[0] : f32 from vector<1xf32>
            %broadcast_in_dim3A_504 = vector.broadcast %squeeze3A_503 : f32 to vector<16xf32>
            %mul3A_505 = arith.constant 16 : i32
            %mul3A_506 = arith.muli %scan3A_123, %mul3A_505 : i32
            %add3A_507 = arith.constant 13 : i32
            %add3A_508 = arith.addi %mul3A_506, %add3A_507 : i32
            %get3A_509 = arith.index_cast %add3A_508 : i32 to index
            %get3A_510 = arith.constant 0 : index
            %get3A_511 = tpu.vector_load %arg16[%get3A_509, %get3A_510] {strides = array<i32>} : memref<128x64xbf16, #tpu.memory_space<vmem>>, vector<32xbf16>,
            %unpack3A_512 = tpu.unpack_subelements %get3A_511, 0 {pack_format = #tpu.pack_format<interleaved>} : vector<32xbf16> -> vector<16xf32>
            %unpack3A_513 = tpu.unpack_subelements %get3A_511, 1 {pack_format = #tpu.pack_format<interleaved>} : vector<32xbf16> -> vector<16xf32>
            %mul3A_514 = arith.mulf %unpack3A_512, %broadcast_in_dim3A_504 : vector<16xf32>
            %mul3A_515 = arith.mulf %unpack3A_513, %broadcast_in_dim3A_504 : vector<16xf32>
            %pack3A_516 = tpu.pack_subelements %mul3A_514, %mul3A_515 {pack_format = #tpu.pack_format<interleaved>, positions = array<i32: 0, 1>} : vector<16xf32>, vector<16xf32> -> vector<32xbf16>
            %swap3A_517 = arith.index_cast %add3A_508 : i32 to index
            %swap3A_518 = arith.constant 0 : index
            %swap3A_519 = tpu.vector_load %arg17[%swap3A_517, %swap3A_518] {strides = array<i32>} : memref<128x64xbf16, #tpu.memory_space<vmem>>, vector<32xbf16>,
            tpu.vector_store %arg17[%swap3A_517, %swap3A_518], %pack3A_516 {strides = array<i32>} : memref<128x64xbf16, #tpu.memory_space<vmem>>, vector<32xbf16>,
            %get3A_520 = arith.index_cast %add3A_508 : i32 to index
            %get3A_521 = arith.constant 32 : index
            %get3A_522 = tpu.vector_load %arg16[%get3A_520, %get3A_521] {strides = array<i32>} : memref<128x64xbf16, #tpu.memory_space<vmem>>, vector<32xbf16>,
            %unpack3A_523 = tpu.unpack_subelements %get3A_522, 0 {pack_format = #tpu.pack_format<interleaved>} : vector<32xbf16> -> vector<16xf32>
            %unpack3A_524 = tpu.unpack_subelements %get3A_522, 1 {pack_format = #tpu.pack_format<interleaved>} : vector<32xbf16> -> vector<16xf32>
            %mul3A_525 = arith.mulf %unpack3A_523, %broadcast_in_dim3A_504 : vector<16xf32>
            %mul3A_526 = arith.mulf %unpack3A_524, %broadcast_in_dim3A_504 : vector<16xf32>
            %pack3A_527 = tpu.pack_subelements %mul3A_525, %mul3A_526 {pack_format = #tpu.pack_format<interleaved>, positions = array<i32: 0, 1>} : vector<16xf32>, vector<16xf32> -> vector<32xbf16>
            %swap3A_528 = arith.index_cast %add3A_508 : i32 to index
            %swap3A_529 = arith.constant 32 : index
            %swap3A_530 = tpu.vector_load %arg17[%swap3A_528, %swap3A_529] {strides = array<i32>} : memref<128x64xbf16, #tpu.memory_space<vmem>>, vector<32xbf16>,
            tpu.vector_store %arg17[%swap3A_528, %swap3A_529], %pack3A_527 {strides = array<i32>} : memref<128x64xbf16, #tpu.memory_space<vmem>>, vector<32xbf16>,
            %slice3A_531 = vector.extract_strided_slice %get3A_130 {offsets = [14], sizes = [1], strides = [1]} : vector<16xf32> to vector<1xf32>
            %squeeze3A_532 = vector.extract %slice3A_531[0] : f32 from vector<1xf32>
            %broadcast_in_dim3A_533 = vector.broadcast %squeeze3A_532 : f32 to vector<16xf32>
            %mul3A_534 = arith.constant 16 : i32
            %mul3A_535 = arith.muli %scan3A_123, %mul3A_534 : i32
            %add3A_536 = arith.constant 14 : i32
            %add3A_537 = arith.addi %mul3A_535, %add3A_536 : i32
            %get3A_538 = arith.index_cast %add3A_537 : i32 to index
            %get3A_539 = arith.constant 0 : index
            %get3A_540 = tpu.vector_load %arg16[%get3A_538, %get3A_539] {strides = array<i32>} : memref<128x64xbf16, #tpu.memory_space<vmem>>, vector<32xbf16>,
            %unpack3A_541 = tpu.unpack_subelements %get3A_540, 0 {pack_format = #tpu.pack_format<interleaved>} : vector<32xbf16> -> vector<16xf32>
            %unpack3A_542 = tpu.unpack_subelements %get3A_540, 1 {pack_format = #tpu.pack_format<interleaved>} : vector<32xbf16> -> vector<16xf32>
            %mul3A_543 = arith.mulf %unpack3A_541, %broadcast_in_dim3A_533 : vector<16xf32>
            %mul3A_544 = arith.mulf %unpack3A_542, %broadcast_in_dim3A_533 : vector<16xf32>
            %pack3A_545 = tpu.pack_subelements %mul3A_543, %mul3A_544 {pack_format = #tpu.pack_format<interleaved>, positions = array<i32: 0, 1>} : vector<16xf32>, vector<16xf32> -> vector<32xbf16>
            %swap3A_546 = arith.index_cast %add3A_537 : i32 to index
            %swap3A_547 = arith.constant 0 : index
            %swap3A_548 = tpu.vector_load %arg17[%swap3A_546, %swap3A_547] {strides = array<i32>} : memref<128x64xbf16, #tpu.memory_space<vmem>>, vector<32xbf16>,
            tpu.vector_store %arg17[%swap3A_546, %swap3A_547], %pack3A_545 {strides = array<i32>} : memref<128x64xbf16, #tpu.memory_space<vmem>>, vector<32xbf16>,
            %get3A_549 = arith.index_cast %add3A_537 : i32 to index
            %get3A_550 = arith.constant 32 : index
            %get3A_551 = tpu.vector_load %arg16[%get3A_549, %get3A_550] {strides = array<i32>} : memref<128x64xbf16, #tpu.memory_space<vmem>>, vector<32xbf16>,
            %unpack3A_552 = tpu.unpack_subelements %get3A_551, 0 {pack_format = #tpu.pack_format<interleaved>} : vector<32xbf16> -> vector<16xf32>
            %unpack3A_553 = tpu.unpack_subelements %get3A_551, 1 {pack_format = #tpu.pack_format<interleaved>} : vector<32xbf16> -> vector<16xf32>
            %mul3A_554 = arith.mulf %unpack3A_552, %broadcast_in_dim3A_533 : vector<16xf32>
            %mul3A_555 = arith.mulf %unpack3A_553, %broadcast_in_dim3A_533 : vector<16xf32>
            %pack3A_556 = tpu.pack_subelements %mul3A_554, %mul3A_555 {pack_format = #tpu.pack_format<interleaved>, positions = array<i32: 0, 1>} : vector<16xf32>, vector<16xf32> -> vector<32xbf16>
            %swap3A_557 = arith.index_cast %add3A_537 : i32 to index
            %swap3A_558 = arith.constant 32 : index
            %swap3A_559 = tpu.vector_load %arg17[%swap3A_557, %swap3A_558] {strides = array<i32>} : memref<128x64xbf16, #tpu.memory_space<vmem>>, vector<32xbf16>,
            tpu.vector_store %arg17[%swap3A_557, %swap3A_558], %pack3A_556 {strides = array<i32>} : memref<128x64xbf16, #tpu.memory_space<vmem>>, vector<32xbf16>,
            %slice3A_560 = vector.extract_strided_slice %get3A_130 {offsets = [15], sizes = [1], strides = [1]} : vector<16xf32> to vector<1xf32>
            %squeeze3A_561 = vector.extract %slice3A_560[0] : f32 from vector<1xf32>
            %broadcast_in_dim3A_562 = vector.broadcast %squeeze3A_561 : f32 to vector<16xf32>
            %mul3A_563 = arith.constant 16 : i32
            %mul3A_564 = arith.muli %scan3A_123, %mul3A_563 : i32
            %add3A_565 = arith.constant 15 : i32
            %add3A_566 = arith.addi %mul3A_564, %add3A_565 : i32
            %get3A_567 = arith.index_cast %add3A_566 : i32 to index
            %get3A_568 = arith.constant 0 : index
            %get3A_569 = tpu.vector_load %arg16[%get3A_567, %get3A_568] {strides = array<i32>} : memref<128x64xbf16, #tpu.memory_space<vmem>>, vector<32xbf16>,
            %unpack3A_570 = tpu.unpack_subelements %get3A_569, 0 {pack_format = #tpu.pack_format<interleaved>} : vector<32xbf16> -> vector<16xf32>
            %unpack3A_571 = tpu.unpack_subelements %get3A_569, 1 {pack_format = #tpu.pack_format<interleaved>} : vector<32xbf16> -> vector<16xf32>
            %mul3A_572 = arith.mulf %unpack3A_570, %broadcast_in_dim3A_562 : vector<16xf32>
            %mul3A_573 = arith.mulf %unpack3A_571, %broadcast_in_dim3A_562 : vector<16xf32>
            %pack3A_574 = tpu.pack_subelements %mul3A_572, %mul3A_573 {pack_format = #tpu.pack_format<interleaved>, positions = array<i32: 0, 1>} : vector<16xf32>, vector<16xf32> -> vector<32xbf16>
            %swap3A_575 = arith.index_cast %add3A_566 : i32 to index
            %swap3A_576 = arith.constant 0 : index
            %swap3A_577 = tpu.vector_load %arg17[%swap3A_575, %swap3A_576] {strides = array<i32>} : memref<128x64xbf16, #tpu.memory_space<vmem>>, vector<32xbf16>,
            tpu.vector_store %arg17[%swap3A_575, %swap3A_576], %pack3A_574 {strides = array<i32>} : memref<128x64xbf16, #tpu.memory_space<vmem>>, vector<32xbf16>,
            %get3A_578 = arith.index_cast %add3A_566 : i32 to index
            %get3A_579 = arith.constant 32 : index
            %get3A_580 = tpu.vector_load %arg16[%get3A_578, %get3A_579] {strides = array<i32>} : memref<128x64xbf16, #tpu.memory_space<vmem>>, vector<32xbf16>,
            %unpack3A_581 = tpu.unpack_subelements %get3A_580, 0 {pack_format = #tpu.pack_format<interleaved>} : vector<32xbf16> -> vector<16xf32>
            %unpack3A_582 = tpu.unpack_subelements %get3A_580, 1 {pack_format = #tpu.pack_format<interleaved>} : vector<32xbf16> -> vector<16xf32>
            %mul3A_583 = arith.mulf %unpack3A_581, %broadcast_in_dim3A_562 : vector<16xf32>
            %mul3A_584 = arith.mulf %unpack3A_582, %broadcast_in_dim3A_562 : vector<16xf32>
            %pack3A_585 = tpu.pack_subelements %mul3A_583, %mul3A_584 {pack_format = #tpu.pack_format<interleaved>, positions = array<i32: 0, 1>} : vector<16xf32>, vector<16xf32> -> vector<32xbf16>
            %swap3A_586 = arith.index_cast %add3A_566 : i32 to index
            %swap3A_587 = arith.constant 32 : index
            %swap3A_588 = tpu.vector_load %arg17[%swap3A_586, %swap3A_587] {strides = array<i32>} : memref<128x64xbf16, #tpu.memory_space<vmem>>, vector<32xbf16>,
            tpu.vector_store %arg17[%swap3A_586, %swap3A_587], %pack3A_585 {strides = array<i32>} : memref<128x64xbf16, #tpu.memory_space<vmem>>, vector<32xbf16>,
            %scan3A_589 = arith.constant 0 : i32
            scf.yield %scan3A_589 : i32
          }
          %scan3A_121 = arith.constant 8 : i32
          "tpu.region"() ({
            %run_scoped3A = tpu.sem_alloc : memref<!tpu.dma_semaphore, #tpu.memory_space<semaphore_mem>>
            %dma_start3A_123 = arith.constant 0 : i32
            %dma_start3A_124 = tpu.memref_slice %arg11[%add3A_86, %dma_start3A_123] : memref<162x128xi32, #tpu.memory_space<vmem>> -> memref<1x128xi32, #tpu.memory_space<vmem>>
            %dma_start3A_125 = tpu.memref_squeeze %dma_start3A_124 : memref<1x128xi32, #tpu.memory_space<vmem>> -> memref<128xi32, #tpu.memory_space<vmem>>
            %dma_start3A_126 = arith.constant 0 : i32
            %dma_start3A_127 = arith.constant 0 : i32
            %dma_start3A_128 = tpu.memref_slice %arg19[%dma_start3A_126, %dma_start3A_127] : memref<10048x64xbf16, #tpu.memory_space<vmem_shared>> -> memref<10048x64xbf16, #tpu.memory_space<vmem_shared>>
            tpu.enqueue_indirect_dma source(%arg17 : memref<128x64xbf16, #tpu.memory_space<vmem>>) target(%dma_start3A_128 : memref<10048x64xbf16, #tpu.memory_space<vmem_shared>>) offsets(%dma_start3A_125 : memref<128xi32, #tpu.memory_space<vmem>>) semaphore(%run_scoped3A : memref<!tpu.dma_semaphore, #tpu.memory_space<semaphore_mem>>) {add = true}
            %dma_wait3A_129 = arith.constant 0 : i32
            %dma_wait3A_130 = tpu.memref_slice %arg11[%add3A_86, %dma_wait3A_129] : memref<162x128xi32, #tpu.memory_space<vmem>> -> memref<1x128xi32, #tpu.memory_space<vmem>>
            %dma_wait3A_131 = tpu.memref_squeeze %dma_wait3A_130 : memref<1x128xi32, #tpu.memory_space<vmem>> -> memref<128xi32, #tpu.memory_space<vmem>>
            %dma_wait3A_132 = arith.constant 0 : i32
            %dma_wait3A_133 = arith.constant 0 : i32
            %dma_wait3A_134 = tpu.memref_slice %arg19[%dma_wait3A_132, %dma_wait3A_133] : memref<10048x64xbf16, #tpu.memory_space<vmem_shared>> -> memref<10048x64xbf16, #tpu.memory_space<vmem_shared>>
            tpu.wait_indirect_dma semaphore(%run_scoped3A : memref<!tpu.dma_semaphore, #tpu.memory_space<semaphore_mem>>) src(%arg17 : memref<128x64xbf16, #tpu.memory_space<vmem>>) dst(%dma_wait3A_134 : memref<10048x64xbf16, #tpu.memory_space<vmem_shared>>)
            tpu.yield
          }) : () -> ()
          %scan3A_122 = arith.constant 0 : i32
          scf.yield %scan3A_122 : i32
        }
        %scan3A_80 = arith.constant 81 : i32
      } else {
      }
      %eq3A_52 = arith.constant 1 : i32
      %eq3A_53 = arith.cmpi eq, %arg0, %eq3A_52 : i32
      %convert_element_type3A_54 = arith.extui %eq3A_53 : i1 to i32
      %cond3A_55 = arith.constant 0 : i32
      %cond3A_56 = arith.cmpi ne, %convert_element_type3A_54, %cond3A_55 : i32
      scf.if %cond3A_56 {
        %dma_start3A = arith.constant 0 : i32
        %dma_start3A_70 = tpu.memref_slice %arg10[%dma_start3A] : memref<20736xi32, #tpu.memory_space<vmem>> -> memref<128xi32, #tpu.memory_space<vmem>>
        %dma_start3A_71 = arith.constant 0 : i32
        %dma_start3A_72 = arith.constant 0 : i32
        %dma_start3A_73 = tpu.memref_slice %arg3[%dma_start3A_71, %dma_start3A_72] : memref<40000x64xbf16, #tpu.memory_space<hbm>> -> memref<40000x64xbf16, #tpu.memory_space<hbm>>
        tpu.enqueue_indirect_dma source(%dma_start3A_73 : memref<40000x64xbf16, #tpu.memory_space<hbm>>) target(%arg15 : memref<128x64xbf16, #tpu.memory_space<vmem>>) offsets(%dma_start3A_70 : memref<128xi32, #tpu.memory_space<vmem>>) semaphore(%arg20 : memref<!tpu.dma_semaphore, #tpu.memory_space<semaphore_mem>>)
        %scan3A_74 = arith.constant 0 : i32
        %scan3A_75 = arith.constant 0 : i32
        %scan3A_76 = arith.constant 81 : i32
        %scan3A_77 = arith.addi %scan3A_75, %scan3A_76 : i32
        %scan3A_78 = arith.constant 1 : i32
        %scan3A_79 = scf.for %scan3A_81 = %scan3A_75 to %scan3A_77 step %scan3A_78 iter_args(%scan3A_82 = %scan3A_74) -> (i32)  : i32 {
          %mul3A_83 = arith.constant 2 : i32
          %mul3A_84 = arith.muli %mul3A_83, %scan3A_81 : i32
          %add3A_85 = arith.constant 1 : i32
          %add3A_86 = arith.addi %mul3A_84, %add3A_85 : i32
          %mul3A_87 = arith.constant 128 : i32
          %mul3A_88 = arith.muli %add3A_86, %mul3A_87 : i32
          %dma_start3A_89 = tpu.memref_slice %arg10[%mul3A_88] : memref<20736xi32, #tpu.memory_space<vmem>> -> memref<128xi32, #tpu.memory_space<vmem>>
          %dma_start3A_90 = arith.constant 0 : i32
          %dma_start3A_91 = arith.constant 0 : i32
          %dma_start3A_92 = tpu.memref_slice %arg3[%dma_start3A_90, %dma_start3A_91] : memref<40000x64xbf16, #tpu.memory_space<hbm>> -> memref<40000x64xbf16, #tpu.memory_space<hbm>>
          tpu.enqueue_indirect_dma source(%dma_start3A_92 : memref<40000x64xbf16, #tpu.memory_space<hbm>>) target(%arg16 : memref<128x64xbf16, #tpu.memory_space<vmem>>) offsets(%dma_start3A_89 : memref<128xi32, #tpu.memory_space<vmem>>) semaphore(%arg21 : memref<!tpu.dma_semaphore, #tpu.memory_space<semaphore_mem>>)
          %mul3A_93 = arith.constant 128 : i32
          %mul3A_94 = arith.muli %mul3A_84, %mul3A_93 : i32
          %dma_wait3A = tpu.memref_slice %arg10[%mul3A_94] : memref<20736xi32, #tpu.memory_space<vmem>> -> memref<128xi32, #tpu.memory_space<vmem>>
          %dma_wait3A_95 = arith.constant 0 : i32
          %dma_wait3A_96 = arith.constant 0 : i32
          %dma_wait3A_97 = tpu.memref_slice %arg3[%dma_wait3A_95, %dma_wait3A_96] : memref<40000x64xbf16, #tpu.memory_space<hbm>> -> memref<40000x64xbf16, #tpu.memory_space<hbm>>
          tpu.wait_indirect_dma semaphore(%arg20 : memref<!tpu.dma_semaphore, #tpu.memory_space<semaphore_mem>>) src(%dma_wait3A_97 : memref<40000x64xbf16, #tpu.memory_space<hbm>>) dst(%arg15 : memref<128x64xbf16, #tpu.memory_space<vmem>>)
          %scan3A_98 = arith.constant 0 : i32
          %scan3A_99 = arith.constant 0 : i32
          %scan3A_100 = arith.constant 8 : i32
          %scan3A_101 = arith.addi %scan3A_99, %scan3A_100 : i32
          %scan3A_102 = arith.constant 1 : i32
          %scan3A_103 = scf.for %scan3A_123 = %scan3A_99 to %scan3A_101 step %scan3A_102 iter_args(%scan3A_124 = %scan3A_98) -> (i32)  : i32 {
            %mul3A_125 = arith.constant 128 : i32
            %mul3A_126 = arith.muli %mul3A_84, %mul3A_125 : i32
            %mul3A_127 = arith.constant 16 : i32
            %mul3A_128 = arith.muli %scan3A_123, %mul3A_127 : i32
            %add3A_129 = arith.addi %mul3A_126, %mul3A_128 : i32
            %get3A = arith.index_cast %add3A_129 : i32 to index
            %get3A_130 = tpu.vector_load %arg13[%get3A] {strides = array<i32>} : memref<20736xf32, #tpu.memory_space<vmem>>, vector<16xf32>,
            %slice3A = vector.extract_strided_slice %get3A_130 {offsets = [0], sizes = [1], strides = [1]} : vector<16xf32> to vector<1xf32>
            %squeeze3A = vector.extract %slice3A[0] : f32 from vector<1xf32>
            %broadcast_in_dim3A = vector.broadcast %squeeze3A : f32 to vector<16xf32>
            %mul3A_131 = arith.constant 16 : i32
            %mul3A_132 = arith.muli %scan3A_123, %mul3A_131 : i32
            %add3A_133 = arith.constant 0 : i32
            %add3A_134 = arith.addi %mul3A_132, %add3A_133 : i32
            %get3A_135 = arith.index_cast %add3A_134 : i32 to index
            %get3A_136 = arith.constant 0 : index
            %get3A_137 = tpu.vector_load %arg15[%get3A_135, %get3A_136] {strides = array<i32>} : memref<128x64xbf16, #tpu.memory_space<vmem>>, vector<32xbf16>,
            %unpack3A = tpu.unpack_subelements %get3A_137, 0 {pack_format = #tpu.pack_format<interleaved>} : vector<32xbf16> -> vector<16xf32>
            %unpack3A_138 = tpu.unpack_subelements %get3A_137, 1 {pack_format = #tpu.pack_format<interleaved>} : vector<32xbf16> -> vector<16xf32>
            %mul3A_139 = arith.mulf %unpack3A, %broadcast_in_dim3A : vector<16xf32>
            %mul3A_140 = arith.mulf %unpack3A_138, %broadcast_in_dim3A : vector<16xf32>
            %pack3A = tpu.pack_subelements %mul3A_139, %mul3A_140 {pack_format = #tpu.pack_format<interleaved>, positions = array<i32: 0, 1>} : vector<16xf32>, vector<16xf32> -> vector<32xbf16>
            %swap3A = arith.index_cast %add3A_134 : i32 to index
            %swap3A_141 = arith.constant 0 : index
            %swap3A_142 = tpu.vector_load %arg17[%swap3A, %swap3A_141] {strides = array<i32>} : memref<128x64xbf16, #tpu.memory_space<vmem>>, vector<32xbf16>,
            tpu.vector_store %arg17[%swap3A, %swap3A_141], %pack3A {strides = array<i32>} : memref<128x64xbf16, #tpu.memory_space<vmem>>, vector<32xbf16>,
            %get3A_143 = arith.index_cast %add3A_134 : i32 to index
            %get3A_144 = arith.constant 32 : index
            %get3A_145 = tpu.vector_load %arg15[%get3A_143, %get3A_144] {strides = array<i32>} : memref<128x64xbf16, #tpu.memory_space<vmem>>, vector<32xbf16>,
            %unpack3A_146 = tpu.unpack_subelements %get3A_145, 0 {pack_format = #tpu.pack_format<interleaved>} : vector<32xbf16> -> vector<16xf32>
            %unpack3A_147 = tpu.unpack_subelements %get3A_145, 1 {pack_format = #tpu.pack_format<interleaved>} : vector<32xbf16> -> vector<16xf32>
            %mul3A_148 = arith.mulf %unpack3A_146, %broadcast_in_dim3A : vector<16xf32>
            %mul3A_149 = arith.mulf %unpack3A_147, %broadcast_in_dim3A : vector<16xf32>
            %pack3A_150 = tpu.pack_subelements %mul3A_148, %mul3A_149 {pack_format = #tpu.pack_format<interleaved>, positions = array<i32: 0, 1>} : vector<16xf32>, vector<16xf32> -> vector<32xbf16>
            %swap3A_151 = arith.index_cast %add3A_134 : i32 to index
            %swap3A_152 = arith.constant 32 : index
            %swap3A_153 = tpu.vector_load %arg17[%swap3A_151, %swap3A_152] {strides = array<i32>} : memref<128x64xbf16, #tpu.memory_space<vmem>>, vector<32xbf16>,
            tpu.vector_store %arg17[%swap3A_151, %swap3A_152], %pack3A_150 {strides = array<i32>} : memref<128x64xbf16, #tpu.memory_space<vmem>>, vector<32xbf16>,
            %slice3A_154 = vector.extract_strided_slice %get3A_130 {offsets = [1], sizes = [1], strides = [1]} : vector<16xf32> to vector<1xf32>
            %squeeze3A_155 = vector.extract %slice3A_154[0] : f32 from vector<1xf32>
            %broadcast_in_dim3A_156 = vector.broadcast %squeeze3A_155 : f32 to vector<16xf32>
            %mul3A_157 = arith.constant 16 : i32
            %mul3A_158 = arith.muli %scan3A_123, %mul3A_157 : i32
            %add3A_159 = arith.constant 1 : i32
            %add3A_160 = arith.addi %mul3A_158, %add3A_159 : i32
            %get3A_161 = arith.index_cast %add3A_160 : i32 to index
            %get3A_162 = arith.constant 0 : index
            %get3A_163 = tpu.vector_load %arg15[%get3A_161, %get3A_162] {strides = array<i32>} : memref<128x64xbf16, #tpu.memory_space<vmem>>, vector<32xbf16>,
            %unpack3A_164 = tpu.unpack_subelements %get3A_163, 0 {pack_format = #tpu.pack_format<interleaved>} : vector<32xbf16> -> vector<16xf32>
            %unpack3A_165 = tpu.unpack_subelements %get3A_163, 1 {pack_format = #tpu.pack_format<interleaved>} : vector<32xbf16> -> vector<16xf32>
            %mul3A_166 = arith.mulf %unpack3A_164, %broadcast_in_dim3A_156 : vector<16xf32>
            %mul3A_167 = arith.mulf %unpack3A_165, %broadcast_in_dim3A_156 : vector<16xf32>
            %pack3A_168 = tpu.pack_subelements %mul3A_166, %mul3A_167 {pack_format = #tpu.pack_format<interleaved>, positions = array<i32: 0, 1>} : vector<16xf32>, vector<16xf32> -> vector<32xbf16>
            %swap3A_169 = arith.index_cast %add3A_160 : i32 to index
            %swap3A_170 = arith.constant 0 : index
            %swap3A_171 = tpu.vector_load %arg17[%swap3A_169, %swap3A_170] {strides = array<i32>} : memref<128x64xbf16, #tpu.memory_space<vmem>>, vector<32xbf16>,
            tpu.vector_store %arg17[%swap3A_169, %swap3A_170], %pack3A_168 {strides = array<i32>} : memref<128x64xbf16, #tpu.memory_space<vmem>>, vector<32xbf16>,
            %get3A_172 = arith.index_cast %add3A_160 : i32 to index
            %get3A_173 = arith.constant 32 : index
            %get3A_174 = tpu.vector_load %arg15[%get3A_172, %get3A_173] {strides = array<i32>} : memref<128x64xbf16, #tpu.memory_space<vmem>>, vector<32xbf16>,
            %unpack3A_175 = tpu.unpack_subelements %get3A_174, 0 {pack_format = #tpu.pack_format<interleaved>} : vector<32xbf16> -> vector<16xf32>
            %unpack3A_176 = tpu.unpack_subelements %get3A_174, 1 {pack_format = #tpu.pack_format<interleaved>} : vector<32xbf16> -> vector<16xf32>
            %mul3A_177 = arith.mulf %unpack3A_175, %broadcast_in_dim3A_156 : vector<16xf32>
            %mul3A_178 = arith.mulf %unpack3A_176, %broadcast_in_dim3A_156 : vector<16xf32>
            %pack3A_179 = tpu.pack_subelements %mul3A_177, %mul3A_178 {pack_format = #tpu.pack_format<interleaved>, positions = array<i32: 0, 1>} : vector<16xf32>, vector<16xf32> -> vector<32xbf16>
            %swap3A_180 = arith.index_cast %add3A_160 : i32 to index
            %swap3A_181 = arith.constant 32 : index
            %swap3A_182 = tpu.vector_load %arg17[%swap3A_180, %swap3A_181] {strides = array<i32>} : memref<128x64xbf16, #tpu.memory_space<vmem>>, vector<32xbf16>,
            tpu.vector_store %arg17[%swap3A_180, %swap3A_181], %pack3A_179 {strides = array<i32>} : memref<128x64xbf16, #tpu.memory_space<vmem>>, vector<32xbf16>,
            %slice3A_183 = vector.extract_strided_slice %get3A_130 {offsets = [2], sizes = [1], strides = [1]} : vector<16xf32> to vector<1xf32>
            %squeeze3A_184 = vector.extract %slice3A_183[0] : f32 from vector<1xf32>
            %broadcast_in_dim3A_185 = vector.broadcast %squeeze3A_184 : f32 to vector<16xf32>
            %mul3A_186 = arith.constant 16 : i32
            %mul3A_187 = arith.muli %scan3A_123, %mul3A_186 : i32
            %add3A_188 = arith.constant 2 : i32
            %add3A_189 = arith.addi %mul3A_187, %add3A_188 : i32
            %get3A_190 = arith.index_cast %add3A_189 : i32 to index
            %get3A_191 = arith.constant 0 : index
            %get3A_192 = tpu.vector_load %arg15[%get3A_190, %get3A_191] {strides = array<i32>} : memref<128x64xbf16, #tpu.memory_space<vmem>>, vector<32xbf16>,
            %unpack3A_193 = tpu.unpack_subelements %get3A_192, 0 {pack_format = #tpu.pack_format<interleaved>} : vector<32xbf16> -> vector<16xf32>
            %unpack3A_194 = tpu.unpack_subelements %get3A_192, 1 {pack_format = #tpu.pack_format<interleaved>} : vector<32xbf16> -> vector<16xf32>
            %mul3A_195 = arith.mulf %unpack3A_193, %broadcast_in_dim3A_185 : vector<16xf32>
            %mul3A_196 = arith.mulf %unpack3A_194, %broadcast_in_dim3A_185 : vector<16xf32>
            %pack3A_197 = tpu.pack_subelements %mul3A_195, %mul3A_196 {pack_format = #tpu.pack_format<interleaved>, positions = array<i32: 0, 1>} : vector<16xf32>, vector<16xf32> -> vector<32xbf16>
            %swap3A_198 = arith.index_cast %add3A_189 : i32 to index
            %swap3A_199 = arith.constant 0 : index
            %swap3A_200 = tpu.vector_load %arg17[%swap3A_198, %swap3A_199] {strides = array<i32>} : memref<128x64xbf16, #tpu.memory_space<vmem>>, vector<32xbf16>,
            tpu.vector_store %arg17[%swap3A_198, %swap3A_199], %pack3A_197 {strides = array<i32>} : memref<128x64xbf16, #tpu.memory_space<vmem>>, vector<32xbf16>,
            %get3A_201 = arith.index_cast %add3A_189 : i32 to index
            %get3A_202 = arith.constant 32 : index
            %get3A_203 = tpu.vector_load %arg15[%get3A_201, %get3A_202] {strides = array<i32>} : memref<128x64xbf16, #tpu.memory_space<vmem>>, vector<32xbf16>,
            %unpack3A_204 = tpu.unpack_subelements %get3A_203, 0 {pack_format = #tpu.pack_format<interleaved>} : vector<32xbf16> -> vector<16xf32>
            %unpack3A_205 = tpu.unpack_subelements %get3A_203, 1 {pack_format = #tpu.pack_format<interleaved>} : vector<32xbf16> -> vector<16xf32>
            %mul3A_206 = arith.mulf %unpack3A_204, %broadcast_in_dim3A_185 : vector<16xf32>
            %mul3A_207 = arith.mulf %unpack3A_205, %broadcast_in_dim3A_185 : vector<16xf32>
            %pack3A_208 = tpu.pack_subelements %mul3A_206, %mul3A_207 {pack_format = #tpu.pack_format<interleaved>, positions = array<i32: 0, 1>} : vector<16xf32>, vector<16xf32> -> vector<32xbf16>
            %swap3A_209 = arith.index_cast %add3A_189 : i32 to index
            %swap3A_210 = arith.constant 32 : index
            %swap3A_211 = tpu.vector_load %arg17[%swap3A_209, %swap3A_210] {strides = array<i32>} : memref<128x64xbf16, #tpu.memory_space<vmem>>, vector<32xbf16>,
            tpu.vector_store %arg17[%swap3A_209, %swap3A_210], %pack3A_208 {strides = array<i32>} : memref<128x64xbf16, #tpu.memory_space<vmem>>, vector<32xbf16>,
            %slice3A_212 = vector.extract_strided_slice %get3A_130 {offsets = [3], sizes = [1], strides = [1]} : vector<16xf32> to vector<1xf32>
            %squeeze3A_213 = vector.extract %slice3A_212[0] : f32 from vector<1xf32>
            %broadcast_in_dim3A_214 = vector.broadcast %squeeze3A_213 : f32 to vector<16xf32>
            %mul3A_215 = arith.constant 16 : i32
            %mul3A_216 = arith.muli %scan3A_123, %mul3A_215 : i32
            %add3A_217 = arith.constant 3 : i32
            %add3A_218 = arith.addi %mul3A_216, %add3A_217 : i32
            %get3A_219 = arith.index_cast %add3A_218 : i32 to index
            %get3A_220 = arith.constant 0 : index
            %get3A_221 = tpu.vector_load %arg15[%get3A_219, %get3A_220] {strides = array<i32>} : memref<128x64xbf16, #tpu.memory_space<vmem>>, vector<32xbf16>,
            %unpack3A_222 = tpu.unpack_subelements %get3A_221, 0 {pack_format = #tpu.pack_format<interleaved>} : vector<32xbf16> -> vector<16xf32>
            %unpack3A_223 = tpu.unpack_subelements %get3A_221, 1 {pack_format = #tpu.pack_format<interleaved>} : vector<32xbf16> -> vector<16xf32>
            %mul3A_224 = arith.mulf %unpack3A_222, %broadcast_in_dim3A_214 : vector<16xf32>
            %mul3A_225 = arith.mulf %unpack3A_223, %broadcast_in_dim3A_214 : vector<16xf32>
            %pack3A_226 = tpu.pack_subelements %mul3A_224, %mul3A_225 {pack_format = #tpu.pack_format<interleaved>, positions = array<i32: 0, 1>} : vector<16xf32>, vector<16xf32> -> vector<32xbf16>
            %swap3A_227 = arith.index_cast %add3A_218 : i32 to index
            %swap3A_228 = arith.constant 0 : index
            %swap3A_229 = tpu.vector_load %arg17[%swap3A_227, %swap3A_228] {strides = array<i32>} : memref<128x64xbf16, #tpu.memory_space<vmem>>, vector<32xbf16>,
            tpu.vector_store %arg17[%swap3A_227, %swap3A_228], %pack3A_226 {strides = array<i32>} : memref<128x64xbf16, #tpu.memory_space<vmem>>, vector<32xbf16>,
            %get3A_230 = arith.index_cast %add3A_218 : i32 to index
            %get3A_231 = arith.constant 32 : index
            %get3A_232 = tpu.vector_load %arg15[%get3A_230, %get3A_231] {strides = array<i32>} : memref<128x64xbf16, #tpu.memory_space<vmem>>, vector<32xbf16>,
            %unpack3A_233 = tpu.unpack_subelements %get3A_232, 0 {pack_format = #tpu.pack_format<interleaved>} : vector<32xbf16> -> vector<16xf32>
            %unpack3A_234 = tpu.unpack_subelements %get3A_232, 1 {pack_format = #tpu.pack_format<interleaved>} : vector<32xbf16> -> vector<16xf32>
            %mul3A_235 = arith.mulf %unpack3A_233, %broadcast_in_dim3A_214 : vector<16xf32>
            %mul3A_236 = arith.mulf %unpack3A_234, %broadcast_in_dim3A_214 : vector<16xf32>
            %pack3A_237 = tpu.pack_subelements %mul3A_235, %mul3A_236 {pack_format = #tpu.pack_format<interleaved>, positions = array<i32: 0, 1>} : vector<16xf32>, vector<16xf32> -> vector<32xbf16>
            %swap3A_238 = arith.index_cast %add3A_218 : i32 to index
            %swap3A_239 = arith.constant 32 : index
            %swap3A_240 = tpu.vector_load %arg17[%swap3A_238, %swap3A_239] {strides = array<i32>} : memref<128x64xbf16, #tpu.memory_space<vmem>>, vector<32xbf16>,
            tpu.vector_store %arg17[%swap3A_238, %swap3A_239], %pack3A_237 {strides = array<i32>} : memref<128x64xbf16, #tpu.memory_space<vmem>>, vector<32xbf16>,
            %slice3A_241 = vector.extract_strided_slice %get3A_130 {offsets = [4], sizes = [1], strides = [1]} : vector<16xf32> to vector<1xf32>
            %squeeze3A_242 = vector.extract %slice3A_241[0] : f32 from vector<1xf32>
            %broadcast_in_dim3A_243 = vector.broadcast %squeeze3A_242 : f32 to vector<16xf32>
            %mul3A_244 = arith.constant 16 : i32
            %mul3A_245 = arith.muli %scan3A_123, %mul3A_244 : i32
            %add3A_246 = arith.constant 4 : i32
            %add3A_247 = arith.addi %mul3A_245, %add3A_246 : i32
            %get3A_248 = arith.index_cast %add3A_247 : i32 to index
            %get3A_249 = arith.constant 0 : index
            %get3A_250 = tpu.vector_load %arg15[%get3A_248, %get3A_249] {strides = array<i32>} : memref<128x64xbf16, #tpu.memory_space<vmem>>, vector<32xbf16>,
            %unpack3A_251 = tpu.unpack_subelements %get3A_250, 0 {pack_format = #tpu.pack_format<interleaved>} : vector<32xbf16> -> vector<16xf32>
            %unpack3A_252 = tpu.unpack_subelements %get3A_250, 1 {pack_format = #tpu.pack_format<interleaved>} : vector<32xbf16> -> vector<16xf32>
            %mul3A_253 = arith.mulf %unpack3A_251, %broadcast_in_dim3A_243 : vector<16xf32>
            %mul3A_254 = arith.mulf %unpack3A_252, %broadcast_in_dim3A_243 : vector<16xf32>
            %pack3A_255 = tpu.pack_subelements %mul3A_253, %mul3A_254 {pack_format = #tpu.pack_format<interleaved>, positions = array<i32: 0, 1>} : vector<16xf32>, vector<16xf32> -> vector<32xbf16>
            %swap3A_256 = arith.index_cast %add3A_247 : i32 to index
            %swap3A_257 = arith.constant 0 : index
            %swap3A_258 = tpu.vector_load %arg17[%swap3A_256, %swap3A_257] {strides = array<i32>} : memref<128x64xbf16, #tpu.memory_space<vmem>>, vector<32xbf16>,
            tpu.vector_store %arg17[%swap3A_256, %swap3A_257], %pack3A_255 {strides = array<i32>} : memref<128x64xbf16, #tpu.memory_space<vmem>>, vector<32xbf16>,
            %get3A_259 = arith.index_cast %add3A_247 : i32 to index
            %get3A_260 = arith.constant 32 : index
            %get3A_261 = tpu.vector_load %arg15[%get3A_259, %get3A_260] {strides = array<i32>} : memref<128x64xbf16, #tpu.memory_space<vmem>>, vector<32xbf16>,
            %unpack3A_262 = tpu.unpack_subelements %get3A_261, 0 {pack_format = #tpu.pack_format<interleaved>} : vector<32xbf16> -> vector<16xf32>
            %unpack3A_263 = tpu.unpack_subelements %get3A_261, 1 {pack_format = #tpu.pack_format<interleaved>} : vector<32xbf16> -> vector<16xf32>
            %mul3A_264 = arith.mulf %unpack3A_262, %broadcast_in_dim3A_243 : vector<16xf32>
            %mul3A_265 = arith.mulf %unpack3A_263, %broadcast_in_dim3A_243 : vector<16xf32>
            %pack3A_266 = tpu.pack_subelements %mul3A_264, %mul3A_265 {pack_format = #tpu.pack_format<interleaved>, positions = array<i32: 0, 1>} : vector<16xf32>, vector<16xf32> -> vector<32xbf16>
            %swap3A_267 = arith.index_cast %add3A_247 : i32 to index
            %swap3A_268 = arith.constant 32 : index
            %swap3A_269 = tpu.vector_load %arg17[%swap3A_267, %swap3A_268] {strides = array<i32>} : memref<128x64xbf16, #tpu.memory_space<vmem>>, vector<32xbf16>,
            tpu.vector_store %arg17[%swap3A_267, %swap3A_268], %pack3A_266 {strides = array<i32>} : memref<128x64xbf16, #tpu.memory_space<vmem>>, vector<32xbf16>,
            %slice3A_270 = vector.extract_strided_slice %get3A_130 {offsets = [5], sizes = [1], strides = [1]} : vector<16xf32> to vector<1xf32>
            %squeeze3A_271 = vector.extract %slice3A_270[0] : f32 from vector<1xf32>
            %broadcast_in_dim3A_272 = vector.broadcast %squeeze3A_271 : f32 to vector<16xf32>
            %mul3A_273 = arith.constant 16 : i32
            %mul3A_274 = arith.muli %scan3A_123, %mul3A_273 : i32
            %add3A_275 = arith.constant 5 : i32
            %add3A_276 = arith.addi %mul3A_274, %add3A_275 : i32
            %get3A_277 = arith.index_cast %add3A_276 : i32 to index
            %get3A_278 = arith.constant 0 : index
            %get3A_279 = tpu.vector_load %arg15[%get3A_277, %get3A_278] {strides = array<i32>} : memref<128x64xbf16, #tpu.memory_space<vmem>>, vector<32xbf16>,
            %unpack3A_280 = tpu.unpack_subelements %get3A_279, 0 {pack_format = #tpu.pack_format<interleaved>} : vector<32xbf16> -> vector<16xf32>
            %unpack3A_281 = tpu.unpack_subelements %get3A_279, 1 {pack_format = #tpu.pack_format<interleaved>} : vector<32xbf16> -> vector<16xf32>
            %mul3A_282 = arith.mulf %unpack3A_280, %broadcast_in_dim3A_272 : vector<16xf32>
            %mul3A_283 = arith.mulf %unpack3A_281, %broadcast_in_dim3A_272 : vector<16xf32>
            %pack3A_284 = tpu.pack_subelements %mul3A_282, %mul3A_283 {pack_format = #tpu.pack_format<interleaved>, positions = array<i32: 0, 1>} : vector<16xf32>, vector<16xf32> -> vector<32xbf16>
            %swap3A_285 = arith.index_cast %add3A_276 : i32 to index
            %swap3A_286 = arith.constant 0 : index
            %swap3A_287 = tpu.vector_load %arg17[%swap3A_285, %swap3A_286] {strides = array<i32>} : memref<128x64xbf16, #tpu.memory_space<vmem>>, vector<32xbf16>,
            tpu.vector_store %arg17[%swap3A_285, %swap3A_286], %pack3A_284 {strides = array<i32>} : memref<128x64xbf16, #tpu.memory_space<vmem>>, vector<32xbf16>,
            %get3A_288 = arith.index_cast %add3A_276 : i32 to index
            %get3A_289 = arith.constant 32 : index
            %get3A_290 = tpu.vector_load %arg15[%get3A_288, %get3A_289] {strides = array<i32>} : memref<128x64xbf16, #tpu.memory_space<vmem>>, vector<32xbf16>,
            %unpack3A_291 = tpu.unpack_subelements %get3A_290, 0 {pack_format = #tpu.pack_format<interleaved>} : vector<32xbf16> -> vector<16xf32>
            %unpack3A_292 = tpu.unpack_subelements %get3A_290, 1 {pack_format = #tpu.pack_format<interleaved>} : vector<32xbf16> -> vector<16xf32>
            %mul3A_293 = arith.mulf %unpack3A_291, %broadcast_in_dim3A_272 : vector<16xf32>
            %mul3A_294 = arith.mulf %unpack3A_292, %broadcast_in_dim3A_272 : vector<16xf32>
            %pack3A_295 = tpu.pack_subelements %mul3A_293, %mul3A_294 {pack_format = #tpu.pack_format<interleaved>, positions = array<i32: 0, 1>} : vector<16xf32>, vector<16xf32> -> vector<32xbf16>
            %swap3A_296 = arith.index_cast %add3A_276 : i32 to index
            %swap3A_297 = arith.constant 32 : index
            %swap3A_298 = tpu.vector_load %arg17[%swap3A_296, %swap3A_297] {strides = array<i32>} : memref<128x64xbf16, #tpu.memory_space<vmem>>, vector<32xbf16>,
            tpu.vector_store %arg17[%swap3A_296, %swap3A_297], %pack3A_295 {strides = array<i32>} : memref<128x64xbf16, #tpu.memory_space<vmem>>, vector<32xbf16>,
            %slice3A_299 = vector.extract_strided_slice %get3A_130 {offsets = [6], sizes = [1], strides = [1]} : vector<16xf32> to vector<1xf32>
            %squeeze3A_300 = vector.extract %slice3A_299[0] : f32 from vector<1xf32>
            %broadcast_in_dim3A_301 = vector.broadcast %squeeze3A_300 : f32 to vector<16xf32>
            %mul3A_302 = arith.constant 16 : i32
            %mul3A_303 = arith.muli %scan3A_123, %mul3A_302 : i32
            %add3A_304 = arith.constant 6 : i32
            %add3A_305 = arith.addi %mul3A_303, %add3A_304 : i32
            %get3A_306 = arith.index_cast %add3A_305 : i32 to index
            %get3A_307 = arith.constant 0 : index
            %get3A_308 = tpu.vector_load %arg15[%get3A_306, %get3A_307] {strides = array<i32>} : memref<128x64xbf16, #tpu.memory_space<vmem>>, vector<32xbf16>,
            %unpack3A_309 = tpu.unpack_subelements %get3A_308, 0 {pack_format = #tpu.pack_format<interleaved>} : vector<32xbf16> -> vector<16xf32>
            %unpack3A_310 = tpu.unpack_subelements %get3A_308, 1 {pack_format = #tpu.pack_format<interleaved>} : vector<32xbf16> -> vector<16xf32>
            %mul3A_311 = arith.mulf %unpack3A_309, %broadcast_in_dim3A_301 : vector<16xf32>
            %mul3A_312 = arith.mulf %unpack3A_310, %broadcast_in_dim3A_301 : vector<16xf32>
            %pack3A_313 = tpu.pack_subelements %mul3A_311, %mul3A_312 {pack_format = #tpu.pack_format<interleaved>, positions = array<i32: 0, 1>} : vector<16xf32>, vector<16xf32> -> vector<32xbf16>
            %swap3A_314 = arith.index_cast %add3A_305 : i32 to index
            %swap3A_315 = arith.constant 0 : index
            %swap3A_316 = tpu.vector_load %arg17[%swap3A_314, %swap3A_315] {strides = array<i32>} : memref<128x64xbf16, #tpu.memory_space<vmem>>, vector<32xbf16>,
            tpu.vector_store %arg17[%swap3A_314, %swap3A_315], %pack3A_313 {strides = array<i32>} : memref<128x64xbf16, #tpu.memory_space<vmem>>, vector<32xbf16>,
            %get3A_317 = arith.index_cast %add3A_305 : i32 to index
            %get3A_318 = arith.constant 32 : index
            %get3A_319 = tpu.vector_load %arg15[%get3A_317, %get3A_318] {strides = array<i32>} : memref<128x64xbf16, #tpu.memory_space<vmem>>, vector<32xbf16>,
            %unpack3A_320 = tpu.unpack_subelements %get3A_319, 0 {pack_format = #tpu.pack_format<interleaved>} : vector<32xbf16> -> vector<16xf32>
            %unpack3A_321 = tpu.unpack_subelements %get3A_319, 1 {pack_format = #tpu.pack_format<interleaved>} : vector<32xbf16> -> vector<16xf32>
            %mul3A_322 = arith.mulf %unpack3A_320, %broadcast_in_dim3A_301 : vector<16xf32>
            %mul3A_323 = arith.mulf %unpack3A_321, %broadcast_in_dim3A_301 : vector<16xf32>
            %pack3A_324 = tpu.pack_subelements %mul3A_322, %mul3A_323 {pack_format = #tpu.pack_format<interleaved>, positions = array<i32: 0, 1>} : vector<16xf32>, vector<16xf32> -> vector<32xbf16>
            %swap3A_325 = arith.index_cast %add3A_305 : i32 to index
            %swap3A_326 = arith.constant 32 : index
            %swap3A_327 = tpu.vector_load %arg17[%swap3A_325, %swap3A_326] {strides = array<i32>} : memref<128x64xbf16, #tpu.memory_space<vmem>>, vector<32xbf16>,
            tpu.vector_store %arg17[%swap3A_325, %swap3A_326], %pack3A_324 {strides = array<i32>} : memref<128x64xbf16, #tpu.memory_space<vmem>>, vector<32xbf16>,
            %slice3A_328 = vector.extract_strided_slice %get3A_130 {offsets = [7], sizes = [1], strides = [1]} : vector<16xf32> to vector<1xf32>
            %squeeze3A_329 = vector.extract %slice3A_328[0] : f32 from vector<1xf32>
            %broadcast_in_dim3A_330 = vector.broadcast %squeeze3A_329 : f32 to vector<16xf32>
            %mul3A_331 = arith.constant 16 : i32
            %mul3A_332 = arith.muli %scan3A_123, %mul3A_331 : i32
            %add3A_333 = arith.constant 7 : i32
            %add3A_334 = arith.addi %mul3A_332, %add3A_333 : i32
            %get3A_335 = arith.index_cast %add3A_334 : i32 to index
            %get3A_336 = arith.constant 0 : index
            %get3A_337 = tpu.vector_load %arg15[%get3A_335, %get3A_336] {strides = array<i32>} : memref<128x64xbf16, #tpu.memory_space<vmem>>, vector<32xbf16>,
            %unpack3A_338 = tpu.unpack_subelements %get3A_337, 0 {pack_format = #tpu.pack_format<interleaved>} : vector<32xbf16> -> vector<16xf32>
            %unpack3A_339 = tpu.unpack_subelements %get3A_337, 1 {pack_format = #tpu.pack_format<interleaved>} : vector<32xbf16> -> vector<16xf32>
            %mul3A_340 = arith.mulf %unpack3A_338, %broadcast_in_dim3A_330 : vector<16xf32>
            %mul3A_341 = arith.mulf %unpack3A_339, %broadcast_in_dim3A_330 : vector<16xf32>
            %pack3A_342 = tpu.pack_subelements %mul3A_340, %mul3A_341 {pack_format = #tpu.pack_format<interleaved>, positions = array<i32: 0, 1>} : vector<16xf32>, vector<16xf32> -> vector<32xbf16>
            %swap3A_343 = arith.index_cast %add3A_334 : i32 to index
            %swap3A_344 = arith.constant 0 : index
            %swap3A_345 = tpu.vector_load %arg17[%swap3A_343, %swap3A_344] {strides = array<i32>} : memref<128x64xbf16, #tpu.memory_space<vmem>>, vector<32xbf16>,
            tpu.vector_store %arg17[%swap3A_343, %swap3A_344], %pack3A_342 {strides = array<i32>} : memref<128x64xbf16, #tpu.memory_space<vmem>>, vector<32xbf16>,
            %get3A_346 = arith.index_cast %add3A_334 : i32 to index
            %get3A_347 = arith.constant 32 : index
            %get3A_348 = tpu.vector_load %arg15[%get3A_346, %get3A_347] {strides = array<i32>} : memref<128x64xbf16, #tpu.memory_space<vmem>>, vector<32xbf16>,
            %unpack3A_349 = tpu.unpack_subelements %get3A_348, 0 {pack_format = #tpu.pack_format<interleaved>} : vector<32xbf16> -> vector<16xf32>
            %unpack3A_350 = tpu.unpack_subelements %get3A_348, 1 {pack_format = #tpu.pack_format<interleaved>} : vector<32xbf16> -> vector<16xf32>
            %mul3A_351 = arith.mulf %unpack3A_349, %broadcast_in_dim3A_330 : vector<16xf32>
            %mul3A_352 = arith.mulf %unpack3A_350, %broadcast_in_dim3A_330 : vector<16xf32>
            %pack3A_353 = tpu.pack_subelements %mul3A_351, %mul3A_352 {pack_format = #tpu.pack_format<interleaved>, positions = array<i32: 0, 1>} : vector<16xf32>, vector<16xf32> -> vector<32xbf16>
            %swap3A_354 = arith.index_cast %add3A_334 : i32 to index
            %swap3A_355 = arith.constant 32 : index
            %swap3A_356 = tpu.vector_load %arg17[%swap3A_354, %swap3A_355] {strides = array<i32>} : memref<128x64xbf16, #tpu.memory_space<vmem>>, vector<32xbf16>,
            tpu.vector_store %arg17[%swap3A_354, %swap3A_355], %pack3A_353 {strides = array<i32>} : memref<128x64xbf16, #tpu.memory_space<vmem>>, vector<32xbf16>,
            %slice3A_357 = vector.extract_strided_slice %get3A_130 {offsets = [8], sizes = [1], strides = [1]} : vector<16xf32> to vector<1xf32>
            %squeeze3A_358 = vector.extract %slice3A_357[0] : f32 from vector<1xf32>
            %broadcast_in_dim3A_359 = vector.broadcast %squeeze3A_358 : f32 to vector<16xf32>
            %mul3A_360 = arith.constant 16 : i32
            %mul3A_361 = arith.muli %scan3A_123, %mul3A_360 : i32
            %add3A_362 = arith.constant 8 : i32
            %add3A_363 = arith.addi %mul3A_361, %add3A_362 : i32
            %get3A_364 = arith.index_cast %add3A_363 : i32 to index
            %get3A_365 = arith.constant 0 : index
            %get3A_366 = tpu.vector_load %arg15[%get3A_364, %get3A_365] {strides = array<i32>} : memref<128x64xbf16, #tpu.memory_space<vmem>>, vector<32xbf16>,
            %unpack3A_367 = tpu.unpack_subelements %get3A_366, 0 {pack_format = #tpu.pack_format<interleaved>} : vector<32xbf16> -> vector<16xf32>
            %unpack3A_368 = tpu.unpack_subelements %get3A_366, 1 {pack_format = #tpu.pack_format<interleaved>} : vector<32xbf16> -> vector<16xf32>
            %mul3A_369 = arith.mulf %unpack3A_367, %broadcast_in_dim3A_359 : vector<16xf32>
            %mul3A_370 = arith.mulf %unpack3A_368, %broadcast_in_dim3A_359 : vector<16xf32>
            %pack3A_371 = tpu.pack_subelements %mul3A_369, %mul3A_370 {pack_format = #tpu.pack_format<interleaved>, positions = array<i32: 0, 1>} : vector<16xf32>, vector<16xf32> -> vector<32xbf16>
            %swap3A_372 = arith.index_cast %add3A_363 : i32 to index
            %swap3A_373 = arith.constant 0 : index
            %swap3A_374 = tpu.vector_load %arg17[%swap3A_372, %swap3A_373] {strides = array<i32>} : memref<128x64xbf16, #tpu.memory_space<vmem>>, vector<32xbf16>,
            tpu.vector_store %arg17[%swap3A_372, %swap3A_373], %pack3A_371 {strides = array<i32>} : memref<128x64xbf16, #tpu.memory_space<vmem>>, vector<32xbf16>,
            %get3A_375 = arith.index_cast %add3A_363 : i32 to index
            %get3A_376 = arith.constant 32 : index
            %get3A_377 = tpu.vector_load %arg15[%get3A_375, %get3A_376] {strides = array<i32>} : memref<128x64xbf16, #tpu.memory_space<vmem>>, vector<32xbf16>,
            %unpack3A_378 = tpu.unpack_subelements %get3A_377, 0 {pack_format = #tpu.pack_format<interleaved>} : vector<32xbf16> -> vector<16xf32>
            %unpack3A_379 = tpu.unpack_subelements %get3A_377, 1 {pack_format = #tpu.pack_format<interleaved>} : vector<32xbf16> -> vector<16xf32>
            %mul3A_380 = arith.mulf %unpack3A_378, %broadcast_in_dim3A_359 : vector<16xf32>
            %mul3A_381 = arith.mulf %unpack3A_379, %broadcast_in_dim3A_359 : vector<16xf32>
            %pack3A_382 = tpu.pack_subelements %mul3A_380, %mul3A_381 {pack_format = #tpu.pack_format<interleaved>, positions = array<i32: 0, 1>} : vector<16xf32>, vector<16xf32> -> vector<32xbf16>
            %swap3A_383 = arith.index_cast %add3A_363 : i32 to index
            %swap3A_384 = arith.constant 32 : index
            %swap3A_385 = tpu.vector_load %arg17[%swap3A_383, %swap3A_384] {strides = array<i32>} : memref<128x64xbf16, #tpu.memory_space<vmem>>, vector<32xbf16>,
            tpu.vector_store %arg17[%swap3A_383, %swap3A_384], %pack3A_382 {strides = array<i32>} : memref<128x64xbf16, #tpu.memory_space<vmem>>, vector<32xbf16>,
            %slice3A_386 = vector.extract_strided_slice %get3A_130 {offsets = [9], sizes = [1], strides = [1]} : vector<16xf32> to vector<1xf32>
            %squeeze3A_387 = vector.extract %slice3A_386[0] : f32 from vector<1xf32>
            %broadcast_in_dim3A_388 = vector.broadcast %squeeze3A_387 : f32 to vector<16xf32>
            %mul3A_389 = arith.constant 16 : i32
            %mul3A_390 = arith.muli %scan3A_123, %mul3A_389 : i32
            %add3A_391 = arith.constant 9 : i32
            %add3A_392 = arith.addi %mul3A_390, %add3A_391 : i32
            %get3A_393 = arith.index_cast %add3A_392 : i32 to index
            %get3A_394 = arith.constant 0 : index
            %get3A_395 = tpu.vector_load %arg15[%get3A_393, %get3A_394] {strides = array<i32>} : memref<128x64xbf16, #tpu.memory_space<vmem>>, vector<32xbf16>,
            %unpack3A_396 = tpu.unpack_subelements %get3A_395, 0 {pack_format = #tpu.pack_format<interleaved>} : vector<32xbf16> -> vector<16xf32>
            %unpack3A_397 = tpu.unpack_subelements %get3A_395, 1 {pack_format = #tpu.pack_format<interleaved>} : vector<32xbf16> -> vector<16xf32>
            %mul3A_398 = arith.mulf %unpack3A_396, %broadcast_in_dim3A_388 : vector<16xf32>
            %mul3A_399 = arith.mulf %unpack3A_397, %broadcast_in_dim3A_388 : vector<16xf32>
            %pack3A_400 = tpu.pack_subelements %mul3A_398, %mul3A_399 {pack_format = #tpu.pack_format<interleaved>, positions = array<i32: 0, 1>} : vector<16xf32>, vector<16xf32> -> vector<32xbf16>
            %swap3A_401 = arith.index_cast %add3A_392 : i32 to index
            %swap3A_402 = arith.constant 0 : index
            %swap3A_403 = tpu.vector_load %arg17[%swap3A_401, %swap3A_402] {strides = array<i32>} : memref<128x64xbf16, #tpu.memory_space<vmem>>, vector<32xbf16>,
            tpu.vector_store %arg17[%swap3A_401, %swap3A_402], %pack3A_400 {strides = array<i32>} : memref<128x64xbf16, #tpu.memory_space<vmem>>, vector<32xbf16>,
            %get3A_404 = arith.index_cast %add3A_392 : i32 to index
            %get3A_405 = arith.constant 32 : index
            %get3A_406 = tpu.vector_load %arg15[%get3A_404, %get3A_405] {strides = array<i32>} : memref<128x64xbf16, #tpu.memory_space<vmem>>, vector<32xbf16>,
            %unpack3A_407 = tpu.unpack_subelements %get3A_406, 0 {pack_format = #tpu.pack_format<interleaved>} : vector<32xbf16> -> vector<16xf32>
            %unpack3A_408 = tpu.unpack_subelements %get3A_406, 1 {pack_format = #tpu.pack_format<interleaved>} : vector<32xbf16> -> vector<16xf32>
            %mul3A_409 = arith.mulf %unpack3A_407, %broadcast_in_dim3A_388 : vector<16xf32>
            %mul3A_410 = arith.mulf %unpack3A_408, %broadcast_in_dim3A_388 : vector<16xf32>
            %pack3A_411 = tpu.pack_subelements %mul3A_409, %mul3A_410 {pack_format = #tpu.pack_format<interleaved>, positions = array<i32: 0, 1>} : vector<16xf32>, vector<16xf32> -> vector<32xbf16>
            %swap3A_412 = arith.index_cast %add3A_392 : i32 to index
            %swap3A_413 = arith.constant 32 : index
            %swap3A_414 = tpu.vector_load %arg17[%swap3A_412, %swap3A_413] {strides = array<i32>} : memref<128x64xbf16, #tpu.memory_space<vmem>>, vector<32xbf16>,
            tpu.vector_store %arg17[%swap3A_412, %swap3A_413], %pack3A_411 {strides = array<i32>} : memref<128x64xbf16, #tpu.memory_space<vmem>>, vector<32xbf16>,
            %slice3A_415 = vector.extract_strided_slice %get3A_130 {offsets = [10], sizes = [1], strides = [1]} : vector<16xf32> to vector<1xf32>
            %squeeze3A_416 = vector.extract %slice3A_415[0] : f32 from vector<1xf32>
            %broadcast_in_dim3A_417 = vector.broadcast %squeeze3A_416 : f32 to vector<16xf32>
            %mul3A_418 = arith.constant 16 : i32
            %mul3A_419 = arith.muli %scan3A_123, %mul3A_418 : i32
            %add3A_420 = arith.constant 10 : i32
            %add3A_421 = arith.addi %mul3A_419, %add3A_420 : i32
            %get3A_422 = arith.index_cast %add3A_421 : i32 to index
            %get3A_423 = arith.constant 0 : index
            %get3A_424 = tpu.vector_load %arg15[%get3A_422, %get3A_423] {strides = array<i32>} : memref<128x64xbf16, #tpu.memory_space<vmem>>, vector<32xbf16>,
            %unpack3A_425 = tpu.unpack_subelements %get3A_424, 0 {pack_format = #tpu.pack_format<interleaved>} : vector<32xbf16> -> vector<16xf32>
            %unpack3A_426 = tpu.unpack_subelements %get3A_424, 1 {pack_format = #tpu.pack_format<interleaved>} : vector<32xbf16> -> vector<16xf32>
            %mul3A_427 = arith.mulf %unpack3A_425, %broadcast_in_dim3A_417 : vector<16xf32>
            %mul3A_428 = arith.mulf %unpack3A_426, %broadcast_in_dim3A_417 : vector<16xf32>
            %pack3A_429 = tpu.pack_subelements %mul3A_427, %mul3A_428 {pack_format = #tpu.pack_format<interleaved>, positions = array<i32: 0, 1>} : vector<16xf32>, vector<16xf32> -> vector<32xbf16>
            %swap3A_430 = arith.index_cast %add3A_421 : i32 to index
            %swap3A_431 = arith.constant 0 : index
            %swap3A_432 = tpu.vector_load %arg17[%swap3A_430, %swap3A_431] {strides = array<i32>} : memref<128x64xbf16, #tpu.memory_space<vmem>>, vector<32xbf16>,
            tpu.vector_store %arg17[%swap3A_430, %swap3A_431], %pack3A_429 {strides = array<i32>} : memref<128x64xbf16, #tpu.memory_space<vmem>>, vector<32xbf16>,
            %get3A_433 = arith.index_cast %add3A_421 : i32 to index
            %get3A_434 = arith.constant 32 : index
            %get3A_435 = tpu.vector_load %arg15[%get3A_433, %get3A_434] {strides = array<i32>} : memref<128x64xbf16, #tpu.memory_space<vmem>>, vector<32xbf16>,
            %unpack3A_436 = tpu.unpack_subelements %get3A_435, 0 {pack_format = #tpu.pack_format<interleaved>} : vector<32xbf16> -> vector<16xf32>
            %unpack3A_437 = tpu.unpack_subelements %get3A_435, 1 {pack_format = #tpu.pack_format<interleaved>} : vector<32xbf16> -> vector<16xf32>
            %mul3A_438 = arith.mulf %unpack3A_436, %broadcast_in_dim3A_417 : vector<16xf32>
            %mul3A_439 = arith.mulf %unpack3A_437, %broadcast_in_dim3A_417 : vector<16xf32>
            %pack3A_440 = tpu.pack_subelements %mul3A_438, %mul3A_439 {pack_format = #tpu.pack_format<interleaved>, positions = array<i32: 0, 1>} : vector<16xf32>, vector<16xf32> -> vector<32xbf16>
            %swap3A_441 = arith.index_cast %add3A_421 : i32 to index
            %swap3A_442 = arith.constant 32 : index
            %swap3A_443 = tpu.vector_load %arg17[%swap3A_441, %swap3A_442] {strides = array<i32>} : memref<128x64xbf16, #tpu.memory_space<vmem>>, vector<32xbf16>,
            tpu.vector_store %arg17[%swap3A_441, %swap3A_442], %pack3A_440 {strides = array<i32>} : memref<128x64xbf16, #tpu.memory_space<vmem>>, vector<32xbf16>,
            %slice3A_444 = vector.extract_strided_slice %get3A_130 {offsets = [11], sizes = [1], strides = [1]} : vector<16xf32> to vector<1xf32>
            %squeeze3A_445 = vector.extract %slice3A_444[0] : f32 from vector<1xf32>
            %broadcast_in_dim3A_446 = vector.broadcast %squeeze3A_445 : f32 to vector<16xf32>
            %mul3A_447 = arith.constant 16 : i32
            %mul3A_448 = arith.muli %scan3A_123, %mul3A_447 : i32
            %add3A_449 = arith.constant 11 : i32
            %add3A_450 = arith.addi %mul3A_448, %add3A_449 : i32
            %get3A_451 = arith.index_cast %add3A_450 : i32 to index
            %get3A_452 = arith.constant 0 : index
            %get3A_453 = tpu.vector_load %arg15[%get3A_451, %get3A_452] {strides = array<i32>} : memref<128x64xbf16, #tpu.memory_space<vmem>>, vector<32xbf16>,
            %unpack3A_454 = tpu.unpack_subelements %get3A_453, 0 {pack_format = #tpu.pack_format<interleaved>} : vector<32xbf16> -> vector<16xf32>
            %unpack3A_455 = tpu.unpack_subelements %get3A_453, 1 {pack_format = #tpu.pack_format<interleaved>} : vector<32xbf16> -> vector<16xf32>
            %mul3A_456 = arith.mulf %unpack3A_454, %broadcast_in_dim3A_446 : vector<16xf32>
            %mul3A_457 = arith.mulf %unpack3A_455, %broadcast_in_dim3A_446 : vector<16xf32>
            %pack3A_458 = tpu.pack_subelements %mul3A_456, %mul3A_457 {pack_format = #tpu.pack_format<interleaved>, positions = array<i32: 0, 1>} : vector<16xf32>, vector<16xf32> -> vector<32xbf16>
            %swap3A_459 = arith.index_cast %add3A_450 : i32 to index
            %swap3A_460 = arith.constant 0 : index
            %swap3A_461 = tpu.vector_load %arg17[%swap3A_459, %swap3A_460] {strides = array<i32>} : memref<128x64xbf16, #tpu.memory_space<vmem>>, vector<32xbf16>,
            tpu.vector_store %arg17[%swap3A_459, %swap3A_460], %pack3A_458 {strides = array<i32>} : memref<128x64xbf16, #tpu.memory_space<vmem>>, vector<32xbf16>,
            %get3A_462 = arith.index_cast %add3A_450 : i32 to index
            %get3A_463 = arith.constant 32 : index
            %get3A_464 = tpu.vector_load %arg15[%get3A_462, %get3A_463] {strides = array<i32>} : memref<128x64xbf16, #tpu.memory_space<vmem>>, vector<32xbf16>,
            %unpack3A_465 = tpu.unpack_subelements %get3A_464, 0 {pack_format = #tpu.pack_format<interleaved>} : vector<32xbf16> -> vector<16xf32>
            %unpack3A_466 = tpu.unpack_subelements %get3A_464, 1 {pack_format = #tpu.pack_format<interleaved>} : vector<32xbf16> -> vector<16xf32>
            %mul3A_467 = arith.mulf %unpack3A_465, %broadcast_in_dim3A_446 : vector<16xf32>
            %mul3A_468 = arith.mulf %unpack3A_466, %broadcast_in_dim3A_446 : vector<16xf32>
            %pack3A_469 = tpu.pack_subelements %mul3A_467, %mul3A_468 {pack_format = #tpu.pack_format<interleaved>, positions = array<i32: 0, 1>} : vector<16xf32>, vector<16xf32> -> vector<32xbf16>
            %swap3A_470 = arith.index_cast %add3A_450 : i32 to index
            %swap3A_471 = arith.constant 32 : index
            %swap3A_472 = tpu.vector_load %arg17[%swap3A_470, %swap3A_471] {strides = array<i32>} : memref<128x64xbf16, #tpu.memory_space<vmem>>, vector<32xbf16>,
            tpu.vector_store %arg17[%swap3A_470, %swap3A_471], %pack3A_469 {strides = array<i32>} : memref<128x64xbf16, #tpu.memory_space<vmem>>, vector<32xbf16>,
            %slice3A_473 = vector.extract_strided_slice %get3A_130 {offsets = [12], sizes = [1], strides = [1]} : vector<16xf32> to vector<1xf32>
            %squeeze3A_474 = vector.extract %slice3A_473[0] : f32 from vector<1xf32>
            %broadcast_in_dim3A_475 = vector.broadcast %squeeze3A_474 : f32 to vector<16xf32>
            %mul3A_476 = arith.constant 16 : i32
            %mul3A_477 = arith.muli %scan3A_123, %mul3A_476 : i32
            %add3A_478 = arith.constant 12 : i32
            %add3A_479 = arith.addi %mul3A_477, %add3A_478 : i32
            %get3A_480 = arith.index_cast %add3A_479 : i32 to index
            %get3A_481 = arith.constant 0 : index
            %get3A_482 = tpu.vector_load %arg15[%get3A_480, %get3A_481] {strides = array<i32>} : memref<128x64xbf16, #tpu.memory_space<vmem>>, vector<32xbf16>,
            %unpack3A_483 = tpu.unpack_subelements %get3A_482, 0 {pack_format = #tpu.pack_format<interleaved>} : vector<32xbf16> -> vector<16xf32>
            %unpack3A_484 = tpu.unpack_subelements %get3A_482, 1 {pack_format = #tpu.pack_format<interleaved>} : vector<32xbf16> -> vector<16xf32>
            %mul3A_485 = arith.mulf %unpack3A_483, %broadcast_in_dim3A_475 : vector<16xf32>
            %mul3A_486 = arith.mulf %unpack3A_484, %broadcast_in_dim3A_475 : vector<16xf32>
            %pack3A_487 = tpu.pack_subelements %mul3A_485, %mul3A_486 {pack_format = #tpu.pack_format<interleaved>, positions = array<i32: 0, 1>} : vector<16xf32>, vector<16xf32> -> vector<32xbf16>
            %swap3A_488 = arith.index_cast %add3A_479 : i32 to index
            %swap3A_489 = arith.constant 0 : index
            %swap3A_490 = tpu.vector_load %arg17[%swap3A_488, %swap3A_489] {strides = array<i32>} : memref<128x64xbf16, #tpu.memory_space<vmem>>, vector<32xbf16>,
            tpu.vector_store %arg17[%swap3A_488, %swap3A_489], %pack3A_487 {strides = array<i32>} : memref<128x64xbf16, #tpu.memory_space<vmem>>, vector<32xbf16>,
            %get3A_491 = arith.index_cast %add3A_479 : i32 to index
            %get3A_492 = arith.constant 32 : index
            %get3A_493 = tpu.vector_load %arg15[%get3A_491, %get3A_492] {strides = array<i32>} : memref<128x64xbf16, #tpu.memory_space<vmem>>, vector<32xbf16>,
            %unpack3A_494 = tpu.unpack_subelements %get3A_493, 0 {pack_format = #tpu.pack_format<interleaved>} : vector<32xbf16> -> vector<16xf32>
            %unpack3A_495 = tpu.unpack_subelements %get3A_493, 1 {pack_format = #tpu.pack_format<interleaved>} : vector<32xbf16> -> vector<16xf32>
            %mul3A_496 = arith.mulf %unpack3A_494, %broadcast_in_dim3A_475 : vector<16xf32>
            %mul3A_497 = arith.mulf %unpack3A_495, %broadcast_in_dim3A_475 : vector<16xf32>
            %pack3A_498 = tpu.pack_subelements %mul3A_496, %mul3A_497 {pack_format = #tpu.pack_format<interleaved>, positions = array<i32: 0, 1>} : vector<16xf32>, vector<16xf32> -> vector<32xbf16>
            %swap3A_499 = arith.index_cast %add3A_479 : i32 to index
            %swap3A_500 = arith.constant 32 : index
            %swap3A_501 = tpu.vector_load %arg17[%swap3A_499, %swap3A_500] {strides = array<i32>} : memref<128x64xbf16, #tpu.memory_space<vmem>>, vector<32xbf16>,
            tpu.vector_store %arg17[%swap3A_499, %swap3A_500], %pack3A_498 {strides = array<i32>} : memref<128x64xbf16, #tpu.memory_space<vmem>>, vector<32xbf16>,
            %slice3A_502 = vector.extract_strided_slice %get3A_130 {offsets = [13], sizes = [1], strides = [1]} : vector<16xf32> to vector<1xf32>
            %squeeze3A_503 = vector.extract %slice3A_502[0] : f32 from vector<1xf32>
            %broadcast_in_dim3A_504 = vector.broadcast %squeeze3A_503 : f32 to vector<16xf32>
            %mul3A_505 = arith.constant 16 : i32
            %mul3A_506 = arith.muli %scan3A_123, %mul3A_505 : i32
            %add3A_507 = arith.constant 13 : i32
            %add3A_508 = arith.addi %mul3A_506, %add3A_507 : i32
            %get3A_509 = arith.index_cast %add3A_508 : i32 to index
            %get3A_510 = arith.constant 0 : index
            %get3A_511 = tpu.vector_load %arg15[%get3A_509, %get3A_510] {strides = array<i32>} : memref<128x64xbf16, #tpu.memory_space<vmem>>, vector<32xbf16>,
            %unpack3A_512 = tpu.unpack_subelements %get3A_511, 0 {pack_format = #tpu.pack_format<interleaved>} : vector<32xbf16> -> vector<16xf32>
            %unpack3A_513 = tpu.unpack_subelements %get3A_511, 1 {pack_format = #tpu.pack_format<interleaved>} : vector<32xbf16> -> vector<16xf32>
            %mul3A_514 = arith.mulf %unpack3A_512, %broadcast_in_dim3A_504 : vector<16xf32>
            %mul3A_515 = arith.mulf %unpack3A_513, %broadcast_in_dim3A_504 : vector<16xf32>
            %pack3A_516 = tpu.pack_subelements %mul3A_514, %mul3A_515 {pack_format = #tpu.pack_format<interleaved>, positions = array<i32: 0, 1>} : vector<16xf32>, vector<16xf32> -> vector<32xbf16>
            %swap3A_517 = arith.index_cast %add3A_508 : i32 to index
            %swap3A_518 = arith.constant 0 : index
            %swap3A_519 = tpu.vector_load %arg17[%swap3A_517, %swap3A_518] {strides = array<i32>} : memref<128x64xbf16, #tpu.memory_space<vmem>>, vector<32xbf16>,
            tpu.vector_store %arg17[%swap3A_517, %swap3A_518], %pack3A_516 {strides = array<i32>} : memref<128x64xbf16, #tpu.memory_space<vmem>>, vector<32xbf16>,
            %get3A_520 = arith.index_cast %add3A_508 : i32 to index
            %get3A_521 = arith.constant 32 : index
            %get3A_522 = tpu.vector_load %arg15[%get3A_520, %get3A_521] {strides = array<i32>} : memref<128x64xbf16, #tpu.memory_space<vmem>>, vector<32xbf16>,
            %unpack3A_523 = tpu.unpack_subelements %get3A_522, 0 {pack_format = #tpu.pack_format<interleaved>} : vector<32xbf16> -> vector<16xf32>
            %unpack3A_524 = tpu.unpack_subelements %get3A_522, 1 {pack_format = #tpu.pack_format<interleaved>} : vector<32xbf16> -> vector<16xf32>
            %mul3A_525 = arith.mulf %unpack3A_523, %broadcast_in_dim3A_504 : vector<16xf32>
            %mul3A_526 = arith.mulf %unpack3A_524, %broadcast_in_dim3A_504 : vector<16xf32>
            %pack3A_527 = tpu.pack_subelements %mul3A_525, %mul3A_526 {pack_format = #tpu.pack_format<interleaved>, positions = array<i32: 0, 1>} : vector<16xf32>, vector<16xf32> -> vector<32xbf16>
            %swap3A_528 = arith.index_cast %add3A_508 : i32 to index
            %swap3A_529 = arith.constant 32 : index
            %swap3A_530 = tpu.vector_load %arg17[%swap3A_528, %swap3A_529] {strides = array<i32>} : memref<128x64xbf16, #tpu.memory_space<vmem>>, vector<32xbf16>,
            tpu.vector_store %arg17[%swap3A_528, %swap3A_529], %pack3A_527 {strides = array<i32>} : memref<128x64xbf16, #tpu.memory_space<vmem>>, vector<32xbf16>,
            %slice3A_531 = vector.extract_strided_slice %get3A_130 {offsets = [14], sizes = [1], strides = [1]} : vector<16xf32> to vector<1xf32>
            %squeeze3A_532 = vector.extract %slice3A_531[0] : f32 from vector<1xf32>
            %broadcast_in_dim3A_533 = vector.broadcast %squeeze3A_532 : f32 to vector<16xf32>
            %mul3A_534 = arith.constant 16 : i32
            %mul3A_535 = arith.muli %scan3A_123, %mul3A_534 : i32
            %add3A_536 = arith.constant 14 : i32
            %add3A_537 = arith.addi %mul3A_535, %add3A_536 : i32
            %get3A_538 = arith.index_cast %add3A_537 : i32 to index
            %get3A_539 = arith.constant 0 : index
            %get3A_540 = tpu.vector_load %arg15[%get3A_538, %get3A_539] {strides = array<i32>} : memref<128x64xbf16, #tpu.memory_space<vmem>>, vector<32xbf16>,
            %unpack3A_541 = tpu.unpack_subelements %get3A_540, 0 {pack_format = #tpu.pack_format<interleaved>} : vector<32xbf16> -> vector<16xf32>
            %unpack3A_542 = tpu.unpack_subelements %get3A_540, 1 {pack_format = #tpu.pack_format<interleaved>} : vector<32xbf16> -> vector<16xf32>
            %mul3A_543 = arith.mulf %unpack3A_541, %broadcast_in_dim3A_533 : vector<16xf32>
            %mul3A_544 = arith.mulf %unpack3A_542, %broadcast_in_dim3A_533 : vector<16xf32>
            %pack3A_545 = tpu.pack_subelements %mul3A_543, %mul3A_544 {pack_format = #tpu.pack_format<interleaved>, positions = array<i32: 0, 1>} : vector<16xf32>, vector<16xf32> -> vector<32xbf16>
            %swap3A_546 = arith.index_cast %add3A_537 : i32 to index
            %swap3A_547 = arith.constant 0 : index
            %swap3A_548 = tpu.vector_load %arg17[%swap3A_546, %swap3A_547] {strides = array<i32>} : memref<128x64xbf16, #tpu.memory_space<vmem>>, vector<32xbf16>,
            tpu.vector_store %arg17[%swap3A_546, %swap3A_547], %pack3A_545 {strides = array<i32>} : memref<128x64xbf16, #tpu.memory_space<vmem>>, vector<32xbf16>,
            %get3A_549 = arith.index_cast %add3A_537 : i32 to index
            %get3A_550 = arith.constant 32 : index
            %get3A_551 = tpu.vector_load %arg15[%get3A_549, %get3A_550] {strides = array<i32>} : memref<128x64xbf16, #tpu.memory_space<vmem>>, vector<32xbf16>,
            %unpack3A_552 = tpu.unpack_subelements %get3A_551, 0 {pack_format = #tpu.pack_format<interleaved>} : vector<32xbf16> -> vector<16xf32>
            %unpack3A_553 = tpu.unpack_subelements %get3A_551, 1 {pack_format = #tpu.pack_format<interleaved>} : vector<32xbf16> -> vector<16xf32>
            %mul3A_554 = arith.mulf %unpack3A_552, %broadcast_in_dim3A_533 : vector<16xf32>
            %mul3A_555 = arith.mulf %unpack3A_553, %broadcast_in_dim3A_533 : vector<16xf32>
            %pack3A_556 = tpu.pack_subelements %mul3A_554, %mul3A_555 {pack_format = #tpu.pack_format<interleaved>, positions = array<i32: 0, 1>} : vector<16xf32>, vector<16xf32> -> vector<32xbf16>
            %swap3A_557 = arith.index_cast %add3A_537 : i32 to index
            %swap3A_558 = arith.constant 32 : index
            %swap3A_559 = tpu.vector_load %arg17[%swap3A_557, %swap3A_558] {strides = array<i32>} : memref<128x64xbf16, #tpu.memory_space<vmem>>, vector<32xbf16>,
            tpu.vector_store %arg17[%swap3A_557, %swap3A_558], %pack3A_556 {strides = array<i32>} : memref<128x64xbf16, #tpu.memory_space<vmem>>, vector<32xbf16>,
            %slice3A_560 = vector.extract_strided_slice %get3A_130 {offsets = [15], sizes = [1], strides = [1]} : vector<16xf32> to vector<1xf32>
            %squeeze3A_561 = vector.extract %slice3A_560[0] : f32 from vector<1xf32>
            %broadcast_in_dim3A_562 = vector.broadcast %squeeze3A_561 : f32 to vector<16xf32>
            %mul3A_563 = arith.constant 16 : i32
            %mul3A_564 = arith.muli %scan3A_123, %mul3A_563 : i32
            %add3A_565 = arith.constant 15 : i32
            %add3A_566 = arith.addi %mul3A_564, %add3A_565 : i32
            %get3A_567 = arith.index_cast %add3A_566 : i32 to index
            %get3A_568 = arith.constant 0 : index
            %get3A_569 = tpu.vector_load %arg15[%get3A_567, %get3A_568] {strides = array<i32>} : memref<128x64xbf16, #tpu.memory_space<vmem>>, vector<32xbf16>,
            %unpack3A_570 = tpu.unpack_subelements %get3A_569, 0 {pack_format = #tpu.pack_format<interleaved>} : vector<32xbf16> -> vector<16xf32>
            %unpack3A_571 = tpu.unpack_subelements %get3A_569, 1 {pack_format = #tpu.pack_format<interleaved>} : vector<32xbf16> -> vector<16xf32>
            %mul3A_572 = arith.mulf %unpack3A_570, %broadcast_in_dim3A_562 : vector<16xf32>
            %mul3A_573 = arith.mulf %unpack3A_571, %broadcast_in_dim3A_562 : vector<16xf32>
            %pack3A_574 = tpu.pack_subelements %mul3A_572, %mul3A_573 {pack_format = #tpu.pack_format<interleaved>, positions = array<i32: 0, 1>} : vector<16xf32>, vector<16xf32> -> vector<32xbf16>
            %swap3A_575 = arith.index_cast %add3A_566 : i32 to index
            %swap3A_576 = arith.constant 0 : index
            %swap3A_577 = tpu.vector_load %arg17[%swap3A_575, %swap3A_576] {strides = array<i32>} : memref<128x64xbf16, #tpu.memory_space<vmem>>, vector<32xbf16>,
            tpu.vector_store %arg17[%swap3A_575, %swap3A_576], %pack3A_574 {strides = array<i32>} : memref<128x64xbf16, #tpu.memory_space<vmem>>, vector<32xbf16>,
            %get3A_578 = arith.index_cast %add3A_566 : i32 to index
            %get3A_579 = arith.constant 32 : index
            %get3A_580 = tpu.vector_load %arg15[%get3A_578, %get3A_579] {strides = array<i32>} : memref<128x64xbf16, #tpu.memory_space<vmem>>, vector<32xbf16>,
            %unpack3A_581 = tpu.unpack_subelements %get3A_580, 0 {pack_format = #tpu.pack_format<interleaved>} : vector<32xbf16> -> vector<16xf32>
            %unpack3A_582 = tpu.unpack_subelements %get3A_580, 1 {pack_format = #tpu.pack_format<interleaved>} : vector<32xbf16> -> vector<16xf32>
            %mul3A_583 = arith.mulf %unpack3A_581, %broadcast_in_dim3A_562 : vector<16xf32>
            %mul3A_584 = arith.mulf %unpack3A_582, %broadcast_in_dim3A_562 : vector<16xf32>
            %pack3A_585 = tpu.pack_subelements %mul3A_583, %mul3A_584 {pack_format = #tpu.pack_format<interleaved>, positions = array<i32: 0, 1>} : vector<16xf32>, vector<16xf32> -> vector<32xbf16>
            %swap3A_586 = arith.index_cast %add3A_566 : i32 to index
            %swap3A_587 = arith.constant 32 : index
            %swap3A_588 = tpu.vector_load %arg17[%swap3A_586, %swap3A_587] {strides = array<i32>} : memref<128x64xbf16, #tpu.memory_space<vmem>>, vector<32xbf16>,
            tpu.vector_store %arg17[%swap3A_586, %swap3A_587], %pack3A_585 {strides = array<i32>} : memref<128x64xbf16, #tpu.memory_space<vmem>>, vector<32xbf16>,
            %scan3A_589 = arith.constant 0 : i32
            scf.yield %scan3A_589 : i32
          }
          %scan3A_104 = arith.constant 8 : i32
          "tpu.region"() ({
            %run_scoped3A = tpu.sem_alloc : memref<!tpu.dma_semaphore, #tpu.memory_space<semaphore_mem>>
            %dma_start3A_123 = arith.constant 0 : i32
            %dma_start3A_124 = tpu.memref_slice %arg11[%mul3A_84, %dma_start3A_123] : memref<162x128xi32, #tpu.memory_space<vmem>> -> memref<1x128xi32, #tpu.memory_space<vmem>>
            %dma_start3A_125 = tpu.memref_squeeze %dma_start3A_124 : memref<1x128xi32, #tpu.memory_space<vmem>> -> memref<128xi32, #tpu.memory_space<vmem>>
            %dma_start3A_126 = arith.constant 0 : i32
            %dma_start3A_127 = arith.constant 0 : i32
            %dma_start3A_128 = tpu.memref_slice %arg19[%dma_start3A_126, %dma_start3A_127] : memref<10048x64xbf16, #tpu.memory_space<vmem_shared>> -> memref<10048x64xbf16, #tpu.memory_space<vmem_shared>>
            tpu.enqueue_indirect_dma source(%arg17 : memref<128x64xbf16, #tpu.memory_space<vmem>>) target(%dma_start3A_128 : memref<10048x64xbf16, #tpu.memory_space<vmem_shared>>) offsets(%dma_start3A_125 : memref<128xi32, #tpu.memory_space<vmem>>) semaphore(%run_scoped3A : memref<!tpu.dma_semaphore, #tpu.memory_space<semaphore_mem>>) {add = true}
            %dma_wait3A_129 = arith.constant 0 : i32
            %dma_wait3A_130 = tpu.memref_slice %arg11[%mul3A_84, %dma_wait3A_129] : memref<162x128xi32, #tpu.memory_space<vmem>> -> memref<1x128xi32, #tpu.memory_space<vmem>>
            %dma_wait3A_131 = tpu.memref_squeeze %dma_wait3A_130 : memref<1x128xi32, #tpu.memory_space<vmem>> -> memref<128xi32, #tpu.memory_space<vmem>>
            %dma_wait3A_132 = arith.constant 0 : i32
            %dma_wait3A_133 = arith.constant 0 : i32
            %dma_wait3A_134 = tpu.memref_slice %arg19[%dma_wait3A_132, %dma_wait3A_133] : memref<10048x64xbf16, #tpu.memory_space<vmem_shared>> -> memref<10048x64xbf16, #tpu.memory_space<vmem_shared>>
            tpu.wait_indirect_dma semaphore(%run_scoped3A : memref<!tpu.dma_semaphore, #tpu.memory_space<semaphore_mem>>) src(%arg17 : memref<128x64xbf16, #tpu.memory_space<vmem>>) dst(%dma_wait3A_134 : memref<10048x64xbf16, #tpu.memory_space<vmem_shared>>)
            tpu.yield
          }) : () -> ()
          %lt3A = arith.constant 80 : i32
          %lt3A_105 = arith.cmpi slt, %scan3A_81, %lt3A : i32
          %convert_element_type3A_106 = arith.extui %lt3A_105 : i1 to i32
          %cond3A_107 = arith.constant 0 : i32
          %cond3A_108 = arith.cmpi ne, %convert_element_type3A_106, %cond3A_107 : i32
          scf.if %cond3A_108 {
            %add3A_123 = arith.constant 2 : i32
            %add3A_124 = arith.addi %mul3A_84, %add3A_123 : i32
            %mul3A_125 = arith.constant 128 : i32
            %mul3A_126 = arith.muli %add3A_124, %mul3A_125 : i32
            %dma_start3A_127 = tpu.memref_slice %arg10[%mul3A_126] : memref<20736xi32, #tpu.memory_space<vmem>> -> memref<128xi32, #tpu.memory_space<vmem>>
            %dma_start3A_128 = arith.constant 0 : i32
            %dma_start3A_129 = arith.constant 0 : i32
            %dma_start3A_130 = tpu.memref_slice %arg3[%dma_start3A_128, %dma_start3A_129] : memref<40000x64xbf16, #tpu.memory_space<hbm>> -> memref<40000x64xbf16, #tpu.memory_space<hbm>>
            tpu.enqueue_indirect_dma source(%dma_start3A_130 : memref<40000x64xbf16, #tpu.memory_space<hbm>>) target(%arg15 : memref<128x64xbf16, #tpu.memory_space<vmem>>) offsets(%dma_start3A_127 : memref<128xi32, #tpu.memory_space<vmem>>) semaphore(%arg20 : memref<!tpu.dma_semaphore, #tpu.memory_space<semaphore_mem>>)
          } else {
          }
          %mul3A_109 = arith.constant 128 : i32
          %mul3A_110 = arith.muli %add3A_86, %mul3A_109 : i32
          %dma_wait3A_111 = tpu.memref_slice %arg10[%mul3A_110] : memref<20736xi32, #tpu.memory_space<vmem>> -> memref<128xi32, #tpu.memory_space<vmem>>
          %dma_wait3A_112 = arith.constant 0 : i32
          %dma_wait3A_113 = arith.constant 0 : i32
          %dma_wait3A_114 = tpu.memref_slice %arg3[%dma_wait3A_112, %dma_wait3A_113] : memref<40000x64xbf16, #tpu.memory_space<hbm>> -> memref<40000x64xbf16, #tpu.memory_space<hbm>>
          tpu.wait_indirect_dma semaphore(%arg21 : memref<!tpu.dma_semaphore, #tpu.memory_space<semaphore_mem>>) src(%dma_wait3A_114 : memref<40000x64xbf16, #tpu.memory_space<hbm>>) dst(%arg16 : memref<128x64xbf16, #tpu.memory_space<vmem>>)
          %scan3A_115 = arith.constant 0 : i32
          %scan3A_116 = arith.constant 0 : i32
          %scan3A_117 = arith.constant 8 : i32
          %scan3A_118 = arith.addi %scan3A_116, %scan3A_117 : i32
          %scan3A_119 = arith.constant 1 : i32
          %scan3A_120 = scf.for %scan3A_123 = %scan3A_116 to %scan3A_118 step %scan3A_119 iter_args(%scan3A_124 = %scan3A_115) -> (i32)  : i32 {
            %mul3A_125 = arith.constant 128 : i32
            %mul3A_126 = arith.muli %add3A_86, %mul3A_125 : i32
            %mul3A_127 = arith.constant 16 : i32
            %mul3A_128 = arith.muli %scan3A_123, %mul3A_127 : i32
            %add3A_129 = arith.addi %mul3A_126, %mul3A_128 : i32
            %get3A = arith.index_cast %add3A_129 : i32 to index
            %get3A_130 = tpu.vector_load %arg13[%get3A] {strides = array<i32>} : memref<20736xf32, #tpu.memory_space<vmem>>, vector<16xf32>,
            %slice3A = vector.extract_strided_slice %get3A_130 {offsets = [0], sizes = [1], strides = [1]} : vector<16xf32> to vector<1xf32>
            %squeeze3A = vector.extract %slice3A[0] : f32 from vector<1xf32>
            %broadcast_in_dim3A = vector.broadcast %squeeze3A : f32 to vector<16xf32>
            %mul3A_131 = arith.constant 16 : i32
            %mul3A_132 = arith.muli %scan3A_123, %mul3A_131 : i32
            %add3A_133 = arith.constant 0 : i32
            %add3A_134 = arith.addi %mul3A_132, %add3A_133 : i32
            %get3A_135 = arith.index_cast %add3A_134 : i32 to index
            %get3A_136 = arith.constant 0 : index
            %get3A_137 = tpu.vector_load %arg16[%get3A_135, %get3A_136] {strides = array<i32>} : memref<128x64xbf16, #tpu.memory_space<vmem>>, vector<32xbf16>,
            %unpack3A = tpu.unpack_subelements %get3A_137, 0 {pack_format = #tpu.pack_format<interleaved>} : vector<32xbf16> -> vector<16xf32>
            %unpack3A_138 = tpu.unpack_subelements %get3A_137, 1 {pack_format = #tpu.pack_format<interleaved>} : vector<32xbf16> -> vector<16xf32>
            %mul3A_139 = arith.mulf %unpack3A, %broadcast_in_dim3A : vector<16xf32>
            %mul3A_140 = arith.mulf %unpack3A_138, %broadcast_in_dim3A : vector<16xf32>
            %pack3A = tpu.pack_subelements %mul3A_139, %mul3A_140 {pack_format = #tpu.pack_format<interleaved>, positions = array<i32: 0, 1>} : vector<16xf32>, vector<16xf32> -> vector<32xbf16>
            %swap3A = arith.index_cast %add3A_134 : i32 to index
            %swap3A_141 = arith.constant 0 : index
            %swap3A_142 = tpu.vector_load %arg17[%swap3A, %swap3A_141] {strides = array<i32>} : memref<128x64xbf16, #tpu.memory_space<vmem>>, vector<32xbf16>,
            tpu.vector_store %arg17[%swap3A, %swap3A_141], %pack3A {strides = array<i32>} : memref<128x64xbf16, #tpu.memory_space<vmem>>, vector<32xbf16>,
            %get3A_143 = arith.index_cast %add3A_134 : i32 to index
            %get3A_144 = arith.constant 32 : index
            %get3A_145 = tpu.vector_load %arg16[%get3A_143, %get3A_144] {strides = array<i32>} : memref<128x64xbf16, #tpu.memory_space<vmem>>, vector<32xbf16>,
            %unpack3A_146 = tpu.unpack_subelements %get3A_145, 0 {pack_format = #tpu.pack_format<interleaved>} : vector<32xbf16> -> vector<16xf32>
            %unpack3A_147 = tpu.unpack_subelements %get3A_145, 1 {pack_format = #tpu.pack_format<interleaved>} : vector<32xbf16> -> vector<16xf32>
            %mul3A_148 = arith.mulf %unpack3A_146, %broadcast_in_dim3A : vector<16xf32>
            %mul3A_149 = arith.mulf %unpack3A_147, %broadcast_in_dim3A : vector<16xf32>
            %pack3A_150 = tpu.pack_subelements %mul3A_148, %mul3A_149 {pack_format = #tpu.pack_format<interleaved>, positions = array<i32: 0, 1>} : vector<16xf32>, vector<16xf32> -> vector<32xbf16>
            %swap3A_151 = arith.index_cast %add3A_134 : i32 to index
            %swap3A_152 = arith.constant 32 : index
            %swap3A_153 = tpu.vector_load %arg17[%swap3A_151, %swap3A_152] {strides = array<i32>} : memref<128x64xbf16, #tpu.memory_space<vmem>>, vector<32xbf16>,
            tpu.vector_store %arg17[%swap3A_151, %swap3A_152], %pack3A_150 {strides = array<i32>} : memref<128x64xbf16, #tpu.memory_space<vmem>>, vector<32xbf16>,
            %slice3A_154 = vector.extract_strided_slice %get3A_130 {offsets = [1], sizes = [1], strides = [1]} : vector<16xf32> to vector<1xf32>
            %squeeze3A_155 = vector.extract %slice3A_154[0] : f32 from vector<1xf32>
            %broadcast_in_dim3A_156 = vector.broadcast %squeeze3A_155 : f32 to vector<16xf32>
            %mul3A_157 = arith.constant 16 : i32
            %mul3A_158 = arith.muli %scan3A_123, %mul3A_157 : i32
            %add3A_159 = arith.constant 1 : i32
            %add3A_160 = arith.addi %mul3A_158, %add3A_159 : i32
            %get3A_161 = arith.index_cast %add3A_160 : i32 to index
            %get3A_162 = arith.constant 0 : index
            %get3A_163 = tpu.vector_load %arg16[%get3A_161, %get3A_162] {strides = array<i32>} : memref<128x64xbf16, #tpu.memory_space<vmem>>, vector<32xbf16>,
            %unpack3A_164 = tpu.unpack_subelements %get3A_163, 0 {pack_format = #tpu.pack_format<interleaved>} : vector<32xbf16> -> vector<16xf32>
            %unpack3A_165 = tpu.unpack_subelements %get3A_163, 1 {pack_format = #tpu.pack_format<interleaved>} : vector<32xbf16> -> vector<16xf32>
            %mul3A_166 = arith.mulf %unpack3A_164, %broadcast_in_dim3A_156 : vector<16xf32>
            %mul3A_167 = arith.mulf %unpack3A_165, %broadcast_in_dim3A_156 : vector<16xf32>
            %pack3A_168 = tpu.pack_subelements %mul3A_166, %mul3A_167 {pack_format = #tpu.pack_format<interleaved>, positions = array<i32: 0, 1>} : vector<16xf32>, vector<16xf32> -> vector<32xbf16>
            %swap3A_169 = arith.index_cast %add3A_160 : i32 to index
            %swap3A_170 = arith.constant 0 : index
            %swap3A_171 = tpu.vector_load %arg17[%swap3A_169, %swap3A_170] {strides = array<i32>} : memref<128x64xbf16, #tpu.memory_space<vmem>>, vector<32xbf16>,
            tpu.vector_store %arg17[%swap3A_169, %swap3A_170], %pack3A_168 {strides = array<i32>} : memref<128x64xbf16, #tpu.memory_space<vmem>>, vector<32xbf16>,
            %get3A_172 = arith.index_cast %add3A_160 : i32 to index
            %get3A_173 = arith.constant 32 : index
            %get3A_174 = tpu.vector_load %arg16[%get3A_172, %get3A_173] {strides = array<i32>} : memref<128x64xbf16, #tpu.memory_space<vmem>>, vector<32xbf16>,
            %unpack3A_175 = tpu.unpack_subelements %get3A_174, 0 {pack_format = #tpu.pack_format<interleaved>} : vector<32xbf16> -> vector<16xf32>
            %unpack3A_176 = tpu.unpack_subelements %get3A_174, 1 {pack_format = #tpu.pack_format<interleaved>} : vector<32xbf16> -> vector<16xf32>
            %mul3A_177 = arith.mulf %unpack3A_175, %broadcast_in_dim3A_156 : vector<16xf32>
            %mul3A_178 = arith.mulf %unpack3A_176, %broadcast_in_dim3A_156 : vector<16xf32>
            %pack3A_179 = tpu.pack_subelements %mul3A_177, %mul3A_178 {pack_format = #tpu.pack_format<interleaved>, positions = array<i32: 0, 1>} : vector<16xf32>, vector<16xf32> -> vector<32xbf16>
            %swap3A_180 = arith.index_cast %add3A_160 : i32 to index
            %swap3A_181 = arith.constant 32 : index
            %swap3A_182 = tpu.vector_load %arg17[%swap3A_180, %swap3A_181] {strides = array<i32>} : memref<128x64xbf16, #tpu.memory_space<vmem>>, vector<32xbf16>,
            tpu.vector_store %arg17[%swap3A_180, %swap3A_181], %pack3A_179 {strides = array<i32>} : memref<128x64xbf16, #tpu.memory_space<vmem>>, vector<32xbf16>,
            %slice3A_183 = vector.extract_strided_slice %get3A_130 {offsets = [2], sizes = [1], strides = [1]} : vector<16xf32> to vector<1xf32>
            %squeeze3A_184 = vector.extract %slice3A_183[0] : f32 from vector<1xf32>
            %broadcast_in_dim3A_185 = vector.broadcast %squeeze3A_184 : f32 to vector<16xf32>
            %mul3A_186 = arith.constant 16 : i32
            %mul3A_187 = arith.muli %scan3A_123, %mul3A_186 : i32
            %add3A_188 = arith.constant 2 : i32
            %add3A_189 = arith.addi %mul3A_187, %add3A_188 : i32
            %get3A_190 = arith.index_cast %add3A_189 : i32 to index
            %get3A_191 = arith.constant 0 : index
            %get3A_192 = tpu.vector_load %arg16[%get3A_190, %get3A_191] {strides = array<i32>} : memref<128x64xbf16, #tpu.memory_space<vmem>>, vector<32xbf16>,
            %unpack3A_193 = tpu.unpack_subelements %get3A_192, 0 {pack_format = #tpu.pack_format<interleaved>} : vector<32xbf16> -> vector<16xf32>
            %unpack3A_194 = tpu.unpack_subelements %get3A_192, 1 {pack_format = #tpu.pack_format<interleaved>} : vector<32xbf16> -> vector<16xf32>
            %mul3A_195 = arith.mulf %unpack3A_193, %broadcast_in_dim3A_185 : vector<16xf32>
            %mul3A_196 = arith.mulf %unpack3A_194, %broadcast_in_dim3A_185 : vector<16xf32>
            %pack3A_197 = tpu.pack_subelements %mul3A_195, %mul3A_196 {pack_format = #tpu.pack_format<interleaved>, positions = array<i32: 0, 1>} : vector<16xf32>, vector<16xf32> -> vector<32xbf16>
            %swap3A_198 = arith.index_cast %add3A_189 : i32 to index
            %swap3A_199 = arith.constant 0 : index
            %swap3A_200 = tpu.vector_load %arg17[%swap3A_198, %swap3A_199] {strides = array<i32>} : memref<128x64xbf16, #tpu.memory_space<vmem>>, vector<32xbf16>,
            tpu.vector_store %arg17[%swap3A_198, %swap3A_199], %pack3A_197 {strides = array<i32>} : memref<128x64xbf16, #tpu.memory_space<vmem>>, vector<32xbf16>,
            %get3A_201 = arith.index_cast %add3A_189 : i32 to index
            %get3A_202 = arith.constant 32 : index
            %get3A_203 = tpu.vector_load %arg16[%get3A_201, %get3A_202] {strides = array<i32>} : memref<128x64xbf16, #tpu.memory_space<vmem>>, vector<32xbf16>,
            %unpack3A_204 = tpu.unpack_subelements %get3A_203, 0 {pack_format = #tpu.pack_format<interleaved>} : vector<32xbf16> -> vector<16xf32>
            %unpack3A_205 = tpu.unpack_subelements %get3A_203, 1 {pack_format = #tpu.pack_format<interleaved>} : vector<32xbf16> -> vector<16xf32>
            %mul3A_206 = arith.mulf %unpack3A_204, %broadcast_in_dim3A_185 : vector<16xf32>
            %mul3A_207 = arith.mulf %unpack3A_205, %broadcast_in_dim3A_185 : vector<16xf32>
            %pack3A_208 = tpu.pack_subelements %mul3A_206, %mul3A_207 {pack_format = #tpu.pack_format<interleaved>, positions = array<i32: 0, 1>} : vector<16xf32>, vector<16xf32> -> vector<32xbf16>
            %swap3A_209 = arith.index_cast %add3A_189 : i32 to index
            %swap3A_210 = arith.constant 32 : index
            %swap3A_211 = tpu.vector_load %arg17[%swap3A_209, %swap3A_210] {strides = array<i32>} : memref<128x64xbf16, #tpu.memory_space<vmem>>, vector<32xbf16>,
            tpu.vector_store %arg17[%swap3A_209, %swap3A_210], %pack3A_208 {strides = array<i32>} : memref<128x64xbf16, #tpu.memory_space<vmem>>, vector<32xbf16>,
            %slice3A_212 = vector.extract_strided_slice %get3A_130 {offsets = [3], sizes = [1], strides = [1]} : vector<16xf32> to vector<1xf32>
            %squeeze3A_213 = vector.extract %slice3A_212[0] : f32 from vector<1xf32>
            %broadcast_in_dim3A_214 = vector.broadcast %squeeze3A_213 : f32 to vector<16xf32>
            %mul3A_215 = arith.constant 16 : i32
            %mul3A_216 = arith.muli %scan3A_123, %mul3A_215 : i32
            %add3A_217 = arith.constant 3 : i32
            %add3A_218 = arith.addi %mul3A_216, %add3A_217 : i32
            %get3A_219 = arith.index_cast %add3A_218 : i32 to index
            %get3A_220 = arith.constant 0 : index
            %get3A_221 = tpu.vector_load %arg16[%get3A_219, %get3A_220] {strides = array<i32>} : memref<128x64xbf16, #tpu.memory_space<vmem>>, vector<32xbf16>,
            %unpack3A_222 = tpu.unpack_subelements %get3A_221, 0 {pack_format = #tpu.pack_format<interleaved>} : vector<32xbf16> -> vector<16xf32>
            %unpack3A_223 = tpu.unpack_subelements %get3A_221, 1 {pack_format = #tpu.pack_format<interleaved>} : vector<32xbf16> -> vector<16xf32>
            %mul3A_224 = arith.mulf %unpack3A_222, %broadcast_in_dim3A_214 : vector<16xf32>
            %mul3A_225 = arith.mulf %unpack3A_223, %broadcast_in_dim3A_214 : vector<16xf32>
            %pack3A_226 = tpu.pack_subelements %mul3A_224, %mul3A_225 {pack_format = #tpu.pack_format<interleaved>, positions = array<i32: 0, 1>} : vector<16xf32>, vector<16xf32> -> vector<32xbf16>
            %swap3A_227 = arith.index_cast %add3A_218 : i32 to index
            %swap3A_228 = arith.constant 0 : index
            %swap3A_229 = tpu.vector_load %arg17[%swap3A_227, %swap3A_228] {strides = array<i32>} : memref<128x64xbf16, #tpu.memory_space<vmem>>, vector<32xbf16>,
            tpu.vector_store %arg17[%swap3A_227, %swap3A_228], %pack3A_226 {strides = array<i32>} : memref<128x64xbf16, #tpu.memory_space<vmem>>, vector<32xbf16>,
            %get3A_230 = arith.index_cast %add3A_218 : i32 to index
            %get3A_231 = arith.constant 32 : index
            %get3A_232 = tpu.vector_load %arg16[%get3A_230, %get3A_231] {strides = array<i32>} : memref<128x64xbf16, #tpu.memory_space<vmem>>, vector<32xbf16>,
            %unpack3A_233 = tpu.unpack_subelements %get3A_232, 0 {pack_format = #tpu.pack_format<interleaved>} : vector<32xbf16> -> vector<16xf32>
            %unpack3A_234 = tpu.unpack_subelements %get3A_232, 1 {pack_format = #tpu.pack_format<interleaved>} : vector<32xbf16> -> vector<16xf32>
            %mul3A_235 = arith.mulf %unpack3A_233, %broadcast_in_dim3A_214 : vector<16xf32>
            %mul3A_236 = arith.mulf %unpack3A_234, %broadcast_in_dim3A_214 : vector<16xf32>
            %pack3A_237 = tpu.pack_subelements %mul3A_235, %mul3A_236 {pack_format = #tpu.pack_format<interleaved>, positions = array<i32: 0, 1>} : vector<16xf32>, vector<16xf32> -> vector<32xbf16>
            %swap3A_238 = arith.index_cast %add3A_218 : i32 to index
            %swap3A_239 = arith.constant 32 : index
            %swap3A_240 = tpu.vector_load %arg17[%swap3A_238, %swap3A_239] {strides = array<i32>} : memref<128x64xbf16, #tpu.memory_space<vmem>>, vector<32xbf16>,
            tpu.vector_store %arg17[%swap3A_238, %swap3A_239], %pack3A_237 {strides = array<i32>} : memref<128x64xbf16, #tpu.memory_space<vmem>>, vector<32xbf16>,
            %slice3A_241 = vector.extract_strided_slice %get3A_130 {offsets = [4], sizes = [1], strides = [1]} : vector<16xf32> to vector<1xf32>
            %squeeze3A_242 = vector.extract %slice3A_241[0] : f32 from vector<1xf32>
            %broadcast_in_dim3A_243 = vector.broadcast %squeeze3A_242 : f32 to vector<16xf32>
            %mul3A_244 = arith.constant 16 : i32
            %mul3A_245 = arith.muli %scan3A_123, %mul3A_244 : i32
            %add3A_246 = arith.constant 4 : i32
            %add3A_247 = arith.addi %mul3A_245, %add3A_246 : i32
            %get3A_248 = arith.index_cast %add3A_247 : i32 to index
            %get3A_249 = arith.constant 0 : index
            %get3A_250 = tpu.vector_load %arg16[%get3A_248, %get3A_249] {strides = array<i32>} : memref<128x64xbf16, #tpu.memory_space<vmem>>, vector<32xbf16>,
            %unpack3A_251 = tpu.unpack_subelements %get3A_250, 0 {pack_format = #tpu.pack_format<interleaved>} : vector<32xbf16> -> vector<16xf32>
            %unpack3A_252 = tpu.unpack_subelements %get3A_250, 1 {pack_format = #tpu.pack_format<interleaved>} : vector<32xbf16> -> vector<16xf32>
            %mul3A_253 = arith.mulf %unpack3A_251, %broadcast_in_dim3A_243 : vector<16xf32>
            %mul3A_254 = arith.mulf %unpack3A_252, %broadcast_in_dim3A_243 : vector<16xf32>
            %pack3A_255 = tpu.pack_subelements %mul3A_253, %mul3A_254 {pack_format = #tpu.pack_format<interleaved>, positions = array<i32: 0, 1>} : vector<16xf32>, vector<16xf32> -> vector<32xbf16>
            %swap3A_256 = arith.index_cast %add3A_247 : i32 to index
            %swap3A_257 = arith.constant 0 : index
            %swap3A_258 = tpu.vector_load %arg17[%swap3A_256, %swap3A_257] {strides = array<i32>} : memref<128x64xbf16, #tpu.memory_space<vmem>>, vector<32xbf16>,
            tpu.vector_store %arg17[%swap3A_256, %swap3A_257], %pack3A_255 {strides = array<i32>} : memref<128x64xbf16, #tpu.memory_space<vmem>>, vector<32xbf16>,
            %get3A_259 = arith.index_cast %add3A_247 : i32 to index
            %get3A_260 = arith.constant 32 : index
            %get3A_261 = tpu.vector_load %arg16[%get3A_259, %get3A_260] {strides = array<i32>} : memref<128x64xbf16, #tpu.memory_space<vmem>>, vector<32xbf16>,
            %unpack3A_262 = tpu.unpack_subelements %get3A_261, 0 {pack_format = #tpu.pack_format<interleaved>} : vector<32xbf16> -> vector<16xf32>
            %unpack3A_263 = tpu.unpack_subelements %get3A_261, 1 {pack_format = #tpu.pack_format<interleaved>} : vector<32xbf16> -> vector<16xf32>
            %mul3A_264 = arith.mulf %unpack3A_262, %broadcast_in_dim3A_243 : vector<16xf32>
            %mul3A_265 = arith.mulf %unpack3A_263, %broadcast_in_dim3A_243 : vector<16xf32>
            %pack3A_266 = tpu.pack_subelements %mul3A_264, %mul3A_265 {pack_format = #tpu.pack_format<interleaved>, positions = array<i32: 0, 1>} : vector<16xf32>, vector<16xf32> -> vector<32xbf16>
            %swap3A_267 = arith.index_cast %add3A_247 : i32 to index
            %swap3A_268 = arith.constant 32 : index
            %swap3A_269 = tpu.vector_load %arg17[%swap3A_267, %swap3A_268] {strides = array<i32>} : memref<128x64xbf16, #tpu.memory_space<vmem>>, vector<32xbf16>,
            tpu.vector_store %arg17[%swap3A_267, %swap3A_268], %pack3A_266 {strides = array<i32>} : memref<128x64xbf16, #tpu.memory_space<vmem>>, vector<32xbf16>,
            %slice3A_270 = vector.extract_strided_slice %get3A_130 {offsets = [5], sizes = [1], strides = [1]} : vector<16xf32> to vector<1xf32>
            %squeeze3A_271 = vector.extract %slice3A_270[0] : f32 from vector<1xf32>
            %broadcast_in_dim3A_272 = vector.broadcast %squeeze3A_271 : f32 to vector<16xf32>
            %mul3A_273 = arith.constant 16 : i32
            %mul3A_274 = arith.muli %scan3A_123, %mul3A_273 : i32
            %add3A_275 = arith.constant 5 : i32
            %add3A_276 = arith.addi %mul3A_274, %add3A_275 : i32
            %get3A_277 = arith.index_cast %add3A_276 : i32 to index
            %get3A_278 = arith.constant 0 : index
            %get3A_279 = tpu.vector_load %arg16[%get3A_277, %get3A_278] {strides = array<i32>} : memref<128x64xbf16, #tpu.memory_space<vmem>>, vector<32xbf16>,
            %unpack3A_280 = tpu.unpack_subelements %get3A_279, 0 {pack_format = #tpu.pack_format<interleaved>} : vector<32xbf16> -> vector<16xf32>
            %unpack3A_281 = tpu.unpack_subelements %get3A_279, 1 {pack_format = #tpu.pack_format<interleaved>} : vector<32xbf16> -> vector<16xf32>
            %mul3A_282 = arith.mulf %unpack3A_280, %broadcast_in_dim3A_272 : vector<16xf32>
            %mul3A_283 = arith.mulf %unpack3A_281, %broadcast_in_dim3A_272 : vector<16xf32>
            %pack3A_284 = tpu.pack_subelements %mul3A_282, %mul3A_283 {pack_format = #tpu.pack_format<interleaved>, positions = array<i32: 0, 1>} : vector<16xf32>, vector<16xf32> -> vector<32xbf16>
            %swap3A_285 = arith.index_cast %add3A_276 : i32 to index
            %swap3A_286 = arith.constant 0 : index
            %swap3A_287 = tpu.vector_load %arg17[%swap3A_285, %swap3A_286] {strides = array<i32>} : memref<128x64xbf16, #tpu.memory_space<vmem>>, vector<32xbf16>,
            tpu.vector_store %arg17[%swap3A_285, %swap3A_286], %pack3A_284 {strides = array<i32>} : memref<128x64xbf16, #tpu.memory_space<vmem>>, vector<32xbf16>,
            %get3A_288 = arith.index_cast %add3A_276 : i32 to index
            %get3A_289 = arith.constant 32 : index
            %get3A_290 = tpu.vector_load %arg16[%get3A_288, %get3A_289] {strides = array<i32>} : memref<128x64xbf16, #tpu.memory_space<vmem>>, vector<32xbf16>,
            %unpack3A_291 = tpu.unpack_subelements %get3A_290, 0 {pack_format = #tpu.pack_format<interleaved>} : vector<32xbf16> -> vector<16xf32>
            %unpack3A_292 = tpu.unpack_subelements %get3A_290, 1 {pack_format = #tpu.pack_format<interleaved>} : vector<32xbf16> -> vector<16xf32>
            %mul3A_293 = arith.mulf %unpack3A_291, %broadcast_in_dim3A_272 : vector<16xf32>
            %mul3A_294 = arith.mulf %unpack3A_292, %broadcast_in_dim3A_272 : vector<16xf32>
            %pack3A_295 = tpu.pack_subelements %mul3A_293, %mul3A_294 {pack_format = #tpu.pack_format<interleaved>, positions = array<i32: 0, 1>} : vector<16xf32>, vector<16xf32> -> vector<32xbf16>
            %swap3A_296 = arith.index_cast %add3A_276 : i32 to index
            %swap3A_297 = arith.constant 32 : index
            %swap3A_298 = tpu.vector_load %arg17[%swap3A_296, %swap3A_297] {strides = array<i32>} : memref<128x64xbf16, #tpu.memory_space<vmem>>, vector<32xbf16>,
            tpu.vector_store %arg17[%swap3A_296, %swap3A_297], %pack3A_295 {strides = array<i32>} : memref<128x64xbf16, #tpu.memory_space<vmem>>, vector<32xbf16>,
            %slice3A_299 = vector.extract_strided_slice %get3A_130 {offsets = [6], sizes = [1], strides = [1]} : vector<16xf32> to vector<1xf32>
            %squeeze3A_300 = vector.extract %slice3A_299[0] : f32 from vector<1xf32>
            %broadcast_in_dim3A_301 = vector.broadcast %squeeze3A_300 : f32 to vector<16xf32>
            %mul3A_302 = arith.constant 16 : i32
            %mul3A_303 = arith.muli %scan3A_123, %mul3A_302 : i32
            %add3A_304 = arith.constant 6 : i32
            %add3A_305 = arith.addi %mul3A_303, %add3A_304 : i32
            %get3A_306 = arith.index_cast %add3A_305 : i32 to index
            %get3A_307 = arith.constant 0 : index
            %get3A_308 = tpu.vector_load %arg16[%get3A_306, %get3A_307] {strides = array<i32>} : memref<128x64xbf16, #tpu.memory_space<vmem>>, vector<32xbf16>,
            %unpack3A_309 = tpu.unpack_subelements %get3A_308, 0 {pack_format = #tpu.pack_format<interleaved>} : vector<32xbf16> -> vector<16xf32>
            %unpack3A_310 = tpu.unpack_subelements %get3A_308, 1 {pack_format = #tpu.pack_format<interleaved>} : vector<32xbf16> -> vector<16xf32>
            %mul3A_311 = arith.mulf %unpack3A_309, %broadcast_in_dim3A_301 : vector<16xf32>
            %mul3A_312 = arith.mulf %unpack3A_310, %broadcast_in_dim3A_301 : vector<16xf32>
            %pack3A_313 = tpu.pack_subelements %mul3A_311, %mul3A_312 {pack_format = #tpu.pack_format<interleaved>, positions = array<i32: 0, 1>} : vector<16xf32>, vector<16xf32> -> vector<32xbf16>
            %swap3A_314 = arith.index_cast %add3A_305 : i32 to index
            %swap3A_315 = arith.constant 0 : index
            %swap3A_316 = tpu.vector_load %arg17[%swap3A_314, %swap3A_315] {strides = array<i32>} : memref<128x64xbf16, #tpu.memory_space<vmem>>, vector<32xbf16>,
            tpu.vector_store %arg17[%swap3A_314, %swap3A_315], %pack3A_313 {strides = array<i32>} : memref<128x64xbf16, #tpu.memory_space<vmem>>, vector<32xbf16>,
            %get3A_317 = arith.index_cast %add3A_305 : i32 to index
            %get3A_318 = arith.constant 32 : index
            %get3A_319 = tpu.vector_load %arg16[%get3A_317, %get3A_318] {strides = array<i32>} : memref<128x64xbf16, #tpu.memory_space<vmem>>, vector<32xbf16>,
            %unpack3A_320 = tpu.unpack_subelements %get3A_319, 0 {pack_format = #tpu.pack_format<interleaved>} : vector<32xbf16> -> vector<16xf32>
            %unpack3A_321 = tpu.unpack_subelements %get3A_319, 1 {pack_format = #tpu.pack_format<interleaved>} : vector<32xbf16> -> vector<16xf32>
            %mul3A_322 = arith.mulf %unpack3A_320, %broadcast_in_dim3A_301 : vector<16xf32>
            %mul3A_323 = arith.mulf %unpack3A_321, %broadcast_in_dim3A_301 : vector<16xf32>
            %pack3A_324 = tpu.pack_subelements %mul3A_322, %mul3A_323 {pack_format = #tpu.pack_format<interleaved>, positions = array<i32: 0, 1>} : vector<16xf32>, vector<16xf32> -> vector<32xbf16>
            %swap3A_325 = arith.index_cast %add3A_305 : i32 to index
            %swap3A_326 = arith.constant 32 : index
            %swap3A_327 = tpu.vector_load %arg17[%swap3A_325, %swap3A_326] {strides = array<i32>} : memref<128x64xbf16, #tpu.memory_space<vmem>>, vector<32xbf16>,
            tpu.vector_store %arg17[%swap3A_325, %swap3A_326], %pack3A_324 {strides = array<i32>} : memref<128x64xbf16, #tpu.memory_space<vmem>>, vector<32xbf16>,
            %slice3A_328 = vector.extract_strided_slice %get3A_130 {offsets = [7], sizes = [1], strides = [1]} : vector<16xf32> to vector<1xf32>
            %squeeze3A_329 = vector.extract %slice3A_328[0] : f32 from vector<1xf32>
            %broadcast_in_dim3A_330 = vector.broadcast %squeeze3A_329 : f32 to vector<16xf32>
            %mul3A_331 = arith.constant 16 : i32
            %mul3A_332 = arith.muli %scan3A_123, %mul3A_331 : i32
            %add3A_333 = arith.constant 7 : i32
            %add3A_334 = arith.addi %mul3A_332, %add3A_333 : i32
            %get3A_335 = arith.index_cast %add3A_334 : i32 to index
            %get3A_336 = arith.constant 0 : index
            %get3A_337 = tpu.vector_load %arg16[%get3A_335, %get3A_336] {strides = array<i32>} : memref<128x64xbf16, #tpu.memory_space<vmem>>, vector<32xbf16>,
            %unpack3A_338 = tpu.unpack_subelements %get3A_337, 0 {pack_format = #tpu.pack_format<interleaved>} : vector<32xbf16> -> vector<16xf32>
            %unpack3A_339 = tpu.unpack_subelements %get3A_337, 1 {pack_format = #tpu.pack_format<interleaved>} : vector<32xbf16> -> vector<16xf32>
            %mul3A_340 = arith.mulf %unpack3A_338, %broadcast_in_dim3A_330 : vector<16xf32>
            %mul3A_341 = arith.mulf %unpack3A_339, %broadcast_in_dim3A_330 : vector<16xf32>
            %pack3A_342 = tpu.pack_subelements %mul3A_340, %mul3A_341 {pack_format = #tpu.pack_format<interleaved>, positions = array<i32: 0, 1>} : vector<16xf32>, vector<16xf32> -> vector<32xbf16>
            %swap3A_343 = arith.index_cast %add3A_334 : i32 to index
            %swap3A_344 = arith.constant 0 : index
            %swap3A_345 = tpu.vector_load %arg17[%swap3A_343, %swap3A_344] {strides = array<i32>} : memref<128x64xbf16, #tpu.memory_space<vmem>>, vector<32xbf16>,
            tpu.vector_store %arg17[%swap3A_343, %swap3A_344], %pack3A_342 {strides = array<i32>} : memref<128x64xbf16, #tpu.memory_space<vmem>>, vector<32xbf16>,
            %get3A_346 = arith.index_cast %add3A_334 : i32 to index
            %get3A_347 = arith.constant 32 : index
            %get3A_348 = tpu.vector_load %arg16[%get3A_346, %get3A_347] {strides = array<i32>} : memref<128x64xbf16, #tpu.memory_space<vmem>>, vector<32xbf16>,
            %unpack3A_349 = tpu.unpack_subelements %get3A_348, 0 {pack_format = #tpu.pack_format<interleaved>} : vector<32xbf16> -> vector<16xf32>
            %unpack3A_350 = tpu.unpack_subelements %get3A_348, 1 {pack_format = #tpu.pack_format<interleaved>} : vector<32xbf16> -> vector<16xf32>
            %mul3A_351 = arith.mulf %unpack3A_349, %broadcast_in_dim3A_330 : vector<16xf32>
            %mul3A_352 = arith.mulf %unpack3A_350, %broadcast_in_dim3A_330 : vector<16xf32>
            %pack3A_353 = tpu.pack_subelements %mul3A_351, %mul3A_352 {pack_format = #tpu.pack_format<interleaved>, positions = array<i32: 0, 1>} : vector<16xf32>, vector<16xf32> -> vector<32xbf16>
            %swap3A_354 = arith.index_cast %add3A_334 : i32 to index
            %swap3A_355 = arith.constant 32 : index
            %swap3A_356 = tpu.vector_load %arg17[%swap3A_354, %swap3A_355] {strides = array<i32>} : memref<128x64xbf16, #tpu.memory_space<vmem>>, vector<32xbf16>,
            tpu.vector_store %arg17[%swap3A_354, %swap3A_355], %pack3A_353 {strides = array<i32>} : memref<128x64xbf16, #tpu.memory_space<vmem>>, vector<32xbf16>,
            %slice3A_357 = vector.extract_strided_slice %get3A_130 {offsets = [8], sizes = [1], strides = [1]} : vector<16xf32> to vector<1xf32>
            %squeeze3A_358 = vector.extract %slice3A_357[0] : f32 from vector<1xf32>
            %broadcast_in_dim3A_359 = vector.broadcast %squeeze3A_358 : f32 to vector<16xf32>
            %mul3A_360 = arith.constant 16 : i32
            %mul3A_361 = arith.muli %scan3A_123, %mul3A_360 : i32
            %add3A_362 = arith.constant 8 : i32
            %add3A_363 = arith.addi %mul3A_361, %add3A_362 : i32
            %get3A_364 = arith.index_cast %add3A_363 : i32 to index
            %get3A_365 = arith.constant 0 : index
            %get3A_366 = tpu.vector_load %arg16[%get3A_364, %get3A_365] {strides = array<i32>} : memref<128x64xbf16, #tpu.memory_space<vmem>>, vector<32xbf16>,
            %unpack3A_367 = tpu.unpack_subelements %get3A_366, 0 {pack_format = #tpu.pack_format<interleaved>} : vector<32xbf16> -> vector<16xf32>
            %unpack3A_368 = tpu.unpack_subelements %get3A_366, 1 {pack_format = #tpu.pack_format<interleaved>} : vector<32xbf16> -> vector<16xf32>
            %mul3A_369 = arith.mulf %unpack3A_367, %broadcast_in_dim3A_359 : vector<16xf32>
            %mul3A_370 = arith.mulf %unpack3A_368, %broadcast_in_dim3A_359 : vector<16xf32>
            %pack3A_371 = tpu.pack_subelements %mul3A_369, %mul3A_370 {pack_format = #tpu.pack_format<interleaved>, positions = array<i32: 0, 1>} : vector<16xf32>, vector<16xf32> -> vector<32xbf16>
            %swap3A_372 = arith.index_cast %add3A_363 : i32 to index
            %swap3A_373 = arith.constant 0 : index
            %swap3A_374 = tpu.vector_load %arg17[%swap3A_372, %swap3A_373] {strides = array<i32>} : memref<128x64xbf16, #tpu.memory_space<vmem>>, vector<32xbf16>,
            tpu.vector_store %arg17[%swap3A_372, %swap3A_373], %pack3A_371 {strides = array<i32>} : memref<128x64xbf16, #tpu.memory_space<vmem>>, vector<32xbf16>,
            %get3A_375 = arith.index_cast %add3A_363 : i32 to index
            %get3A_376 = arith.constant 32 : index
            %get3A_377 = tpu.vector_load %arg16[%get3A_375, %get3A_376] {strides = array<i32>} : memref<128x64xbf16, #tpu.memory_space<vmem>>, vector<32xbf16>,
            %unpack3A_378 = tpu.unpack_subelements %get3A_377, 0 {pack_format = #tpu.pack_format<interleaved>} : vector<32xbf16> -> vector<16xf32>
            %unpack3A_379 = tpu.unpack_subelements %get3A_377, 1 {pack_format = #tpu.pack_format<interleaved>} : vector<32xbf16> -> vector<16xf32>
            %mul3A_380 = arith.mulf %unpack3A_378, %broadcast_in_dim3A_359 : vector<16xf32>
            %mul3A_381 = arith.mulf %unpack3A_379, %broadcast_in_dim3A_359 : vector<16xf32>
            %pack3A_382 = tpu.pack_subelements %mul3A_380, %mul3A_381 {pack_format = #tpu.pack_format<interleaved>, positions = array<i32: 0, 1>} : vector<16xf32>, vector<16xf32> -> vector<32xbf16>
            %swap3A_383 = arith.index_cast %add3A_363 : i32 to index
            %swap3A_384 = arith.constant 32 : index
            %swap3A_385 = tpu.vector_load %arg17[%swap3A_383, %swap3A_384] {strides = array<i32>} : memref<128x64xbf16, #tpu.memory_space<vmem>>, vector<32xbf16>,
            tpu.vector_store %arg17[%swap3A_383, %swap3A_384], %pack3A_382 {strides = array<i32>} : memref<128x64xbf16, #tpu.memory_space<vmem>>, vector<32xbf16>,
            %slice3A_386 = vector.extract_strided_slice %get3A_130 {offsets = [9], sizes = [1], strides = [1]} : vector<16xf32> to vector<1xf32>
            %squeeze3A_387 = vector.extract %slice3A_386[0] : f32 from vector<1xf32>
            %broadcast_in_dim3A_388 = vector.broadcast %squeeze3A_387 : f32 to vector<16xf32>
            %mul3A_389 = arith.constant 16 : i32
            %mul3A_390 = arith.muli %scan3A_123, %mul3A_389 : i32
            %add3A_391 = arith.constant 9 : i32
            %add3A_392 = arith.addi %mul3A_390, %add3A_391 : i32
            %get3A_393 = arith.index_cast %add3A_392 : i32 to index
            %get3A_394 = arith.constant 0 : index
            %get3A_395 = tpu.vector_load %arg16[%get3A_393, %get3A_394] {strides = array<i32>} : memref<128x64xbf16, #tpu.memory_space<vmem>>, vector<32xbf16>,
            %unpack3A_396 = tpu.unpack_subelements %get3A_395, 0 {pack_format = #tpu.pack_format<interleaved>} : vector<32xbf16> -> vector<16xf32>
            %unpack3A_397 = tpu.unpack_subelements %get3A_395, 1 {pack_format = #tpu.pack_format<interleaved>} : vector<32xbf16> -> vector<16xf32>
            %mul3A_398 = arith.mulf %unpack3A_396, %broadcast_in_dim3A_388 : vector<16xf32>
            %mul3A_399 = arith.mulf %unpack3A_397, %broadcast_in_dim3A_388 : vector<16xf32>
            %pack3A_400 = tpu.pack_subelements %mul3A_398, %mul3A_399 {pack_format = #tpu.pack_format<interleaved>, positions = array<i32: 0, 1>} : vector<16xf32>, vector<16xf32> -> vector<32xbf16>
            %swap3A_401 = arith.index_cast %add3A_392 : i32 to index
            %swap3A_402 = arith.constant 0 : index
            %swap3A_403 = tpu.vector_load %arg17[%swap3A_401, %swap3A_402] {strides = array<i32>} : memref<128x64xbf16, #tpu.memory_space<vmem>>, vector<32xbf16>,
            tpu.vector_store %arg17[%swap3A_401, %swap3A_402], %pack3A_400 {strides = array<i32>} : memref<128x64xbf16, #tpu.memory_space<vmem>>, vector<32xbf16>,
            %get3A_404 = arith.index_cast %add3A_392 : i32 to index
            %get3A_405 = arith.constant 32 : index
            %get3A_406 = tpu.vector_load %arg16[%get3A_404, %get3A_405] {strides = array<i32>} : memref<128x64xbf16, #tpu.memory_space<vmem>>, vector<32xbf16>,
            %unpack3A_407 = tpu.unpack_subelements %get3A_406, 0 {pack_format = #tpu.pack_format<interleaved>} : vector<32xbf16> -> vector<16xf32>
            %unpack3A_408 = tpu.unpack_subelements %get3A_406, 1 {pack_format = #tpu.pack_format<interleaved>} : vector<32xbf16> -> vector<16xf32>
            %mul3A_409 = arith.mulf %unpack3A_407, %broadcast_in_dim3A_388 : vector<16xf32>
            %mul3A_410 = arith.mulf %unpack3A_408, %broadcast_in_dim3A_388 : vector<16xf32>
            %pack3A_411 = tpu.pack_subelements %mul3A_409, %mul3A_410 {pack_format = #tpu.pack_format<interleaved>, positions = array<i32: 0, 1>} : vector<16xf32>, vector<16xf32> -> vector<32xbf16>
            %swap3A_412 = arith.index_cast %add3A_392 : i32 to index
            %swap3A_413 = arith.constant 32 : index
            %swap3A_414 = tpu.vector_load %arg17[%swap3A_412, %swap3A_413] {strides = array<i32>} : memref<128x64xbf16, #tpu.memory_space<vmem>>, vector<32xbf16>,
            tpu.vector_store %arg17[%swap3A_412, %swap3A_413], %pack3A_411 {strides = array<i32>} : memref<128x64xbf16, #tpu.memory_space<vmem>>, vector<32xbf16>,
            %slice3A_415 = vector.extract_strided_slice %get3A_130 {offsets = [10], sizes = [1], strides = [1]} : vector<16xf32> to vector<1xf32>
            %squeeze3A_416 = vector.extract %slice3A_415[0] : f32 from vector<1xf32>
            %broadcast_in_dim3A_417 = vector.broadcast %squeeze3A_416 : f32 to vector<16xf32>
            %mul3A_418 = arith.constant 16 : i32
            %mul3A_419 = arith.muli %scan3A_123, %mul3A_418 : i32
            %add3A_420 = arith.constant 10 : i32
            %add3A_421 = arith.addi %mul3A_419, %add3A_420 : i32
            %get3A_422 = arith.index_cast %add3A_421 : i32 to index
            %get3A_423 = arith.constant 0 : index
            %get3A_424 = tpu.vector_load %arg16[%get3A_422, %get3A_423] {strides = array<i32>} : memref<128x64xbf16, #tpu.memory_space<vmem>>, vector<32xbf16>,
            %unpack3A_425 = tpu.unpack_subelements %get3A_424, 0 {pack_format = #tpu.pack_format<interleaved>} : vector<32xbf16> -> vector<16xf32>
            %unpack3A_426 = tpu.unpack_subelements %get3A_424, 1 {pack_format = #tpu.pack_format<interleaved>} : vector<32xbf16> -> vector<16xf32>
            %mul3A_427 = arith.mulf %unpack3A_425, %broadcast_in_dim3A_417 : vector<16xf32>
            %mul3A_428 = arith.mulf %unpack3A_426, %broadcast_in_dim3A_417 : vector<16xf32>
            %pack3A_429 = tpu.pack_subelements %mul3A_427, %mul3A_428 {pack_format = #tpu.pack_format<interleaved>, positions = array<i32: 0, 1>} : vector<16xf32>, vector<16xf32> -> vector<32xbf16>
            %swap3A_430 = arith.index_cast %add3A_421 : i32 to index
            %swap3A_431 = arith.constant 0 : index
            %swap3A_432 = tpu.vector_load %arg17[%swap3A_430, %swap3A_431] {strides = array<i32>} : memref<128x64xbf16, #tpu.memory_space<vmem>>, vector<32xbf16>,
            tpu.vector_store %arg17[%swap3A_430, %swap3A_431], %pack3A_429 {strides = array<i32>} : memref<128x64xbf16, #tpu.memory_space<vmem>>, vector<32xbf16>,
            %get3A_433 = arith.index_cast %add3A_421 : i32 to index
            %get3A_434 = arith.constant 32 : index
            %get3A_435 = tpu.vector_load %arg16[%get3A_433, %get3A_434] {strides = array<i32>} : memref<128x64xbf16, #tpu.memory_space<vmem>>, vector<32xbf16>,
            %unpack3A_436 = tpu.unpack_subelements %get3A_435, 0 {pack_format = #tpu.pack_format<interleaved>} : vector<32xbf16> -> vector<16xf32>
            %unpack3A_437 = tpu.unpack_subelements %get3A_435, 1 {pack_format = #tpu.pack_format<interleaved>} : vector<32xbf16> -> vector<16xf32>
            %mul3A_438 = arith.mulf %unpack3A_436, %broadcast_in_dim3A_417 : vector<16xf32>
            %mul3A_439 = arith.mulf %unpack3A_437, %broadcast_in_dim3A_417 : vector<16xf32>
            %pack3A_440 = tpu.pack_subelements %mul3A_438, %mul3A_439 {pack_format = #tpu.pack_format<interleaved>, positions = array<i32: 0, 1>} : vector<16xf32>, vector<16xf32> -> vector<32xbf16>
            %swap3A_441 = arith.index_cast %add3A_421 : i32 to index
            %swap3A_442 = arith.constant 32 : index
            %swap3A_443 = tpu.vector_load %arg17[%swap3A_441, %swap3A_442] {strides = array<i32>} : memref<128x64xbf16, #tpu.memory_space<vmem>>, vector<32xbf16>,
            tpu.vector_store %arg17[%swap3A_441, %swap3A_442], %pack3A_440 {strides = array<i32>} : memref<128x64xbf16, #tpu.memory_space<vmem>>, vector<32xbf16>,
            %slice3A_444 = vector.extract_strided_slice %get3A_130 {offsets = [11], sizes = [1], strides = [1]} : vector<16xf32> to vector<1xf32>
            %squeeze3A_445 = vector.extract %slice3A_444[0] : f32 from vector<1xf32>
            %broadcast_in_dim3A_446 = vector.broadcast %squeeze3A_445 : f32 to vector<16xf32>
            %mul3A_447 = arith.constant 16 : i32
            %mul3A_448 = arith.muli %scan3A_123, %mul3A_447 : i32
            %add3A_449 = arith.constant 11 : i32
            %add3A_450 = arith.addi %mul3A_448, %add3A_449 : i32
            %get3A_451 = arith.index_cast %add3A_450 : i32 to index
            %get3A_452 = arith.constant 0 : index
            %get3A_453 = tpu.vector_load %arg16[%get3A_451, %get3A_452] {strides = array<i32>} : memref<128x64xbf16, #tpu.memory_space<vmem>>, vector<32xbf16>,
            %unpack3A_454 = tpu.unpack_subelements %get3A_453, 0 {pack_format = #tpu.pack_format<interleaved>} : vector<32xbf16> -> vector<16xf32>
            %unpack3A_455 = tpu.unpack_subelements %get3A_453, 1 {pack_format = #tpu.pack_format<interleaved>} : vector<32xbf16> -> vector<16xf32>
            %mul3A_456 = arith.mulf %unpack3A_454, %broadcast_in_dim3A_446 : vector<16xf32>
            %mul3A_457 = arith.mulf %unpack3A_455, %broadcast_in_dim3A_446 : vector<16xf32>
            %pack3A_458 = tpu.pack_subelements %mul3A_456, %mul3A_457 {pack_format = #tpu.pack_format<interleaved>, positions = array<i32: 0, 1>} : vector<16xf32>, vector<16xf32> -> vector<32xbf16>
            %swap3A_459 = arith.index_cast %add3A_450 : i32 to index
            %swap3A_460 = arith.constant 0 : index
            %swap3A_461 = tpu.vector_load %arg17[%swap3A_459, %swap3A_460] {strides = array<i32>} : memref<128x64xbf16, #tpu.memory_space<vmem>>, vector<32xbf16>,
            tpu.vector_store %arg17[%swap3A_459, %swap3A_460], %pack3A_458 {strides = array<i32>} : memref<128x64xbf16, #tpu.memory_space<vmem>>, vector<32xbf16>,
            %get3A_462 = arith.index_cast %add3A_450 : i32 to index
            %get3A_463 = arith.constant 32 : index
            %get3A_464 = tpu.vector_load %arg16[%get3A_462, %get3A_463] {strides = array<i32>} : memref<128x64xbf16, #tpu.memory_space<vmem>>, vector<32xbf16>,
            %unpack3A_465 = tpu.unpack_subelements %get3A_464, 0 {pack_format = #tpu.pack_format<interleaved>} : vector<32xbf16> -> vector<16xf32>
            %unpack3A_466 = tpu.unpack_subelements %get3A_464, 1 {pack_format = #tpu.pack_format<interleaved>} : vector<32xbf16> -> vector<16xf32>
            %mul3A_467 = arith.mulf %unpack3A_465, %broadcast_in_dim3A_446 : vector<16xf32>
            %mul3A_468 = arith.mulf %unpack3A_466, %broadcast_in_dim3A_446 : vector<16xf32>
            %pack3A_469 = tpu.pack_subelements %mul3A_467, %mul3A_468 {pack_format = #tpu.pack_format<interleaved>, positions = array<i32: 0, 1>} : vector<16xf32>, vector<16xf32> -> vector<32xbf16>
            %swap3A_470 = arith.index_cast %add3A_450 : i32 to index
            %swap3A_471 = arith.constant 32 : index
            %swap3A_472 = tpu.vector_load %arg17[%swap3A_470, %swap3A_471] {strides = array<i32>} : memref<128x64xbf16, #tpu.memory_space<vmem>>, vector<32xbf16>,
            tpu.vector_store %arg17[%swap3A_470, %swap3A_471], %pack3A_469 {strides = array<i32>} : memref<128x64xbf16, #tpu.memory_space<vmem>>, vector<32xbf16>,
            %slice3A_473 = vector.extract_strided_slice %get3A_130 {offsets = [12], sizes = [1], strides = [1]} : vector<16xf32> to vector<1xf32>
            %squeeze3A_474 = vector.extract %slice3A_473[0] : f32 from vector<1xf32>
            %broadcast_in_dim3A_475 = vector.broadcast %squeeze3A_474 : f32 to vector<16xf32>
            %mul3A_476 = arith.constant 16 : i32
            %mul3A_477 = arith.muli %scan3A_123, %mul3A_476 : i32
            %add3A_478 = arith.constant 12 : i32
            %add3A_479 = arith.addi %mul3A_477, %add3A_478 : i32
            %get3A_480 = arith.index_cast %add3A_479 : i32 to index
            %get3A_481 = arith.constant 0 : index
            %get3A_482 = tpu.vector_load %arg16[%get3A_480, %get3A_481] {strides = array<i32>} : memref<128x64xbf16, #tpu.memory_space<vmem>>, vector<32xbf16>,
            %unpack3A_483 = tpu.unpack_subelements %get3A_482, 0 {pack_format = #tpu.pack_format<interleaved>} : vector<32xbf16> -> vector<16xf32>
            %unpack3A_484 = tpu.unpack_subelements %get3A_482, 1 {pack_format = #tpu.pack_format<interleaved>} : vector<32xbf16> -> vector<16xf32>
            %mul3A_485 = arith.mulf %unpack3A_483, %broadcast_in_dim3A_475 : vector<16xf32>
            %mul3A_486 = arith.mulf %unpack3A_484, %broadcast_in_dim3A_475 : vector<16xf32>
            %pack3A_487 = tpu.pack_subelements %mul3A_485, %mul3A_486 {pack_format = #tpu.pack_format<interleaved>, positions = array<i32: 0, 1>} : vector<16xf32>, vector<16xf32> -> vector<32xbf16>
            %swap3A_488 = arith.index_cast %add3A_479 : i32 to index
            %swap3A_489 = arith.constant 0 : index
            %swap3A_490 = tpu.vector_load %arg17[%swap3A_488, %swap3A_489] {strides = array<i32>} : memref<128x64xbf16, #tpu.memory_space<vmem>>, vector<32xbf16>,
            tpu.vector_store %arg17[%swap3A_488, %swap3A_489], %pack3A_487 {strides = array<i32>} : memref<128x64xbf16, #tpu.memory_space<vmem>>, vector<32xbf16>,
            %get3A_491 = arith.index_cast %add3A_479 : i32 to index
            %get3A_492 = arith.constant 32 : index
            %get3A_493 = tpu.vector_load %arg16[%get3A_491, %get3A_492] {strides = array<i32>} : memref<128x64xbf16, #tpu.memory_space<vmem>>, vector<32xbf16>,
            %unpack3A_494 = tpu.unpack_subelements %get3A_493, 0 {pack_format = #tpu.pack_format<interleaved>} : vector<32xbf16> -> vector<16xf32>
            %unpack3A_495 = tpu.unpack_subelements %get3A_493, 1 {pack_format = #tpu.pack_format<interleaved>} : vector<32xbf16> -> vector<16xf32>
            %mul3A_496 = arith.mulf %unpack3A_494, %broadcast_in_dim3A_475 : vector<16xf32>
            %mul3A_497 = arith.mulf %unpack3A_495, %broadcast_in_dim3A_475 : vector<16xf32>
            %pack3A_498 = tpu.pack_subelements %mul3A_496, %mul3A_497 {pack_format = #tpu.pack_format<interleaved>, positions = array<i32: 0, 1>} : vector<16xf32>, vector<16xf32> -> vector<32xbf16>
            %swap3A_499 = arith.index_cast %add3A_479 : i32 to index
            %swap3A_500 = arith.constant 32 : index
            %swap3A_501 = tpu.vector_load %arg17[%swap3A_499, %swap3A_500] {strides = array<i32>} : memref<128x64xbf16, #tpu.memory_space<vmem>>, vector<32xbf16>,
            tpu.vector_store %arg17[%swap3A_499, %swap3A_500], %pack3A_498 {strides = array<i32>} : memref<128x64xbf16, #tpu.memory_space<vmem>>, vector<32xbf16>,
            %slice3A_502 = vector.extract_strided_slice %get3A_130 {offsets = [13], sizes = [1], strides = [1]} : vector<16xf32> to vector<1xf32>
            %squeeze3A_503 = vector.extract %slice3A_502[0] : f32 from vector<1xf32>
            %broadcast_in_dim3A_504 = vector.broadcast %squeeze3A_503 : f32 to vector<16xf32>
            %mul3A_505 = arith.constant 16 : i32
            %mul3A_506 = arith.muli %scan3A_123, %mul3A_505 : i32
            %add3A_507 = arith.constant 13 : i32
            %add3A_508 = arith.addi %mul3A_506, %add3A_507 : i32
            %get3A_509 = arith.index_cast %add3A_508 : i32 to index
            %get3A_510 = arith.constant 0 : index
            %get3A_511 = tpu.vector_load %arg16[%get3A_509, %get3A_510] {strides = array<i32>} : memref<128x64xbf16, #tpu.memory_space<vmem>>, vector<32xbf16>,
            %unpack3A_512 = tpu.unpack_subelements %get3A_511, 0 {pack_format = #tpu.pack_format<interleaved>} : vector<32xbf16> -> vector<16xf32>
            %unpack3A_513 = tpu.unpack_subelements %get3A_511, 1 {pack_format = #tpu.pack_format<interleaved>} : vector<32xbf16> -> vector<16xf32>
            %mul3A_514 = arith.mulf %unpack3A_512, %broadcast_in_dim3A_504 : vector<16xf32>
            %mul3A_515 = arith.mulf %unpack3A_513, %broadcast_in_dim3A_504 : vector<16xf32>
            %pack3A_516 = tpu.pack_subelements %mul3A_514, %mul3A_515 {pack_format = #tpu.pack_format<interleaved>, positions = array<i32: 0, 1>} : vector<16xf32>, vector<16xf32> -> vector<32xbf16>
            %swap3A_517 = arith.index_cast %add3A_508 : i32 to index
            %swap3A_518 = arith.constant 0 : index
            %swap3A_519 = tpu.vector_load %arg17[%swap3A_517, %swap3A_518] {strides = array<i32>} : memref<128x64xbf16, #tpu.memory_space<vmem>>, vector<32xbf16>,
            tpu.vector_store %arg17[%swap3A_517, %swap3A_518], %pack3A_516 {strides = array<i32>} : memref<128x64xbf16, #tpu.memory_space<vmem>>, vector<32xbf16>,
            %get3A_520 = arith.index_cast %add3A_508 : i32 to index
            %get3A_521 = arith.constant 32 : index
            %get3A_522 = tpu.vector_load %arg16[%get3A_520, %get3A_521] {strides = array<i32>} : memref<128x64xbf16, #tpu.memory_space<vmem>>, vector<32xbf16>,
            %unpack3A_523 = tpu.unpack_subelements %get3A_522, 0 {pack_format = #tpu.pack_format<interleaved>} : vector<32xbf16> -> vector<16xf32>
            %unpack3A_524 = tpu.unpack_subelements %get3A_522, 1 {pack_format = #tpu.pack_format<interleaved>} : vector<32xbf16> -> vector<16xf32>
            %mul3A_525 = arith.mulf %unpack3A_523, %broadcast_in_dim3A_504 : vector<16xf32>
            %mul3A_526 = arith.mulf %unpack3A_524, %broadcast_in_dim3A_504 : vector<16xf32>
            %pack3A_527 = tpu.pack_subelements %mul3A_525, %mul3A_526 {pack_format = #tpu.pack_format<interleaved>, positions = array<i32: 0, 1>} : vector<16xf32>, vector<16xf32> -> vector<32xbf16>
            %swap3A_528 = arith.index_cast %add3A_508 : i32 to index
            %swap3A_529 = arith.constant 32 : index
            %swap3A_530 = tpu.vector_load %arg17[%swap3A_528, %swap3A_529] {strides = array<i32>} : memref<128x64xbf16, #tpu.memory_space<vmem>>, vector<32xbf16>,
            tpu.vector_store %arg17[%swap3A_528, %swap3A_529], %pack3A_527 {strides = array<i32>} : memref<128x64xbf16, #tpu.memory_space<vmem>>, vector<32xbf16>,
            %slice3A_531 = vector.extract_strided_slice %get3A_130 {offsets = [14], sizes = [1], strides = [1]} : vector<16xf32> to vector<1xf32>
            %squeeze3A_532 = vector.extract %slice3A_531[0] : f32 from vector<1xf32>
            %broadcast_in_dim3A_533 = vector.broadcast %squeeze3A_532 : f32 to vector<16xf32>
            %mul3A_534 = arith.constant 16 : i32
            %mul3A_535 = arith.muli %scan3A_123, %mul3A_534 : i32
            %add3A_536 = arith.constant 14 : i32
            %add3A_537 = arith.addi %mul3A_535, %add3A_536 : i32
            %get3A_538 = arith.index_cast %add3A_537 : i32 to index
            %get3A_539 = arith.constant 0 : index
            %get3A_540 = tpu.vector_load %arg16[%get3A_538, %get3A_539] {strides = array<i32>} : memref<128x64xbf16, #tpu.memory_space<vmem>>, vector<32xbf16>,
            %unpack3A_541 = tpu.unpack_subelements %get3A_540, 0 {pack_format = #tpu.pack_format<interleaved>} : vector<32xbf16> -> vector<16xf32>
            %unpack3A_542 = tpu.unpack_subelements %get3A_540, 1 {pack_format = #tpu.pack_format<interleaved>} : vector<32xbf16> -> vector<16xf32>
            %mul3A_543 = arith.mulf %unpack3A_541, %broadcast_in_dim3A_533 : vector<16xf32>
            %mul3A_544 = arith.mulf %unpack3A_542, %broadcast_in_dim3A_533 : vector<16xf32>
            %pack3A_545 = tpu.pack_subelements %mul3A_543, %mul3A_544 {pack_format = #tpu.pack_format<interleaved>, positions = array<i32: 0, 1>} : vector<16xf32>, vector<16xf32> -> vector<32xbf16>
            %swap3A_546 = arith.index_cast %add3A_537 : i32 to index
            %swap3A_547 = arith.constant 0 : index
            %swap3A_548 = tpu.vector_load %arg17[%swap3A_546, %swap3A_547] {strides = array<i32>} : memref<128x64xbf16, #tpu.memory_space<vmem>>, vector<32xbf16>,
            tpu.vector_store %arg17[%swap3A_546, %swap3A_547], %pack3A_545 {strides = array<i32>} : memref<128x64xbf16, #tpu.memory_space<vmem>>, vector<32xbf16>,
            %get3A_549 = arith.index_cast %add3A_537 : i32 to index
            %get3A_550 = arith.constant 32 : index
            %get3A_551 = tpu.vector_load %arg16[%get3A_549, %get3A_550] {strides = array<i32>} : memref<128x64xbf16, #tpu.memory_space<vmem>>, vector<32xbf16>,
            %unpack3A_552 = tpu.unpack_subelements %get3A_551, 0 {pack_format = #tpu.pack_format<interleaved>} : vector<32xbf16> -> vector<16xf32>
            %unpack3A_553 = tpu.unpack_subelements %get3A_551, 1 {pack_format = #tpu.pack_format<interleaved>} : vector<32xbf16> -> vector<16xf32>
            %mul3A_554 = arith.mulf %unpack3A_552, %broadcast_in_dim3A_533 : vector<16xf32>
            %mul3A_555 = arith.mulf %unpack3A_553, %broadcast_in_dim3A_533 : vector<16xf32>
            %pack3A_556 = tpu.pack_subelements %mul3A_554, %mul3A_555 {pack_format = #tpu.pack_format<interleaved>, positions = array<i32: 0, 1>} : vector<16xf32>, vector<16xf32> -> vector<32xbf16>
            %swap3A_557 = arith.index_cast %add3A_537 : i32 to index
            %swap3A_558 = arith.constant 32 : index
            %swap3A_559 = tpu.vector_load %arg17[%swap3A_557, %swap3A_558] {strides = array<i32>} : memref<128x64xbf16, #tpu.memory_space<vmem>>, vector<32xbf16>,
            tpu.vector_store %arg17[%swap3A_557, %swap3A_558], %pack3A_556 {strides = array<i32>} : memref<128x64xbf16, #tpu.memory_space<vmem>>, vector<32xbf16>,
            %slice3A_560 = vector.extract_strided_slice %get3A_130 {offsets = [15], sizes = [1], strides = [1]} : vector<16xf32> to vector<1xf32>
            %squeeze3A_561 = vector.extract %slice3A_560[0] : f32 from vector<1xf32>
            %broadcast_in_dim3A_562 = vector.broadcast %squeeze3A_561 : f32 to vector<16xf32>
            %mul3A_563 = arith.constant 16 : i32
            %mul3A_564 = arith.muli %scan3A_123, %mul3A_563 : i32
            %add3A_565 = arith.constant 15 : i32
            %add3A_566 = arith.addi %mul3A_564, %add3A_565 : i32
            %get3A_567 = arith.index_cast %add3A_566 : i32 to index
            %get3A_568 = arith.constant 0 : index
            %get3A_569 = tpu.vector_load %arg16[%get3A_567, %get3A_568] {strides = array<i32>} : memref<128x64xbf16, #tpu.memory_space<vmem>>, vector<32xbf16>,
            %unpack3A_570 = tpu.unpack_subelements %get3A_569, 0 {pack_format = #tpu.pack_format<interleaved>} : vector<32xbf16> -> vector<16xf32>
            %unpack3A_571 = tpu.unpack_subelements %get3A_569, 1 {pack_format = #tpu.pack_format<interleaved>} : vector<32xbf16> -> vector<16xf32>
            %mul3A_572 = arith.mulf %unpack3A_570, %broadcast_in_dim3A_562 : vector<16xf32>
            %mul3A_573 = arith.mulf %unpack3A_571, %broadcast_in_dim3A_562 : vector<16xf32>
            %pack3A_574 = tpu.pack_subelements %mul3A_572, %mul3A_573 {pack_format = #tpu.pack_format<interleaved>, positions = array<i32: 0, 1>} : vector<16xf32>, vector<16xf32> -> vector<32xbf16>
            %swap3A_575 = arith.index_cast %add3A_566 : i32 to index
            %swap3A_576 = arith.constant 0 : index
            %swap3A_577 = tpu.vector_load %arg17[%swap3A_575, %swap3A_576] {strides = array<i32>} : memref<128x64xbf16, #tpu.memory_space<vmem>>, vector<32xbf16>,
            tpu.vector_store %arg17[%swap3A_575, %swap3A_576], %pack3A_574 {strides = array<i32>} : memref<128x64xbf16, #tpu.memory_space<vmem>>, vector<32xbf16>,
            %get3A_578 = arith.index_cast %add3A_566 : i32 to index
            %get3A_579 = arith.constant 32 : index
            %get3A_580 = tpu.vector_load %arg16[%get3A_578, %get3A_579] {strides = array<i32>} : memref<128x64xbf16, #tpu.memory_space<vmem>>, vector<32xbf16>,
            %unpack3A_581 = tpu.unpack_subelements %get3A_580, 0 {pack_format = #tpu.pack_format<interleaved>} : vector<32xbf16> -> vector<16xf32>
            %unpack3A_582 = tpu.unpack_subelements %get3A_580, 1 {pack_format = #tpu.pack_format<interleaved>} : vector<32xbf16> -> vector<16xf32>
            %mul3A_583 = arith.mulf %unpack3A_581, %broadcast_in_dim3A_562 : vector<16xf32>
            %mul3A_584 = arith.mulf %unpack3A_582, %broadcast_in_dim3A_562 : vector<16xf32>
            %pack3A_585 = tpu.pack_subelements %mul3A_583, %mul3A_584 {pack_format = #tpu.pack_format<interleaved>, positions = array<i32: 0, 1>} : vector<16xf32>, vector<16xf32> -> vector<32xbf16>
            %swap3A_586 = arith.index_cast %add3A_566 : i32 to index
            %swap3A_587 = arith.constant 32 : index
            %swap3A_588 = tpu.vector_load %arg17[%swap3A_586, %swap3A_587] {strides = array<i32>} : memref<128x64xbf16, #tpu.memory_space<vmem>>, vector<32xbf16>,
            tpu.vector_store %arg17[%swap3A_586, %swap3A_587], %pack3A_585 {strides = array<i32>} : memref<128x64xbf16, #tpu.memory_space<vmem>>, vector<32xbf16>,
            %scan3A_589 = arith.constant 0 : i32
            scf.yield %scan3A_589 : i32
          }
          %scan3A_121 = arith.constant 8 : i32
          "tpu.region"() ({
            %run_scoped3A = tpu.sem_alloc : memref<!tpu.dma_semaphore, #tpu.memory_space<semaphore_mem>>
            %dma_start3A_123 = arith.constant 0 : i32
            %dma_start3A_124 = tpu.memref_slice %arg11[%add3A_86, %dma_start3A_123] : memref<162x128xi32, #tpu.memory_space<vmem>> -> memref<1x128xi32, #tpu.memory_space<vmem>>
            %dma_start3A_125 = tpu.memref_squeeze %dma_start3A_124 : memref<1x128xi32, #tpu.memory_space<vmem>> -> memref<128xi32, #tpu.memory_space<vmem>>
            %dma_start3A_126 = arith.constant 0 : i32
            %dma_start3A_127 = arith.constant 0 : i32
            %dma_start3A_128 = tpu.memref_slice %arg19[%dma_start3A_126, %dma_start3A_127] : memref<10048x64xbf16, #tpu.memory_space<vmem_shared>> -> memref<10048x64xbf16, #tpu.memory_space<vmem_shared>>
            tpu.enqueue_indirect_dma source(%arg17 : memref<128x64xbf16, #tpu.memory_space<vmem>>) target(%dma_start3A_128 : memref<10048x64xbf16, #tpu.memory_space<vmem_shared>>) offsets(%dma_start3A_125 : memref<128xi32, #tpu.memory_space<vmem>>) semaphore(%run_scoped3A : memref<!tpu.dma_semaphore, #tpu.memory_space<semaphore_mem>>) {add = true}
            %dma_wait3A_129 = arith.constant 0 : i32
            %dma_wait3A_130 = tpu.memref_slice %arg11[%add3A_86, %dma_wait3A_129] : memref<162x128xi32, #tpu.memory_space<vmem>> -> memref<1x128xi32, #tpu.memory_space<vmem>>
            %dma_wait3A_131 = tpu.memref_squeeze %dma_wait3A_130 : memref<1x128xi32, #tpu.memory_space<vmem>> -> memref<128xi32, #tpu.memory_space<vmem>>
            %dma_wait3A_132 = arith.constant 0 : i32
            %dma_wait3A_133 = arith.constant 0 : i32
            %dma_wait3A_134 = tpu.memref_slice %arg19[%dma_wait3A_132, %dma_wait3A_133] : memref<10048x64xbf16, #tpu.memory_space<vmem_shared>> -> memref<10048x64xbf16, #tpu.memory_space<vmem_shared>>
            tpu.wait_indirect_dma semaphore(%run_scoped3A : memref<!tpu.dma_semaphore, #tpu.memory_space<semaphore_mem>>) src(%arg17 : memref<128x64xbf16, #tpu.memory_space<vmem>>) dst(%dma_wait3A_134 : memref<10048x64xbf16, #tpu.memory_space<vmem_shared>>)
            tpu.yield
          }) : () -> ()
          %scan3A_122 = arith.constant 0 : i32
          scf.yield %scan3A_122 : i32
        }
        %scan3A_80 = arith.constant 81 : i32
      } else {
      }
      %barrier3A_57 = arith.constant 0 : index
      tpu.barrier barrier_id(%barrier3A_57)
      %eq3A_58 = arith.constant 0 : i32
      %eq3A_59 = arith.cmpi eq, %arg0, %eq3A_58 : i32
      %convert_element_type3A_60 = arith.extui %eq3A_59 : i1 to i32
      %cond3A_61 = arith.constant 0 : i32
      %cond3A_62 = arith.cmpi ne, %convert_element_type3A_60, %cond3A_61 : i32
      scf.if %cond3A_62 {
        %mul3A_70 = arith.constant 628 : i32
        %mul3A_71 = arith.muli %arg1, %mul3A_70 : i32
        %mul3A_72 = arith.constant 628 : i32
        %mul3A_73 = arith.muli %arg1, %mul3A_72 : i32
        "tpu.region"() ({
          %run_scoped3A = tpu.sem_alloc : memref<!tpu.dma_semaphore, #tpu.memory_space<semaphore_mem>>
          %dma_start3A = arith.constant 0 : i32
          %dma_start3A_74 = tpu.memref_slice %arg7[%scan3A_13, %mul3A_73, %dma_start3A] : memref<4x10048x64xbf16, #tpu.memory_space<hbm>> -> memref<1x628x64xbf16, #tpu.memory_space<hbm>>
          %dma_start3A_75 = tpu.memref_squeeze %dma_start3A_74 : memref<1x628x64xbf16, #tpu.memory_space<hbm>> -> memref<628x64xbf16, #tpu.memory_space<hbm>>
          %dma_start3A_76 = arith.constant 0 : i32
          %dma_start3A_77 = tpu.memref_slice %arg19[%mul3A_71, %dma_start3A_76] : memref<10048x64xbf16, #tpu.memory_space<vmem_shared>> -> memref<628x64xbf16, #tpu.memory_space<vmem_shared>>
          tpu.enqueue_dma source(%dma_start3A_77 : memref<628x64xbf16, #tpu.memory_space<vmem_shared>>) target(%dma_start3A_75 : memref<628x64xbf16, #tpu.memory_space<hbm>>) target_semaphore(%run_scoped3A : memref<!tpu.dma_semaphore, #tpu.memory_space<semaphore_mem>>)
          %dma_wait3A = arith.constant 0 : i32
          %dma_wait3A_78 = tpu.memref_slice %arg7[%scan3A_13, %mul3A_73, %dma_wait3A] : memref<4x10048x64xbf16, #tpu.memory_space<hbm>> -> memref<1x628x64xbf16, #tpu.memory_space<hbm>>
          %dma_wait3A_79 = tpu.memref_squeeze %dma_wait3A_78 : memref<1x628x64xbf16, #tpu.memory_space<hbm>> -> memref<628x64xbf16, #tpu.memory_space<hbm>>
          %dma_wait3A_80 = arith.constant 0 : i32
          %dma_wait3A_81 = tpu.memref_slice %arg19[%mul3A_71, %dma_wait3A_80] : memref<10048x64xbf16, #tpu.memory_space<vmem_shared>> -> memref<628x64xbf16, #tpu.memory_space<vmem_shared>>
          tpu.wait_dma2 semaphore(%run_scoped3A : memref<!tpu.dma_semaphore, #tpu.memory_space<semaphore_mem>>) src(%dma_wait3A_81 : memref<628x64xbf16, #tpu.memory_space<vmem_shared>>) dst(%dma_wait3A_79 : memref<628x64xbf16, #tpu.memory_space<hbm>>)
          tpu.yield
        }) : () -> ()
      } else {
      }
      %eq3A_63 = arith.constant 1 : i32
      %eq3A_64 = arith.cmpi eq, %arg0, %eq3A_63 : i32
      %convert_element_type3A_65 = arith.extui %eq3A_64 : i1 to i32
      %cond3A_66 = arith.constant 0 : i32
      %cond3A_67 = arith.cmpi ne, %convert_element_type3A_65, %cond3A_66 : i32
      scf.if %cond3A_67 {
        %mul3A_70 = arith.constant 628 : i32
        %mul3A_71 = arith.muli %arg1, %mul3A_70 : i32
        %mul3A_72 = arith.constant 628 : i32
        %mul3A_73 = arith.muli %arg1, %mul3A_72 : i32
        "tpu.region"() ({
          %run_scoped3A = tpu.sem_alloc : memref<!tpu.dma_semaphore, #tpu.memory_space<semaphore_mem>>
          %dma_start3A = arith.constant 0 : i32
          %dma_start3A_74 = tpu.memref_slice %arg8[%scan3A_13, %mul3A_73, %dma_start3A] : memref<4x10048x64xbf16, #tpu.memory_space<hbm>> -> memref<1x628x64xbf16, #tpu.memory_space<hbm>>
          %dma_start3A_75 = tpu.memref_squeeze %dma_start3A_74 : memref<1x628x64xbf16, #tpu.memory_space<hbm>> -> memref<628x64xbf16, #tpu.memory_space<hbm>>
          %dma_start3A_76 = arith.constant 0 : i32
          %dma_start3A_77 = tpu.memref_slice %arg19[%mul3A_71, %dma_start3A_76] : memref<10048x64xbf16, #tpu.memory_space<vmem_shared>> -> memref<628x64xbf16, #tpu.memory_space<vmem_shared>>
          tpu.enqueue_dma source(%dma_start3A_77 : memref<628x64xbf16, #tpu.memory_space<vmem_shared>>) target(%dma_start3A_75 : memref<628x64xbf16, #tpu.memory_space<hbm>>) target_semaphore(%run_scoped3A : memref<!tpu.dma_semaphore, #tpu.memory_space<semaphore_mem>>)
          %dma_wait3A = arith.constant 0 : i32
          %dma_wait3A_78 = tpu.memref_slice %arg8[%scan3A_13, %mul3A_73, %dma_wait3A] : memref<4x10048x64xbf16, #tpu.memory_space<hbm>> -> memref<1x628x64xbf16, #tpu.memory_space<hbm>>
          %dma_wait3A_79 = tpu.memref_squeeze %dma_wait3A_78 : memref<1x628x64xbf16, #tpu.memory_space<hbm>> -> memref<628x64xbf16, #tpu.memory_space<hbm>>
          %dma_wait3A_80 = arith.constant 0 : i32
          %dma_wait3A_81 = tpu.memref_slice %arg19[%mul3A_71, %dma_wait3A_80] : memref<10048x64xbf16, #tpu.memory_space<vmem_shared>> -> memref<628x64xbf16, #tpu.memory_space<vmem_shared>>
          tpu.wait_dma2 semaphore(%run_scoped3A : memref<!tpu.dma_semaphore, #tpu.memory_space<semaphore_mem>>) src(%dma_wait3A_81 : memref<628x64xbf16, #tpu.memory_space<vmem_shared>>) dst(%dma_wait3A_79 : memref<628x64xbf16, #tpu.memory_space<hbm>>)
          tpu.yield
        }) : () -> ()
      } else {
      }
      %barrier3A_68 = arith.constant 0 : index
      tpu.barrier barrier_id(%barrier3A_68)
      %scan3A_69 = arith.constant 0 : i32
      scf.yield %scan3A_69 : i32
    }
    %scan3A_12 = arith.constant 4 : i32
    return
  }
}

module attributes {stable_mosaic.version = 14 : i64} {
  func.func @_dense_body(%arg0: i32, %arg1: i32, %arg2: memref<1x400x128xf32, #tpu.memory_space<vmem>>, %arg3: memref<1x128x128xf32, #tpu.memory_space<vmem>>, %arg4: memref<1x128x2xf32, #tpu.memory_space<vmem>>, %arg5: memref<1x400x64xbf16, #tpu.memory_space<vmem>>, %arg6: memref<1x400x64xbf16, #tpu.memory_space<vmem>>, %arg7: memref<1x400x2xf32, #tpu.memory_space<vmem>>) attributes {dimension_semantics = [#tpu.dimension_semantics<arbitrary>, #tpu.dimension_semantics<arbitrary>], iteration_bounds = array<i64: 4, 25>, scalar_prefetch = 0 : i64, scratch_operands = 0 : i64, tpu.core_type = #tpu.core_type<tc>, window_params = [{transform_indices = @transform_0, window_bounds = array<i64: 1, 400, 128>}, {transform_indices = @transform_1, window_bounds = array<i64: 1, 128, 128>}, {transform_indices = @transform_2, window_bounds = array<i64: 1, 128, 2>}, {transform_indices = @transform_3, window_bounds = array<i64: 1, 400, 64>}, {transform_indices = @transform_4, window_bounds = array<i64: 1, 400, 64>}, {transform_indices = @transform_5, window_bounds = array<i64: 1, 400, 2>}]} {
    %get3A = arith.constant 0 : index
    %get3A_0 = arith.constant 0 : index
    %get3A_1 = arith.constant 0 : index
    %get3A_2 = vector.load %arg2[%get3A, %get3A_0, %get3A_1] : memref<1x400x128xf32, #tpu.memory_space<vmem>>, vector<1x400x128xf32>
    %get3A_3 = vector.shape_cast %get3A_2 : vector<1x400x128xf32> to vector<400x128xf32>
    %get3A_4 = arith.constant 0 : index
    %get3A_5 = arith.constant 0 : index
    %get3A_6 = arith.constant 0 : index
    %get3A_7 = vector.load %arg3[%get3A_4, %get3A_5, %get3A_6] : memref<1x128x128xf32, #tpu.memory_space<vmem>>, vector<1x128x128xf32>
    %get3A_8 = vector.shape_cast %get3A_7 : vector<1x128x128xf32> to vector<128x128xf32>
    %dot_general3A = arith.constant dense<0.000000e+00> : vector<400x128xf32>
    %dot_general3A_9 = tpu.matmul %get3A_3, %get3A_8, %dot_general3A {dimension_numbers = #tpu.dot_dimension_numbers<[1], [1], [0], [0], [0, 0, 1, 0], [], []>, transpose_lhs_hint = false} : vector<400x128xf32>, vector<128x128xf32>, vector<400x128xf32> -> vector<400x128xf32>
    %convert_element_type3A = arith.truncf %dot_general3A_9 : vector<400x128xf32> to vector<400x128xbf16>
    %slice3A = vector.extract_strided_slice %convert_element_type3A {offsets = [0, 0], sizes = [400, 64], strides = [1, 1]} : vector<400x128xbf16> to vector<400x64xbf16>
    %swap3A = arith.constant 0 : index
    %swap3A_10 = arith.constant 0 : index
    %swap3A_11 = arith.constant 0 : index
    %swap3A_12 = vector.load %arg5[%swap3A, %swap3A_10, %swap3A_11] : memref<1x400x64xbf16, #tpu.memory_space<vmem>>, vector<1x400x64xbf16>
    %swap3A_13 = vector.shape_cast %swap3A_12 : vector<1x400x64xbf16> to vector<400x64xbf16>
    %swap3A_14 = vector.shape_cast %slice3A : vector<400x64xbf16> to vector<1x400x64xbf16>
    tpu.vector_store %arg5[%swap3A, %swap3A_10, %swap3A_11], %swap3A_14 {strides = array<i32>} : memref<1x400x64xbf16, #tpu.memory_space<vmem>>, vector<1x400x64xbf16>,
    %slice3A_15 = vector.extract_strided_slice %convert_element_type3A {offsets = [0, 64], sizes = [400, 64], strides = [1, 1]} : vector<400x128xbf16> to vector<400x64xbf16>
    %swap3A_16 = arith.constant 0 : index
    %swap3A_17 = arith.constant 0 : index
    %swap3A_18 = arith.constant 0 : index
    %swap3A_19 = vector.load %arg6[%swap3A_16, %swap3A_17, %swap3A_18] : memref<1x400x64xbf16, #tpu.memory_space<vmem>>, vector<1x400x64xbf16>
    %swap3A_20 = vector.shape_cast %swap3A_19 : vector<1x400x64xbf16> to vector<400x64xbf16>
    %swap3A_21 = vector.shape_cast %slice3A_15 : vector<400x64xbf16> to vector<1x400x64xbf16>
    tpu.vector_store %arg6[%swap3A_16, %swap3A_17, %swap3A_18], %swap3A_21 {strides = array<i32>} : memref<1x400x64xbf16, #tpu.memory_space<vmem>>, vector<1x400x64xbf16>,
    %get3A_22 = arith.constant 0 : index
    %get3A_23 = arith.constant 0 : index
    %get3A_24 = arith.constant 0 : index
    %get3A_25 = vector.load %arg4[%get3A_22, %get3A_23, %get3A_24] : memref<1x128x2xf32, #tpu.memory_space<vmem>>, vector<1x128x2xf32>
    %get3A_26 = vector.shape_cast %get3A_25 : vector<1x128x2xf32> to vector<128x2xf32>
    %dot_general3A_27 = arith.constant dense<0.000000e+00> : vector<400x2xf32>
    %dot_general3A_28 = tpu.matmul %dot_general3A_9, %get3A_26, %dot_general3A_27 {dimension_numbers = #tpu.dot_dimension_numbers<[1], [0], [0], [1], [0, 0, 1, 1], [], []>, transpose_lhs_hint = false} : vector<400x128xf32>, vector<128x2xf32>, vector<400x2xf32> -> vector<400x2xf32>
    %swap3A_29 = arith.constant 0 : index
    %swap3A_30 = arith.constant 0 : index
    %swap3A_31 = arith.constant 0 : index
    %swap3A_32 = vector.load %arg7[%swap3A_29, %swap3A_30, %swap3A_31] : memref<1x400x2xf32, #tpu.memory_space<vmem>>, vector<1x400x2xf32>
    %swap3A_33 = vector.shape_cast %swap3A_32 : vector<1x400x2xf32> to vector<400x2xf32>
    %swap3A_34 = vector.shape_cast %dot_general3A_28 : vector<400x2xf32> to vector<1x400x2xf32>
    tpu.vector_store %arg7[%swap3A_29, %swap3A_30, %swap3A_31], %swap3A_34 {strides = array<i32>} : memref<1x400x2xf32, #tpu.memory_space<vmem>>, vector<1x400x2xf32>,
    return
  }
  func.func @transform_0(%arg0: i32, %arg1: i32) -> (i32, i32, i32) {
    %c0_i32 = arith.constant 0 : i32
    %c0_i32_0 = arith.constant 0 : i32
    return %arg0, %arg1, %c0_i32 : i32, i32, i32
  }
  func.func @transform_1(%arg0: i32, %arg1: i32) -> (i32, i32, i32) {
    %c0_i32 = arith.constant 0 : i32
    %c0_i32_0 = arith.constant 0 : i32
    %c0_i32_1 = arith.constant 0 : i32
    return %arg0, %c0_i32, %c0_i32_0 : i32, i32, i32
  }
  func.func @transform_2(%arg0: i32, %arg1: i32) -> (i32, i32, i32) {
    %c0_i32 = arith.constant 0 : i32
    %c0_i32_0 = arith.constant 0 : i32
    %c0_i32_1 = arith.constant 0 : i32
    return %arg0, %c0_i32, %c0_i32_0 : i32, i32, i32
  }
  func.func @transform_3(%arg0: i32, %arg1: i32) -> (i32, i32, i32) {
    %c0_i32 = arith.constant 0 : i32
    %c0_i32_0 = arith.constant 0 : i32
    return %arg0, %arg1, %c0_i32 : i32, i32, i32
  }
  func.func @transform_4(%arg0: i32, %arg1: i32) -> (i32, i32, i32) {
    %c0_i32 = arith.constant 0 : i32
    %c0_i32_0 = arith.constant 0 : i32
    return %arg0, %arg1, %c0_i32 : i32, i32, i32
  }
  func.func @transform_5(%arg0: i32, %arg1: i32) -> (i32, i32, i32) {
    %c0_i32 = arith.constant 0 : i32
    %c0_i32_0 = arith.constant 0 : i32
    return %arg0, %arg1, %c0_i32 : i32, i32, i32
  }
}

module attributes {stable_mosaic.version = 14 : i64} {
  func.func @_epi_stacked_body(%arg0: i32, %arg1: memref<4x400x64xbf16, #tpu.memory_space<vmem>>, %arg2: memref<4x400x64xbf16, #tpu.memory_space<vmem>>, %arg3: memref<4x400x1xf32, #tpu.memory_space<vmem>>, %arg4: memref<4x128xf32, #tpu.memory_space<vmem>>, %arg5: memref<1x1xf32, #tpu.memory_space<vmem>>, %arg6: memref<4x400x128xf32, #tpu.memory_space<vmem>>) attributes {dimension_semantics = [#tpu.dimension_semantics<arbitrary>], iteration_bounds = array<i64: 25>, scalar_prefetch = 0 : i64, scratch_operands = 0 : i64, tpu.core_type = #tpu.core_type<tc>, window_params = [{transform_indices = @transform_0, window_bounds = array<i64: 4, 400, 64>}, {transform_indices = @transform_1, window_bounds = array<i64: 4, 400, 64>}, {transform_indices = @transform_2, window_bounds = array<i64: 4, 400, 1>}, {pipeline_mode = #tpu.pipeline_mode<synchronous>, transform_indices = @transform_3, window_bounds = array<i64: 4, 128>}, {pipeline_mode = #tpu.pipeline_mode<synchronous>, transform_indices = @transform_4, window_bounds = array<i64: 1, 1>}, {transform_indices = @transform_5, window_bounds = array<i64: 4, 400, 128>}]} {
    %get3A = arith.constant 0 : index
    %get3A_0 = arith.constant 0 : index
    %get3A_1 = vector.load %arg5[%get3A, %get3A_0] : memref<1x1xf32, #tpu.memory_space<vmem>>, vector<1x1xf32>
    %get3A_2 = vector.extract %get3A_1[0, 0] : f32 from vector<1x1xf32>
    %get3A_3 = arith.constant 0 : index
    %get3A_4 = arith.constant 0 : index
    %get3A_5 = arith.constant 0 : index
    %get3A_6 = vector.load %arg1[%get3A_3, %get3A_4, %get3A_5] : memref<4x400x64xbf16, #tpu.memory_space<vmem>>, vector<1x400x64xbf16>
    %get3A_7 = vector.shape_cast %get3A_6 : vector<1x400x64xbf16> to vector<400x64xbf16>
    %get3A_8 = arith.constant 0 : index
    %get3A_9 = arith.constant 0 : index
    %get3A_10 = arith.constant 0 : index
    %get3A_11 = vector.load %arg2[%get3A_8, %get3A_9, %get3A_10] : memref<4x400x64xbf16, #tpu.memory_space<vmem>>, vector<1x400x64xbf16>
    %get3A_12 = vector.shape_cast %get3A_11 : vector<1x400x64xbf16> to vector<400x64xbf16>
    %concatenate3A = tpu.concatenate %get3A_7, %get3A_12 in 1 : vector<400x64xbf16>, vector<400x64xbf16> -> vector<400x128xbf16>
    %convert_element_type3A = arith.extf %concatenate3A : vector<400x128xbf16> to vector<400x128xf32>
    %get3A_13 = arith.constant 0 : index
    %get3A_14 = arith.constant 0 : index
    %get3A_15 = arith.constant 0 : index
    %get3A_16 = vector.load %arg3[%get3A_13, %get3A_14, %get3A_15] : memref<4x400x1xf32, #tpu.memory_space<vmem>>, vector<1x400x1xf32>
    %get3A_17 = vector.shape_cast %get3A_16 : vector<1x400x1xf32> to vector<400x1xf32>
    %add3A = arith.constant 1.000000e-16 : f32
    %add3A_18 = vector.broadcast %add3A : f32 to vector<400x1xf32>
    %add3A_19 = arith.addf %get3A_17, %add3A_18 : vector<400x1xf32>
    %div3A = vector.broadcast %add3A_19 : vector<400x1xf32> to vector<400x128xf32>
    %div3A_20 = arith.divf %convert_element_type3A, %div3A : vector<400x128xf32>
    %get3A_21 = arith.constant 0 : index
    %get3A_22 = arith.constant 0 : index
    %get3A_23 = vector.load %arg4[%get3A_21, %get3A_22] : memref<4x128xf32, #tpu.memory_space<vmem>>, vector<1x128xf32>
    %get3A_24 = vector.shape_cast %get3A_23 : vector<1x128xf32> to vector<128xf32>
    %broadcast_in_dim3A = vector.shape_cast %get3A_24 : vector<128xf32> to vector<1x128xf32>
    %add3A_25 = vector.broadcast %broadcast_in_dim3A : vector<1x128xf32> to vector<400x128xf32>
    %add3A_26 = arith.addf %div3A_20, %add3A_25 : vector<400x128xf32>
    %ge3A = arith.constant 0.000000e+00 : f32
    %ge3A_27 = vector.broadcast %ge3A : f32 to vector<400x128xf32>
    %ge3A_28 = arith.cmpf oge, %add3A_26, %ge3A_27 : vector<400x128xf32>
    %mul3A = vector.broadcast %get3A_2 : f32 to vector<400x128xf32>
    %mul3A_29 = arith.mulf %mul3A, %add3A_26 : vector<400x128xf32>
    %select_n3A = arith.select %ge3A_28, %add3A_26, %mul3A_29 : vector<400x128xi1>, vector<400x128xf32>
    %swap3A = arith.constant 0 : index
    %swap3A_30 = arith.constant 0 : index
    %swap3A_31 = arith.constant 0 : index
    %swap3A_32 = vector.load %arg6[%swap3A, %swap3A_30, %swap3A_31] : memref<4x400x128xf32, #tpu.memory_space<vmem>>, vector<1x400x128xf32>
    %swap3A_33 = vector.shape_cast %swap3A_32 : vector<1x400x128xf32> to vector<400x128xf32>
    %swap3A_34 = vector.shape_cast %select_n3A : vector<400x128xf32> to vector<1x400x128xf32>
    tpu.vector_store %arg6[%swap3A, %swap3A_30, %swap3A_31], %swap3A_34 {strides = array<i32>} : memref<4x400x128xf32, #tpu.memory_space<vmem>>, vector<1x400x128xf32>,
    %get3A_35 = arith.constant 1 : index
    %get3A_36 = arith.constant 0 : index
    %get3A_37 = arith.constant 0 : index
    %get3A_38 = vector.load %arg1[%get3A_35, %get3A_36, %get3A_37] : memref<4x400x64xbf16, #tpu.memory_space<vmem>>, vector<1x400x64xbf16>
    %get3A_39 = vector.shape_cast %get3A_38 : vector<1x400x64xbf16> to vector<400x64xbf16>
    %get3A_40 = arith.constant 1 : index
    %get3A_41 = arith.constant 0 : index
    %get3A_42 = arith.constant 0 : index
    %get3A_43 = vector.load %arg2[%get3A_40, %get3A_41, %get3A_42] : memref<4x400x64xbf16, #tpu.memory_space<vmem>>, vector<1x400x64xbf16>
    %get3A_44 = vector.shape_cast %get3A_43 : vector<1x400x64xbf16> to vector<400x64xbf16>
    %concatenate3A_45 = tpu.concatenate %get3A_39, %get3A_44 in 1 : vector<400x64xbf16>, vector<400x64xbf16> -> vector<400x128xbf16>
    %convert_element_type3A_46 = arith.extf %concatenate3A_45 : vector<400x128xbf16> to vector<400x128xf32>
    %get3A_47 = arith.constant 1 : index
    %get3A_48 = arith.constant 0 : index
    %get3A_49 = arith.constant 0 : index
    %get3A_50 = vector.load %arg3[%get3A_47, %get3A_48, %get3A_49] : memref<4x400x1xf32, #tpu.memory_space<vmem>>, vector<1x400x1xf32>
    %get3A_51 = vector.shape_cast %get3A_50 : vector<1x400x1xf32> to vector<400x1xf32>
    %add3A_52 = arith.constant 1.000000e-16 : f32
    %add3A_53 = vector.broadcast %add3A_52 : f32 to vector<400x1xf32>
    %add3A_54 = arith.addf %get3A_51, %add3A_53 : vector<400x1xf32>
    %div3A_55 = vector.broadcast %add3A_54 : vector<400x1xf32> to vector<400x128xf32>
    %div3A_56 = arith.divf %convert_element_type3A_46, %div3A_55 : vector<400x128xf32>
    %get3A_57 = arith.constant 1 : index
    %get3A_58 = arith.constant 0 : index
    %get3A_59 = vector.load %arg4[%get3A_57, %get3A_58] : memref<4x128xf32, #tpu.memory_space<vmem>>, vector<1x128xf32>
    %get3A_60 = vector.shape_cast %get3A_59 : vector<1x128xf32> to vector<128xf32>
    %broadcast_in_dim3A_61 = vector.shape_cast %get3A_60 : vector<128xf32> to vector<1x128xf32>
    %add3A_62 = vector.broadcast %broadcast_in_dim3A_61 : vector<1x128xf32> to vector<400x128xf32>
    %add3A_63 = arith.addf %div3A_56, %add3A_62 : vector<400x128xf32>
    %ge3A_64 = arith.constant 0.000000e+00 : f32
    %ge3A_65 = vector.broadcast %ge3A_64 : f32 to vector<400x128xf32>
    %ge3A_66 = arith.cmpf oge, %add3A_63, %ge3A_65 : vector<400x128xf32>
    %mul3A_67 = vector.broadcast %get3A_2 : f32 to vector<400x128xf32>
    %mul3A_68 = arith.mulf %mul3A_67, %add3A_63 : vector<400x128xf32>
    %select_n3A_69 = arith.select %ge3A_66, %add3A_63, %mul3A_68 : vector<400x128xi1>, vector<400x128xf32>
    %swap3A_70 = arith.constant 1 : index
    %swap3A_71 = arith.constant 0 : index
    %swap3A_72 = arith.constant 0 : index
    %swap3A_73 = vector.load %arg6[%swap3A_70, %swap3A_71, %swap3A_72] : memref<4x400x128xf32, #tpu.memory_space<vmem>>, vector<1x400x128xf32>
    %swap3A_74 = vector.shape_cast %swap3A_73 : vector<1x400x128xf32> to vector<400x128xf32>
    %swap3A_75 = vector.shape_cast %select_n3A_69 : vector<400x128xf32> to vector<1x400x128xf32>
    tpu.vector_store %arg6[%swap3A_70, %swap3A_71, %swap3A_72], %swap3A_75 {strides = array<i32>} : memref<4x400x128xf32, #tpu.memory_space<vmem>>, vector<1x400x128xf32>,
    %get3A_76 = arith.constant 2 : index
    %get3A_77 = arith.constant 0 : index
    %get3A_78 = arith.constant 0 : index
    %get3A_79 = vector.load %arg1[%get3A_76, %get3A_77, %get3A_78] : memref<4x400x64xbf16, #tpu.memory_space<vmem>>, vector<1x400x64xbf16>
    %get3A_80 = vector.shape_cast %get3A_79 : vector<1x400x64xbf16> to vector<400x64xbf16>
    %get3A_81 = arith.constant 2 : index
    %get3A_82 = arith.constant 0 : index
    %get3A_83 = arith.constant 0 : index
    %get3A_84 = vector.load %arg2[%get3A_81, %get3A_82, %get3A_83] : memref<4x400x64xbf16, #tpu.memory_space<vmem>>, vector<1x400x64xbf16>
    %get3A_85 = vector.shape_cast %get3A_84 : vector<1x400x64xbf16> to vector<400x64xbf16>
    %concatenate3A_86 = tpu.concatenate %get3A_80, %get3A_85 in 1 : vector<400x64xbf16>, vector<400x64xbf16> -> vector<400x128xbf16>
    %convert_element_type3A_87 = arith.extf %concatenate3A_86 : vector<400x128xbf16> to vector<400x128xf32>
    %get3A_88 = arith.constant 2 : index
    %get3A_89 = arith.constant 0 : index
    %get3A_90 = arith.constant 0 : index
    %get3A_91 = vector.load %arg3[%get3A_88, %get3A_89, %get3A_90] : memref<4x400x1xf32, #tpu.memory_space<vmem>>, vector<1x400x1xf32>
    %get3A_92 = vector.shape_cast %get3A_91 : vector<1x400x1xf32> to vector<400x1xf32>
    %add3A_93 = arith.constant 1.000000e-16 : f32
    %add3A_94 = vector.broadcast %add3A_93 : f32 to vector<400x1xf32>
    %add3A_95 = arith.addf %get3A_92, %add3A_94 : vector<400x1xf32>
    %div3A_96 = vector.broadcast %add3A_95 : vector<400x1xf32> to vector<400x128xf32>
    %div3A_97 = arith.divf %convert_element_type3A_87, %div3A_96 : vector<400x128xf32>
    %get3A_98 = arith.constant 2 : index
    %get3A_99 = arith.constant 0 : index
    %get3A_100 = vector.load %arg4[%get3A_98, %get3A_99] : memref<4x128xf32, #tpu.memory_space<vmem>>, vector<1x128xf32>
    %get3A_101 = vector.shape_cast %get3A_100 : vector<1x128xf32> to vector<128xf32>
    %broadcast_in_dim3A_102 = vector.shape_cast %get3A_101 : vector<128xf32> to vector<1x128xf32>
    %add3A_103 = vector.broadcast %broadcast_in_dim3A_102 : vector<1x128xf32> to vector<400x128xf32>
    %add3A_104 = arith.addf %div3A_97, %add3A_103 : vector<400x128xf32>
    %ge3A_105 = arith.constant 0.000000e+00 : f32
    %ge3A_106 = vector.broadcast %ge3A_105 : f32 to vector<400x128xf32>
    %ge3A_107 = arith.cmpf oge, %add3A_104, %ge3A_106 : vector<400x128xf32>
    %mul3A_108 = vector.broadcast %get3A_2 : f32 to vector<400x128xf32>
    %mul3A_109 = arith.mulf %mul3A_108, %add3A_104 : vector<400x128xf32>
    %select_n3A_110 = arith.select %ge3A_107, %add3A_104, %mul3A_109 : vector<400x128xi1>, vector<400x128xf32>
    %swap3A_111 = arith.constant 2 : index
    %swap3A_112 = arith.constant 0 : index
    %swap3A_113 = arith.constant 0 : index
    %swap3A_114 = vector.load %arg6[%swap3A_111, %swap3A_112, %swap3A_113] : memref<4x400x128xf32, #tpu.memory_space<vmem>>, vector<1x400x128xf32>
    %swap3A_115 = vector.shape_cast %swap3A_114 : vector<1x400x128xf32> to vector<400x128xf32>
    %swap3A_116 = vector.shape_cast %select_n3A_110 : vector<400x128xf32> to vector<1x400x128xf32>
    tpu.vector_store %arg6[%swap3A_111, %swap3A_112, %swap3A_113], %swap3A_116 {strides = array<i32>} : memref<4x400x128xf32, #tpu.memory_space<vmem>>, vector<1x400x128xf32>,
    %get3A_117 = arith.constant 3 : index
    %get3A_118 = arith.constant 0 : index
    %get3A_119 = arith.constant 0 : index
    %get3A_120 = vector.load %arg1[%get3A_117, %get3A_118, %get3A_119] : memref<4x400x64xbf16, #tpu.memory_space<vmem>>, vector<1x400x64xbf16>
    %get3A_121 = vector.shape_cast %get3A_120 : vector<1x400x64xbf16> to vector<400x64xbf16>
    %get3A_122 = arith.constant 3 : index
    %get3A_123 = arith.constant 0 : index
    %get3A_124 = arith.constant 0 : index
    %get3A_125 = vector.load %arg2[%get3A_122, %get3A_123, %get3A_124] : memref<4x400x64xbf16, #tpu.memory_space<vmem>>, vector<1x400x64xbf16>
    %get3A_126 = vector.shape_cast %get3A_125 : vector<1x400x64xbf16> to vector<400x64xbf16>
    %concatenate3A_127 = tpu.concatenate %get3A_121, %get3A_126 in 1 : vector<400x64xbf16>, vector<400x64xbf16> -> vector<400x128xbf16>
    %convert_element_type3A_128 = arith.extf %concatenate3A_127 : vector<400x128xbf16> to vector<400x128xf32>
    %get3A_129 = arith.constant 3 : index
    %get3A_130 = arith.constant 0 : index
    %get3A_131 = arith.constant 0 : index
    %get3A_132 = vector.load %arg3[%get3A_129, %get3A_130, %get3A_131] : memref<4x400x1xf32, #tpu.memory_space<vmem>>, vector<1x400x1xf32>
    %get3A_133 = vector.shape_cast %get3A_132 : vector<1x400x1xf32> to vector<400x1xf32>
    %add3A_134 = arith.constant 1.000000e-16 : f32
    %add3A_135 = vector.broadcast %add3A_134 : f32 to vector<400x1xf32>
    %add3A_136 = arith.addf %get3A_133, %add3A_135 : vector<400x1xf32>
    %div3A_137 = vector.broadcast %add3A_136 : vector<400x1xf32> to vector<400x128xf32>
    %div3A_138 = arith.divf %convert_element_type3A_128, %div3A_137 : vector<400x128xf32>
    %get3A_139 = arith.constant 3 : index
    %get3A_140 = arith.constant 0 : index
    %get3A_141 = vector.load %arg4[%get3A_139, %get3A_140] : memref<4x128xf32, #tpu.memory_space<vmem>>, vector<1x128xf32>
    %get3A_142 = vector.shape_cast %get3A_141 : vector<1x128xf32> to vector<128xf32>
    %broadcast_in_dim3A_143 = vector.shape_cast %get3A_142 : vector<128xf32> to vector<1x128xf32>
    %add3A_144 = vector.broadcast %broadcast_in_dim3A_143 : vector<1x128xf32> to vector<400x128xf32>
    %add3A_145 = arith.addf %div3A_138, %add3A_144 : vector<400x128xf32>
    %ge3A_146 = arith.constant 0.000000e+00 : f32
    %ge3A_147 = vector.broadcast %ge3A_146 : f32 to vector<400x128xf32>
    %ge3A_148 = arith.cmpf oge, %add3A_145, %ge3A_147 : vector<400x128xf32>
    %mul3A_149 = vector.broadcast %get3A_2 : f32 to vector<400x128xf32>
    %mul3A_150 = arith.mulf %mul3A_149, %add3A_145 : vector<400x128xf32>
    %select_n3A_151 = arith.select %ge3A_148, %add3A_145, %mul3A_150 : vector<400x128xi1>, vector<400x128xf32>
    %swap3A_152 = arith.constant 3 : index
    %swap3A_153 = arith.constant 0 : index
    %swap3A_154 = arith.constant 0 : index
    %swap3A_155 = vector.load %arg6[%swap3A_152, %swap3A_153, %swap3A_154] : memref<4x400x128xf32, #tpu.memory_space<vmem>>, vector<1x400x128xf32>
    %swap3A_156 = vector.shape_cast %swap3A_155 : vector<1x400x128xf32> to vector<400x128xf32>
    %swap3A_157 = vector.shape_cast %select_n3A_151 : vector<400x128xf32> to vector<1x400x128xf32>
    tpu.vector_store %arg6[%swap3A_152, %swap3A_153, %swap3A_154], %swap3A_157 {strides = array<i32>} : memref<4x400x128xf32, #tpu.memory_space<vmem>>, vector<1x400x128xf32>,
    return
  }
  func.func @transform_0(%arg0: i32) -> (i32, i32, i32) {
    %c0_i32 = arith.constant 0 : i32
    %c0_i32_0 = arith.constant 0 : i32
    %c0_i32_1 = arith.constant 0 : i32
    return %c0_i32, %arg0, %c0_i32_0 : i32, i32, i32
  }
  func.func @transform_1(%arg0: i32) -> (i32, i32, i32) {
    %c0_i32 = arith.constant 0 : i32
    %c0_i32_0 = arith.constant 0 : i32
    %c0_i32_1 = arith.constant 0 : i32
    return %c0_i32, %arg0, %c0_i32_0 : i32, i32, i32
  }
  func.func @transform_2(%arg0: i32) -> (i32, i32, i32) {
    %c0_i32 = arith.constant 0 : i32
    %c0_i32_0 = arith.constant 0 : i32
    %c0_i32_1 = arith.constant 0 : i32
    return %c0_i32, %arg0, %c0_i32_0 : i32, i32, i32
  }
  func.func @transform_3(%arg0: i32) -> (i32, i32) {
    %c0_i32 = arith.constant 0 : i32
    %c0_i32_0 = arith.constant 0 : i32
    %c0_i32_1 = arith.constant 0 : i32
    return %c0_i32, %c0_i32_0 : i32, i32
  }
  func.func @transform_4(%arg0: i32) -> (i32, i32) {
    %c0_i32 = arith.constant 0 : i32
    %c0_i32_0 = arith.constant 0 : i32
    %c0_i32_1 = arith.constant 0 : i32
    return %c0_i32, %c0_i32_0 : i32, i32
  }
  func.func @transform_5(%arg0: i32) -> (i32, i32, i32) {
    %c0_i32 = arith.constant 0 : i32
    %c0_i32_0 = arith.constant 0 : i32
    %c0_i32_1 = arith.constant 0 : i32
    return %c0_i32, %arg0, %c0_i32_0 : i32, i32, i32
  }
}

</mosaic_0001>

<sc_bundles>
// kernel: closed_call.24.cloned.1.call-start
scs
__scs_entry_jumppad:
0x0: {  	(pc) =	sbr.rel $0x88, $3  }
0x1: {  	(tag) =	ssettag $0x0;
	lr =	simm.s32 $0x1  }
0x2: {  	[smem:$0x3F8B] =	sst lr;
	_ =	strace $0xD0000000  }
0x3: {  	_ = 	snop  }
0x4: {  	_ = 	snop  }
0x5: {  	_ = 	snop  }
0x6: {  	_ = 	snop  }
0x7: {  	_ = 	snop  }
__scs_overlays_trampoline_lowered:
0x8: {  	[smem:$0x3F9A] =	sst s0  }
0x9: {  	[smem:$0x3F9B] =	sst s1  }
0xa: {  	[smem:$0x3F9C] =	sst s2  }
0xb: {  	[smem:$0x3F9D] =	sst s3  }
0xc: {  	[smem:$0x3F9E] =	sst s4  }
0xd: {  	[smem:$0x3F9F] =	sst s5  }
0xe: {  	[smem:$0x3FA0] =	sst s6  }
0xf: {  	[smem:$0x3FA1] =	sst s7  }
0x10: {  	[smem:$0x3FA2] =	sst s8  }
0x11: {  	[smem:$0x3FA3] =	sst s9;
	s0 =	simm.s32 @!p0 $0x0  }
0x12: {  	s1 =	sld [smem:$0x3F89];
	s0 =	simm.s32 @p0 $0x1  }
0x13: {  	[smem:$0x3FA4] =	sst s0;
	s0 =	simm.s32 @!p1 $0x0  }
0x14: {  	s2 =	sld [smem:$0x3F88];
	s0 =	simm.s32 @p1 $0x1  }
0x15: {  	[smem:$0x3FA5] =	sst s0;
	s0 =	simm.s32 @!p2 $0x0  }
0x16: {  	s3 =	sld [smem:$0x3FDB];
	s0 =	simm.s32 @p2 $0x1  }
0x17: {  	s4 =	simm.s32 $0x1BF5;
	[smem:$0x3FA7] =	sst s0  }
0x18: {  	s0 =	sld [smem:$0x3F8A];
	_ =	swait.ge [sflag:s4], $0x0  }
0x19: {  	s7 =	sld [smem:$0x3F8B]  }
0x1a: {  	s8 =	sadd.s32 $0xFFFFE003, lr  }
0x1b: {  	s9 =	sadd.s32 $0xFFFFFEF7, lr;
	s5 =	simm.s32 $0xFFFFFFFF;
	p2 =	slt.u32 s8, $0xFFFFF086  }
0x1c: {  	p1 =	slt.u32 s9, $0xF7A;
	s5 =	simm.s32 @!p2 $0x0  }
0x1d: {  	s5 =	simm.s32 @p1 $0x1;
	p0 =	seq.s32 s7, s2  }
0x1e: {  	s7 =	smul.u32 @!p0 $0xF7A, s2;
	p2 =	seq.s32 @!p0 s5, $0x0  }
0x1f: {  	s9 =	smul.u32 $0xF7A, s1;
	s8 =	simm.s32 @!p0 $0x1BF5;
	p2 =	por !p2, p0  }
0x20: {  	[sflag:s8] =	ssyncset.s32 @!p0 $0xFFFFF086;
	s6 =	sadd.s32 @!p0 s3, s7;
	s7 =	simm.s32 @!p0 $0x108  }
0x21: {  	s3 =	sadd.s32 s3, s9;
	s6 =	sadd.s32 @!p0 $0x88, s6;
	s7 =	simm.s32 @p2 $0x1082  }
0x22: {  	[simem:s7], [sflag:s8] =	dma.local @!p0 [hbm:s6], $0xF7A  }
0x23: {  	s9 =	sor.u32 $0xD0000000, s2;
	s6 =	simm.s32 $0x108;
	_ =	swait.ge @!p0 [sflag:s8], $0x0  }
0x24: {  	s3 =	sadd.s32 $0x88, s3;
	s6 =	simm.s32 @!p1 $0x1082;
	[sflag:s4] =	ssyncset.s32 $0xFFFFF086  }
0x25: {  	[simem:s6], [sflag:s4] =	dma.local [hbm:s3], $0xF7A  }
0x26: {  	[smem:$0x3F8B] =	sst s1;
	(tag) =	ssettag s2;
	_ =	strace s9  }
0x27: {  	s1 =	sld [smem:$0x3F9B]  }
0x28: {  	s2 =	sld [smem:$0x3F9C]  }
0x29: {  	s4 =	sld [smem:$0x3F9E]  }
0x2a: {  	p0 =	seq.s32 s5, $0x0;
	s5 =	sld [smem:$0x3F9F]  }
0x2b: {  	s6 =	sld [smem:$0x3FA0]  }
0x2c: {  	s7 =	sld [smem:$0x3FA1]  }
0x2d: {  	s3 =	simm.s32 $0x108;
	s8 =	sld [smem:$0x3FA2]  }
0x2e: {  	s3 =	simm.s32 @!p0 $0x1082;
	s9 =	sld [smem:$0x3FA3]  }
0x2f: {  	lr =	sadd.s32 s0, s3;
	s0 =	sld [smem:$0x3F9A]  }
0x30: {  	s3 =	sld [smem:$0x3F9D]  }
0x31: {  	[smem:$0x3FA6] =	sst s10  }
0x32: {  	s10 =	sld [smem:$0x3FA4];
	_ =	sdelay $0x3  }
0x33: {  	p0 =	seq.s32 s10, $0x1;
	s10 =	sld [smem:$0x3FA6];
	_ =	sdelay $0x3  }
0x34: {  	[smem:$0x3FA6] =	sst s10  }
0x35: {  	s10 =	sld [smem:$0x3FA5];
	_ =	sdelay $0x3  }
0x36: {  	p1 =	seq.s32 s10, $0x1;
	s10 =	sld [smem:$0x3FA6];
	_ =	sdelay $0x3  }
0x37: {  	[smem:$0x3FA6] =	sst s10  }
0x38: {  	s10 =	sld [smem:$0x3FA7]  }
0x39: {  	_ = 	snop;
	(pc) =	sbr.ind lr, $3  }
0x3a: {  	_ = 	snop  }
0x3b: {  	_ = 	snop  }
0x3c: {  	p2 =	seq.s32 s10, $0x1;
	s10 =	sld [smem:$0x3FA6]  }
0x3d: {  	_ =	shalt  }
0x3e: {  	_ =	shalt  }
0x3f: {  	_ =	shalt  }
0x40: {  	_ =	shalt  }
0x41: {  	_ =	shalt  }
0x42: {  	_ =	shalt  }
0x43: {  	_ =	shalt  }
0x44: {  	_ =	shalt  }
0x45: {  	_ =	shalt  }
0x46: {  	_ =	shalt  }
0x47: {  	_ =	shalt  }
0x48: {  	_ =	shalt  }
0x49: {  	_ =	shalt  }
0x4a: {  	_ =	shalt  }
0x4b: {  	_ =	shalt  }
0x4c: {  	_ =	shalt  }
0x4d: {  	_ =	shalt  }
0x4e: {  	_ =	shalt  }
0x4f: {  	_ =	shalt  }
0x50: {  	_ =	shalt  }
0x51: {  	_ =	shalt  }
0x52: {  	_ =	shalt  }
0x53: {  	_ =	shalt  }
0x54: {  	_ =	shalt  }
0x55: {  	_ =	shalt  }
0x56: {  	_ =	shalt  }
0x57: {  	_ =	shalt  }
0x58: {  	_ =	shalt  }
0x59: {  	_ =	shalt  }
0x5a: {  	_ =	shalt  }
0x5b: {  	_ =	shalt  }
0x5c: {  	_ =	shalt  }
0x5d: {  	_ =	shalt  }
0x5e: {  	_ =	shalt  }
0x5f: {  	_ =	shalt  }
0x60: {  	_ =	shalt  }
0x61: {  	_ =	shalt  }
0x62: {  	_ =	shalt  }
0x63: {  	_ =	shalt  }
0x64: {  	_ =	shalt  }
0x65: {  	_ =	shalt  }
0x66: {  	_ =	shalt  }
0x67: {  	_ =	shalt  }
0x68: {  	_ =	shalt  }
0x69: {  	_ =	shalt  }
0x6a: {  	_ =	shalt  }
0x6b: {  	_ =	shalt  }
0x6c: {  	_ =	shalt  }
0x6d: {  	_ =	shalt  }
0x6e: {  	_ =	shalt  }
0x6f: {  	_ =	shalt  }
0x70: {  	_ =	shalt  }
0x71: {  	_ =	shalt  }
0x72: {  	_ =	shalt  }
0x73: {  	_ =	shalt  }
0x74: {  	_ =	shalt  }
0x75: {  	_ =	shalt  }
0x76: {  	_ =	shalt  }
0x77: {  	_ =	shalt  }
0x78: {  	_ =	shalt  }
0x79: {  	_ =	shalt  }
0x7a: {  	_ =	shalt  }
0x7b: {  	_ =	shalt  }
0x7c: {  	_ =	shalt  }
0x7d: {  	_ =	shalt  }
0x7e: {  	_ =	shalt  }
0x7f: {  	_ =	shalt  }
0x80: {  	_ =	shalt  }
0x81: {  	_ =	shalt  }
0x82: {  	_ =	shalt  }
0x83: {  	_ =	shalt  }
0x84: {  	_ =	shalt  }
0x85: {  	_ =	shalt  }
0x86: {  	_ =	shalt  }
0x87: {  	_ =	shalt  }
.Lfunc_end0:
.L_simem_size_0:
called_computation_lowered:
.L_overlay_start_0:
0x88: {  	s2 =	sld [smem:$0x3FD9]  }
0x89: {  	s3 =	sld [smem:$0x3FFE];
	_ =	sdelay $0x1  }
0x8a: {  	s1 =	srdreg.scid  }
0x8b: {  	s0 =	sand.u32 $0x1, s1  }
0x8c: {  	s14 =	sshll.u32 s0, $0xA;
	s2 =	sadd.s32 s3, s2  }
0x8d: {  	s2 =	sadd.s32 s2, s14  }
0x8e: {  	[smem:$0x3FB2] =	sst s2  }
0x8f: {  	_ = 	snop  }
0x90: {  	s2 =	sld [smem:$0x3FD0];
	_ =	sdelay $0x2  }
0x91: {  	s15 =	simm.s32 $0xA;
	s4 =	simm.s32 $0x10  }
0x92: {  	[smem:s4], [sflag:s15] =	dma.local [hbm:s2], $0x1  }
0x93: {  	_ =	swait.eq [sflag:s15], $0x1  }
0x94: {  	s16 =	sld [smem:$0x10]  }
0x95: {  	s17 =	sld [smem:$0x11];
	[sflag:s15] =	ssyncset.done $0x0  }
0x96: {  	s5 =	sld [smem:$0x12];
	[sflag:s15] =	ssyncadd.s32 $0xFFFFFFFF  }
0x97: {  	s18 =	sld [smem:$0x13];
	(tm) =	ssettm $0x1  }
0x98: {  	s6 =	sld [smem:$0x3FFB];
	_ =	sdelay $0x3  }
0x99: {  	_ =	strace s6  }
0x9a: {  	s6 =	sld [smem:$0x3FFC];
	_ =	sdelay $0x3  }
0x9b: {  	_ =	strace s6  }
0x9c: {  	s6 =	sld [smem:$0x3FFD];
	_ =	sdelay $0x3  }
0x9d: {  	_ =	strace s6  }
0x9e: {  	_ =	strace $0x8FFFFFFF  }
0x9f: {  	s19 =	sld [smem:$0x3FDB];
	_ =	sdelay $0x1  }
0xa0: {  	s7 =	simm.s32 $_scs_section_size  }
0xa1: {  	s8 =	simm.s32 $_size__tile_overlayer_lowered;
	s9 =	simm.s32 $_tile_overlayer_lowered  }
0xa2: {  	s22 =	simm.s32 $0x1BFF;
	s21 =	sshll.u32 s9, $0x1;
	s6 =	sadd.s32 s7, s19  }
0xa3: {  	s10 =	simm.s32 $0x0;
	s20 =	sshll.u32 s8, $0x1;
	s8 =	sadd.s32 s21, s6  }
0xa4: {  	[timem:s10], [sflag:s22] =	dma.local [hbm:s8], s20  }
0xa5: {  	_ =	swait.ge [sflag:s22], s20  }
0xa6: {  	s7 =	ssub.s32 $0x0, s20;
	[sflag:s22] =	ssyncset.done $0x0  }
0xa7: {  	[sflag:s22] =	ssyncadd.s32 s7;
	_ =	sdelay $0x1  }
0xa8: {  	s23 =	simm.s32 $0x1B8B  }
0xa9: {  	_ =	swait.ge [sflag:s23], $0x1  }
0xaa: {  	[sflag:s23] =	ssyncset.done $0x0  }
0xab: {  	s25 =	simm.s32 $0x1B8E;
	s24 =	sld [smem:$0x3FFE];
	[sflag:s23] =	ssyncadd.s32 $0xFFFFFFFF  }
0xac: {  	s26 =	simm.s32 $execute0_lowered;
	[smem:$0x3FD2] =	sst s25  }
0xad: {  	s8 =	sshll.u32 s26, $0x1;
	_ =	strace $0x80000046;
	[dreg:$0x1] =	wrdreg $0xFFFFFFFF  }
0xae: {  	s28 =	simm.s32 $_size_execute0_lowered;
	s6 =	sadd.s32 s6, s8;
	[dreg:$0x0] =	wrdreg $0x0  }
0xaf: {  	s8 =	sshll.u32 s28, $0x1;
	[dreg:$0x2] =	wrdreg s6  }
0xb0: {  	[dreg:$0x3] =	wrdreg s8  }
0xb1: {  	[dreg:$0x4] =	wrdreg $0xC0  }
0xb2: {  	_ =	task [dreg:s10], $0x5FFFF  }
0xb3: {  	[dreg:$0x1] =	wrdreg $0xFFFFFFFF  }
0xb4: {  	[dreg:$0x0] =	wrdreg $0x60  }
0xb5: {  	[dreg:$0x2] =	wrdreg s5  }
0xb6: {  	[dreg:$0x3] =	wrdreg s16  }
0xb7: {  	[dreg:$0x4] =	wrdreg s18  }
0xb8: {  	[dreg:$0x5] =	wrdreg s24  }
0xb9: {  	[dreg:$0x6] =	wrdreg s17  }
0xba: {  	[dreg:$0x7] =	wrdreg $0x1AEA00  }
0xbb: {  	[dreg:$0x8] =	wrdreg $0x9  }
0xbc: {  	_ =	task.clear_ibuf [dreg:s10], $0x9FFFF;
	_ =	strace $0x90000046  }
0xbd: {  	s29 =	simm.s32 $0x9;
	_ =	strace $0x80000048  }
0xbe: {  	_ =	swait.ge [sflag:s29], $0x1  }
0xbf: {  	[sflag:s29] =	ssyncadd.s32 $0xFFFFFFFF  }
0xc0: {  	_ =	strace $0x90000048  }
0xc1: {  	_ =	sfence  }
0xc2: {  	s30 =	sld [smem:$0x0];
	_ =	sdelay $0x2  }
0xc3: {  	s31 =	sshll.u32 s1, $0xD;
	s1 =	sshrl.u32 s1, $0x2  }
0xc4: {  	s3 =	sand.u32 $0x4000, s31;
	s1 =	sadd.s32 s1, s30  }
0xc5: {  	s0 =	sor.u32 s3, s0;
	s1 =	sshll.u32 s1, $0x11  }
0xc6: {  	s0 =	sor.u32 s1, s0  }
0xc7: {  	s0 =	sadd.s32 $0x8F2B, s0  }
0xc8: {  	[sflag:s0] =	ssyncadd.remote.s32 $0x1  }
0xc9: {  	_ =	sfence.sel $0xFFFF  }
0xca: {  	[dreg:$0x0] =	wrdreg $0xFFFFFFFF;
	(pc) =	sbr.abs _section_cstart, $3  }
0xcb: {  	[dreg:$0x1] =	wrdreg $0xFFFFFFFF  }
0xcc: {  	_ =	task.clear_ibuf [dreg:s10], $0x2FFFF;
	_ =	strace $0x9FFFFFFF  }
0xcd: {  	(tm) =	ssettm $0x7FFFFFFF  }
tec
execute0_lowered:
.L_overlay_start_1:
0x0: {  	(tag) =	ssettag $0x1  }
0x1: {  	s1 =	rddreg [dreg:$0x0]  }
0x2: {  	s2 =	rddreg [dreg:$0x1]  }
0x3: {  	s0 =	rddreg [dreg:$0x3]  }
0x4: {  	s5 =	rddreg [dreg:$0x5];
	s10 =	simm.s32 $0x0  }
0x5: {  	s3 =	srdreg.scid;
	s12 =	stileid.u32;
	s20 =	simm.s32 $0x3  }
0x6: {  	s28 =	simm.s32 $0x17B00;
	s29 =	simm.s32 $0x1;
	s30 =	simm.s32 $0x18B00  }
0x7: {  	s31 =	simm.s32 $0x2;
	[smem:$0x7FF] =	sst s10;
	s8 =	sadd.s32 $0x119E00, s0  }
0x8: {  	s3 =	sand.u32 $0x1, s3;
	s6 =	smul.u32 $0x13A00, s12;
	s7 =	sadd.s32 $0x142600, s0  }
0x9: {  	s9 =	sadd.s32 $0xF1600, s0;
	s11 =	smul.u32 $0x9D00, s12;
	s0 =	sadd.s32 $0x169A00, s0  }
0xa: {  	s13 =	smul.u32 $0x5100, s12;
	_ =	strace $0x80000047;
	[dreg:$0x8] =	wrdreg s7  }
0xb: {  	s26 =	smul.u32 $0x2800, s12;
	s4 =	ssub.s32 $0x2, s3;
	[dreg:$0x9] =	wrdreg s0  }
0xc: {  	p0 =	sne.s32 s3, $0x0;
	s22 =	sshrl.u32 s4, $0x1;
	s24 =	sshrl.u32 s6, $0x2  }
.Ltmp0:
0xd: {  	s25 =	sshrl.u32 s11, $0x1;
	[dreg:$0xa] =	wrdreg s26;
	(pc) =	sbr.rel .LBB2_1-.Ltmp0, $4  }
0xe: {  	s23 =	ssub.s32 s4, s22;
	s4 =	sadd.s32 s24, s5;
	s14 =	sadd.s32 s25, s5  }
0xf: {  	s22 =	simm.s32 $0xA200;
	s24 =	simm.s32 $0x14300;
	s25 =	simm.s32 $0x80  }
0x10: {  	s15 =	sadd.s32 $0x13A0, s4;
	s16 =	sadd.s32 $0x2740, s4;
	s0 =	smax.u32 s23, $0x1  }
0x11: {  	v0 =	vimm.bf16 $0.0e+00;
	v1 =	vimm.f32 $0.0e+00;
	s17 =	sadd.s32 $0x3AE0, s4;
	s23 =	simm.s32 $0x19B00;
	[dreg:$0xb] =	wrdreg s0  }
.LBB2_24:
0x12: {  	s10 =	rddreg [dreg:$0x7]  }
0x13: {  	s0 =	rddreg [dreg:$0xb];
	s10 =	sadd.s32 $0x1, s10  }
0x14: {  	p1 =	sne.s32 s10, s0  }
.Ltmp1:
0x15: {  	_ = 	snop;
	(pc) =	sbr.rel @!p1 .LBB2_25-.Ltmp1, $1  }
0x16: {  	_ =	sdelay $0x3  }
.LBB2_1:
0x17: {  	[dreg:$0x7] =	wrdreg s10;
	s0 =	simm.s32 $0x80;
	s3 =	simm.s32 $0x0  }
.LBB2_2:
0x18: {  	p1 =	sne.s32 s0, $0x4E00;
	[tilespmem:s3+$0x19B00] =	vst v0;
	s4 =	smov.u32 s0;
	s0 =	sadd.s32 $0x80, s0  }
.Ltmp2:
0x19: {  	[tilespmem:s3+$0x19B10] =	vst v0;
	(pc) =	sbr.rel @p1 .LBB2_2-.Ltmp2, $2  }
0x1a: {  	_ =	sdelay $0x2  }
0x1b: {  	s3 =	sshra.s32 s4, $0x2  }
.Ltmp3:
0x1c: {  	(pc) =	sbr.rel .LBB2_4-.Ltmp3, $3  }
0x1d: {  	_ =	sdelay $0x1  }
0x1e: {  	[tilespmem:s3+$0x19B00] =	vst v0  }
0x1f: {  	s0 =	simm.s32 $0x0;
	[tilespmem:s3+$0x19B10] =	vst v0;
	s19 =	simm.s32 $0x0  }
.LBB2_23:
0x20: {  	s4 =	smul.u32 $0x9D000, s19  }
0x21: {  	[bflag:$0x0] =	sbarrier.arrive $0xFFFF  }
0x22: {  	s6 =	stileid.u32;
	s26 =	sshrl.u32 s14, $0x3;
	s4 =	sadd.s32 s11, s4  }
0x23: {  	s19 =	sadd.s32 $0x1, s19;
	s6 =	sshll.u32 s6, $0x6;
	s4 =	sshrl.u32 s4, $0x4  }
0x24: {  	p1 =	sne.s32 s19, $0x4;
	s21 =	sor.u32 $0x1C03, s6;
	s3 =	sadd.s32 s3, s4  }
0x25: {  	[hbm:s3], [sflag:s21] =	dma.local [spmem:s26], $0x9D0  }
.Ltmp4:
0x26: {  	_ =	swait.ge [sflag:s20], $0x9D0;
	(pc) =	sbr.rel @!p1 .LBB2_24-.Ltmp4, $4  }
0x27: {  	[sflag:s20] =	ssyncset.done $0x0  }
0x28: {  	[sflag:s20] =	ssyncadd.s32 $0xFFFFF630  }
0x29: {  	[bflag:$0x0] =	sbarrier.arrive $0xFFFF  }
0x2a: {  	v0 =	vimm.bf16 $0.0e+00  }
.LBB2_4:
0x2b: {  	s3 =	smul.u32 $0x51000, s19;
	_ =	sdelay $0x1  }
0x2c: {  	s3 =	sadd.s32 s13, s3  }
0x2d: {  	s3 =	sshrl.u32 s3, $0x3  }
0x2e: {  	s4 =	sadd.s32 s8, s3  }
0x2f: {  	[tilespmem:s0], [sflag:$0x3] =	stream.linear.gather [hbm4b:s4+s0], $0x5100, $0x38;
	[tilespmem:$0x1FD20] =	vst v63  }
0x30: {  	_ =	swait.ge [sflag:s20], $0x5100  }
0x31: {  	[sflag:s20] =	ssyncset.done $0x0  }
0x32: {  	s18 =	simm.s32 $0x5100;
	s3 =	sadd.s32 s9, s3;
	[sflag:s20] =	ssyncadd.s32 $0xFFFFAF00  }
0x33: {  	[tilespmem:s18], [sflag:$0x3] =	stream.linear.gather [hbm4b:s3+s0], $0x5100, $0x38;
	[tilespmem:$0x1FD20] =	vst v63  }
0x34: {  	_ =	swait.ge [sflag:s20], $0x5100  }
0x35: {  	[sflag:s20] =	ssyncset.done $0x0  }
0x36: {  	s21 =	smul.u32 $0xA00, s19;
	[sflag:s20] =	ssyncadd.s32 $0xFFFFAF00  }
0x37: {  	s26 =	rddreg [dreg:$0x2]  }
0x38: {  	s3 =	sadd.s32 s26, s21  }
0x39: {  	[tilespmem:s22], [sflag:$0x3] =	stream.linear.gather [hbm4b:s3+s0], $0x5000, $0x38;
	[tilespmem:$0x1FD20] =	vst v63  }
0x3a: {  	_ =	swait.ge [sflag:s20], $0x5000  }
0x3b: {  	[sflag:s20] =	ssyncset.done $0x0  }
0x3c: {  	s4 =	simm.s32 $0x0;
	s3 =	simm.s32 $0x40;
	[sflag:s20] =	ssyncadd.s32 $0xFFFFB000  }
.LBB2_5:
0x3d: {  	p1 =	sne.s32 s3, $0x9FC0;
	[tilespmem:s4+$0x14300] =	vst v1;
	s4 =	smov.u32 s3;
	s3 =	sadd.s32 $0x40, s3  }
.Ltmp5:
0x3e: {  	(pc) =	sbr.rel @p1 .LBB2_5-.Ltmp5, $2  }
0x3f: {  	_ =	sdelay $0x2  }
0x40: {  	s4 =	sshra.s32 s4, $0x2  }
0x41: {  	[tilespmem:s4+$0x14300] =	vst v1  }
0x42: {  	[spmem:s14] =	stream.linear.scatter [tilespmem:s23], [sflag:$0x3], $0x13A0, $0x38;
	[tilespmem:$0x1FD20] =	vst v63  }
0x43: {  	_ =	swait.ge [sflag:s20], $0x13A0  }
0x44: {  	[sflag:s20] =	ssyncset.done $0x0  }
0x45: {  	[sflag:s20] =	ssyncadd.s32 $0xFFFFEC60  }
0x46: {  	[spmem:s15] =	stream.linear.scatter [tilespmem:s23], [sflag:$0x3], $0x13A0, $0x38;
	[tilespmem:$0x1FD20] =	vst v63  }
0x47: {  	_ =	swait.ge [sflag:s20], $0x13A0  }
0x48: {  	[sflag:s20] =	ssyncset.done $0x0  }
0x49: {  	[sflag:s20] =	ssyncadd.s32 $0xFFFFEC60  }
0x4a: {  	[spmem:s16] =	stream.linear.scatter [tilespmem:s23], [sflag:$0x3], $0x13A0, $0x38;
	[tilespmem:$0x1FD20] =	vst v63  }
0x4b: {  	_ =	swait.ge [sflag:s20], $0x13A0  }
0x4c: {  	[sflag:s20] =	ssyncset.done $0x0  }
0x4d: {  	[sflag:s20] =	ssyncadd.s32 $0xFFFFEC60  }
0x4e: {  	[spmem:s17] =	stream.linear.scatter [tilespmem:s23], [sflag:$0x3], $0x13A0, $0x38;
	[tilespmem:$0x1FD20] =	vst v63  }
0x4f: {  	s3 =	smul.u32 $0x2710, s19;
	_ =	swait.ge [sflag:s20], $0x13A0  }
0x50: {  	[sflag:s20] =	ssyncset.done $0x0  }
0x51: {  	v2 =	vmov s3;
	s3 =	simm.s32 $0x0;
	[sflag:s20] =	ssyncadd.s32 $0xFFFFEC60  }
.LBB2_7:
0x52: {  	s4 =	sshra.s32 s3, $0x2  }
0x53: {  	v3 =	vld [tilespmem:s4+$0x0]  }
0x54: {  	v4 =	vld [tilespmem:s4+$0x5100];
	_ =	sdelay $0x3  }
0x55: {  	v3 =	vsub.s32 v3, v2  }
0x56: {  	v5 =	vshll.u32 v4, $0x1;
	v3 =	vshll.u32 v3, $0x1  }
0x57: {  	v5 =	vor.u32 $0x1, v5;
	_ =	sdelay $0x3  }
0x58: {  	v3 =	vld.idx.msk [tilespmem:v3+s22+$0x0], $0xffff  }
0x59: {  	v5 =	vld.idx.msk [tilespmem:v5+s22+$0x0], $0xffff;
	_ =	sdelay $0x4  }
0x5a: {  	v3 =	vadd.f32 v5, v3;
	_ =	sdelay $0x1  }
0x5b: {  	v5 =	vmul.f32 $2.000000030e-01, v3  }
0x5c: {  	vm0 =	vge.f32 v3, $0.0e+00  }
0x5d: {  	v3 =	vsel vm0, v3, v5  }
0x5e: {  	v3 =	vmul.f32 $1.442695020e+00, v3;
	_ =	sdelay $0x1  }
0x5f: {  	(erf) = vpow2.f32 v3;
	_ =	sdelay $0x8  }
0x60: {  	v3 =	vpop (erf)  }
0x61: {  	[tilespmem:s4+$0xF200] =	vst v3  }
0x62: {  	[tilespmem:v4+s24+$0x0] =	vst.idx.add.f32.msk $0xffff, v3  }
0x63: {  	v3 =	vld [tilespmem:s4+$0x10]  }
0x64: {  	v4 =	vld [tilespmem:s4+$0x5110];
	_ =	sdelay $0x3  }
0x65: {  	v3 =	vsub.s32 v3, v2  }
0x66: {  	v57 =	vshll.u32 v4, $0x1;
	v3 =	vshll.u32 v3, $0x1  }
0x67: {  	v5 =	vor.u32 $0x1, v57;
	_ =	sdelay $0x3  }
0x68: {  	v3 =	vld.idx.msk [tilespmem:v3+s22+$0x0], $0xffff  }
0x69: {  	v5 =	vld.idx.msk [tilespmem:v5+s22+$0x0], $0xffff;
	_ =	sdelay $0x4  }
0x6a: {  	v3 =	vadd.f32 v5, v3;
	_ =	sdelay $0x1  }
0x6b: {  	v5 =	vmul.f32 $2.000000030e-01, v3  }
0x6c: {  	vm9 =	vge.f32 v3, $0.0e+00  }
0x6d: {  	v3 =	vsel vm9, v3, v5  }
0x6e: {  	v3 =	vmul.f32 $1.442695020e+00, v3;
	_ =	sdelay $0x1  }
0x6f: {  	(erf) = vpow2.f32 v3;
	_ =	sdelay $0x8  }
0x70: {  	v3 =	vpop (erf)  }
0x71: {  	[tilespmem:s4+$0xF210] =	vst v3  }
0x72: {  	[tilespmem:v4+s24+$0x0] =	vst.idx.add.f32.msk $0xffff, v3  }
0x73: {  	v3 =	vld [tilespmem:s4+$0x20]  }
0x74: {  	v4 =	vld [tilespmem:s4+$0x5120];
	_ =	sdelay $0x3  }
0x75: {  	v3 =	vsub.s32 v3, v2  }
0x76: {  	v58 =	vshll.u32 v4, $0x1;
	v3 =	vshll.u32 v3, $0x1  }
0x77: {  	v5 =	vor.u32 $0x1, v58;
	_ =	sdelay $0x3  }
0x78: {  	v3 =	vld.idx.msk [tilespmem:v3+s22+$0x0], $0xffff  }
0x79: {  	v5 =	vld.idx.msk [tilespmem:v5+s22+$0x0], $0xffff;
	_ =	sdelay $0x4  }
0x7a: {  	v3 =	vadd.f32 v5, v3;
	_ =	sdelay $0x1  }
0x7b: {  	v5 =	vmul.f32 $2.000000030e-01, v3  }
0x7c: {  	vm10 =	vge.f32 v3, $0.0e+00  }
0x7d: {  	v3 =	vsel vm10, v3, v5  }
0x7e: {  	v3 =	vmul.f32 $1.442695020e+00, v3;
	_ =	sdelay $0x1  }
0x7f: {  	(erf) = vpow2.f32 v3;
	_ =	sdelay $0x8  }
0x80: {  	v3 =	vpop (erf)  }
0x81: {  	[tilespmem:s4+$0xF220] =	vst v3  }
0x82: {  	[tilespmem:v4+s24+$0x0] =	vst.idx.add.f32.msk $0xffff, v3  }
0x83: {  	v3 =	vld [tilespmem:s4+$0x30]  }
0x84: {  	v4 =	vld [tilespmem:s4+$0x5130];
	_ =	sdelay $0x3  }
0x85: {  	v3 =	vsub.s32 v3, v2  }
0x86: {  	v59 =	vshll.u32 v4, $0x1;
	v3 =	vshll.u32 v3, $0x1  }
0x87: {  	v5 =	vor.u32 $0x1, v59;
	_ =	sdelay $0x3  }
0x88: {  	v3 =	vld.idx.msk [tilespmem:v3+s22+$0x0], $0xffff  }
0x89: {  	v5 =	vld.idx.msk [tilespmem:v5+s22+$0x0], $0xffff;
	_ =	sdelay $0x4  }
0x8a: {  	v3 =	vadd.f32 v5, v3;
	_ =	sdelay $0x1  }
0x8b: {  	v5 =	vmul.f32 $2.000000030e-01, v3  }
0x8c: {  	vm11 =	vge.f32 v3, $0.0e+00  }
0x8d: {  	v3 =	vsel vm11, v3, v5  }
0x8e: {  	v3 =	vmul.f32 $1.442695020e+00, v3;
	_ =	sdelay $0x1  }
0x8f: {  	(erf) = vpow2.f32 v3;
	_ =	sdelay $0x8  }
0x90: {  	v3 =	vpop (erf)  }
0x91: {  	[tilespmem:s4+$0xF230] =	vst v3  }
0x92: {  	[tilespmem:v4+s24+$0x0] =	vst.idx.add.f32.msk $0xffff, v3  }
0x93: {  	v3 =	vld [tilespmem:s4+$0x40]  }
0x94: {  	v4 =	vld [tilespmem:s4+$0x5140];
	_ =	sdelay $0x3  }
0x95: {  	v3 =	vsub.s32 v3, v2  }
0x96: {  	v60 =	vshll.u32 v4, $0x1;
	v3 =	vshll.u32 v3, $0x1  }
0x97: {  	v5 =	vor.u32 $0x1, v60;
	_ =	sdelay $0x3  }
0x98: {  	v3 =	vld.idx.msk [tilespmem:v3+s22+$0x0], $0xffff  }
0x99: {  	v5 =	vld.idx.msk [tilespmem:v5+s22+$0x0], $0xffff;
	_ =	sdelay $0x4  }
0x9a: {  	v3 =	vadd.f32 v5, v3;
	_ =	sdelay $0x1  }
0x9b: {  	v5 =	vmul.f32 $2.000000030e-01, v3  }
0x9c: {  	vm12 =	vge.f32 v3, $0.0e+00  }
0x9d: {  	v3 =	vsel vm12, v3, v5  }
0x9e: {  	v3 =	vmul.f32 $1.442695020e+00, v3;
	_ =	sdelay $0x1  }
0x9f: {  	(erf) = vpow2.f32 v3;
	_ =	sdelay $0x8  }
0xa0: {  	v3 =	vpop (erf)  }
0xa1: {  	[tilespmem:s4+$0xF240] =	vst v3  }
0xa2: {  	[tilespmem:v4+s24+$0x0] =	vst.idx.add.f32.msk $0xffff, v3  }
0xa3: {  	v3 =	vld [tilespmem:s4+$0x50]  }
0xa4: {  	v4 =	vld [tilespmem:s4+$0x5150];
	_ =	sdelay $0x3  }
0xa5: {  	v3 =	vsub.s32 v3, v2  }
0xa6: {  	v61 =	vshll.u32 v4, $0x1;
	v3 =	vshll.u32 v3, $0x1  }
0xa7: {  	v5 =	vor.u32 $0x1, v61;
	_ =	sdelay $0x3  }
0xa8: {  	v3 =	vld.idx.msk [tilespmem:v3+s22+$0x0], $0xffff  }
0xa9: {  	v5 =	vld.idx.msk [tilespmem:v5+s22+$0x0], $0xffff;
	_ =	sdelay $0x4  }
0xaa: {  	v3 =	vadd.f32 v5, v3;
	_ =	sdelay $0x1  }
0xab: {  	v5 =	vmul.f32 $2.000000030e-01, v3  }
0xac: {  	vm13 =	vge.f32 v3, $0.0e+00  }
0xad: {  	v3 =	vsel vm13, v3, v5  }
0xae: {  	v3 =	vmul.f32 $1.442695020e+00, v3;
	_ =	sdelay $0x1  }
0xaf: {  	(erf) = vpow2.f32 v3;
	_ =	sdelay $0x8  }
0xb0: {  	v3 =	vpop (erf)  }
0xb1: {  	[tilespmem:s4+$0xF250] =	vst v3  }
0xb2: {  	[tilespmem:v4+s24+$0x0] =	vst.idx.add.f32.msk $0xffff, v3  }
0xb3: {  	v3 =	vld [tilespmem:s4+$0x60]  }
0xb4: {  	v4 =	vld [tilespmem:s4+$0x5160];
	_ =	sdelay $0x3  }
0xb5: {  	v3 =	vsub.s32 v3, v2  }
0xb6: {  	v62 =	vshll.u32 v4, $0x1;
	v3 =	vshll.u32 v3, $0x1  }
0xb7: {  	v5 =	vor.u32 $0x1, v62;
	_ =	sdelay $0x3  }
0xb8: {  	v3 =	vld.idx.msk [tilespmem:v3+s22+$0x0], $0xffff  }
0xb9: {  	v5 =	vld.idx.msk [tilespmem:v5+s22+$0x0], $0xffff;
	_ =	sdelay $0x4  }
0xba: {  	v3 =	vadd.f32 v5, v3;
	_ =	sdelay $0x1  }
0xbb: {  	v5 =	vmul.f32 $2.000000030e-01, v3  }
0xbc: {  	vm14 =	vge.f32 v3, $0.0e+00  }
0xbd: {  	v3 =	vsel vm14, v3, v5  }
0xbe: {  	v3 =	vmul.f32 $1.442695020e+00, v3;
	_ =	sdelay $0x1  }
0xbf: {  	(erf) = vpow2.f32 v3;
	_ =	sdelay $0x8  }
0xc0: {  	v3 =	vpop (erf)  }
0xc1: {  	[tilespmem:s4+$0xF260] =	vst v3  }
0xc2: {  	[tilespmem:v4+s24+$0x0] =	vst.idx.add.f32.msk $0xffff, v3  }
0xc3: {  	v3 =	vld [tilespmem:s4+$0x70]  }
0xc4: {  	v4 =	vld [tilespmem:s4+$0x5170];
	_ =	sdelay $0x3  }
0xc5: {  	v3 =	vsub.s32 v3, v2  }
0xc6: {  	v63 =	vshll.u32 v4, $0x1;
	v3 =	vshll.u32 v3, $0x1  }
0xc7: {  	v5 =	vor.u32 $0x1, v63;
	_ =	sdelay $0x3  }
0xc8: {  	v3 =	vld.idx.msk [tilespmem:v3+s22+$0x0], $0xffff  }
0xc9: {  	v5 =	vld.idx.msk [tilespmem:v5+s22+$0x0], $0xffff;
	_ =	sdelay $0x4  }
0xca: {  	v3 =	vadd.f32 v5, v3;
	_ =	sdelay $0x1  }
0xcb: {  	v5 =	vmul.f32 $2.000000030e-01, v3  }
0xcc: {  	vm15 =	vge.f32 v3, $0.0e+00  }
0xcd: {  	v3 =	vsel vm15, v3, v5  }
0xce: {  	v3 =	vmul.f32 $1.442695020e+00, v3;
	_ =	sdelay $0x1  }
0xcf: {  	(erf) = vpow2.f32 v3;
	_ =	sdelay $0x5  }
0xd0: {  	p1 =	sne.s32 s3, $0x14200  }
.Ltmp6:
0xd1: {  	_ = 	snop;
	(pc) =	sbr.rel @p1 .LBB2_7-.Ltmp6, $4  }
0xd2: {  	_ = 	snop  }
0xd3: {  	v3 =	vpop (erf)  }
0xd4: {  	[tilespmem:s4+$0xF270] =	vst v3  }
0xd5: {  	s3 =	sadd.s32 $0x200, s3;
	[tilespmem:v4+s24+$0x0] =	vst.idx.add.f32.msk $0xffff, v3  }
.Ltmp7:
0xd6: {  	(pc) =	sbr.rel @p0 .LBB2_16-.Ltmp7, $1  }
0xd7: {  	_ =	sdelay $0x3  }
0xd8: {  	s3 =	smul.u32 $0x28000, s19  }
0xd9: {  	s4 =	rddreg [dreg:$0xa]  }
0xda: {  	s3 =	sadd.s32 s4, s3  }
0xdb: {  	s21 =	rddreg [dreg:$0x4];
	s3 =	sshrl.u32 s3, $0x3  }
0xdc: {  	s6 =	simm.s32 $0x0;
	s3 =	sadd.s32 s21, s3  }
0xdd: {  	[hbm4b:s3+s6] =	stream.linear.scatter [tilespmem:s24], [sflag:$0x3], $0x2800, $0x38;
	[tilespmem:$0x1FD20] =	vst v63  }
0xde: {  	_ =	swait.ge [sflag:s20], $0x2800  }
0xdf: {  	[sflag:s20] =	ssyncset.done $0x0  }
0xe0: {  	s26 =	simm.s32 $0x16B00;
	[sflag:s20] =	ssyncadd.s32 $0xFFFFD800  }
0xe1: {  	s10 =	simm.s32 $0xF200;
	s3 =	simm.s32 $0xF280;
	[bflag:$0x0] =	sbarrier.arrive $0xFFFF  }
0xe2: {  	[tilespmem:s26], [sflag:$0x1] =	stream.indirect.gather [hbm4b:s1+s25], $0x20, s6, s25, $0xb8;
	[tilespmem:$0x1FD20] =	vst v63  }
.LBB2_10:
0xe3: {  	s4 =	sshll.u32 s6, $0x8  }
0xe4: {  	s7 =	sor.u32 $0x80, s4  }
0xe5: {  	[tilespmem:s28], [sflag:$0x2] =	stream.indirect.gather [hbm4b:s1+s25], $0x20, s7, s25, $0xb8;
	[tilespmem:$0x1FD20] =	vst v63  }
0xe6: {  	_ =	swait.ge [sflag:s29], $0x1000  }
0xe7: {  	[sflag:s29] =	ssyncset.done $0x0  }
0xe8: {  	s18 =	simm.s32 $0x0;
	[sflag:s29] =	ssyncadd.s32 $0xFFFFF000  }
0xe9: {  	v2 =	vld [tilespmem:s18+$0x16B00]  }
0xea: {  	v3 =	vld [tilespmem:s18+$0x16B10]  }
0xeb: {  	v4 =	vld [tilespmem:s18+$0x16B20]  }
0xec: {  	v5 =	vld [tilespmem:s18+$0x16B30]  }
0xed: {  	v6 =	vld [tilespmem:s18+$0x16B40]  }
0xee: {  	v7 =	vld [tilespmem:s18+$0x16B50]  }
0xef: {  	v8 =	vld [tilespmem:s18+$0x16B60]  }
0xf0: {  	v9 =	vld [tilespmem:s18+$0x16B70]  }
0xf1: {  	v10 =	vld [tilespmem:s18+$0x16B80]  }
0xf2: {  	v11 =	vld [tilespmem:s18+$0x16B90]  }
0xf3: {  	v12 =	vld [tilespmem:s18+$0x16BA0]  }
0xf4: {  	v13 =	vld [tilespmem:s18+$0x16BB0]  }
0xf5: {  	v14 =	vld [tilespmem:s18+$0x16BC0]  }
0xf6: {  	v16 =	vld [tilespmem:s18+$0x16BD0]  }
0xf7: {  	v17 =	vld [tilespmem:s18+$0x16BE0]  }
0xf8: {  	v50 =	vld [tilespmem:s18+$0x16C40];
	v35 =	vunpack.i.u.bf16.f32 v2;
	v43 =	vunpack.i.l.bf16.f32 v2;
	v36 =	vunpack.i.u.bf16.f32 v3  }
0xf9: {  	v44 =	vld [tilespmem:s18+$0x16C50];
	v45 =	vunpack.i.l.bf16.f32 v3;
	v38 =	vunpack.i.u.bf16.f32 v4;
	v41 =	vunpack.i.l.bf16.f32 v4  }
0xfa: {  	v46 =	vld [tilespmem:s18+$0x16C60];
	v39 =	vunpack.i.u.bf16.f32 v5;
	v42 =	vunpack.i.l.bf16.f32 v5;
	v33 =	vunpack.i.u.bf16.f32 v6  }
0xfb: {  	v2 =	vld [tilespmem:s18+$0x16BF0];
	v40 =	vunpack.i.l.bf16.f32 v6;
	v31 =	vunpack.i.u.bf16.f32 v7;
	v37 =	vunpack.i.l.bf16.f32 v7  }
0xfc: {  	v3 =	vld [tilespmem:s18+$0x16C00];
	v30 =	vunpack.i.u.bf16.f32 v8;
	v34 =	vunpack.i.l.bf16.f32 v8;
	v29 =	vunpack.i.u.bf16.f32 v9  }
0xfd: {  	v4 =	vld [tilespmem:s18+$0x16C10];
	v32 =	vunpack.i.l.bf16.f32 v9;
	v25 =	vunpack.i.u.bf16.f32 v10;
	v28 =	vunpack.i.l.bf16.f32 v10  }
0xfe: {  	v5 =	vld [tilespmem:s18+$0x16C20];
	v24 =	vunpack.i.u.bf16.f32 v11;
	v27 =	vunpack.i.l.bf16.f32 v11;
	v20 =	vunpack.i.u.bf16.f32 v12  }
0xff: {  	v8 =	vld [tilespmem:s18+$0x16C30];
	v26 =	vunpack.i.l.bf16.f32 v12;
	v19 =	vunpack.i.u.bf16.f32 v13;
	v23 =	vunpack.i.l.bf16.f32 v13  }
0x100: {  	v47 =	vld [tilespmem:s18+$0x16C70];
	v18 =	vunpack.i.u.bf16.f32 v14;
	v22 =	vunpack.i.l.bf16.f32 v14;
	v15 =	vunpack.i.u.bf16.f32 v16  }
0x101: {  	v48 =	vld [tilespmem:s18+$0x16C80];
	v21 =	vunpack.i.l.bf16.f32 v16;
	v14 =	vunpack.i.u.bf16.f32 v17;
	v17 =	vunpack.i.l.bf16.f32 v17  }
0x102: {  	v51 =	vld [tilespmem:s18+$0x16C90];
	v13 =	vunpack.i.u.bf16.f32 v2;
	v16 =	vunpack.i.l.bf16.f32 v2;
	v9 =	vunpack.i.u.bf16.f32 v3  }
0x103: {  	v59 =	vld [tilespmem:s18+$0x16CA0];
	v12 =	vunpack.i.l.bf16.f32 v3;
	v7 =	vunpack.i.u.bf16.f32 v4;
	v11 =	vunpack.i.l.bf16.f32 v4  }
0x104: {  	v49 =	vld [tilespmem:s18+$0x16CB0];
	v6 =	vunpack.i.u.bf16.f32 v5;
	v10 =	vunpack.i.l.bf16.f32 v5;
	v3 =	vunpack.i.u.bf16.f32 v8  }
0x105: {  	s21 =	sshll.u32 s6, $0xA;
	s26 =	simm.s32 $0x800;
	s4 =	smov.u32 s10;
	v2 =	vld [tilespmem:s10+$0x0];
	v8 =	vunpack.i.l.bf16.f32 v8;
	v4 =	vunpack.i.u.bf16.f32 v50;
	v5 =	vunpack.i.l.bf16.f32 v50  }
.LBB2_11:
0x106: {  	p1 =	sne.s32 s26, $0x3800;
	v57 =	vunpack.i.u.bf16.f32 v44;
	v58 =	vunpack.i.l.bf16.f32 v44;
	v55 =	vunpack.i.u.bf16.f32 v46  }
0x107: {  	v56 =	vunpack.i.l.bf16.f32 v46;
	v53 =	vunpack.i.u.bf16.f32 v47;
	v54 =	vunpack.i.l.bf16.f32 v47;
	v60 =	vld [tilespmem:s18+$0x16CC0]  }
0x108: {  	v50 =	vunpack.i.u.bf16.f32 v48;
	v52 =	vunpack.i.l.bf16.f32 v48;
	v48 =	vunpack.i.u.bf16.f32 v51  }
0x109: {  	v51 =	vunpack.i.l.bf16.f32 v51;
	v46 =	vunpack.i.u.bf16.f32 v59;
	v47 =	vunpack.i.l.bf16.f32 v59  }
0x10a: {  	v44 =	vunpack.i.u.bf16.f32 v49;
	v59 =	vbroadcast v2, $0x0;
	v61 =	vbroadcast v2, $0x1  }
0x10b: {  	v49 =	vunpack.i.l.bf16.f32 v49;
	v62 =	vbroadcast v2, $0x2;
	v63 =	vbroadcast v2, $0x3  }
0x10c: {  	v43 =	vmul.f32 v43, v59;
	v0 =	vmul.f32 v35, v59;
	v35 =	vunpack.i.u.bf16.f32 v60  }
0x10d: {  	v45 =	vmul.f32 v45, v59;
	v59 =	vmul.f32 v36, v59;
	v36 =	vunpack.i.l.bf16.f32 v60  }
0x10e: {  	v41 =	vmul.f32 v41, v61;
	v38 =	vmul.f32 v38, v61;
	v0 =	vpack.i.f32.bf16 v0, v43  }
0x10f: {  	v42 =	vmul.f32 v42, v61;
	v39 =	vmul.f32 v39, v61;
	[tilespmem:s18+$0x18B00] =	vst v0;
	v0 =	vpack.i.f32.bf16 v59, v45  }
0x110: {  	v33 =	vmul.f32 v33, v62;
	[tilespmem:s18+$0x18B10] =	vst v0;
	v0 =	vpack.i.f32.bf16 v38, v41;
	v38 =	vmul.f32 v40, v62  }
0x111: {  	v37 =	vmul.f32 v37, v62;
	v31 =	vmul.f32 v31, v62;
	[tilespmem:s18+$0x18B20] =	vst v0;
	v0 =	vpack.i.f32.bf16 v39, v42;
	v39 =	vld [tilespmem:s18+$0x16CD0]  }
0x112: {  	v30 =	vmul.f32 v30, v63;
	[tilespmem:s18+$0x18B30] =	vst v0;
	v0 =	vpack.i.f32.bf16 v33, v38;
	v33 =	vmul.f32 v34, v63  }
0x113: {  	v29 =	vmul.f32 v29, v63;
	[tilespmem:s18+$0x18B40] =	vst v0;
	v0 =	vpack.i.f32.bf16 v31, v37;
	v31 =	vmul.f32 v32, v63  }
0x114: {  	v32 =	vbroadcast v2, $0x5;
	[tilespmem:s18+$0x18B50] =	vst v0;
	v0 =	vpack.i.f32.bf16 v30, v33;
	v30 =	vbroadcast v2, $0x4  }
0x115: {  	[tilespmem:s18+$0x18B60] =	vst v0;
	v0 =	vpack.i.f32.bf16 v29, v31;
	v29 =	vbroadcast v2, $0x6;
	v31 =	vbroadcast v2, $0x7  }
0x116: {  	[tilespmem:s18+$0x18B70] =	vst v0;
	v0 =	vmul.f32 v28, v30;
	v28 =	vmul.f32 v25, v30;
	v25 =	vunpack.i.u.bf16.f32 v39  }
0x117: {  	v27 =	vmul.f32 v27, v30;
	v30 =	vmul.f32 v24, v30;
	v24 =	vunpack.i.l.bf16.f32 v39  }
0x118: {  	v26 =	vmul.f32 v26, v32;
	v20 =	vmul.f32 v20, v32;
	v0 =	vpack.i.f32.bf16 v28, v0  }
0x119: {  	v23 =	vmul.f32 v23, v32;
	v19 =	vmul.f32 v19, v32;
	[tilespmem:s18+$0x18B80] =	vst v0;
	v0 =	vpack.i.f32.bf16 v30, v27  }
0x11a: {  	v18 =	vmul.f32 v18, v29;
	[tilespmem:s18+$0x18B90] =	vst v0;
	v0 =	vpack.i.f32.bf16 v20, v26;
	v20 =	vmul.f32 v22, v29  }
0x11b: {  	v15 =	vmul.f32 v15, v29;
	[tilespmem:s18+$0x18BA0] =	vst v0;
	v0 =	vpack.i.f32.bf16 v19, v23;
	v19 =	vmul.f32 v21, v29;
	v21 =	vld [tilespmem:s18+$0x16CE0]  }
0x11c: {  	v17 =	vmul.f32 v17, v31;
	v14 =	vmul.f32 v14, v31;
	[tilespmem:s18+$0x18BB0] =	vst v0;
	v0 =	vpack.i.f32.bf16 v18, v20  }
0x11d: {  	v13 =	vmul.f32 v13, v31;
	[tilespmem:s18+$0x18BC0] =	vst v0;
	v0 =	vpack.i.f32.bf16 v15, v19;
	v15 =	vmul.f32 v16, v31  }
0x11e: {  	v16 =	vbroadcast v2, $0x9;
	[tilespmem:s18+$0x18BD0] =	vst v0;
	v0 =	vpack.i.f32.bf16 v14, v17;
	v14 =	vbroadcast v2, $0x8  }
0x11f: {  	[tilespmem:s18+$0x18BE0] =	vst v0;
	v0 =	vpack.i.f32.bf16 v13, v15;
	v13 =	vbroadcast v2, $0xA;
	v15 =	vbroadcast v2, $0xB  }
0x120: {  	[tilespmem:s18+$0x18BF0] =	vst v0;
	v0 =	vmul.f32 v12, v14;
	v9 =	vmul.f32 v9, v14;
	v12 =	vunpack.i.u.bf16.f32 v21  }
0x121: {  	v11 =	vmul.f32 v11, v14;
	v7 =	vmul.f32 v7, v14;
	v14 =	vunpack.i.l.bf16.f32 v21  }
0x122: {  	s12 =	sshra.s32 s26, $0x2;
	v6 =	vmul.f32 v6, v16;
	v0 =	vpack.i.f32.bf16 v9, v0;
	v9 =	vmul.f32 v10, v16  }
0x123: {  	v3 =	vmul.f32 v3, v16;
	v10 =	vld [tilespmem:s12+$0x16B00];
	[tilespmem:s18+$0x18C00] =	vst v0;
	v0 =	vpack.i.f32.bf16 v7, v11;
	v7 =	vmul.f32 v8, v16  }
0x124: {  	v5 =	vmul.f32 v5, v13;
	v4 =	vmul.f32 v4, v13;
	v8 =	vld [tilespmem:s12+$0x16B10];
	[tilespmem:s18+$0x18C10] =	vst v0;
	v0 =	vpack.i.f32.bf16 v6, v9  }
0x125: {  	v6 =	vmul.f32 v57, v13;
	[tilespmem:s18+$0x18C20] =	vst v0;
	v0 =	vpack.i.f32.bf16 v3, v7;
	v3 =	vmul.f32 v58, v13;
	v7 =	vld [tilespmem:s18+$0x16CF0]  }
0x126: {  	v9 =	vld [tilespmem:s12+$0x16B20];
	[tilespmem:s18+$0x18C30] =	vst v0;
	v0 =	vpack.i.f32.bf16 v4, v5;
	v4 =	vmul.f32 v56, v15;
	v5 =	vmul.f32 v55, v15  }
0x127: {  	v11 =	vld [tilespmem:s12+$0x16B30];
	[tilespmem:s18+$0x18C40] =	vst v0;
	v0 =	vpack.i.f32.bf16 v6, v3;
	v3 =	vmul.f32 v54, v15;
	v6 =	vmul.f32 v53, v15  }
0x128: {  	v13 =	vld [tilespmem:s12+$0x16B40];
	[tilespmem:s18+$0x18C50] =	vst v0;
	v0 =	vpack.i.f32.bf16 v5, v4;
	v4 =	vbroadcast v2, $0xC;
	v5 =	vbroadcast v2, $0xD  }
0x129: {  	v15 =	vld [tilespmem:s12+$0x16B50];
	[tilespmem:s18+$0x18C60] =	vst v0;
	v0 =	vpack.i.f32.bf16 v6, v3;
	v3 =	vbroadcast v2, $0xE;
	v2 =	vbroadcast v2, $0xF  }
0x12a: {  	v6 =	vld [tilespmem:s12+$0x16B60];
	[tilespmem:s18+$0x18C70] =	vst v0;
	v0 =	vmul.f32 v52, v4;
	v16 =	vmul.f32 v50, v4;
	v17 =	vunpack.i.u.bf16.f32 v7  }
0x12b: {  	v19 =	vmul.f32 v51, v4;
	v4 =	vmul.f32 v48, v4;
	v7 =	vunpack.i.l.bf16.f32 v7;
	v18 =	vld [tilespmem:s12+$0x16B70]  }
0x12c: {  	v21 =	vmul.f32 v46, v5;
	v20 =	vld [tilespmem:s12+$0x16B80];
	v0 =	vpack.i.f32.bf16 v16, v0;
	v16 =	vmul.f32 v47, v5  }
0x12d: {  	v22 =	vld [tilespmem:s12+$0x16B90];
	[tilespmem:s18+$0x18C80] =	vst v0;
	v0 =	vpack.i.f32.bf16 v4, v19;
	v4 =	vmul.f32 v49, v5;
	v5 =	vmul.f32 v44, v5  }
0x12e: {  	v19 =	vld [tilespmem:s12+$0x16BA0];
	[tilespmem:s18+$0x18C90] =	vst v0;
	v0 =	vpack.i.f32.bf16 v21, v16;
	v16 =	vmul.f32 v36, v3;
	v21 =	vmul.f32 v35, v3  }
0x12f: {  	v23 =	vld [tilespmem:s12+$0x16BB0];
	[tilespmem:s18+$0x18CA0] =	vst v0;
	v0 =	vpack.i.f32.bf16 v5, v4;
	v4 =	vmul.f32 v24, v3;
	v3 =	vmul.f32 v25, v3  }
0x130: {  	v14 =	vmul.f32 v14, v2;
	v12 =	vmul.f32 v12, v2;
	v5 =	vld [tilespmem:s12+$0x16BC0];
	[tilespmem:s18+$0x18CB0] =	vst v0;
	v0 =	vpack.i.f32.bf16 v21, v16  }
0x131: {  	v16 =	vld [tilespmem:s12+$0x16BD0];
	[tilespmem:s18+$0x18CC0] =	vst v0;
	v0 =	vpack.i.f32.bf16 v3, v4;
	v3 =	vmul.f32 v7, v2;
	v2 =	vmul.f32 v17, v2  }
0x132: {  	v35 =	vunpack.i.u.bf16.f32 v10;
	v4 =	vld [tilespmem:s12+$0x16BE0];
	[tilespmem:s18+$0x18CD0] =	vst v0;
	v0 =	vpack.i.f32.bf16 v12, v14  }
0x133: {  	v43 =	vunpack.i.l.bf16.f32 v10;
	v36 =	vunpack.i.u.bf16.f32 v8;
	v7 =	vld [tilespmem:s12+$0x16BF0];
	[tilespmem:s18+$0x18CE0] =	vst v0;
	v0 =	vpack.i.f32.bf16 v2, v3  }
0x134: {  	v45 =	vunpack.i.l.bf16.f32 v8;
	v38 =	vunpack.i.u.bf16.f32 v9;
	v41 =	vunpack.i.l.bf16.f32 v9;
	v2 =	vld [tilespmem:s12+$0x16C00];
	[tilespmem:s18+$0x18CF0] =	vst v0;
	s18 =	smov.u32 s12  }
0x135: {  	v39 =	vunpack.i.u.bf16.f32 v11;
	v42 =	vunpack.i.l.bf16.f32 v11;
	v33 =	vunpack.i.u.bf16.f32 v13;
	v0 =	vld [tilespmem:s18+$0x16C10]  }
0x136: {  	v40 =	vunpack.i.l.bf16.f32 v13;
	v31 =	vunpack.i.u.bf16.f32 v15;
	v37 =	vunpack.i.l.bf16.f32 v15;
	v3 =	vld [tilespmem:s18+$0x16C20]  }
0x137: {  	v30 =	vunpack.i.u.bf16.f32 v6;
	v34 =	vunpack.i.l.bf16.f32 v6;
	v29 =	vunpack.i.u.bf16.f32 v18;
	v8 =	vld [tilespmem:s18+$0x16C30]  }
0x138: {  	v32 =	vunpack.i.l.bf16.f32 v18;
	v25 =	vunpack.i.u.bf16.f32 v20;
	v28 =	vunpack.i.l.bf16.f32 v20;
	v50 =	vld [tilespmem:s18+$0x16C40]  }
0x139: {  	v24 =	vunpack.i.u.bf16.f32 v22;
	v27 =	vunpack.i.l.bf16.f32 v22;
	v20 =	vunpack.i.u.bf16.f32 v19;
	v44 =	vld [tilespmem:s18+$0x16C50]  }
0x13a: {  	v26 =	vunpack.i.l.bf16.f32 v19;
	v19 =	vunpack.i.u.bf16.f32 v23;
	v23 =	vunpack.i.l.bf16.f32 v23;
	v46 =	vld [tilespmem:s18+$0x16C60]  }
0x13b: {  	v18 =	vunpack.i.u.bf16.f32 v5;
	v22 =	vunpack.i.l.bf16.f32 v5;
	v15 =	vunpack.i.u.bf16.f32 v16;
	v47 =	vld [tilespmem:s18+$0x16C70]  }
.Ltmp8:
0x13c: {  	v21 =	vunpack.i.l.bf16.f32 v16;
	v14 =	vunpack.i.u.bf16.f32 v4;
	v17 =	vunpack.i.l.bf16.f32 v4;
	v48 =	vld [tilespmem:s18+$0x16C80];
	(pc) =	sbr.rel @p1 .LBB2_11-.Ltmp8, $4  }
0x13d: {  	v13 =	vunpack.i.u.bf16.f32 v7;
	v16 =	vunpack.i.l.bf16.f32 v7;
	v9 =	vunpack.i.u.bf16.f32 v2;
	v51 =	vld [tilespmem:s18+$0x16C90]  }
0x13e: {  	v12 =	vunpack.i.l.bf16.f32 v2;
	v7 =	vunpack.i.u.bf16.f32 v0;
	v11 =	vunpack.i.l.bf16.f32 v0;
	v59 =	vld [tilespmem:s18+$0x16CA0]  }
0x13f: {  	s4 =	sadd.s32 $0x10, s4;
	v6 =	vunpack.i.u.bf16.f32 v3;
	v10 =	vunpack.i.l.bf16.f32 v3;
	v3 =	vunpack.i.u.bf16.f32 v8;
	v49 =	vld [tilespmem:s18+$0x16CB0]  }
0x140: {  	s26 =	sadd.s32 $0x800, s26;
	v8 =	vunpack.i.l.bf16.f32 v8;
	v4 =	vunpack.i.u.bf16.f32 v50;
	v5 =	vunpack.i.l.bf16.f32 v50;
	v2 =	vld [tilespmem:s4+$0x0]  }
0x141: {  	_ =	sdelay $0x2  }
0x142: {  	v0 =	vunpack.i.u.bf16.f32 v44;
	v50 =	vunpack.i.l.bf16.f32 v44;
	v57 =	vunpack.i.u.bf16.f32 v48  }
0x143: {  	v58 =	vunpack.i.l.bf16.f32 v48;
	v44 =	vunpack.i.u.bf16.f32 v59;
	v60 =	vbroadcast v2, $0x0  }
0x144: {  	v48 =	vunpack.i.l.bf16.f32 v59;
	v59 =	vbroadcast v2, $0x1;
	v61 =	vbroadcast v2, $0x2  }
0x145: {  	v52 =	vunpack.i.u.bf16.f32 v46;
	v62 =	vbroadcast v2, $0x3;
	v43 =	vmul.f32 v43, v60  }
0x146: {  	v53 =	vunpack.i.l.bf16.f32 v46;
	v63 =	vmul.f32 v35, v60;
	v45 =	vmul.f32 v45, v60  }
0x147: {  	v54 =	vunpack.i.u.bf16.f32 v47;
	v36 =	vmul.f32 v36, v60;
	v41 =	vmul.f32 v41, v59  }
0x148: {  	v55 =	vunpack.i.l.bf16.f32 v47;
	v56 =	vld [tilespmem:s18+$0x16CC0];
	v38 =	vmul.f32 v38, v59;
	v42 =	vmul.f32 v42, v59  }
0x149: {  	v47 =	vunpack.i.u.bf16.f32 v51;
	v39 =	vmul.f32 v39, v59;
	v40 =	vmul.f32 v40, v61  }
0x14a: {  	v51 =	vunpack.i.l.bf16.f32 v51;
	v33 =	vmul.f32 v33, v61;
	v37 =	vmul.f32 v37, v61  }
0x14b: {  	v46 =	vunpack.i.u.bf16.f32 v49;
	v31 =	vmul.f32 v31, v61;
	v34 =	vmul.f32 v34, v62  }
0x14c: {  	v49 =	vunpack.i.l.bf16.f32 v49;
	v30 =	vmul.f32 v30, v62;
	v32 =	vmul.f32 v32, v62  }
0x14d: {  	v35 =	vunpack.i.u.bf16.f32 v56;
	v29 =	vmul.f32 v29, v62;
	v59 =	vbroadcast v2, $0x4  }
0x14e: {  	v61 =	vbroadcast v2, $0x6;
	v62 =	vbroadcast v2, $0x7;
	v43 =	vpack.i.f32.bf16 v63, v43  }
0x14f: {  	v36 =	vpack.i.f32.bf16 v36, v45;
	v60 =	vpack.i.f32.bf16 v38, v41;
	v28 =	vmul.f32 v28, v59  }
0x150: {  	v63 =	vunpack.i.l.bf16.f32 v56;
	v25 =	vmul.f32 v25, v59;
	v27 =	vmul.f32 v27, v59  }
0x151: {  	v45 =	vpack.i.f32.bf16 v39, v42;
	v24 =	vmul.f32 v24, v59;
	v22 =	vmul.f32 v22, v61;
	[tilespmem:s18+$0x18B00] =	vst v43  }
0x152: {  	v33 =	vpack.i.f32.bf16 v33, v40;
	v18 =	vmul.f32 v18, v61;
	v21 =	vmul.f32 v21, v61;
	[tilespmem:s18+$0x18B10] =	vst v36  }
0x153: {  	v31 =	vpack.i.f32.bf16 v31, v37;
	v15 =	vmul.f32 v15, v61;
	v17 =	vmul.f32 v17, v62;
	[tilespmem:s18+$0x18B20] =	vst v60  }
0x154: {  	v30 =	vpack.i.f32.bf16 v30, v34;
	v14 =	vmul.f32 v14, v62;
	v16 =	vmul.f32 v16, v62;
	[tilespmem:s18+$0x18B30] =	vst v45  }
0x155: {  	v29 =	vpack.i.f32.bf16 v29, v32;
	v13 =	vmul.f32 v13, v62;
	v60 =	vbroadcast v2, $0x5;
	[tilespmem:s18+$0x18B40] =	vst v33  }
0x156: {  	[tilespmem:s18+$0x18B50] =	vst v31;
	v25 =	vpack.i.f32.bf16 v25, v28;
	v15 =	vpack.i.f32.bf16 v15, v21;
	v21 =	vbroadcast v2, $0xA  }
0x157: {  	[tilespmem:s18+$0x18B60] =	vst v30;
	v24 =	vpack.i.f32.bf16 v24, v27;
	v26 =	vmul.f32 v26, v60;
	v20 =	vmul.f32 v20, v60  }
0x158: {  	v56 =	vld [tilespmem:s18+$0x16CD0];
	[tilespmem:s18+$0x18B70] =	vst v29;
	v18 =	vpack.i.f32.bf16 v18, v22;
	v23 =	vmul.f32 v23, v60;
	v19 =	vmul.f32 v19, v60  }
0x159: {  	v14 =	vpack.i.f32.bf16 v14, v17;
	[tilespmem:s18+$0x18BC0] =	vst v18;
	v18 =	vbroadcast v2, $0x9;
	v5 =	vmul.f32 v5, v21  }
0x15a: {  	[tilespmem:s18+$0x18B80] =	vst v25;
	v4 =	vmul.f32 v4, v21;
	v0 =	vmul.f32 v0, v21;
	v19 =	vpack.i.f32.bf16 v19, v23  }
0x15b: {  	v13 =	vpack.i.f32.bf16 v13, v16;
	v10 =	vmul.f32 v10, v18;
	[tilespmem:s18+$0x18BB0] =	vst v19;
	v19 =	vbroadcast v2, $0x8  }
0x15c: {  	[tilespmem:s18+$0x18B90] =	vst v24;
	v20 =	vpack.i.f32.bf16 v20, v26;
	v6 =	vmul.f32 v6, v18;
	v8 =	vmul.f32 v8, v18  }
0x15d: {  	v30 =	vunpack.i.u.bf16.f32 v56;
	v3 =	vmul.f32 v3, v18;
	[tilespmem:s18+$0x18BA0] =	vst v20;
	v20 =	vld [tilespmem:s18+$0x16CE0];
	v12 =	vmul.f32 v12, v19  }
0x15e: {  	[tilespmem:s18+$0x18BD0] =	vst v15;
	v6 =	vpack.i.f32.bf16 v6, v10;
	v9 =	vmul.f32 v9, v19;
	v11 =	vmul.f32 v11, v19  }
0x15f: {  	v24 =	vunpack.i.l.bf16.f32 v56;
	v7 =	vmul.f32 v7, v19;
	[tilespmem:s18+$0x18C20] =	vst v6;
	v6 =	vmul.f32 v50, v21  }
0x160: {  	[tilespmem:s18+$0x18BE0] =	vst v14;
	v4 =	vpack.i.f32.bf16 v4, v5;
	v9 =	vpack.i.f32.bf16 v9, v12;
	v12 =	vbroadcast v2, $0xB  }
0x161: {  	[tilespmem:s18+$0x18BF0] =	vst v13;
	v3 =	vpack.i.f32.bf16 v3, v8;
	v8 =	vld [tilespmem:s18+$0x16CF0];
	v7 =	vpack.i.f32.bf16 v7, v11;
	v0 =	vpack.i.f32.bf16 v0, v6  }
0x162: {  	v13 =	vunpack.i.u.bf16.f32 v20;
	[tilespmem:s18+$0x18C00] =	vst v9;
	v5 =	vmul.f32 v53, v12;
	v9 =	vmul.f32 v52, v12  }
0x163: {  	[tilespmem:s18+$0x18C10] =	vst v7;
	v7 =	vunpack.i.l.bf16.f32 v20;
	v6 =	vmul.f32 v55, v12;
	v10 =	vmul.f32 v54, v12  }
0x164: {  	[tilespmem:s18+$0x18C30] =	vst v3;
	v3 =	vpack.i.f32.bf16 v9, v5;
	v5 =	vbroadcast v2, $0xC;
	v9 =	vbroadcast v2, $0xD  }
0x165: {  	[tilespmem:s18+$0x18C40] =	vst v4;
	v4 =	vpack.i.f32.bf16 v10, v6;
	v6 =	vbroadcast v2, $0xE;
	v2 =	vbroadcast v2, $0xF  }
0x166: {  	[tilespmem:s18+$0x18C50] =	vst v0;
	v11 =	vunpack.i.u.bf16.f32 v8;
	v0 =	vmul.f32 v58, v5;
	v10 =	vmul.f32 v57, v5  }
0x167: {  	v8 =	vunpack.i.l.bf16.f32 v8;
	[tilespmem:s18+$0x18C60] =	vst v3;
	v3 =	vmul.f32 v51, v5;
	v5 =	vmul.f32 v47, v5  }
0x168: {  	[tilespmem:s18+$0x18C70] =	vst v4;
	v4 =	vmul.f32 v48, v9;
	v0 =	vpack.i.f32.bf16 v10, v0;
	v10 =	vmul.f32 v44, v9  }
0x169: {  	[tilespmem:s18+$0x18C80] =	vst v0;
	v0 =	vpack.i.f32.bf16 v5, v3;
	v3 =	vmul.f32 v49, v9;
	v5 =	vmul.f32 v46, v9  }
0x16a: {  	v9 =	vmul.f32 v35, v6;
	[tilespmem:s18+$0x18C90] =	vst v0;
	v0 =	vpack.i.f32.bf16 v10, v4;
	v4 =	vmul.f32 v63, v6  }
0x16b: {  	[tilespmem:s18+$0x18CA0] =	vst v0;
	v0 =	vpack.i.f32.bf16 v5, v3;
	v3 =	vmul.f32 v24, v6;
	v5 =	vmul.f32 v30, v6  }
0x16c: {  	v6 =	vmul.f32 v13, v2;
	[tilespmem:s18+$0x18CB0] =	vst v0;
	v0 =	vpack.i.f32.bf16 v9, v4;
	v4 =	vmul.f32 v7, v2  }
0x16d: {  	[tilespmem:s18+$0x18CC0] =	vst v0;
	v0 =	vpack.i.f32.bf16 v5, v3;
	v3 =	vmul.f32 v8, v2;
	v2 =	vmul.f32 v11, v2  }
0x16e: {  	[tilespmem:s18+$0x18CD0] =	vst v0;
	v0 =	vpack.i.f32.bf16 v6, v4  }
0x16f: {  	s4 =	sshrl.u32 s21, $0x2;
	[tilespmem:s18+$0x18CE0] =	vst v0;
	v0 =	vpack.i.f32.bf16 v2, v3  }
0x170: {  	s4 =	sadd.s32 $0x5100, s4;
	[tilespmem:s18+$0x18CF0] =	vst v0  }
0x171: {  	[spmem:s5] =	stream.indirect.scatter.add.bf16 [tilespmem:s30], [sflag:$0x3], $0x20, s4, s25, $0xb8;
	[tilespmem:$0x1FD20] =	vst v63  }
0x172: {  	p1 =	seq.s32 s6, $0x50;
	_ =	swait.ge [sflag:s20], $0x1000  }
0x173: {  	s12 =	simm.s32 @!p1 $0x80;
	s4 =	sshrl.u32 @!p1 s21, $0x2;
	[sflag:s20] =	ssyncset.done $0x0  }
0x174: {  	s18 =	simm.s32 @!p1 $0x16B00;
	s4 =	sadd.s32 @!p1 $0x100, s4;
	[sflag:s20] =	ssyncadd.s32 $0xFFFFF000  }
0x175: {  	[tilespmem:s18], [sflag:$0x1] =	stream.indirect.gather @!p1 [hbm4b:s1+s12], $0x20, s4, s12, $0xb8;
	[tilespmem:$0x1FD20] =	vst v63  }
0x176: {  	_ =	swait.ge [sflag:s31], $0x1000  }
0x177: {  	[sflag:s31] =	ssyncset.done $0x0  }
0x178: {  	s18 =	simm.s32 $0x0;
	[sflag:s31] =	ssyncadd.s32 $0xFFFFF000  }
0x179: {  	v0 =	vld [tilespmem:s18+$0x17B00]  }
0x17a: {  	v2 =	vld [tilespmem:s18+$0x17B10]  }
0x17b: {  	v3 =	vld [tilespmem:s18+$0x17B20]  }
0x17c: {  	v4 =	vld [tilespmem:s18+$0x17B30]  }
0x17d: {  	v5 =	vld [tilespmem:s18+$0x17B40]  }
0x17e: {  	v6 =	vld [tilespmem:s18+$0x17B50]  }
0x17f: {  	v7 =	vld [tilespmem:s18+$0x17B60]  }
0x180: {  	v8 =	vld [tilespmem:s18+$0x17B70]  }
0x181: {  	v9 =	vld [tilespmem:s18+$0x17B80]  }
0x182: {  	v10 =	vld [tilespmem:s18+$0x17B90]  }
0x183: {  	v11 =	vld [tilespmem:s18+$0x17BA0]  }
0x184: {  	v12 =	vld [tilespmem:s18+$0x17BB0]  }
0x185: {  	v13 =	vld [tilespmem:s18+$0x17BC0]  }
0x186: {  	v14 =	vld [tilespmem:s18+$0x17BD0]  }
0x187: {  	v16 =	vld [tilespmem:s18+$0x17BE0]  }
0x188: {  	v63 =	vld [tilespmem:s18+$0x17C40];
	v35 =	vunpack.i.u.bf16.f32 v0;
	v43 =	vunpack.i.l.bf16.f32 v0;
	v36 =	vunpack.i.u.bf16.f32 v2  }
0x189: {  	v44 =	vld [tilespmem:s18+$0x17C50];
	v46 =	vunpack.i.l.bf16.f32 v2;
	v38 =	vunpack.i.u.bf16.f32 v3;
	v41 =	vunpack.i.l.bf16.f32 v3  }
0x18a: {  	v45 =	vld [tilespmem:s18+$0x17C60];
	v39 =	vunpack.i.u.bf16.f32 v4;
	v42 =	vunpack.i.l.bf16.f32 v4;
	v33 =	vunpack.i.u.bf16.f32 v5  }
0x18b: {  	v0 =	vld [tilespmem:s18+$0x17BF0];
	v40 =	vunpack.i.l.bf16.f32 v5;
	v31 =	vunpack.i.u.bf16.f32 v6;
	v37 =	vunpack.i.l.bf16.f32 v6  }
0x18c: {  	v2 =	vld [tilespmem:s18+$0x17C00];
	v30 =	vunpack.i.u.bf16.f32 v7;
	v34 =	vunpack.i.l.bf16.f32 v7;
	v29 =	vunpack.i.u.bf16.f32 v8  }
0x18d: {  	v3 =	vld [tilespmem:s18+$0x17C10];
	v32 =	vunpack.i.l.bf16.f32 v8;
	v25 =	vunpack.i.u.bf16.f32 v9;
	v28 =	vunpack.i.l.bf16.f32 v9  }
0x18e: {  	v4 =	vld [tilespmem:s18+$0x17C20];
	v24 =	vunpack.i.u.bf16.f32 v10;
	v27 =	vunpack.i.l.bf16.f32 v10;
	v20 =	vunpack.i.u.bf16.f32 v11  }
0x18f: {  	v5 =	vld [tilespmem:s18+$0x17C30];
	v26 =	vunpack.i.l.bf16.f32 v11;
	v19 =	vunpack.i.u.bf16.f32 v12;
	v23 =	vunpack.i.l.bf16.f32 v12  }
0x190: {  	v47 =	vld [tilespmem:s18+$0x17C70];
	v18 =	vunpack.i.u.bf16.f32 v13;
	v22 =	vunpack.i.l.bf16.f32 v13;
	v15 =	vunpack.i.u.bf16.f32 v14  }
0x191: {  	v48 =	vld [tilespmem:s18+$0x17C80];
	v21 =	vunpack.i.l.bf16.f32 v14;
	v14 =	vunpack.i.u.bf16.f32 v16;
	v17 =	vunpack.i.l.bf16.f32 v16  }
0x192: {  	v51 =	vld [tilespmem:s18+$0x17C90];
	v13 =	vunpack.i.u.bf16.f32 v0;
	v16 =	vunpack.i.l.bf16.f32 v0;
	v9 =	vunpack.i.u.bf16.f32 v2  }
0x193: {  	v59 =	vld [tilespmem:s18+$0x17CA0];
	v12 =	vunpack.i.l.bf16.f32 v2;
	v8 =	vunpack.i.u.bf16.f32 v3;
	v11 =	vunpack.i.l.bf16.f32 v3  }
0x194: {  	v49 =	vld [tilespmem:s18+$0x17CB0];
	v6 =	vunpack.i.u.bf16.f32 v4;
	v10 =	vunpack.i.l.bf16.f32 v4;
	v4 =	vunpack.i.u.bf16.f32 v5  }
0x195: {  	s21 =	simm.s32 $0x800;
	s4 =	smov.u32 s3;
	v2 =	vld [tilespmem:s3+$0x0];
	v7 =	vunpack.i.l.bf16.f32 v5;
	v3 =	vunpack.i.u.bf16.f32 v63;
	v5 =	vunpack.i.l.bf16.f32 v63  }
.LBB2_13:
0x196: {  	p1 =	sne.s32 s21, $0x3800;
	v57 =	vunpack.i.u.bf16.f32 v44;
	v58 =	vunpack.i.l.bf16.f32 v44;
	v55 =	vunpack.i.u.bf16.f32 v45  }
0x197: {  	v56 =	vunpack.i.l.bf16.f32 v45;
	v53 =	vunpack.i.u.bf16.f32 v47;
	v54 =	vunpack.i.l.bf16.f32 v47;
	v0 =	vld [tilespmem:s18+$0x17CC0]  }
0x198: {  	v50 =	vunpack.i.u.bf16.f32 v48;
	v52 =	vunpack.i.l.bf16.f32 v48;
	v48 =	vunpack.i.u.bf16.f32 v51  }
0x199: {  	v51 =	vunpack.i.l.bf16.f32 v51;
	v45 =	vunpack.i.u.bf16.f32 v59;
	v47 =	vunpack.i.l.bf16.f32 v59  }
0x19a: {  	v44 =	vunpack.i.u.bf16.f32 v49;
	v59 =	vbroadcast v2, $0x0;
	v60 =	vbroadcast v2, $0x1  }
0x19b: {  	v49 =	vunpack.i.l.bf16.f32 v49;
	v61 =	vbroadcast v2, $0x2;
	v62 =	vbroadcast v2, $0x3  }
0x19c: {  	v43 =	vmul.f32 v43, v59;
	v63 =	vmul.f32 v35, v59;
	v35 =	vunpack.i.u.bf16.f32 v0  }
0x19d: {  	v46 =	vmul.f32 v46, v59;
	v59 =	vmul.f32 v36, v59;
	v36 =	vunpack.i.l.bf16.f32 v0  }
0x19e: {  	v41 =	vmul.f32 v41, v60;
	v38 =	vmul.f32 v38, v60;
	v0 =	vpack.i.f32.bf16 v63, v43  }
0x19f: {  	v42 =	vmul.f32 v42, v60;
	v39 =	vmul.f32 v39, v60;
	[tilespmem:s18+$0x18B00] =	vst v0;
	v0 =	vpack.i.f32.bf16 v59, v46  }
0x1a0: {  	v33 =	vmul.f32 v33, v61;
	[tilespmem:s18+$0x18B10] =	vst v0;
	v0 =	vpack.i.f32.bf16 v38, v41;
	v38 =	vmul.f32 v40, v61  }
0x1a1: {  	v37 =	vmul.f32 v37, v61;
	v31 =	vmul.f32 v31, v61;
	[tilespmem:s18+$0x18B20] =	vst v0;
	v0 =	vpack.i.f32.bf16 v39, v42;
	v39 =	vld [tilespmem:s18+$0x17CD0]  }
0x1a2: {  	v30 =	vmul.f32 v30, v62;
	[tilespmem:s18+$0x18B30] =	vst v0;
	v0 =	vpack.i.f32.bf16 v33, v38;
	v33 =	vmul.f32 v34, v62  }
0x1a3: {  	v29 =	vmul.f32 v29, v62;
	[tilespmem:s18+$0x18B40] =	vst v0;
	v0 =	vpack.i.f32.bf16 v31, v37;
	v31 =	vmul.f32 v32, v62  }
0x1a4: {  	v32 =	vbroadcast v2, $0x5;
	[tilespmem:s18+$0x18B50] =	vst v0;
	v0 =	vpack.i.f32.bf16 v30, v33;
	v30 =	vbroadcast v2, $0x4  }
0x1a5: {  	[tilespmem:s18+$0x18B60] =	vst v0;
	v0 =	vpack.i.f32.bf16 v29, v31;
	v29 =	vbroadcast v2, $0x6;
	v31 =	vbroadcast v2, $0x7  }
0x1a6: {  	[tilespmem:s18+$0x18B70] =	vst v0;
	v0 =	vmul.f32 v28, v30;
	v28 =	vmul.f32 v25, v30;
	v25 =	vunpack.i.u.bf16.f32 v39  }
0x1a7: {  	v27 =	vmul.f32 v27, v30;
	v30 =	vmul.f32 v24, v30;
	v24 =	vunpack.i.l.bf16.f32 v39  }
0x1a8: {  	v26 =	vmul.f32 v26, v32;
	v20 =	vmul.f32 v20, v32;
	v0 =	vpack.i.f32.bf16 v28, v0  }
0x1a9: {  	v23 =	vmul.f32 v23, v32;
	v19 =	vmul.f32 v19, v32;
	[tilespmem:s18+$0x18B80] =	vst v0;
	v0 =	vpack.i.f32.bf16 v30, v27  }
0x1aa: {  	v18 =	vmul.f32 v18, v29;
	[tilespmem:s18+$0x18B90] =	vst v0;
	v0 =	vpack.i.f32.bf16 v20, v26;
	v20 =	vmul.f32 v22, v29  }
0x1ab: {  	v15 =	vmul.f32 v15, v29;
	[tilespmem:s18+$0x18BA0] =	vst v0;
	v0 =	vpack.i.f32.bf16 v19, v23;
	v19 =	vmul.f32 v21, v29;
	v21 =	vld [tilespmem:s18+$0x17CE0]  }
0x1ac: {  	v17 =	vmul.f32 v17, v31;
	v14 =	vmul.f32 v14, v31;
	[tilespmem:s18+$0x18BB0] =	vst v0;
	v0 =	vpack.i.f32.bf16 v18, v20  }
0x1ad: {  	v13 =	vmul.f32 v13, v31;
	[tilespmem:s18+$0x18BC0] =	vst v0;
	v0 =	vpack.i.f32.bf16 v15, v19;
	v15 =	vmul.f32 v16, v31  }
0x1ae: {  	v16 =	vbroadcast v2, $0x9;
	[tilespmem:s18+$0x18BD0] =	vst v0;
	v0 =	vpack.i.f32.bf16 v14, v17;
	v14 =	vbroadcast v2, $0x8  }
0x1af: {  	[tilespmem:s18+$0x18BE0] =	vst v0;
	v0 =	vpack.i.f32.bf16 v13, v15;
	v13 =	vbroadcast v2, $0xA;
	v15 =	vbroadcast v2, $0xB  }
0x1b0: {  	[tilespmem:s18+$0x18BF0] =	vst v0;
	v0 =	vmul.f32 v12, v14;
	v9 =	vmul.f32 v9, v14;
	v12 =	vunpack.i.u.bf16.f32 v21  }
0x1b1: {  	v11 =	vmul.f32 v11, v14;
	v8 =	vmul.f32 v8, v14;
	v14 =	vunpack.i.l.bf16.f32 v21  }
0x1b2: {  	s12 =	sshra.s32 s21, $0x2;
	v6 =	vmul.f32 v6, v16;
	v0 =	vpack.i.f32.bf16 v9, v0;
	v9 =	vmul.f32 v10, v16  }
0x1b3: {  	v7 =	vmul.f32 v7, v16;
	v4 =	vmul.f32 v4, v16;
	v10 =	vld [tilespmem:s12+$0x17B00];
	[tilespmem:s18+$0x18C00] =	vst v0;
	v0 =	vpack.i.f32.bf16 v8, v11  }
0x1b4: {  	v5 =	vmul.f32 v5, v13;
	v3 =	vmul.f32 v3, v13;
	v8 =	vld [tilespmem:s12+$0x17B10];
	[tilespmem:s18+$0x18C10] =	vst v0;
	v0 =	vpack.i.f32.bf16 v6, v9  }
0x1b5: {  	v6 =	vmul.f32 v57, v13;
	[tilespmem:s18+$0x18C20] =	vst v0;
	v0 =	vpack.i.f32.bf16 v4, v7;
	v4 =	vmul.f32 v58, v13;
	v7 =	vld [tilespmem:s18+$0x17CF0]  }
0x1b6: {  	v9 =	vld [tilespmem:s12+$0x17B20];
	[tilespmem:s18+$0x18C30] =	vst v0;
	v0 =	vpack.i.f32.bf16 v3, v5;
	v3 =	vmul.f32 v56, v15;
	v5 =	vmul.f32 v55, v15  }
0x1b7: {  	v11 =	vld [tilespmem:s12+$0x17B30];
	[tilespmem:s18+$0x18C40] =	vst v0;
	v0 =	vpack.i.f32.bf16 v6, v4;
	v4 =	vmul.f32 v54, v15;
	v6 =	vmul.f32 v53, v15  }
0x1b8: {  	v13 =	vld [tilespmem:s12+$0x17B40];
	[tilespmem:s18+$0x18C50] =	vst v0;
	v0 =	vpack.i.f32.bf16 v5, v3;
	v3 =	vbroadcast v2, $0xC;
	v5 =	vbroadcast v2, $0xD  }
0x1b9: {  	v15 =	vld [tilespmem:s12+$0x17B50];
	[tilespmem:s18+$0x18C60] =	vst v0;
	v0 =	vpack.i.f32.bf16 v6, v4;
	v4 =	vbroadcast v2, $0xE;
	v2 =	vbroadcast v2, $0xF  }
0x1ba: {  	v6 =	vld [tilespmem:s12+$0x17B60];
	[tilespmem:s18+$0x18C70] =	vst v0;
	v0 =	vmul.f32 v52, v3;
	v16 =	vmul.f32 v50, v3;
	v17 =	vunpack.i.u.bf16.f32 v7  }
0x1bb: {  	v19 =	vmul.f32 v51, v3;
	v3 =	vmul.f32 v48, v3;
	v7 =	vunpack.i.l.bf16.f32 v7;
	v18 =	vld [tilespmem:s12+$0x17B70]  }
0x1bc: {  	v21 =	vmul.f32 v45, v5;
	v20 =	vld [tilespmem:s12+$0x17B80];
	v0 =	vpack.i.f32.bf16 v16, v0;
	v16 =	vmul.f32 v47, v5  }
0x1bd: {  	v22 =	vld [tilespmem:s12+$0x17B90];
	[tilespmem:s18+$0x18C80] =	vst v0;
	v0 =	vpack.i.f32.bf16 v3, v19;
	v3 =	vmul.f32 v49, v5;
	v5 =	vmul.f32 v44, v5  }
0x1be: {  	v19 =	vld [tilespmem:s12+$0x17BA0];
	[tilespmem:s18+$0x18C90] =	vst v0;
	v0 =	vpack.i.f32.bf16 v21, v16;
	v16 =	vmul.f32 v36, v4;
	v21 =	vmul.f32 v35, v4  }
0x1bf: {  	v23 =	vld [tilespmem:s12+$0x17BB0];
	[tilespmem:s18+$0x18CA0] =	vst v0;
	v0 =	vpack.i.f32.bf16 v5, v3;
	v3 =	vmul.f32 v24, v4;
	v4 =	vmul.f32 v25, v4  }
0x1c0: {  	v14 =	vmul.f32 v14, v2;
	v12 =	vmul.f32 v12, v2;
	v5 =	vld [tilespmem:s12+$0x17BC0];
	[tilespmem:s18+$0x18CB0] =	vst v0;
	v0 =	vpack.i.f32.bf16 v21, v16  }
0x1c1: {  	v16 =	vld [tilespmem:s12+$0x17BD0];
	[tilespmem:s18+$0x18CC0] =	vst v0;
	v0 =	vpack.i.f32.bf16 v4, v3;
	v3 =	vmul.f32 v7, v2;
	v2 =	vmul.f32 v17, v2  }
0x1c2: {  	v35 =	vunpack.i.u.bf16.f32 v10;
	v4 =	vld [tilespmem:s12+$0x17BE0];
	[tilespmem:s18+$0x18CD0] =	vst v0;
	v0 =	vpack.i.f32.bf16 v12, v14  }
0x1c3: {  	v43 =	vunpack.i.l.bf16.f32 v10;
	v36 =	vunpack.i.u.bf16.f32 v8;
	v7 =	vld [tilespmem:s12+$0x17BF0];
	[tilespmem:s18+$0x18CE0] =	vst v0;
	v0 =	vpack.i.f32.bf16 v2, v3  }
0x1c4: {  	v46 =	vunpack.i.l.bf16.f32 v8;
	v38 =	vunpack.i.u.bf16.f32 v9;
	v41 =	vunpack.i.l.bf16.f32 v9;
	v2 =	vld [tilespmem:s12+$0x17C00];
	[tilespmem:s18+$0x18CF0] =	vst v0;
	s18 =	smov.u32 s12  }
0x1c5: {  	v39 =	vunpack.i.u.bf16.f32 v11;
	v42 =	vunpack.i.l.bf16.f32 v11;
	v33 =	vunpack.i.u.bf16.f32 v13;
	v0 =	vld [tilespmem:s18+$0x17C10]  }
0x1c6: {  	v40 =	vunpack.i.l.bf16.f32 v13;
	v31 =	vunpack.i.u.bf16.f32 v15;
	v37 =	vunpack.i.l.bf16.f32 v15;
	v3 =	vld [tilespmem:s18+$0x17C20]  }
0x1c7: {  	v30 =	vunpack.i.u.bf16.f32 v6;
	v34 =	vunpack.i.l.bf16.f32 v6;
	v29 =	vunpack.i.u.bf16.f32 v18;
	v50 =	vld [tilespmem:s18+$0x17C30]  }
0x1c8: {  	v32 =	vunpack.i.l.bf16.f32 v18;
	v25 =	vunpack.i.u.bf16.f32 v20;
	v28 =	vunpack.i.l.bf16.f32 v20;
	v52 =	vld [tilespmem:s18+$0x17C40]  }
0x1c9: {  	v24 =	vunpack.i.u.bf16.f32 v22;
	v27 =	vunpack.i.l.bf16.f32 v22;
	v20 =	vunpack.i.u.bf16.f32 v19;
	v44 =	vld [tilespmem:s18+$0x17C50]  }
0x1ca: {  	v26 =	vunpack.i.l.bf16.f32 v19;
	v19 =	vunpack.i.u.bf16.f32 v23;
	v23 =	vunpack.i.l.bf16.f32 v23;
	v45 =	vld [tilespmem:s18+$0x17C60]  }
0x1cb: {  	v18 =	vunpack.i.u.bf16.f32 v5;
	v22 =	vunpack.i.l.bf16.f32 v5;
	v15 =	vunpack.i.u.bf16.f32 v16;
	v47 =	vld [tilespmem:s18+$0x17C70]  }
.Ltmp9:
0x1cc: {  	v21 =	vunpack.i.l.bf16.f32 v16;
	v14 =	vunpack.i.u.bf16.f32 v4;
	v17 =	vunpack.i.l.bf16.f32 v4;
	v48 =	vld [tilespmem:s18+$0x17C80];
	(pc) =	sbr.rel @p1 .LBB2_13-.Ltmp9, $4  }
0x1cd: {  	v13 =	vunpack.i.u.bf16.f32 v7;
	v16 =	vunpack.i.l.bf16.f32 v7;
	v9 =	vunpack.i.u.bf16.f32 v2;
	v51 =	vld [tilespmem:s18+$0x17C90]  }
0x1ce: {  	v12 =	vunpack.i.l.bf16.f32 v2;
	v8 =	vunpack.i.u.bf16.f32 v0;
	v11 =	vunpack.i.l.bf16.f32 v0;
	v59 =	vld [tilespmem:s18+$0x17CA0]  }
0x1cf: {  	s4 =	sadd.s32 $0x10, s4;
	v6 =	vunpack.i.u.bf16.f32 v3;
	v10 =	vunpack.i.l.bf16.f32 v3;
	v4 =	vunpack.i.u.bf16.f32 v50;
	v49 =	vld [tilespmem:s18+$0x17CB0]  }
0x1d0: {  	s21 =	sadd.s32 $0x800, s21;
	v7 =	vunpack.i.l.bf16.f32 v50;
	v3 =	vunpack.i.u.bf16.f32 v52;
	v5 =	vunpack.i.l.bf16.f32 v52;
	v2 =	vld [tilespmem:s4+$0x0]  }
0x1d1: {  	_ =	sdelay $0x1  }
0x1d2: {  	v0 =	vunpack.i.u.bf16.f32 v44;
	v50 =	vunpack.i.l.bf16.f32 v44  }
0x1d3: {  	v57 =	vunpack.i.u.bf16.f32 v48;
	v58 =	vunpack.i.l.bf16.f32 v48;
	v44 =	vunpack.i.u.bf16.f32 v59  }
0x1d4: {  	v48 =	vunpack.i.l.bf16.f32 v59;
	v60 =	vbroadcast v2, $0x0;
	v59 =	vbroadcast v2, $0x1  }
0x1d5: {  	v61 =	vbroadcast v2, $0x2;
	v62 =	vbroadcast v2, $0x3  }
0x1d6: {  	v43 =	vmul.f32 v43, v60;
	v63 =	vmul.f32 v35, v60  }
0x1d7: {  	v52 =	vunpack.i.u.bf16.f32 v45;
	v46 =	vmul.f32 v46, v60;
	v36 =	vmul.f32 v36, v60  }
0x1d8: {  	v53 =	vunpack.i.l.bf16.f32 v45;
	v56 =	vld [tilespmem:s18+$0x17CC0];
	v41 =	vmul.f32 v41, v59;
	v38 =	vmul.f32 v38, v59  }
0x1d9: {  	v54 =	vunpack.i.u.bf16.f32 v47;
	v42 =	vmul.f32 v42, v59;
	v39 =	vmul.f32 v39, v59  }
0x1da: {  	v55 =	vunpack.i.l.bf16.f32 v47;
	v40 =	vmul.f32 v40, v61;
	v33 =	vmul.f32 v33, v61  }
0x1db: {  	v47 =	vunpack.i.u.bf16.f32 v51;
	v37 =	vmul.f32 v37, v61;
	v31 =	vmul.f32 v31, v61  }
0x1dc: {  	v51 =	vunpack.i.l.bf16.f32 v51;
	v34 =	vmul.f32 v34, v62;
	v30 =	vmul.f32 v30, v62  }
0x1dd: {  	v35 =	vunpack.i.u.bf16.f32 v56;
	v32 =	vmul.f32 v32, v62;
	v59 =	vbroadcast v2, $0x5  }
0x1de: {  	v29 =	vmul.f32 v29, v62;
	v61 =	vbroadcast v2, $0x7;
	v60 =	vpack.i.f32.bf16 v38, v41  }
0x1df: {  	v38 =	vunpack.i.l.bf16.f32 v56;
	v56 =	vbroadcast v2, $0x4;
	v26 =	vmul.f32 v26, v59  }
0x1e0: {  	v45 =	vunpack.i.u.bf16.f32 v49;
	v20 =	vmul.f32 v20, v59;
	v23 =	vmul.f32 v23, v59  }
0x1e1: {  	v43 =	vpack.i.f32.bf16 v63, v43;
	v19 =	vmul.f32 v19, v59;
	v17 =	vmul.f32 v17, v61  }
0x1e2: {  	v49 =	vunpack.i.l.bf16.f32 v49;
	v14 =	vmul.f32 v14, v61;
	v16 =	vmul.f32 v16, v61;
	[tilespmem:s18+$0x18B00] =	vst v43  }
0x1e3: {  	v29 =	vpack.i.f32.bf16 v29, v32;
	v13 =	vmul.f32 v13, v61;
	v32 =	vbroadcast v2, $0xB;
	[tilespmem:s18+$0x18B20] =	vst v60  }
0x1e4: {  	v31 =	vpack.i.f32.bf16 v31, v37;
	v60 =	vbroadcast v2, $0x6;
	[tilespmem:s18+$0x18B70] =	vst v29;
	v29 =	vbroadcast v2, $0x9  }
0x1e5: {  	v36 =	vpack.i.f32.bf16 v36, v46;
	[tilespmem:s18+$0x18B50] =	vst v31;
	v31 =	vbroadcast v2, $0xA;
	v28 =	vmul.f32 v28, v56  }
0x1e6: {  	v63 =	vpack.i.f32.bf16 v39, v42;
	[tilespmem:s18+$0x18B10] =	vst v36;
	v25 =	vmul.f32 v25, v56;
	v27 =	vmul.f32 v27, v56  }
0x1e7: {  	v33 =	vpack.i.f32.bf16 v33, v40;
	[tilespmem:s18+$0x18B30] =	vst v63;
	v24 =	vmul.f32 v24, v56;
	v39 =	vmul.f32 v53, v32  }
0x1e8: {  	v30 =	vpack.i.f32.bf16 v30, v34;
	[tilespmem:s18+$0x18B40] =	vst v33;
	v40 =	vmul.f32 v52, v32;
	v41 =	vmul.f32 v55, v32  }
0x1e9: {  	[tilespmem:s18+$0x18B60] =	vst v30;
	v20 =	vpack.i.f32.bf16 v20, v26;
	v42 =	vmul.f32 v54, v32;
	v52 =	vbroadcast v2, $0xE  }
0x1ea: {  	v19 =	vpack.i.f32.bf16 v19, v23;
	v22 =	vmul.f32 v22, v60;
	v18 =	vmul.f32 v18, v60;
	[tilespmem:s18+$0x18BA0] =	vst v20  }
0x1eb: {  	v14 =	vpack.i.f32.bf16 v14, v17;
	v21 =	vmul.f32 v21, v60;
	v15 =	vmul.f32 v15, v60;
	[tilespmem:s18+$0x18BB0] =	vst v19  }
0x1ec: {  	v46 =	vld [tilespmem:s18+$0x17CD0];
	v13 =	vpack.i.f32.bf16 v13, v16;
	[tilespmem:s18+$0x18BE0] =	vst v14;
	v10 =	vmul.f32 v10, v29;
	v6 =	vmul.f32 v6, v29  }
0x1ed: {  	[tilespmem:s18+$0x18BF0] =	vst v13;
	v7 =	vmul.f32 v7, v29;
	v4 =	vmul.f32 v4, v29;
	v25 =	vpack.i.f32.bf16 v25, v28  }
0x1ee: {  	v5 =	vmul.f32 v5, v31;
	v3 =	vmul.f32 v3, v31;
	v24 =	vpack.i.f32.bf16 v24, v27;
	[tilespmem:s18+$0x18B80] =	vst v25  }
0x1ef: {  	v37 =	vld [tilespmem:s18+$0x17CF0];
	v36 =	vmul.f32 v50, v31;
	v0 =	vmul.f32 v0, v31;
	v43 =	vpack.i.f32.bf16 v40, v39;
	[tilespmem:s18+$0x18B90] =	vst v24  }
0x1f0: {  	v50 =	vbroadcast v2, $0xD;
	v28 =	vbroadcast v2, $0x8;
	v18 =	vpack.i.f32.bf16 v18, v22;
	[tilespmem:s18+$0x18C60] =	vst v43  }
0x1f1: {  	v59 =	vmul.f32 v35, v52;
	v62 =	vunpack.i.u.bf16.f32 v46;
	v15 =	vpack.i.f32.bf16 v15, v21;
	[tilespmem:s18+$0x18BC0] =	vst v18  }
0x1f2: {  	v63 =	vunpack.i.l.bf16.f32 v46;
	v6 =	vpack.i.f32.bf16 v6, v10;
	v4 =	vpack.i.f32.bf16 v4, v7;
	[tilespmem:s18+$0x18BD0] =	vst v15  }
0x1f3: {  	v3 =	vpack.i.f32.bf16 v3, v5;
	v0 =	vpack.i.f32.bf16 v0, v36;
	v46 =	vbroadcast v2, $0xC;
	[tilespmem:s18+$0x18C20] =	vst v6  }
0x1f4: {  	v2 =	vbroadcast v2, $0xF;
	v54 =	vunpack.i.u.bf16.f32 v37;
	v56 =	vmul.f32 v44, v50;
	[tilespmem:s18+$0x18C30] =	vst v4  }
0x1f5: {  	v7 =	vunpack.i.l.bf16.f32 v37;
	v12 =	vmul.f32 v12, v28;
	v9 =	vmul.f32 v9, v28;
	[tilespmem:s18+$0x18C40] =	vst v3  }
0x1f6: {  	v11 =	vmul.f32 v11, v28;
	v8 =	vmul.f32 v8, v28;
	v3 =	vpack.i.f32.bf16 v42, v41;
	[tilespmem:s18+$0x18C50] =	vst v0  }
0x1f7: {  	v27 =	vld [tilespmem:s18+$0x17CE0];
	v0 =	vmul.f32 v58, v46;
	v53 =	vmul.f32 v57, v46;
	[tilespmem:s18+$0x18C70] =	vst v3;
	v9 =	vpack.i.f32.bf16 v9, v12  }
0x1f8: {  	v55 =	vmul.f32 v51, v46;
	v5 =	vmul.f32 v47, v46;
	v8 =	vpack.i.f32.bf16 v8, v11;
	[tilespmem:s18+$0x18C00] =	vst v9  }
0x1f9: {  	v60 =	vmul.f32 v63, v52;
	v3 =	vmul.f32 v48, v50;
	[tilespmem:s18+$0x18C10] =	vst v8;
	v0 =	vpack.i.f32.bf16 v53, v0  }
0x1fa: {  	v57 =	vmul.f32 v49, v50;
	v58 =	vmul.f32 v45, v50;
	[tilespmem:s18+$0x18C80] =	vst v0;
	v0 =	vpack.i.f32.bf16 v5, v55  }
0x1fb: {  	v61 =	vmul.f32 v62, v52;
	[tilespmem:s18+$0x18C90] =	vst v0;
	v0 =	vpack.i.f32.bf16 v56, v3;
	v3 =	vmul.f32 v38, v52  }
0x1fc: {  	v33 =	vunpack.i.u.bf16.f32 v27;
	v34 =	vunpack.i.l.bf16.f32 v27;
	[tilespmem:s18+$0x18CA0] =	vst v0;
	v0 =	vpack.i.f32.bf16 v58, v57  }
0x1fd: {  	v62 =	vmul.f32 v33, v2;
	[tilespmem:s18+$0x18CB0] =	vst v0;
	v0 =	vpack.i.f32.bf16 v59, v3;
	v3 =	vmul.f32 v34, v2  }
0x1fe: {  	v63 =	vmul.f32 v7, v2;
	v2 =	vmul.f32 v54, v2;
	[tilespmem:s18+$0x18CC0] =	vst v0;
	v0 =	vpack.i.f32.bf16 v61, v60  }
0x1ff: {  	s6 =	sadd.s32 $0x1, s6;
	[tilespmem:s18+$0x18CD0] =	vst v0;
	v0 =	vpack.i.f32.bf16 v62, v3  }
0x200: {  	p1 =	seq.s32 s6, $0x51;
	[tilespmem:s18+$0x18CE0] =	vst v0;
	v0 =	vpack.i.f32.bf16 v2, v63  }
.Ltmp10:
0x201: {  	s4 =	sadd.s32 $0x5100, s7;
	[tilespmem:s18+$0x18CF0] =	vst v0;
	(pc) =	sbr.rel @!p1 .LBB2_10-.Ltmp10, $4  }
0x202: {  	[spmem:s5] =	stream.indirect.scatter.add.bf16 [tilespmem:s30], [sflag:$0x3], $0x20, s4, s25, $0xb8;
	[tilespmem:$0x1FD20] =	vst v63  }
0x203: {  	_ =	swait.ge [sflag:s20], $0x1000  }
0x204: {  	[sflag:s20] =	ssyncset.done $0x0  }
0x205: {  	s10 =	sadd.s32 $0x100, s10;
	s3 =	sadd.s32 $0x100, s3;
	[sflag:s20] =	ssyncadd.s32 $0xFFFFF000  }
.Ltmp11:
0x206: {  	(pc) =	sbr.rel .LBB2_23-.Ltmp11, $2  }
0x207: {  	_ =	sdelay $0x2  }
0x208: {  	s3 =	rddreg [dreg:$0x8]  }
.LBB2_16:
0x209: {  	[bflag:$0x0] =	sbarrier.arrive $0xFFFF;
	s6 =	simm.s32 $0x0;
	s3 =	simm.s32 $0x16B00  }
0x20a: {  	[tilespmem:s3], [sflag:$0x1] =	stream.indirect.gather [hbm4b:s2+s25], $0x20, s6, s25, $0xb8;
	[tilespmem:$0x1FD20] =	vst v63  }
0x20b: {  	s4 =	simm.s32 $0xF200;
	s3 =	simm.s32 $0xF280  }
.LBB2_17:
0x20c: {  	s7 =	sshll.u32 s6, $0x8  }
0x20d: {  	s7 =	sor.u32 $0x80, s7  }
0x20e: {  	[tilespmem:s28], [sflag:$0x2] =	stream.indirect.gather [hbm4b:s2+s25], $0x20, s7, s25, $0xb8;
	[tilespmem:$0x1FD20] =	vst v63  }
0x20f: {  	_ =	swait.ge [sflag:s29], $0x1000  }
0x210: {  	[sflag:s29] =	ssyncset.done $0x0  }
0x211: {  	s18 =	simm.s32 $0x0;
	[sflag:s29] =	ssyncadd.s32 $0xFFFFF000  }
0x212: {  	v0 =	vld [tilespmem:s18+$0x16B00]  }
0x213: {  	v2 =	vld [tilespmem:s18+$0x16B10]  }
0x214: {  	v3 =	vld [tilespmem:s18+$0x16B20]  }
0x215: {  	v4 =	vld [tilespmem:s18+$0x16B30]  }
0x216: {  	v5 =	vld [tilespmem:s18+$0x16B40]  }
0x217: {  	v6 =	vld [tilespmem:s18+$0x16B50]  }
0x218: {  	v7 =	vld [tilespmem:s18+$0x16B60]  }
0x219: {  	v8 =	vld [tilespmem:s18+$0x16B70]  }
0x21a: {  	v9 =	vld [tilespmem:s18+$0x16B80]  }
0x21b: {  	v10 =	vld [tilespmem:s18+$0x16B90]  }
0x21c: {  	v11 =	vld [tilespmem:s18+$0x16BA0]  }
0x21d: {  	v12 =	vld [tilespmem:s18+$0x16BB0]  }
0x21e: {  	v13 =	vld [tilespmem:s18+$0x16BC0]  }
0x21f: {  	v14 =	vld [tilespmem:s18+$0x16BD0]  }
0x220: {  	v16 =	vld [tilespmem:s18+$0x16BE0]  }
0x221: {  	v50 =	vld [tilespmem:s18+$0x16C40];
	v35 =	vunpack.i.u.bf16.f32 v0;
	v43 =	vunpack.i.l.bf16.f32 v0;
	v36 =	vunpack.i.u.bf16.f32 v2  }
0x222: {  	v44 =	vld [tilespmem:s18+$0x16C50];
	v45 =	vunpack.i.l.bf16.f32 v2;
	v38 =	vunpack.i.u.bf16.f32 v3;
	v41 =	vunpack.i.l.bf16.f32 v3  }
0x223: {  	v46 =	vld [tilespmem:s18+$0x16C60];
	v39 =	vunpack.i.u.bf16.f32 v4;
	v42 =	vunpack.i.l.bf16.f32 v4;
	v33 =	vunpack.i.u.bf16.f32 v5  }
0x224: {  	v0 =	vld [tilespmem:s18+$0x16BF0];
	v40 =	vunpack.i.l.bf16.f32 v5;
	v31 =	vunpack.i.u.bf16.f32 v6;
	v37 =	vunpack.i.l.bf16.f32 v6  }
0x225: {  	v2 =	vld [tilespmem:s18+$0x16C00];
	v30 =	vunpack.i.u.bf16.f32 v7;
	v34 =	vunpack.i.l.bf16.f32 v7;
	v29 =	vunpack.i.u.bf16.f32 v8  }
0x226: {  	v3 =	vld [tilespmem:s18+$0x16C10];
	v32 =	vunpack.i.l.bf16.f32 v8;
	v25 =	vunpack.i.u.bf16.f32 v9;
	v28 =	vunpack.i.l.bf16.f32 v9  }
0x227: {  	v4 =	vld [tilespmem:s18+$0x16C20];
	v24 =	vunpack.i.u.bf16.f32 v10;
	v27 =	vunpack.i.l.bf16.f32 v10;
	v20 =	vunpack.i.u.bf16.f32 v11  }
0x228: {  	v5 =	vld [tilespmem:s18+$0x16C30];
	v26 =	vunpack.i.l.bf16.f32 v11;
	v19 =	vunpack.i.u.bf16.f32 v12;
	v23 =	vunpack.i.l.bf16.f32 v12  }
0x229: {  	v47 =	vld [tilespmem:s18+$0x16C70];
	v18 =	vunpack.i.u.bf16.f32 v13;
	v22 =	vunpack.i.l.bf16.f32 v13;
	v15 =	vunpack.i.u.bf16.f32 v14  }
0x22a: {  	v48 =	vld [tilespmem:s18+$0x16C80];
	v21 =	vunpack.i.l.bf16.f32 v14;
	v14 =	vunpack.i.u.bf16.f32 v16;
	v17 =	vunpack.i.l.bf16.f32 v16  }
0x22b: {  	v51 =	vld [tilespmem:s18+$0x16C90];
	v13 =	vunpack.i.u.bf16.f32 v0;
	v16 =	vunpack.i.l.bf16.f32 v0;
	v9 =	vunpack.i.u.bf16.f32 v2  }
0x22c: {  	v59 =	vld [tilespmem:s18+$0x16CA0];
	v12 =	vunpack.i.l.bf16.f32 v2;
	v7 =	vunpack.i.u.bf16.f32 v3;
	v11 =	vunpack.i.l.bf16.f32 v3  }
0x22d: {  	v49 =	vld [tilespmem:s18+$0x16CB0];
	v6 =	vunpack.i.u.bf16.f32 v4;
	v10 =	vunpack.i.l.bf16.f32 v4;
	v3 =	vunpack.i.u.bf16.f32 v5  }
0x22e: {  	s21 =	sshll.u32 s6, $0xA;
	s26 =	simm.s32 $0x800;
	s10 =	smov.u32 s4;
	v2 =	vld [tilespmem:s4+$0x0];
	v8 =	vunpack.i.l.bf16.f32 v5;
	v4 =	vunpack.i.u.bf16.f32 v50;
	v5 =	vunpack.i.l.bf16.f32 v50  }
.LBB2_18:
0x22f: {  	p1 =	sne.s32 s26, $0x3800;
	v57 =	vunpack.i.u.bf16.f32 v44;
	v58 =	vunpack.i.l.bf16.f32 v44;
	v55 =	vunpack.i.u.bf16.f32 v46  }
0x230: {  	v56 =	vunpack.i.l.bf16.f32 v46;
	v53 =	vunpack.i.u.bf16.f32 v47;
	v54 =	vunpack.i.l.bf16.f32 v47;
	v0 =	vld [tilespmem:s18+$0x16CC0]  }
0x231: {  	v50 =	vunpack.i.u.bf16.f32 v48;
	v52 =	vunpack.i.l.bf16.f32 v48;
	v48 =	vunpack.i.u.bf16.f32 v51  }
0x232: {  	v51 =	vunpack.i.l.bf16.f32 v51;
	v46 =	vunpack.i.u.bf16.f32 v59;
	v47 =	vunpack.i.l.bf16.f32 v59  }
0x233: {  	v44 =	vunpack.i.u.bf16.f32 v49;
	v59 =	vbroadcast v2, $0x0;
	v60 =	vbroadcast v2, $0x1  }
0x234: {  	v49 =	vunpack.i.l.bf16.f32 v49;
	v61 =	vbroadcast v2, $0x2;
	v62 =	vbroadcast v2, $0x3  }
0x235: {  	v43 =	vmul.f32 v43, v59;
	v63 =	vmul.f32 v35, v59;
	v35 =	vunpack.i.u.bf16.f32 v0  }
0x236: {  	v45 =	vmul.f32 v45, v59;
	v59 =	vmul.f32 v36, v59;
	v36 =	vunpack.i.l.bf16.f32 v0  }
0x237: {  	v41 =	vmul.f32 v41, v60;
	v38 =	vmul.f32 v38, v60;
	v0 =	vpack.i.f32.bf16 v63, v43  }
0x238: {  	v42 =	vmul.f32 v42, v60;
	v39 =	vmul.f32 v39, v60;
	[tilespmem:s18+$0x18B00] =	vst v0;
	v0 =	vpack.i.f32.bf16 v59, v45  }
0x239: {  	v33 =	vmul.f32 v33, v61;
	[tilespmem:s18+$0x18B10] =	vst v0;
	v0 =	vpack.i.f32.bf16 v38, v41;
	v38 =	vmul.f32 v40, v61  }
0x23a: {  	v37 =	vmul.f32 v37, v61;
	v31 =	vmul.f32 v31, v61;
	[tilespmem:s18+$0x18B20] =	vst v0;
	v0 =	vpack.i.f32.bf16 v39, v42;
	v39 =	vld [tilespmem:s18+$0x16CD0]  }
0x23b: {  	v30 =	vmul.f32 v30, v62;
	[tilespmem:s18+$0x18B30] =	vst v0;
	v0 =	vpack.i.f32.bf16 v33, v38;
	v33 =	vmul.f32 v34, v62  }
0x23c: {  	v29 =	vmul.f32 v29, v62;
	[tilespmem:s18+$0x18B40] =	vst v0;
	v0 =	vpack.i.f32.bf16 v31, v37;
	v31 =	vmul.f32 v32, v62  }
0x23d: {  	v32 =	vbroadcast v2, $0x5;
	[tilespmem:s18+$0x18B50] =	vst v0;
	v0 =	vpack.i.f32.bf16 v30, v33;
	v30 =	vbroadcast v2, $0x4  }
0x23e: {  	[tilespmem:s18+$0x18B60] =	vst v0;
	v0 =	vpack.i.f32.bf16 v29, v31;
	v29 =	vbroadcast v2, $0x6;
	v31 =	vbroadcast v2, $0x7  }
0x23f: {  	[tilespmem:s18+$0x18B70] =	vst v0;
	v0 =	vmul.f32 v28, v30;
	v28 =	vmul.f32 v25, v30;
	v25 =	vunpack.i.u.bf16.f32 v39  }
0x240: {  	v27 =	vmul.f32 v27, v30;
	v30 =	vmul.f32 v24, v30;
	v24 =	vunpack.i.l.bf16.f32 v39  }
0x241: {  	v26 =	vmul.f32 v26, v32;
	v20 =	vmul.f32 v20, v32;
	v0 =	vpack.i.f32.bf16 v28, v0  }
0x242: {  	v23 =	vmul.f32 v23, v32;
	v19 =	vmul.f32 v19, v32;
	[tilespmem:s18+$0x18B80] =	vst v0;
	v0 =	vpack.i.f32.bf16 v30, v27  }
0x243: {  	v18 =	vmul.f32 v18, v29;
	[tilespmem:s18+$0x18B90] =	vst v0;
	v0 =	vpack.i.f32.bf16 v20, v26;
	v20 =	vmul.f32 v22, v29  }
0x244: {  	v15 =	vmul.f32 v15, v29;
	[tilespmem:s18+$0x18BA0] =	vst v0;
	v0 =	vpack.i.f32.bf16 v19, v23;
	v19 =	vmul.f32 v21, v29;
	v21 =	vld [tilespmem:s18+$0x16CE0]  }
0x245: {  	v17 =	vmul.f32 v17, v31;
	v14 =	vmul.f32 v14, v31;
	[tilespmem:s18+$0x18BB0] =	vst v0;
	v0 =	vpack.i.f32.bf16 v18, v20  }
0x246: {  	v13 =	vmul.f32 v13, v31;
	[tilespmem:s18+$0x18BC0] =	vst v0;
	v0 =	vpack.i.f32.bf16 v15, v19;
	v15 =	vmul.f32 v16, v31  }
0x247: {  	v16 =	vbroadcast v2, $0x9;
	[tilespmem:s18+$0x18BD0] =	vst v0;
	v0 =	vpack.i.f32.bf16 v14, v17;
	v14 =	vbroadcast v2, $0x8  }
0x248: {  	[tilespmem:s18+$0x18BE0] =	vst v0;
	v0 =	vpack.i.f32.bf16 v13, v15;
	v13 =	vbroadcast v2, $0xA;
	v15 =	vbroadcast v2, $0xB  }
0x249: {  	[tilespmem:s18+$0x18BF0] =	vst v0;
	v0 =	vmul.f32 v12, v14;
	v9 =	vmul.f32 v9, v14;
	v12 =	vunpack.i.u.bf16.f32 v21  }
0x24a: {  	v11 =	vmul.f32 v11, v14;
	v7 =	vmul.f32 v7, v14;
	v14 =	vunpack.i.l.bf16.f32 v21  }
0x24b: {  	s12 =	sshra.s32 s26, $0x2;
	v6 =	vmul.f32 v6, v16;
	v0 =	vpack.i.f32.bf16 v9, v0;
	v9 =	vmul.f32 v10, v16  }
0x24c: {  	v3 =	vmul.f32 v3, v16;
	v10 =	vld [tilespmem:s12+$0x16B00];
	[tilespmem:s18+$0x18C00] =	vst v0;
	v0 =	vpack.i.f32.bf16 v7, v11;
	v7 =	vmul.f32 v8, v16  }
0x24d: {  	v5 =	vmul.f32 v5, v13;
	v4 =	vmul.f32 v4, v13;
	v8 =	vld [tilespmem:s12+$0x16B10];
	[tilespmem:s18+$0x18C10] =	vst v0;
	v0 =	vpack.i.f32.bf16 v6, v9  }
0x24e: {  	v6 =	vmul.f32 v57, v13;
	[tilespmem:s18+$0x18C20] =	vst v0;
	v0 =	vpack.i.f32.bf16 v3, v7;
	v3 =	vmul.f32 v58, v13;
	v7 =	vld [tilespmem:s18+$0x16CF0]  }
0x24f: {  	v9 =	vld [tilespmem:s12+$0x16B20];
	[tilespmem:s18+$0x18C30] =	vst v0;
	v0 =	vpack.i.f32.bf16 v4, v5;
	v4 =	vmul.f32 v56, v15;
	v5 =	vmul.f32 v55, v15  }
0x250: {  	v11 =	vld [tilespmem:s12+$0x16B30];
	[tilespmem:s18+$0x18C40] =	vst v0;
	v0 =	vpack.i.f32.bf16 v6, v3;
	v3 =	vmul.f32 v54, v15;
	v6 =	vmul.f32 v53, v15  }
0x251: {  	v13 =	vld [tilespmem:s12+$0x16B40];
	[tilespmem:s18+$0x18C50] =	vst v0;
	v0 =	vpack.i.f32.bf16 v5, v4;
	v4 =	vbroadcast v2, $0xC;
	v5 =	vbroadcast v2, $0xD  }
0x252: {  	v15 =	vld [tilespmem:s12+$0x16B50];
	[tilespmem:s18+$0x18C60] =	vst v0;
	v0 =	vpack.i.f32.bf16 v6, v3;
	v3 =	vbroadcast v2, $0xE;
	v2 =	vbroadcast v2, $0xF  }
0x253: {  	v6 =	vld [tilespmem:s12+$0x16B60];
	[tilespmem:s18+$0x18C70] =	vst v0;
	v0 =	vmul.f32 v52, v4;
	v16 =	vmul.f32 v50, v4;
	v17 =	vunpack.i.u.bf16.f32 v7  }
0x254: {  	v19 =	vmul.f32 v51, v4;
	v4 =	vmul.f32 v48, v4;
	v7 =	vunpack.i.l.bf16.f32 v7;
	v18 =	vld [tilespmem:s12+$0x16B70]  }
0x255: {  	v21 =	vmul.f32 v46, v5;
	v20 =	vld [tilespmem:s12+$0x16B80];
	v0 =	vpack.i.f32.bf16 v16, v0;
	v16 =	vmul.f32 v47, v5  }
0x256: {  	v22 =	vld [tilespmem:s12+$0x16B90];
	[tilespmem:s18+$0x18C80] =	vst v0;
	v0 =	vpack.i.f32.bf16 v4, v19;
	v4 =	vmul.f32 v49, v5;
	v5 =	vmul.f32 v44, v5  }
0x257: {  	v19 =	vld [tilespmem:s12+$0x16BA0];
	[tilespmem:s18+$0x18C90] =	vst v0;
	v0 =	vpack.i.f32.bf16 v21, v16;
	v16 =	vmul.f32 v36, v3;
	v21 =	vmul.f32 v35, v3  }
0x258: {  	v23 =	vld [tilespmem:s12+$0x16BB0];
	[tilespmem:s18+$0x18CA0] =	vst v0;
	v0 =	vpack.i.f32.bf16 v5, v4;
	v4 =	vmul.f32 v24, v3;
	v3 =	vmul.f32 v25, v3  }
0x259: {  	v14 =	vmul.f32 v14, v2;
	v12 =	vmul.f32 v12, v2;
	v5 =	vld [tilespmem:s12+$0x16BC0];
	[tilespmem:s18+$0x18CB0] =	vst v0;
	v0 =	vpack.i.f32.bf16 v21, v16  }
0x25a: {  	v16 =	vld [tilespmem:s12+$0x16BD0];
	[tilespmem:s18+$0x18CC0] =	vst v0;
	v0 =	vpack.i.f32.bf16 v3, v4;
	v3 =	vmul.f32 v7, v2;
	v2 =	vmul.f32 v17, v2  }
0x25b: {  	v35 =	vunpack.i.u.bf16.f32 v10;
	v4 =	vld [tilespmem:s12+$0x16BE0];
	[tilespmem:s18+$0x18CD0] =	vst v0;
	v0 =	vpack.i.f32.bf16 v12, v14  }
0x25c: {  	v43 =	vunpack.i.l.bf16.f32 v10;
	v36 =	vunpack.i.u.bf16.f32 v8;
	v7 =	vld [tilespmem:s12+$0x16BF0];
	[tilespmem:s18+$0x18CE0] =	vst v0;
	v0 =	vpack.i.f32.bf16 v2, v3  }
0x25d: {  	v45 =	vunpack.i.l.bf16.f32 v8;
	v38 =	vunpack.i.u.bf16.f32 v9;
	v41 =	vunpack.i.l.bf16.f32 v9;
	v2 =	vld [tilespmem:s12+$0x16C00];
	[tilespmem:s18+$0x18CF0] =	vst v0;
	s18 =	smov.u32 s12  }
0x25e: {  	v39 =	vunpack.i.u.bf16.f32 v11;
	v42 =	vunpack.i.l.bf16.f32 v11;
	v33 =	vunpack.i.u.bf16.f32 v13;
	v0 =	vld [tilespmem:s18+$0x16C10]  }
0x25f: {  	v40 =	vunpack.i.l.bf16.f32 v13;
	v31 =	vunpack.i.u.bf16.f32 v15;
	v37 =	vunpack.i.l.bf16.f32 v15;
	v3 =	vld [tilespmem:s18+$0x16C20]  }
0x260: {  	v30 =	vunpack.i.u.bf16.f32 v6;
	v34 =	vunpack.i.l.bf16.f32 v6;
	v29 =	vunpack.i.u.bf16.f32 v18;
	v8 =	vld [tilespmem:s18+$0x16C30]  }
0x261: {  	v32 =	vunpack.i.l.bf16.f32 v18;
	v25 =	vunpack.i.u.bf16.f32 v20;
	v28 =	vunpack.i.l.bf16.f32 v20;
	v50 =	vld [tilespmem:s18+$0x16C40]  }
0x262: {  	v24 =	vunpack.i.u.bf16.f32 v22;
	v27 =	vunpack.i.l.bf16.f32 v22;
	v20 =	vunpack.i.u.bf16.f32 v19;
	v44 =	vld [tilespmem:s18+$0x16C50]  }
0x263: {  	v26 =	vunpack.i.l.bf16.f32 v19;
	v19 =	vunpack.i.u.bf16.f32 v23;
	v23 =	vunpack.i.l.bf16.f32 v23;
	v46 =	vld [tilespmem:s18+$0x16C60]  }
0x264: {  	v18 =	vunpack.i.u.bf16.f32 v5;
	v22 =	vunpack.i.l.bf16.f32 v5;
	v15 =	vunpack.i.u.bf16.f32 v16;
	v47 =	vld [tilespmem:s18+$0x16C70]  }
.Ltmp12:
0x265: {  	v21 =	vunpack.i.l.bf16.f32 v16;
	v14 =	vunpack.i.u.bf16.f32 v4;
	v17 =	vunpack.i.l.bf16.f32 v4;
	v48 =	vld [tilespmem:s18+$0x16C80];
	(pc) =	sbr.rel @p1 .LBB2_18-.Ltmp12, $4  }
0x266: {  	v13 =	vunpack.i.u.bf16.f32 v7;
	v16 =	vunpack.i.l.bf16.f32 v7;
	v9 =	vunpack.i.u.bf16.f32 v2;
	v51 =	vld [tilespmem:s18+$0x16C90]  }
0x267: {  	v12 =	vunpack.i.l.bf16.f32 v2;
	v7 =	vunpack.i.u.bf16.f32 v0;
	v11 =	vunpack.i.l.bf16.f32 v0;
	v59 =	vld [tilespmem:s18+$0x16CA0]  }
0x268: {  	s10 =	sadd.s32 $0x10, s10;
	v6 =	vunpack.i.u.bf16.f32 v3;
	v10 =	vunpack.i.l.bf16.f32 v3;
	v3 =	vunpack.i.u.bf16.f32 v8;
	v49 =	vld [tilespmem:s18+$0x16CB0]  }
0x269: {  	s26 =	sadd.s32 $0x800, s26;
	v8 =	vunpack.i.l.bf16.f32 v8;
	v4 =	vunpack.i.u.bf16.f32 v50;
	v5 =	vunpack.i.l.bf16.f32 v50;
	v2 =	vld [tilespmem:s10+$0x0]  }
0x26a: {  	_ =	sdelay $0x2  }
0x26b: {  	v0 =	vunpack.i.u.bf16.f32 v44;
	v50 =	vunpack.i.l.bf16.f32 v44;
	v57 =	vunpack.i.u.bf16.f32 v48  }
0x26c: {  	v58 =	vunpack.i.l.bf16.f32 v48;
	v44 =	vunpack.i.u.bf16.f32 v59;
	v60 =	vbroadcast v2, $0x0  }
0x26d: {  	v48 =	vunpack.i.l.bf16.f32 v59;
	v59 =	vbroadcast v2, $0x1;
	v61 =	vbroadcast v2, $0x2  }
0x26e: {  	v52 =	vunpack.i.u.bf16.f32 v46;
	v62 =	vbroadcast v2, $0x3;
	v43 =	vmul.f32 v43, v60  }
0x26f: {  	v53 =	vunpack.i.l.bf16.f32 v46;
	v63 =	vmul.f32 v35, v60;
	v45 =	vmul.f32 v45, v60  }
0x270: {  	v54 =	vunpack.i.u.bf16.f32 v47;
	v36 =	vmul.f32 v36, v60;
	v41 =	vmul.f32 v41, v59  }
0x271: {  	v55 =	vunpack.i.l.bf16.f32 v47;
	v56 =	vld [tilespmem:s18+$0x16CC0];
	v38 =	vmul.f32 v38, v59;
	v42 =	vmul.f32 v42, v59  }
0x272: {  	v47 =	vunpack.i.u.bf16.f32 v51;
	v39 =	vmul.f32 v39, v59;
	v40 =	vmul.f32 v40, v61  }
0x273: {  	v51 =	vunpack.i.l.bf16.f32 v51;
	v33 =	vmul.f32 v33, v61;
	v37 =	vmul.f32 v37, v61  }
0x274: {  	v46 =	vunpack.i.u.bf16.f32 v49;
	v31 =	vmul.f32 v31, v61;
	v34 =	vmul.f32 v34, v62  }
0x275: {  	v49 =	vunpack.i.l.bf16.f32 v49;
	v30 =	vmul.f32 v30, v62;
	v32 =	vmul.f32 v32, v62  }
0x276: {  	v35 =	vunpack.i.u.bf16.f32 v56;
	v29 =	vmul.f32 v29, v62;
	v59 =	vbroadcast v2, $0x4  }
0x277: {  	v61 =	vbroadcast v2, $0x6;
	v62 =	vbroadcast v2, $0x7;
	v43 =	vpack.i.f32.bf16 v63, v43  }
0x278: {  	v36 =	vpack.i.f32.bf16 v36, v45;
	v60 =	vpack.i.f32.bf16 v38, v41;
	v28 =	vmul.f32 v28, v59  }
0x279: {  	v63 =	vunpack.i.l.bf16.f32 v56;
	v25 =	vmul.f32 v25, v59;
	v27 =	vmul.f32 v27, v59  }
0x27a: {  	v45 =	vpack.i.f32.bf16 v39, v42;
	v24 =	vmul.f32 v24, v59;
	v22 =	vmul.f32 v22, v61;
	[tilespmem:s18+$0x18B00] =	vst v43  }
0x27b: {  	v33 =	vpack.i.f32.bf16 v33, v40;
	v18 =	vmul.f32 v18, v61;
	v21 =	vmul.f32 v21, v61;
	[tilespmem:s18+$0x18B10] =	vst v36  }
0x27c: {  	v31 =	vpack.i.f32.bf16 v31, v37;
	v15 =	vmul.f32 v15, v61;
	v17 =	vmul.f32 v17, v62;
	[tilespmem:s18+$0x18B20] =	vst v60  }
0x27d: {  	v30 =	vpack.i.f32.bf16 v30, v34;
	v14 =	vmul.f32 v14, v62;
	v16 =	vmul.f32 v16, v62;
	[tilespmem:s18+$0x18B30] =	vst v45  }
0x27e: {  	v29 =	vpack.i.f32.bf16 v29, v32;
	v13 =	vmul.f32 v13, v62;
	v60 =	vbroadcast v2, $0x5;
	[tilespmem:s18+$0x18B40] =	vst v33  }
0x27f: {  	[tilespmem:s18+$0x18B50] =	vst v31;
	v25 =	vpack.i.f32.bf16 v25, v28;
	v15 =	vpack.i.f32.bf16 v15, v21;
	v21 =	vbroadcast v2, $0xA  }
0x280: {  	[tilespmem:s18+$0x18B60] =	vst v30;
	v24 =	vpack.i.f32.bf16 v24, v27;
	v26 =	vmul.f32 v26, v60;
	v20 =	vmul.f32 v20, v60  }
0x281: {  	v56 =	vld [tilespmem:s18+$0x16CD0];
	[tilespmem:s18+$0x18B70] =	vst v29;
	v18 =	vpack.i.f32.bf16 v18, v22;
	v23 =	vmul.f32 v23, v60;
	v19 =	vmul.f32 v19, v60  }
0x282: {  	v14 =	vpack.i.f32.bf16 v14, v17;
	[tilespmem:s18+$0x18BC0] =	vst v18;
	v18 =	vbroadcast v2, $0x9;
	v5 =	vmul.f32 v5, v21  }
0x283: {  	[tilespmem:s18+$0x18B80] =	vst v25;
	v4 =	vmul.f32 v4, v21;
	v0 =	vmul.f32 v0, v21;
	v19 =	vpack.i.f32.bf16 v19, v23  }
0x284: {  	v13 =	vpack.i.f32.bf16 v13, v16;
	v10 =	vmul.f32 v10, v18;
	[tilespmem:s18+$0x18BB0] =	vst v19;
	v19 =	vbroadcast v2, $0x8  }
0x285: {  	[tilespmem:s18+$0x18B90] =	vst v24;
	v20 =	vpack.i.f32.bf16 v20, v26;
	v6 =	vmul.f32 v6, v18;
	v8 =	vmul.f32 v8, v18  }
0x286: {  	v30 =	vunpack.i.u.bf16.f32 v56;
	v3 =	vmul.f32 v3, v18;
	[tilespmem:s18+$0x18BA0] =	vst v20;
	v20 =	vld [tilespmem:s18+$0x16CE0];
	v12 =	vmul.f32 v12, v19  }
0x287: {  	[tilespmem:s18+$0x18BD0] =	vst v15;
	v6 =	vpack.i.f32.bf16 v6, v10;
	v9 =	vmul.f32 v9, v19;
	v11 =	vmul.f32 v11, v19  }
0x288: {  	v24 =	vunpack.i.l.bf16.f32 v56;
	v7 =	vmul.f32 v7, v19;
	[tilespmem:s18+$0x18C20] =	vst v6;
	v6 =	vmul.f32 v50, v21  }
0x289: {  	[tilespmem:s18+$0x18BE0] =	vst v14;
	v4 =	vpack.i.f32.bf16 v4, v5;
	v9 =	vpack.i.f32.bf16 v9, v12;
	v12 =	vbroadcast v2, $0xB  }
0x28a: {  	[tilespmem:s18+$0x18BF0] =	vst v13;
	v3 =	vpack.i.f32.bf16 v3, v8;
	v8 =	vld [tilespmem:s18+$0x16CF0];
	v7 =	vpack.i.f32.bf16 v7, v11;
	v0 =	vpack.i.f32.bf16 v0, v6  }
0x28b: {  	v13 =	vunpack.i.u.bf16.f32 v20;
	[tilespmem:s18+$0x18C00] =	vst v9;
	v5 =	vmul.f32 v53, v12;
	v9 =	vmul.f32 v52, v12  }
0x28c: {  	[tilespmem:s18+$0x18C10] =	vst v7;
	v7 =	vunpack.i.l.bf16.f32 v20;
	v6 =	vmul.f32 v55, v12;
	v10 =	vmul.f32 v54, v12  }
0x28d: {  	[tilespmem:s18+$0x18C30] =	vst v3;
	v3 =	vpack.i.f32.bf16 v9, v5;
	v5 =	vbroadcast v2, $0xC;
	v9 =	vbroadcast v2, $0xD  }
0x28e: {  	[tilespmem:s18+$0x18C40] =	vst v4;
	v4 =	vpack.i.f32.bf16 v10, v6;
	v6 =	vbroadcast v2, $0xE;
	v2 =	vbroadcast v2, $0xF  }
0x28f: {  	[tilespmem:s18+$0x18C50] =	vst v0;
	v11 =	vunpack.i.u.bf16.f32 v8;
	v0 =	vmul.f32 v58, v5;
	v10 =	vmul.f32 v57, v5  }
0x290: {  	v8 =	vunpack.i.l.bf16.f32 v8;
	[tilespmem:s18+$0x18C60] =	vst v3;
	v3 =	vmul.f32 v51, v5;
	v5 =	vmul.f32 v47, v5  }
0x291: {  	[tilespmem:s18+$0x18C70] =	vst v4;
	v4 =	vmul.f32 v48, v9;
	v0 =	vpack.i.f32.bf16 v10, v0;
	v10 =	vmul.f32 v44, v9  }
0x292: {  	[tilespmem:s18+$0x18C80] =	vst v0;
	v0 =	vpack.i.f32.bf16 v5, v3;
	v3 =	vmul.f32 v49, v9;
	v5 =	vmul.f32 v46, v9  }
0x293: {  	v9 =	vmul.f32 v35, v6;
	[tilespmem:s18+$0x18C90] =	vst v0;
	v0 =	vpack.i.f32.bf16 v10, v4;
	v4 =	vmul.f32 v63, v6  }
0x294: {  	[tilespmem:s18+$0x18CA0] =	vst v0;
	v0 =	vpack.i.f32.bf16 v5, v3;
	v3 =	vmul.f32 v24, v6;
	v5 =	vmul.f32 v30, v6  }
0x295: {  	v6 =	vmul.f32 v13, v2;
	[tilespmem:s18+$0x18CB0] =	vst v0;
	v0 =	vpack.i.f32.bf16 v9, v4;
	v4 =	vmul.f32 v7, v2  }
0x296: {  	[tilespmem:s18+$0x18CC0] =	vst v0;
	v0 =	vpack.i.f32.bf16 v5, v3;
	v3 =	vmul.f32 v8, v2;
	v2 =	vmul.f32 v11, v2  }
0x297: {  	[tilespmem:s18+$0x18CD0] =	vst v0;
	v0 =	vpack.i.f32.bf16 v6, v4  }
0x298: {  	s10 =	sshrl.u32 s21, $0x2;
	[tilespmem:s18+$0x18CE0] =	vst v0;
	v0 =	vpack.i.f32.bf16 v2, v3  }
0x299: {  	s10 =	sadd.s32 $0x5100, s10;
	[tilespmem:s18+$0x18CF0] =	vst v0  }
0x29a: {  	[spmem:s5] =	stream.indirect.scatter.add.bf16 [tilespmem:s30], [sflag:$0x3], $0x20, s10, s25, $0xb8;
	[tilespmem:$0x1FD20] =	vst v63  }
0x29b: {  	p1 =	seq.s32 s6, $0x50;
	_ =	swait.ge [sflag:s20], $0x1000  }
0x29c: {  	s12 =	simm.s32 @!p1 $0x80;
	s10 =	sshrl.u32 @!p1 s21, $0x2;
	[sflag:s20] =	ssyncset.done $0x0  }
0x29d: {  	s18 =	simm.s32 @!p1 $0x16B00;
	s10 =	sadd.s32 @!p1 $0x100, s10;
	[sflag:s20] =	ssyncadd.s32 $0xFFFFF000  }
0x29e: {  	[tilespmem:s18], [sflag:$0x1] =	stream.indirect.gather @!p1 [hbm4b:s2+s12], $0x20, s10, s12, $0xb8;
	[tilespmem:$0x1FD20] =	vst v63  }
0x29f: {  	_ =	swait.ge [sflag:s31], $0x1000  }
0x2a0: {  	[sflag:s31] =	ssyncset.done $0x0  }
0x2a1: {  	s18 =	simm.s32 $0x0;
	[sflag:s31] =	ssyncadd.s32 $0xFFFFF000  }
0x2a2: {  	v0 =	vld [tilespmem:s18+$0x17B00]  }
0x2a3: {  	v2 =	vld [tilespmem:s18+$0x17B10]  }
0x2a4: {  	v3 =	vld [tilespmem:s18+$0x17B20]  }
0x2a5: {  	v4 =	vld [tilespmem:s18+$0x17B30]  }
0x2a6: {  	v5 =	vld [tilespmem:s18+$0x17B40]  }
0x2a7: {  	v6 =	vld [tilespmem:s18+$0x17B50]  }
0x2a8: {  	v7 =	vld [tilespmem:s18+$0x17B60]  }
0x2a9: {  	v8 =	vld [tilespmem:s18+$0x17B70]  }
0x2aa: {  	v9 =	vld [tilespmem:s18+$0x17B80]  }
0x2ab: {  	v10 =	vld [tilespmem:s18+$0x17B90]  }
0x2ac: {  	v11 =	vld [tilespmem:s18+$0x17BA0]  }
0x2ad: {  	v12 =	vld [tilespmem:s18+$0x17BB0]  }
0x2ae: {  	v13 =	vld [tilespmem:s18+$0x17BC0]  }
0x2af: {  	v14 =	vld [tilespmem:s18+$0x17BD0]  }
0x2b0: {  	v16 =	vld [tilespmem:s18+$0x17BE0]  }
0x2b1: {  	v63 =	vld [tilespmem:s18+$0x17C40];
	v35 =	vunpack.i.u.bf16.f32 v0;
	v43 =	vunpack.i.l.bf16.f32 v0;
	v36 =	vunpack.i.u.bf16.f32 v2  }
0x2b2: {  	v44 =	vld [tilespmem:s18+$0x17C50];
	v46 =	vunpack.i.l.bf16.f32 v2;
	v38 =	vunpack.i.u.bf16.f32 v3;
	v41 =	vunpack.i.l.bf16.f32 v3  }
0x2b3: {  	v45 =	vld [tilespmem:s18+$0x17C60];
	v39 =	vunpack.i.u.bf16.f32 v4;
	v42 =	vunpack.i.l.bf16.f32 v4;
	v33 =	vunpack.i.u.bf16.f32 v5  }
0x2b4: {  	v0 =	vld [tilespmem:s18+$0x17BF0];
	v40 =	vunpack.i.l.bf16.f32 v5;
	v31 =	vunpack.i.u.bf16.f32 v6;
	v37 =	vunpack.i.l.bf16.f32 v6  }
0x2b5: {  	v2 =	vld [tilespmem:s18+$0x17C00];
	v30 =	vunpack.i.u.bf16.f32 v7;
	v34 =	vunpack.i.l.bf16.f32 v7;
	v29 =	vunpack.i.u.bf16.f32 v8  }
0x2b6: {  	v3 =	vld [tilespmem:s18+$0x17C10];
	v32 =	vunpack.i.l.bf16.f32 v8;
	v25 =	vunpack.i.u.bf16.f32 v9;
	v28 =	vunpack.i.l.bf16.f32 v9  }
0x2b7: {  	v4 =	vld [tilespmem:s18+$0x17C20];
	v24 =	vunpack.i.u.bf16.f32 v10;
	v27 =	vunpack.i.l.bf16.f32 v10;
	v20 =	vunpack.i.u.bf16.f32 v11  }
0x2b8: {  	v5 =	vld [tilespmem:s18+$0x17C30];
	v26 =	vunpack.i.l.bf16.f32 v11;
	v19 =	vunpack.i.u.bf16.f32 v12;
	v23 =	vunpack.i.l.bf16.f32 v12  }
0x2b9: {  	v47 =	vld [tilespmem:s18+$0x17C70];
	v18 =	vunpack.i.u.bf16.f32 v13;
	v22 =	vunpack.i.l.bf16.f32 v13;
	v15 =	vunpack.i.u.bf16.f32 v14  }
0x2ba: {  	v48 =	vld [tilespmem:s18+$0x17C80];
	v21 =	vunpack.i.l.bf16.f32 v14;
	v14 =	vunpack.i.u.bf16.f32 v16;
	v17 =	vunpack.i.l.bf16.f32 v16  }
0x2bb: {  	v51 =	vld [tilespmem:s18+$0x17C90];
	v13 =	vunpack.i.u.bf16.f32 v0;
	v16 =	vunpack.i.l.bf16.f32 v0;
	v9 =	vunpack.i.u.bf16.f32 v2  }
0x2bc: {  	v59 =	vld [tilespmem:s18+$0x17CA0];
	v12 =	vunpack.i.l.bf16.f32 v2;
	v8 =	vunpack.i.u.bf16.f32 v3;
	v11 =	vunpack.i.l.bf16.f32 v3  }
0x2bd: {  	v49 =	vld [tilespmem:s18+$0x17CB0];
	v6 =	vunpack.i.u.bf16.f32 v4;
	v10 =	vunpack.i.l.bf16.f32 v4;
	v4 =	vunpack.i.u.bf16.f32 v5  }
0x2be: {  	s21 =	simm.s32 $0x800;
	s10 =	smov.u32 s3;
	v2 =	vld [tilespmem:s3+$0x0];
	v7 =	vunpack.i.l.bf16.f32 v5;
	v3 =	vunpack.i.u.bf16.f32 v63;
	v5 =	vunpack.i.l.bf16.f32 v63  }
.LBB2_20:
0x2bf: {  	p1 =	sne.s32 s21, $0x3800;
	v57 =	vunpack.i.u.bf16.f32 v44;
	v58 =	vunpack.i.l.bf16.f32 v44;
	v55 =	vunpack.i.u.bf16.f32 v45  }
0x2c0: {  	v56 =	vunpack.i.l.bf16.f32 v45;
	v53 =	vunpack.i.u.bf16.f32 v47;
	v54 =	vunpack.i.l.bf16.f32 v47;
	v0 =	vld [tilespmem:s18+$0x17CC0]  }
0x2c1: {  	v50 =	vunpack.i.u.bf16.f32 v48;
	v52 =	vunpack.i.l.bf16.f32 v48;
	v48 =	vunpack.i.u.bf16.f32 v51  }
0x2c2: {  	v51 =	vunpack.i.l.bf16.f32 v51;
	v45 =	vunpack.i.u.bf16.f32 v59;
	v47 =	vunpack.i.l.bf16.f32 v59  }
0x2c3: {  	v44 =	vunpack.i.u.bf16.f32 v49;
	v59 =	vbroadcast v2, $0x0;
	v60 =	vbroadcast v2, $0x1  }
0x2c4: {  	v49 =	vunpack.i.l.bf16.f32 v49;
	v61 =	vbroadcast v2, $0x2;
	v62 =	vbroadcast v2, $0x3  }
0x2c5: {  	v43 =	vmul.f32 v43, v59;
	v63 =	vmul.f32 v35, v59;
	v35 =	vunpack.i.u.bf16.f32 v0  }
0x2c6: {  	v46 =	vmul.f32 v46, v59;
	v59 =	vmul.f32 v36, v59;
	v36 =	vunpack.i.l.bf16.f32 v0  }
0x2c7: {  	v41 =	vmul.f32 v41, v60;
	v38 =	vmul.f32 v38, v60;
	v0 =	vpack.i.f32.bf16 v63, v43  }
0x2c8: {  	v42 =	vmul.f32 v42, v60;
	v39 =	vmul.f32 v39, v60;
	[tilespmem:s18+$0x18B00] =	vst v0;
	v0 =	vpack.i.f32.bf16 v59, v46  }
0x2c9: {  	v33 =	vmul.f32 v33, v61;
	[tilespmem:s18+$0x18B10] =	vst v0;
	v0 =	vpack.i.f32.bf16 v38, v41;
	v38 =	vmul.f32 v40, v61  }
0x2ca: {  	v37 =	vmul.f32 v37, v61;
	v31 =	vmul.f32 v31, v61;
	[tilespmem:s18+$0x18B20] =	vst v0;
	v0 =	vpack.i.f32.bf16 v39, v42;
	v39 =	vld [tilespmem:s18+$0x17CD0]  }
0x2cb: {  	v30 =	vmul.f32 v30, v62;
	[tilespmem:s18+$0x18B30] =	vst v0;
	v0 =	vpack.i.f32.bf16 v33, v38;
	v33 =	vmul.f32 v34, v62  }
0x2cc: {  	v29 =	vmul.f32 v29, v62;
	[tilespmem:s18+$0x18B40] =	vst v0;
	v0 =	vpack.i.f32.bf16 v31, v37;
	v31 =	vmul.f32 v32, v62  }
0x2cd: {  	v32 =	vbroadcast v2, $0x5;
	[tilespmem:s18+$0x18B50] =	vst v0;
	v0 =	vpack.i.f32.bf16 v30, v33;
	v30 =	vbroadcast v2, $0x4  }
0x2ce: {  	[tilespmem:s18+$0x18B60] =	vst v0;
	v0 =	vpack.i.f32.bf16 v29, v31;
	v29 =	vbroadcast v2, $0x6;
	v31 =	vbroadcast v2, $0x7  }
0x2cf: {  	[tilespmem:s18+$0x18B70] =	vst v0;
	v0 =	vmul.f32 v28, v30;
	v28 =	vmul.f32 v25, v30;
	v25 =	vunpack.i.u.bf16.f32 v39  }
0x2d0: {  	v27 =	vmul.f32 v27, v30;
	v30 =	vmul.f32 v24, v30;
	v24 =	vunpack.i.l.bf16.f32 v39  }
0x2d1: {  	v26 =	vmul.f32 v26, v32;
	v20 =	vmul.f32 v20, v32;
	v0 =	vpack.i.f32.bf16 v28, v0  }
0x2d2: {  	v23 =	vmul.f32 v23, v32;
	v19 =	vmul.f32 v19, v32;
	[tilespmem:s18+$0x18B80] =	vst v0;
	v0 =	vpack.i.f32.bf16 v30, v27  }
0x2d3: {  	v18 =	vmul.f32 v18, v29;
	[tilespmem:s18+$0x18B90] =	vst v0;
	v0 =	vpack.i.f32.bf16 v20, v26;
	v20 =	vmul.f32 v22, v29  }
0x2d4: {  	v15 =	vmul.f32 v15, v29;
	[tilespmem:s18+$0x18BA0] =	vst v0;
	v0 =	vpack.i.f32.bf16 v19, v23;
	v19 =	vmul.f32 v21, v29;
	v21 =	vld [tilespmem:s18+$0x17CE0]  }
0x2d5: {  	v17 =	vmul.f32 v17, v31;
	v14 =	vmul.f32 v14, v31;
	[tilespmem:s18+$0x18BB0] =	vst v0;
	v0 =	vpack.i.f32.bf16 v18, v20  }
0x2d6: {  	v13 =	vmul.f32 v13, v31;
	[tilespmem:s18+$0x18BC0] =	vst v0;
	v0 =	vpack.i.f32.bf16 v15, v19;
	v15 =	vmul.f32 v16, v31  }
0x2d7: {  	v16 =	vbroadcast v2, $0x9;
	[tilespmem:s18+$0x18BD0] =	vst v0;
	v0 =	vpack.i.f32.bf16 v14, v17;
	v14 =	vbroadcast v2, $0x8  }
0x2d8: {  	[tilespmem:s18+$0x18BE0] =	vst v0;
	v0 =	vpack.i.f32.bf16 v13, v15;
	v13 =	vbroadcast v2, $0xA;
	v15 =	vbroadcast v2, $0xB  }
0x2d9: {  	[tilespmem:s18+$0x18BF0] =	vst v0;
	v0 =	vmul.f32 v12, v14;
	v9 =	vmul.f32 v9, v14;
	v12 =	vunpack.i.u.bf16.f32 v21  }
0x2da: {  	v11 =	vmul.f32 v11, v14;
	v8 =	vmul.f32 v8, v14;
	v14 =	vunpack.i.l.bf16.f32 v21  }
0x2db: {  	s12 =	sshra.s32 s21, $0x2;
	v6 =	vmul.f32 v6, v16;
	v0 =	vpack.i.f32.bf16 v9, v0;
	v9 =	vmul.f32 v10, v16  }
0x2dc: {  	v7 =	vmul.f32 v7, v16;
	v4 =	vmul.f32 v4, v16;
	v10 =	vld [tilespmem:s12+$0x17B00];
	[tilespmem:s18+$0x18C00] =	vst v0;
	v0 =	vpack.i.f32.bf16 v8, v11  }
0x2dd: {  	v5 =	vmul.f32 v5, v13;
	v3 =	vmul.f32 v3, v13;
	v8 =	vld [tilespmem:s12+$0x17B10];
	[tilespmem:s18+$0x18C10] =	vst v0;
	v0 =	vpack.i.f32.bf16 v6, v9  }
0x2de: {  	v6 =	vmul.f32 v57, v13;
	[tilespmem:s18+$0x18C20] =	vst v0;
	v0 =	vpack.i.f32.bf16 v4, v7;
	v4 =	vmul.f32 v58, v13;
	v7 =	vld [tilespmem:s18+$0x17CF0]  }
0x2df: {  	v9 =	vld [tilespmem:s12+$0x17B20];
	[tilespmem:s18+$0x18C30] =	vst v0;
	v0 =	vpack.i.f32.bf16 v3, v5;
	v3 =	vmul.f32 v56, v15;
	v5 =	vmul.f32 v55, v15  }
0x2e0: {  	v11 =	vld [tilespmem:s12+$0x17B30];
	[tilespmem:s18+$0x18C40] =	vst v0;
	v0 =	vpack.i.f32.bf16 v6, v4;
	v4 =	vmul.f32 v54, v15;
	v6 =	vmul.f32 v53, v15  }
0x2e1: {  	v13 =	vld [tilespmem:s12+$0x17B40];
	[tilespmem:s18+$0x18C50] =	vst v0;
	v0 =	vpack.i.f32.bf16 v5, v3;
	v3 =	vbroadcast v2, $0xC;
	v5 =	vbroadcast v2, $0xD  }
0x2e2: {  	v15 =	vld [tilespmem:s12+$0x17B50];
	[tilespmem:s18+$0x18C60] =	vst v0;
	v0 =	vpack.i.f32.bf16 v6, v4;
	v4 =	vbroadcast v2, $0xE;
	v2 =	vbroadcast v2, $0xF  }
0x2e3: {  	v6 =	vld [tilespmem:s12+$0x17B60];
	[tilespmem:s18+$0x18C70] =	vst v0;
	v0 =	vmul.f32 v52, v3;
	v16 =	vmul.f32 v50, v3;
	v17 =	vunpack.i.u.bf16.f32 v7  }
0x2e4: {  	v19 =	vmul.f32 v51, v3;
	v3 =	vmul.f32 v48, v3;
	v7 =	vunpack.i.l.bf16.f32 v7;
	v18 =	vld [tilespmem:s12+$0x17B70]  }
0x2e5: {  	v21 =	vmul.f32 v45, v5;
	v20 =	vld [tilespmem:s12+$0x17B80];
	v0 =	vpack.i.f32.bf16 v16, v0;
	v16 =	vmul.f32 v47, v5  }
0x2e6: {  	v22 =	vld [tilespmem:s12+$0x17B90];
	[tilespmem:s18+$0x18C80] =	vst v0;
	v0 =	vpack.i.f32.bf16 v3, v19;
	v3 =	vmul.f32 v49, v5;
	v5 =	vmul.f32 v44, v5  }
0x2e7: {  	v19 =	vld [tilespmem:s12+$0x17BA0];
	[tilespmem:s18+$0x18C90] =	vst v0;
	v0 =	vpack.i.f32.bf16 v21, v16;
	v16 =	vmul.f32 v36, v4;
	v21 =	vmul.f32 v35, v4  }
0x2e8: {  	v23 =	vld [tilespmem:s12+$0x17BB0];
	[tilespmem:s18+$0x18CA0] =	vst v0;
	v0 =	vpack.i.f32.bf16 v5, v3;
	v3 =	vmul.f32 v24, v4;
	v4 =	vmul.f32 v25, v4  }
0x2e9: {  	v14 =	vmul.f32 v14, v2;
	v12 =	vmul.f32 v12, v2;
	v5 =	vld [tilespmem:s12+$0x17BC0];
	[tilespmem:s18+$0x18CB0] =	vst v0;
	v0 =	vpack.i.f32.bf16 v21, v16  }
0x2ea: {  	v16 =	vld [tilespmem:s12+$0x17BD0];
	[tilespmem:s18+$0x18CC0] =	vst v0;
	v0 =	vpack.i.f32.bf16 v4, v3;
	v3 =	vmul.f32 v7, v2;
	v2 =	vmul.f32 v17, v2  }
0x2eb: {  	v35 =	vunpack.i.u.bf16.f32 v10;
	v4 =	vld [tilespmem:s12+$0x17BE0];
	[tilespmem:s18+$0x18CD0] =	vst v0;
	v0 =	vpack.i.f32.bf16 v12, v14  }
0x2ec: {  	v43 =	vunpack.i.l.bf16.f32 v10;
	v36 =	vunpack.i.u.bf16.f32 v8;
	v7 =	vld [tilespmem:s12+$0x17BF0];
	[tilespmem:s18+$0x18CE0] =	vst v0;
	v0 =	vpack.i.f32.bf16 v2, v3  }
0x2ed: {  	v46 =	vunpack.i.l.bf16.f32 v8;
	v38 =	vunpack.i.u.bf16.f32 v9;
	v41 =	vunpack.i.l.bf16.f32 v9;
	v2 =	vld [tilespmem:s12+$0x17C00];
	[tilespmem:s18+$0x18CF0] =	vst v0;
	s18 =	smov.u32 s12  }
0x2ee: {  	v39 =	vunpack.i.u.bf16.f32 v11;
	v42 =	vunpack.i.l.bf16.f32 v11;
	v33 =	vunpack.i.u.bf16.f32 v13;
	v0 =	vld [tilespmem:s18+$0x17C10]  }
0x2ef: {  	v40 =	vunpack.i.l.bf16.f32 v13;
	v31 =	vunpack.i.u.bf16.f32 v15;
	v37 =	vunpack.i.l.bf16.f32 v15;
	v3 =	vld [tilespmem:s18+$0x17C20]  }
0x2f0: {  	v30 =	vunpack.i.u.bf16.f32 v6;
	v34 =	vunpack.i.l.bf16.f32 v6;
	v29 =	vunpack.i.u.bf16.f32 v18;
	v50 =	vld [tilespmem:s18+$0x17C30]  }
0x2f1: {  	v32 =	vunpack.i.l.bf16.f32 v18;
	v25 =	vunpack.i.u.bf16.f32 v20;
	v28 =	vunpack.i.l.bf16.f32 v20;
	v52 =	vld [tilespmem:s18+$0x17C40]  }
0x2f2: {  	v24 =	vunpack.i.u.bf16.f32 v22;
	v27 =	vunpack.i.l.bf16.f32 v22;
	v20 =	vunpack.i.u.bf16.f32 v19;
	v44 =	vld [tilespmem:s18+$0x17C50]  }
0x2f3: {  	v26 =	vunpack.i.l.bf16.f32 v19;
	v19 =	vunpack.i.u.bf16.f32 v23;
	v23 =	vunpack.i.l.bf16.f32 v23;
	v45 =	vld [tilespmem:s18+$0x17C60]  }
0x2f4: {  	v18 =	vunpack.i.u.bf16.f32 v5;
	v22 =	vunpack.i.l.bf16.f32 v5;
	v15 =	vunpack.i.u.bf16.f32 v16;
	v47 =	vld [tilespmem:s18+$0x17C70]  }
.Ltmp13:
0x2f5: {  	v21 =	vunpack.i.l.bf16.f32 v16;
	v14 =	vunpack.i.u.bf16.f32 v4;
	v17 =	vunpack.i.l.bf16.f32 v4;
	v48 =	vld [tilespmem:s18+$0x17C80];
	(pc) =	sbr.rel @p1 .LBB2_20-.Ltmp13, $4  }
0x2f6: {  	v13 =	vunpack.i.u.bf16.f32 v7;
	v16 =	vunpack.i.l.bf16.f32 v7;
	v9 =	vunpack.i.u.bf16.f32 v2;
	v51 =	vld [tilespmem:s18+$0x17C90]  }
0x2f7: {  	v12 =	vunpack.i.l.bf16.f32 v2;
	v8 =	vunpack.i.u.bf16.f32 v0;
	v11 =	vunpack.i.l.bf16.f32 v0;
	v59 =	vld [tilespmem:s18+$0x17CA0]  }
0x2f8: {  	s10 =	sadd.s32 $0x10, s10;
	v6 =	vunpack.i.u.bf16.f32 v3;
	v10 =	vunpack.i.l.bf16.f32 v3;
	v4 =	vunpack.i.u.bf16.f32 v50;
	v49 =	vld [tilespmem:s18+$0x17CB0]  }
0x2f9: {  	s21 =	sadd.s32 $0x800, s21;
	v7 =	vunpack.i.l.bf16.f32 v50;
	v3 =	vunpack.i.u.bf16.f32 v52;
	v5 =	vunpack.i.l.bf16.f32 v52;
	v2 =	vld [tilespmem:s10+$0x0]  }
0x2fa: {  	_ =	sdelay $0x1  }
0x2fb: {  	v0 =	vunpack.i.u.bf16.f32 v44;
	v50 =	vunpack.i.l.bf16.f32 v44  }
0x2fc: {  	v57 =	vunpack.i.u.bf16.f32 v48;
	v58 =	vunpack.i.l.bf16.f32 v48;
	v44 =	vunpack.i.u.bf16.f32 v59  }
0x2fd: {  	v48 =	vunpack.i.l.bf16.f32 v59;
	v60 =	vbroadcast v2, $0x0;
	v59 =	vbroadcast v2, $0x1  }
0x2fe: {  	v61 =	vbroadcast v2, $0x2;
	v62 =	vbroadcast v2, $0x3  }
0x2ff: {  	v43 =	vmul.f32 v43, v60;
	v63 =	vmul.f32 v35, v60  }
0x300: {  	v52 =	vunpack.i.u.bf16.f32 v45;
	v46 =	vmul.f32 v46, v60;
	v36 =	vmul.f32 v36, v60  }
0x301: {  	v53 =	vunpack.i.l.bf16.f32 v45;
	v56 =	vld [tilespmem:s18+$0x17CC0];
	v41 =	vmul.f32 v41, v59;
	v38 =	vmul.f32 v38, v59  }
0x302: {  	v54 =	vunpack.i.u.bf16.f32 v47;
	v42 =	vmul.f32 v42, v59;
	v39 =	vmul.f32 v39, v59  }
0x303: {  	v55 =	vunpack.i.l.bf16.f32 v47;
	v40 =	vmul.f32 v40, v61;
	v33 =	vmul.f32 v33, v61  }
0x304: {  	v47 =	vunpack.i.u.bf16.f32 v51;
	v37 =	vmul.f32 v37, v61;
	v31 =	vmul.f32 v31, v61  }
0x305: {  	v51 =	vunpack.i.l.bf16.f32 v51;
	v34 =	vmul.f32 v34, v62;
	v30 =	vmul.f32 v30, v62  }
0x306: {  	v35 =	vunpack.i.u.bf16.f32 v56;
	v32 =	vmul.f32 v32, v62;
	v59 =	vbroadcast v2, $0x5  }
0x307: {  	v29 =	vmul.f32 v29, v62;
	v61 =	vbroadcast v2, $0x7;
	v60 =	vpack.i.f32.bf16 v38, v41  }
0x308: {  	v38 =	vunpack.i.l.bf16.f32 v56;
	v56 =	vbroadcast v2, $0x4;
	v26 =	vmul.f32 v26, v59  }
0x309: {  	v45 =	vunpack.i.u.bf16.f32 v49;
	v20 =	vmul.f32 v20, v59;
	v23 =	vmul.f32 v23, v59  }
0x30a: {  	v43 =	vpack.i.f32.bf16 v63, v43;
	v19 =	vmul.f32 v19, v59;
	v17 =	vmul.f32 v17, v61  }
0x30b: {  	v49 =	vunpack.i.l.bf16.f32 v49;
	v14 =	vmul.f32 v14, v61;
	v16 =	vmul.f32 v16, v61;
	[tilespmem:s18+$0x18B00] =	vst v43  }
0x30c: {  	v29 =	vpack.i.f32.bf16 v29, v32;
	v13 =	vmul.f32 v13, v61;
	v32 =	vbroadcast v2, $0xB;
	[tilespmem:s18+$0x18B20] =	vst v60  }
0x30d: {  	v31 =	vpack.i.f32.bf16 v31, v37;
	v60 =	vbroadcast v2, $0x6;
	[tilespmem:s18+$0x18B70] =	vst v29;
	v29 =	vbroadcast v2, $0x9  }
0x30e: {  	v36 =	vpack.i.f32.bf16 v36, v46;
	[tilespmem:s18+$0x18B50] =	vst v31;
	v31 =	vbroadcast v2, $0xA;
	v28 =	vmul.f32 v28, v56  }
0x30f: {  	v63 =	vpack.i.f32.bf16 v39, v42;
	[tilespmem:s18+$0x18B10] =	vst v36;
	v25 =	vmul.f32 v25, v56;
	v27 =	vmul.f32 v27, v56  }
0x310: {  	v33 =	vpack.i.f32.bf16 v33, v40;
	[tilespmem:s18+$0x18B30] =	vst v63;
	v24 =	vmul.f32 v24, v56;
	v39 =	vmul.f32 v53, v32  }
0x311: {  	v30 =	vpack.i.f32.bf16 v30, v34;
	[tilespmem:s18+$0x18B40] =	vst v33;
	v40 =	vmul.f32 v52, v32;
	v41 =	vmul.f32 v55, v32  }
0x312: {  	[tilespmem:s18+$0x18B60] =	vst v30;
	v20 =	vpack.i.f32.bf16 v20, v26;
	v42 =	vmul.f32 v54, v32;
	v52 =	vbroadcast v2, $0xE  }
0x313: {  	v19 =	vpack.i.f32.bf16 v19, v23;
	v22 =	vmul.f32 v22, v60;
	v18 =	vmul.f32 v18, v60;
	[tilespmem:s18+$0x18BA0] =	vst v20  }
0x314: {  	v14 =	vpack.i.f32.bf16 v14, v17;
	v21 =	vmul.f32 v21, v60;
	v15 =	vmul.f32 v15, v60;
	[tilespmem:s18+$0x18BB0] =	vst v19  }
0x315: {  	v46 =	vld [tilespmem:s18+$0x17CD0];
	v13 =	vpack.i.f32.bf16 v13, v16;
	[tilespmem:s18+$0x18BE0] =	vst v14;
	v10 =	vmul.f32 v10, v29;
	v6 =	vmul.f32 v6, v29  }
0x316: {  	[tilespmem:s18+$0x18BF0] =	vst v13;
	v7 =	vmul.f32 v7, v29;
	v4 =	vmul.f32 v4, v29;
	v25 =	vpack.i.f32.bf16 v25, v28  }
0x317: {  	v5 =	vmul.f32 v5, v31;
	v3 =	vmul.f32 v3, v31;
	v24 =	vpack.i.f32.bf16 v24, v27;
	[tilespmem:s18+$0x18B80] =	vst v25  }
0x318: {  	v37 =	vld [tilespmem:s18+$0x17CF0];
	v36 =	vmul.f32 v50, v31;
	v0 =	vmul.f32 v0, v31;
	v43 =	vpack.i.f32.bf16 v40, v39;
	[tilespmem:s18+$0x18B90] =	vst v24  }
0x319: {  	v50 =	vbroadcast v2, $0xD;
	v28 =	vbroadcast v2, $0x8;
	v18 =	vpack.i.f32.bf16 v18, v22;
	[tilespmem:s18+$0x18C60] =	vst v43  }
0x31a: {  	v59 =	vmul.f32 v35, v52;
	v62 =	vunpack.i.u.bf16.f32 v46;
	v15 =	vpack.i.f32.bf16 v15, v21;
	[tilespmem:s18+$0x18BC0] =	vst v18  }
0x31b: {  	v63 =	vunpack.i.l.bf16.f32 v46;
	v6 =	vpack.i.f32.bf16 v6, v10;
	v4 =	vpack.i.f32.bf16 v4, v7;
	[tilespmem:s18+$0x18BD0] =	vst v15  }
0x31c: {  	v3 =	vpack.i.f32.bf16 v3, v5;
	v0 =	vpack.i.f32.bf16 v0, v36;
	v46 =	vbroadcast v2, $0xC;
	[tilespmem:s18+$0x18C20] =	vst v6  }
0x31d: {  	v2 =	vbroadcast v2, $0xF;
	v54 =	vunpack.i.u.bf16.f32 v37;
	v56 =	vmul.f32 v44, v50;
	[tilespmem:s18+$0x18C30] =	vst v4  }
0x31e: {  	v7 =	vunpack.i.l.bf16.f32 v37;
	v12 =	vmul.f32 v12, v28;
	v9 =	vmul.f32 v9, v28;
	[tilespmem:s18+$0x18C40] =	vst v3  }
0x31f: {  	v11 =	vmul.f32 v11, v28;
	v8 =	vmul.f32 v8, v28;
	v3 =	vpack.i.f32.bf16 v42, v41;
	[tilespmem:s18+$0x18C50] =	vst v0  }
0x320: {  	v27 =	vld [tilespmem:s18+$0x17CE0];
	v0 =	vmul.f32 v58, v46;
	v53 =	vmul.f32 v57, v46;
	[tilespmem:s18+$0x18C70] =	vst v3;
	v9 =	vpack.i.f32.bf16 v9, v12  }
0x321: {  	v55 =	vmul.f32 v51, v46;
	v5 =	vmul.f32 v47, v46;
	v8 =	vpack.i.f32.bf16 v8, v11;
	[tilespmem:s18+$0x18C00] =	vst v9  }
0x322: {  	v60 =	vmul.f32 v63, v52;
	v3 =	vmul.f32 v48, v50;
	[tilespmem:s18+$0x18C10] =	vst v8;
	v0 =	vpack.i.f32.bf16 v53, v0  }
0x323: {  	v57 =	vmul.f32 v49, v50;
	v58 =	vmul.f32 v45, v50;
	[tilespmem:s18+$0x18C80] =	vst v0;
	v0 =	vpack.i.f32.bf16 v5, v55  }
0x324: {  	v61 =	vmul.f32 v62, v52;
	[tilespmem:s18+$0x18C90] =	vst v0;
	v0 =	vpack.i.f32.bf16 v56, v3;
	v3 =	vmul.f32 v38, v52  }
0x325: {  	v33 =	vunpack.i.u.bf16.f32 v27;
	v34 =	vunpack.i.l.bf16.f32 v27;
	[tilespmem:s18+$0x18CA0] =	vst v0;
	v0 =	vpack.i.f32.bf16 v58, v57  }
0x326: {  	v62 =	vmul.f32 v33, v2;
	[tilespmem:s18+$0x18CB0] =	vst v0;
	v0 =	vpack.i.f32.bf16 v59, v3;
	v3 =	vmul.f32 v34, v2  }
0x327: {  	v63 =	vmul.f32 v7, v2;
	v2 =	vmul.f32 v54, v2;
	[tilespmem:s18+$0x18CC0] =	vst v0;
	v0 =	vpack.i.f32.bf16 v61, v60  }
0x328: {  	s6 =	sadd.s32 $0x1, s6;
	[tilespmem:s18+$0x18CD0] =	vst v0;
	v0 =	vpack.i.f32.bf16 v62, v3  }
0x329: {  	p1 =	sne.s32 s6, $0x51;
	[tilespmem:s18+$0x18CE0] =	vst v0;
	v0 =	vpack.i.f32.bf16 v2, v63  }
.Ltmp14:
0x32a: {  	s7 =	sadd.s32 $0x5100, s7;
	[tilespmem:s18+$0x18CF0] =	vst v0;
	(pc) =	sbr.rel @p1 .LBB2_17-.Ltmp14, $4  }
0x32b: {  	[spmem:s5] =	stream.indirect.scatter.add.bf16 [tilespmem:s30], [sflag:$0x3], $0x20, s7, s25, $0xb8;
	[tilespmem:$0x1FD20] =	vst v63  }
0x32c: {  	_ =	swait.ge [sflag:s20], $0x1000  }
0x32d: {  	[sflag:s20] =	ssyncset.done $0x0  }
0x32e: {  	s4 =	sadd.s32 $0x100, s4;
	s3 =	sadd.s32 $0x100, s3;
	[sflag:s20] =	ssyncadd.s32 $0xFFFFF000  }
.Ltmp15:
0x32f: {  	(pc) =	sbr.rel .LBB2_23-.Ltmp15, $2  }
0x330: {  	_ =	sdelay $0x2  }
0x331: {  	s3 =	rddreg [dreg:$0x9]  }
.LBB2_25:
0x332: {  	_ =	sfence.sel $0x180000  }
0x333: {  	[bflag:$0x0] =	sbarrier.arrive $0xFFFF  }
0x334: {  	_ =	strace $0x90000047  }
0x335: {  	s0 =	stileid.u32;
	[bflag:$0x2] =	sbarrier.arrive $0xFFFF  }
0x336: {  	p0 =	sne.s32 s0, $0x0;
	s0 =	rddreg [dreg:$0x6]  }
0x337: {  	s0 =	sadd.s32 @!p0 $0x100000, s0  }
0x338: {  	[sflag:s0] =	ssyncadd.tile.s32 @!p0 $0x1;
	_ =	shalt  }
.Lfunc_end2:
_tile_overlayer_lowered:
.L_overlay_start_2:
0x339: {  	(tag) =	ssettag $0x2  }
0x33a: {  	s0 =	rddreg [dreg:$0x0];
	s2 =	stileid.u32  }
0x33b: {  	s1 =	rddreg [dreg:$0x1];
	p0 =	sne.s32 s2, $0x0  }
0x33c: {  	s3 =	rddreg [dreg:$0x2];
	[bflag:$0x3] =	sbarrier.arrive $0xFFFF;
	s2 =	simm.s32 @!p0 $0x1C03  }
0x33d: {  	[timem:s3], [sflag:s2] =	dma.local @!p0 [hbm:s0], s1  }
0x33e: {  	s0 =	simm.s32 @!p0 $0x3  }
0x33f: {  	_ =	swait.ge @!p0 [sflag:s0], s1  }
0x340: {  	s1 =	ssub.s32 @!p0 $0x0, s1;
	[sflag:s0] =	ssyncset.done @!p0 $0x0  }
0x341: {  	[sflag:s0] =	ssyncadd.s32 @!p0 s1  }
0x342: {  	[bflag:$0x3] =	sbarrier.arrive $0xFFFF  }
0x343: {  	_ =	shalt  }

</sc_bundles>
